<compile_context>
chip_gen: v7x
topology: tpu7x:2x2x1
jax: 0.10.2.dev20260603
libtpu: 0.0.44.dev20260713+nightly
codegen_flags: <defaults>
</compile_context>

<pallas_src>
import functools

import jax
import jax.numpy as jnp
from jax import lax
from jax.experimental import pallas as pl
from jax.experimental.pallas import tpu as pltpu
from jax.experimental.pallas import tpu_sc as plsc

NUM_USERS = 100000
NUM_ITEMS = 1000000
BATCH = 16384
RANK = 32
LANES = 16
SUBL = 8

_INFO = plsc.get_sparse_core_info()
NUM_WORKERS = _INFO.num_cores * _INFO.num_subcores
BPW = BATCH // NUM_WORKERS
CH = 16
NCH = BPW // CH
NPAIR = NCH // 2


def _dot_kernel(users_hbm, items_hbm, u_hbm, v_hbm, out_hbm,
                uidx, iidx, ubuf, vbuf, red, outv, sem0, sem1):
    sems = (sem0, sem1)
    c = lax.axis_index("c")
    s = lax.axis_index("s")
    wid = s * _INFO.num_cores + c
    base = wid * BPW

    pltpu.sync_copy(users_hbm.at[pl.ds(base, BPW)], uidx)
    pltpu.sync_copy(items_hbm.at[pl.ds(base, BPW)], iidx)

    lane = lax.iota(jnp.int32, LANES)

    def fire(ch, p):
        ug = lax.shift_right_logical(uidx[pl.ds(ch * CH, CH)], 3)
        vg = lax.shift_right_logical(iidx[pl.ds(ch * CH, CH)], 3)
        sem = sems[p]
        for j in range(CH):
            pltpu.async_copy(u_hbm.at[ug[j]], ubuf.at[p, j], sem)
            pltpu.async_copy(v_hbm.at[vg[j]], vbuf.at[p, j], sem)

    def drain(p):
        sem = sems[p]
        pltpu.make_async_copy(u_hbm.at[pl.ds(0, CH)], ubuf.at[p], sem).wait()
        pltpu.make_async_copy(v_hbm.at[pl.ds(0, CH)], vbuf.at[p], sem).wait()

    def compute(ch, p):
        usub = uidx[pl.ds(ch * CH, CH)] & (SUBL - 1)
        vsub = iidx[pl.ds(ch * CH, CH)] & (SUBL - 1)
        for j in range(CH):
            us = usub[j]
            vs = vsub[j]
            su = (ubuf[p, j, us, pl.ds(0, LANES)] * vbuf[p, j, vs, pl.ds(0, LANES)]
                  + ubuf[p, j, us, pl.ds(LANES, LANES)]
                  * vbuf[p, j, vs, pl.ds(LANES, LANES)])
            red[j, pl.ds(0, LANES)] = su
        acc = jnp.zeros((LANES,), jnp.float32)
        for l in range(LANES):
            acc = acc + plsc.load_gather(
                red, [lane, jnp.full((LANES,), l, jnp.int32)])
        outv[pl.ds(ch * CH, LANES)] = acc

    fire(0, 0)

    def pair(i, carry):
        c0 = i * 2
        fire(c0 + 1, 1)
        drain(0)
        compute(c0, 0)

        @pl.when(i + 1 < NPAIR)
        def _():
            fire(c0 + 2, 0)

        drain(1)
        compute(c0 + 1, 1)
        return carry

    lax.fori_loop(0, NPAIR, pair, 0)

    pltpu.sync_copy(outv, out_hbm.at[pl.ds(base, BPW)])


def kernel(users, items, U, V):
    mesh = plsc.VectorSubcoreMesh(core_axis_name="c", subcore_axis_name="s")
    run = functools.partial(
        pl.kernel,
        mesh=mesh,
        out_type=jax.ShapeDtypeStruct((BATCH,), jnp.float32),
        scratch_types=[
            pltpu.VMEM((BPW,), jnp.int32),
            pltpu.VMEM((BPW,), jnp.int32),
            pltpu.VMEM((2, CH, SUBL, RANK), jnp.float32),
            pltpu.VMEM((2, CH, SUBL, RANK), jnp.float32),
            pltpu.VMEM((LANES, LANES + 1), jnp.float32),
            pltpu.VMEM((BPW,), jnp.float32),
            pltpu.SemaphoreType.DMA,
            pltpu.SemaphoreType.DMA,
        ],
        compiler_params=pltpu.CompilerParams(
            needs_layout_passes=False, use_tc_tiling_on_sc=True),
    )(_dot_kernel)
    return run(
        users.astype(jnp.int32),
        items.astype(jnp.int32),
        U[:NUM_USERS].reshape(NUM_USERS // SUBL, SUBL, RANK),
        V[:NUM_ITEMS].reshape(NUM_ITEMS // SUBL, SUBL, RANK),
    )

# --- scband reference (transcript-rebuilt; emitter-appended) ---
"""Pipeline reference for scband-embedding-layer-29987461660870 (READ-ONLY COPY).

The authoritative reference and input builder live on the scoring server;
editing this copy changes nothing except your own understanding.
"""

import jax, jax.numpy as jnp
import numpy as np

NUM_USERS = 100000
NUM_ITEMS = 1000000
RANK = 32
BATCH = 16384

def setup_inputs(seed: int = 0) -> dict:
    key = jax.random.key(seed)
    k1, k2, k3, k4 = jax.random.split(key, 4)
    users = jax.random.randint(k1, (BATCH,), 0, NUM_USERS, dtype=jnp.int64 if jax.config.jax_enable_x64 else jnp.int32)
    items = jax.random.randint(k2, (BATCH,), 0, NUM_ITEMS, dtype=jnp.int64 if jax.config.jax_enable_x64 else jnp.int32)
    U = jax.random.uniform(k3, (NUM_USERS + 1, RANK), dtype=jnp.float32, minval=0.0, maxval=0.05)
    V = jax.random.uniform(k4, (NUM_ITEMS + 1, RANK), dtype=jnp.float32, minval=0.0, maxval=0.05)
    return {"users": users, "items": items, "U": U, "V": V}

def reference(users, items, U, V):
    u_emb = jnp.take(U, users, axis=0)
    v_emb = jnp.take(V, items, axis=0)
    ratings = jnp.sum(u_emb * v_emb, axis=-1)
    return ratings

if __name__ == "__main__":
    import jax
    _d = setup_inputs()
    print(jax.jit(kernel)(*tuple(_d.values())))

</pallas_src>

<mosaic_0001>
#map = affine_map<(d0, d1) -> (0)>
#map1 = affine_map<(d0, d1) -> (0, 0, 0)>
module attributes {stable_mosaic.version = 14 : i64} {
  func.func @_dot_kernel(%arg0: i32, %arg1: i32, %arg2: memref<16384xi32, #tpu.memory_space<hbm>>, %arg3: memref<16384xi32, #tpu.memory_space<hbm>>, %arg4: memref<12500x8x32xf32, #tpu.memory_space<hbm>>, %arg5: memref<125000x8x32xf32, #tpu.memory_space<hbm>>, %arg6: memref<16384xf32, #tpu.memory_space<hbm>>, %arg7: memref<512xi32, #tpu.memory_space<vmem>>, %arg8: memref<512xi32, #tpu.memory_space<vmem>>, %arg9: memref<2x16x8x32xf32, #tpu.memory_space<vmem>>, %arg10: memref<2x16x8x32xf32, #tpu.memory_space<vmem>>, %arg11: memref<16x17xf32, #tpu.memory_space<vmem>>, %arg12: memref<512xf32, #tpu.memory_space<vmem>>, %arg13: memref<!tpu.dma_semaphore, #tpu.memory_space<semaphore_mem>>, %arg14: memref<!tpu.dma_semaphore, #tpu.memory_space<semaphore_mem>>) attributes {dimension_semantics = [#tpu.dimension_semantics<core_parallel>, #tpu.dimension_semantics<subcore_parallel>], iteration_bounds = array<i64: 2, 16>, scalar_prefetch = 0 : i64, scratch_operands = 8 : i64, tpu.core_type = #tpu.core_type<sc_vector_subcore>, window_params = [{transform_indices = #map}, {transform_indices = #map}, {transform_indices = #map1}, {transform_indices = #map1}, {transform_indices = #map}]} {
    %mul3A = arith.constant 2 : i32
    %mul3A_0 = arith.muli %arg1, %mul3A : i32
    %add3A = arith.addi %mul3A_0, %arg0 : i32
    %mul3A_1 = arith.constant 512 : i32
    %mul3A_2 = arith.muli %add3A, %mul3A_1 : i32
    "tpu.region"() ({
      %run_scoped3A = tpu.sem_alloc : memref<!tpu.dma_semaphore, #tpu.memory_space<semaphore_mem>>
      %dma_start3A_653 = tpu.memref_slice %arg2[%mul3A_2] : memref<16384xi32, #tpu.memory_space<hbm>> -> memref<512xi32, #tpu.memory_space<hbm>>
      %dma_start3A_654 = tpu.memref_slice %arg2[%mul3A_2] : memref<16384xi32, #tpu.memory_space<hbm>> -> memref<512xi32, #tpu.memory_space<hbm>>
      tpu.enqueue_dma source(%dma_start3A_654 : memref<512xi32, #tpu.memory_space<hbm>>) target(%arg7 : memref<512xi32, #tpu.memory_space<vmem>>) target_semaphore(%run_scoped3A : memref<!tpu.dma_semaphore, #tpu.memory_space<semaphore_mem>>)
      %dma_wait3A = tpu.memref_slice %arg2[%mul3A_2] : memref<16384xi32, #tpu.memory_space<hbm>> -> memref<512xi32, #tpu.memory_space<hbm>>
      %dma_wait3A_655 = tpu.memref_slice %arg2[%mul3A_2] : memref<16384xi32, #tpu.memory_space<hbm>> -> memref<512xi32, #tpu.memory_space<hbm>>
      tpu.wait_dma2 semaphore(%run_scoped3A : memref<!tpu.dma_semaphore, #tpu.memory_space<semaphore_mem>>) src(%dma_wait3A_655 : memref<512xi32, #tpu.memory_space<hbm>>) dst(%arg7 : memref<512xi32, #tpu.memory_space<vmem>>)
      tpu.yield
    }) : () -> ()
    "tpu.region"() ({
      %run_scoped3A = tpu.sem_alloc : memref<!tpu.dma_semaphore, #tpu.memory_space<semaphore_mem>>
      %dma_start3A_653 = tpu.memref_slice %arg3[%mul3A_2] : memref<16384xi32, #tpu.memory_space<hbm>> -> memref<512xi32, #tpu.memory_space<hbm>>
      %dma_start3A_654 = tpu.memref_slice %arg3[%mul3A_2] : memref<16384xi32, #tpu.memory_space<hbm>> -> memref<512xi32, #tpu.memory_space<hbm>>
      tpu.enqueue_dma source(%dma_start3A_654 : memref<512xi32, #tpu.memory_space<hbm>>) target(%arg8 : memref<512xi32, #tpu.memory_space<vmem>>) target_semaphore(%run_scoped3A : memref<!tpu.dma_semaphore, #tpu.memory_space<semaphore_mem>>)
      %dma_wait3A = tpu.memref_slice %arg3[%mul3A_2] : memref<16384xi32, #tpu.memory_space<hbm>> -> memref<512xi32, #tpu.memory_space<hbm>>
      %dma_wait3A_655 = tpu.memref_slice %arg3[%mul3A_2] : memref<16384xi32, #tpu.memory_space<hbm>> -> memref<512xi32, #tpu.memory_space<hbm>>
      tpu.wait_dma2 semaphore(%run_scoped3A : memref<!tpu.dma_semaphore, #tpu.memory_space<semaphore_mem>>) src(%dma_wait3A_655 : memref<512xi32, #tpu.memory_space<hbm>>) dst(%arg8 : memref<512xi32, #tpu.memory_space<vmem>>)
      tpu.yield
    }) : () -> ()
    %iota3A = tpu.iota {dimensions = array<i32: 0>} : vector<16xi32>
    %get3A = arith.constant 0 : index
    %get3A_3 = tpu.vector_load %arg7[%get3A] {strides = array<i32>} : memref<512xi32, #tpu.memory_space<vmem>>, vector<16xi32>,
    %shift_right_logical3A = arith.constant 3 : i32
    %shift_right_logical3A_4 = vector.broadcast %shift_right_logical3A : i32 to vector<16xi32>
    %shift_right_logical3A_5 = arith.shrui %get3A_3, %shift_right_logical3A_4 : vector<16xi32>
    %get3A_6 = arith.constant 0 : index
    %get3A_7 = tpu.vector_load %arg8[%get3A_6] {strides = array<i32>} : memref<512xi32, #tpu.memory_space<vmem>>, vector<16xi32>,
    %shift_right_logical3A_8 = arith.constant 3 : i32
    %shift_right_logical3A_9 = vector.broadcast %shift_right_logical3A_8 : i32 to vector<16xi32>
    %shift_right_logical3A_10 = arith.shrui %get3A_7, %shift_right_logical3A_9 : vector<16xi32>
    %slice3A = vector.extract_strided_slice %shift_right_logical3A_5 {offsets = [0], sizes = [1], strides = [1]} : vector<16xi32> to vector<1xi32>
    %squeeze3A = vector.extract %slice3A[0] : i32 from vector<1xi32>
    %dma_start3A = arith.constant 0 : i32
    %dma_start3A_11 = arith.constant 0 : i32
    %dma_start3A_12 = arith.constant 0 : i32
    %dma_start3A_13 = arith.constant 0 : i32
    %dma_start3A_14 = tpu.memref_slice %arg9[%dma_start3A, %dma_start3A_11, %dma_start3A_12, %dma_start3A_13] : memref<2x16x8x32xf32, #tpu.memory_space<vmem>> -> memref<1x1x8x32xf32, #tpu.memory_space<vmem>>
    %dma_start3A_15 = tpu.memref_squeeze %dma_start3A_14 : memref<1x1x8x32xf32, #tpu.memory_space<vmem>> -> memref<8x32xf32, #tpu.memory_space<vmem>>
    %dma_start3A_16 = arith.constant 0 : i32
    %dma_start3A_17 = arith.constant 0 : i32
    %dma_start3A_18 = tpu.memref_slice %arg4[%squeeze3A, %dma_start3A_16, %dma_start3A_17] : memref<12500x8x32xf32, #tpu.memory_space<hbm>> -> memref<1x8x32xf32, #tpu.memory_space<hbm>>
    %dma_start3A_19 = tpu.memref_squeeze %dma_start3A_18 : memref<1x8x32xf32, #tpu.memory_space<hbm>> -> memref<8x32xf32, #tpu.memory_space<hbm>>
    %dma_start3A_20 = arith.constant 0 : i32
    %dma_start3A_21 = arith.constant 0 : i32
    %dma_start3A_22 = tpu.memref_slice %arg9[%dma_start3A, %dma_start3A_11, %dma_start3A_20, %dma_start3A_21] : memref<2x16x8x32xf32, #tpu.memory_space<vmem>> -> memref<1x1x8x32xf32, #tpu.memory_space<vmem>>
    %dma_start3A_23 = tpu.memref_squeeze %dma_start3A_22 : memref<1x1x8x32xf32, #tpu.memory_space<vmem>> -> memref<8x32xf32, #tpu.memory_space<vmem>>
    %dma_start3A_24 = arith.constant 0 : i32
    %dma_start3A_25 = arith.constant 0 : i32
    %dma_start3A_26 = tpu.memref_slice %arg4[%squeeze3A, %dma_start3A_24, %dma_start3A_25] : memref<12500x8x32xf32, #tpu.memory_space<hbm>> -> memref<1x8x32xf32, #tpu.memory_space<hbm>>
    %dma_start3A_27 = tpu.memref_squeeze %dma_start3A_26 : memref<1x8x32xf32, #tpu.memory_space<hbm>> -> memref<8x32xf32, #tpu.memory_space<hbm>>
    tpu.enqueue_dma source(%dma_start3A_27 : memref<8x32xf32, #tpu.memory_space<hbm>>) target(%dma_start3A_23 : memref<8x32xf32, #tpu.memory_space<vmem>>) target_semaphore(%arg13 : memref<!tpu.dma_semaphore, #tpu.memory_space<semaphore_mem>>)
    %slice3A_28 = vector.extract_strided_slice %shift_right_logical3A_10 {offsets = [0], sizes = [1], strides = [1]} : vector<16xi32> to vector<1xi32>
    %squeeze3A_29 = vector.extract %slice3A_28[0] : i32 from vector<1xi32>
    %dma_start3A_30 = arith.constant 0 : i32
    %dma_start3A_31 = arith.constant 0 : i32
    %dma_start3A_32 = arith.constant 0 : i32
    %dma_start3A_33 = arith.constant 0 : i32
    %dma_start3A_34 = tpu.memref_slice %arg10[%dma_start3A_30, %dma_start3A_31, %dma_start3A_32, %dma_start3A_33] : memref<2x16x8x32xf32, #tpu.memory_space<vmem>> -> memref<1x1x8x32xf32, #tpu.memory_space<vmem>>
    %dma_start3A_35 = tpu.memref_squeeze %dma_start3A_34 : memref<1x1x8x32xf32, #tpu.memory_space<vmem>> -> memref<8x32xf32, #tpu.memory_space<vmem>>
    %dma_start3A_36 = arith.constant 0 : i32
    %dma_start3A_37 = arith.constant 0 : i32
    %dma_start3A_38 = tpu.memref_slice %arg5[%squeeze3A_29, %dma_start3A_36, %dma_start3A_37] : memref<125000x8x32xf32, #tpu.memory_space<hbm>> -> memref<1x8x32xf32, #tpu.memory_space<hbm>>
    %dma_start3A_39 = tpu.memref_squeeze %dma_start3A_38 : memref<1x8x32xf32, #tpu.memory_space<hbm>> -> memref<8x32xf32, #tpu.memory_space<hbm>>
    %dma_start3A_40 = arith.constant 0 : i32
    %dma_start3A_41 = arith.constant 0 : i32
    %dma_start3A_42 = tpu.memref_slice %arg10[%dma_start3A_30, %dma_start3A_31, %dma_start3A_40, %dma_start3A_41] : memref<2x16x8x32xf32, #tpu.memory_space<vmem>> -> memref<1x1x8x32xf32, #tpu.memory_space<vmem>>
    %dma_start3A_43 = tpu.memref_squeeze %dma_start3A_42 : memref<1x1x8x32xf32, #tpu.memory_space<vmem>> -> memref<8x32xf32, #tpu.memory_space<vmem>>
    %dma_start3A_44 = arith.constant 0 : i32
    %dma_start3A_45 = arith.constant 0 : i32
    %dma_start3A_46 = tpu.memref_slice %arg5[%squeeze3A_29, %dma_start3A_44, %dma_start3A_45] : memref<125000x8x32xf32, #tpu.memory_space<hbm>> -> memref<1x8x32xf32, #tpu.memory_space<hbm>>
    %dma_start3A_47 = tpu.memref_squeeze %dma_start3A_46 : memref<1x8x32xf32, #tpu.memory_space<hbm>> -> memref<8x32xf32, #tpu.memory_space<hbm>>
    tpu.enqueue_dma source(%dma_start3A_47 : memref<8x32xf32, #tpu.memory_space<hbm>>) target(%dma_start3A_43 : memref<8x32xf32, #tpu.memory_space<vmem>>) target_semaphore(%arg13 : memref<!tpu.dma_semaphore, #tpu.memory_space<semaphore_mem>>)
    %slice3A_48 = vector.extract_strided_slice %shift_right_logical3A_5 {offsets = [1], sizes = [1], strides = [1]} : vector<16xi32> to vector<1xi32>
    %squeeze3A_49 = vector.extract %slice3A_48[0] : i32 from vector<1xi32>
    %dma_start3A_50 = arith.constant 0 : i32
    %dma_start3A_51 = arith.constant 1 : i32
    %dma_start3A_52 = arith.constant 0 : i32
    %dma_start3A_53 = arith.constant 0 : i32
    %dma_start3A_54 = tpu.memref_slice %arg9[%dma_start3A_50, %dma_start3A_51, %dma_start3A_52, %dma_start3A_53] : memref<2x16x8x32xf32, #tpu.memory_space<vmem>> -> memref<1x1x8x32xf32, #tpu.memory_space<vmem>>
    %dma_start3A_55 = tpu.memref_squeeze %dma_start3A_54 : memref<1x1x8x32xf32, #tpu.memory_space<vmem>> -> memref<8x32xf32, #tpu.memory_space<vmem>>
    %dma_start3A_56 = arith.constant 0 : i32
    %dma_start3A_57 = arith.constant 0 : i32
    %dma_start3A_58 = tpu.memref_slice %arg4[%squeeze3A_49, %dma_start3A_56, %dma_start3A_57] : memref<12500x8x32xf32, #tpu.memory_space<hbm>> -> memref<1x8x32xf32, #tpu.memory_space<hbm>>
    %dma_start3A_59 = tpu.memref_squeeze %dma_start3A_58 : memref<1x8x32xf32, #tpu.memory_space<hbm>> -> memref<8x32xf32, #tpu.memory_space<hbm>>
    %dma_start3A_60 = arith.constant 0 : i32
    %dma_start3A_61 = arith.constant 0 : i32
    %dma_start3A_62 = tpu.memref_slice %arg9[%dma_start3A_50, %dma_start3A_51, %dma_start3A_60, %dma_start3A_61] : memref<2x16x8x32xf32, #tpu.memory_space<vmem>> -> memref<1x1x8x32xf32, #tpu.memory_space<vmem>>
    %dma_start3A_63 = tpu.memref_squeeze %dma_start3A_62 : memref<1x1x8x32xf32, #tpu.memory_space<vmem>> -> memref<8x32xf32, #tpu.memory_space<vmem>>
    %dma_start3A_64 = arith.constant 0 : i32
    %dma_start3A_65 = arith.constant 0 : i32
    %dma_start3A_66 = tpu.memref_slice %arg4[%squeeze3A_49, %dma_start3A_64, %dma_start3A_65] : memref<12500x8x32xf32, #tpu.memory_space<hbm>> -> memref<1x8x32xf32, #tpu.memory_space<hbm>>
    %dma_start3A_67 = tpu.memref_squeeze %dma_start3A_66 : memref<1x8x32xf32, #tpu.memory_space<hbm>> -> memref<8x32xf32, #tpu.memory_space<hbm>>
    tpu.enqueue_dma source(%dma_start3A_67 : memref<8x32xf32, #tpu.memory_space<hbm>>) target(%dma_start3A_63 : memref<8x32xf32, #tpu.memory_space<vmem>>) target_semaphore(%arg13 : memref<!tpu.dma_semaphore, #tpu.memory_space<semaphore_mem>>)
    %slice3A_68 = vector.extract_strided_slice %shift_right_logical3A_10 {offsets = [1], sizes = [1], strides = [1]} : vector<16xi32> to vector<1xi32>
    %squeeze3A_69 = vector.extract %slice3A_68[0] : i32 from vector<1xi32>
    %dma_start3A_70 = arith.constant 0 : i32
    %dma_start3A_71 = arith.constant 1 : i32
    %dma_start3A_72 = arith.constant 0 : i32
    %dma_start3A_73 = arith.constant 0 : i32
    %dma_start3A_74 = tpu.memref_slice %arg10[%dma_start3A_70, %dma_start3A_71, %dma_start3A_72, %dma_start3A_73] : memref<2x16x8x32xf32, #tpu.memory_space<vmem>> -> memref<1x1x8x32xf32, #tpu.memory_space<vmem>>
    %dma_start3A_75 = tpu.memref_squeeze %dma_start3A_74 : memref<1x1x8x32xf32, #tpu.memory_space<vmem>> -> memref<8x32xf32, #tpu.memory_space<vmem>>
    %dma_start3A_76 = arith.constant 0 : i32
    %dma_start3A_77 = arith.constant 0 : i32
    %dma_start3A_78 = tpu.memref_slice %arg5[%squeeze3A_69, %dma_start3A_76, %dma_start3A_77] : memref<125000x8x32xf32, #tpu.memory_space<hbm>> -> memref<1x8x32xf32, #tpu.memory_space<hbm>>
    %dma_start3A_79 = tpu.memref_squeeze %dma_start3A_78 : memref<1x8x32xf32, #tpu.memory_space<hbm>> -> memref<8x32xf32, #tpu.memory_space<hbm>>
    %dma_start3A_80 = arith.constant 0 : i32
    %dma_start3A_81 = arith.constant 0 : i32
    %dma_start3A_82 = tpu.memref_slice %arg10[%dma_start3A_70, %dma_start3A_71, %dma_start3A_80, %dma_start3A_81] : memref<2x16x8x32xf32, #tpu.memory_space<vmem>> -> memref<1x1x8x32xf32, #tpu.memory_space<vmem>>
    %dma_start3A_83 = tpu.memref_squeeze %dma_start3A_82 : memref<1x1x8x32xf32, #tpu.memory_space<vmem>> -> memref<8x32xf32, #tpu.memory_space<vmem>>
    %dma_start3A_84 = arith.constant 0 : i32
    %dma_start3A_85 = arith.constant 0 : i32
    %dma_start3A_86 = tpu.memref_slice %arg5[%squeeze3A_69, %dma_start3A_84, %dma_start3A_85] : memref<125000x8x32xf32, #tpu.memory_space<hbm>> -> memref<1x8x32xf32, #tpu.memory_space<hbm>>
    %dma_start3A_87 = tpu.memref_squeeze %dma_start3A_86 : memref<1x8x32xf32, #tpu.memory_space<hbm>> -> memref<8x32xf32, #tpu.memory_space<hbm>>
    tpu.enqueue_dma source(%dma_start3A_87 : memref<8x32xf32, #tpu.memory_space<hbm>>) target(%dma_start3A_83 : memref<8x32xf32, #tpu.memory_space<vmem>>) target_semaphore(%arg13 : memref<!tpu.dma_semaphore, #tpu.memory_space<semaphore_mem>>)
    %slice3A_88 = vector.extract_strided_slice %shift_right_logical3A_5 {offsets = [2], sizes = [1], strides = [1]} : vector<16xi32> to vector<1xi32>
    %squeeze3A_89 = vector.extract %slice3A_88[0] : i32 from vector<1xi32>
    %dma_start3A_90 = arith.constant 0 : i32
    %dma_start3A_91 = arith.constant 2 : i32
    %dma_start3A_92 = arith.constant 0 : i32
    %dma_start3A_93 = arith.constant 0 : i32
    %dma_start3A_94 = tpu.memref_slice %arg9[%dma_start3A_90, %dma_start3A_91, %dma_start3A_92, %dma_start3A_93] : memref<2x16x8x32xf32, #tpu.memory_space<vmem>> -> memref<1x1x8x32xf32, #tpu.memory_space<vmem>>
    %dma_start3A_95 = tpu.memref_squeeze %dma_start3A_94 : memref<1x1x8x32xf32, #tpu.memory_space<vmem>> -> memref<8x32xf32, #tpu.memory_space<vmem>>
    %dma_start3A_96 = arith.constant 0 : i32
    %dma_start3A_97 = arith.constant 0 : i32
    %dma_start3A_98 = tpu.memref_slice %arg4[%squeeze3A_89, %dma_start3A_96, %dma_start3A_97] : memref<12500x8x32xf32, #tpu.memory_space<hbm>> -> memref<1x8x32xf32, #tpu.memory_space<hbm>>
    %dma_start3A_99 = tpu.memref_squeeze %dma_start3A_98 : memref<1x8x32xf32, #tpu.memory_space<hbm>> -> memref<8x32xf32, #tpu.memory_space<hbm>>
    %dma_start3A_100 = arith.constant 0 : i32
    %dma_start3A_101 = arith.constant 0 : i32
    %dma_start3A_102 = tpu.memref_slice %arg9[%dma_start3A_90, %dma_start3A_91, %dma_start3A_100, %dma_start3A_101] : memref<2x16x8x32xf32, #tpu.memory_space<vmem>> -> memref<1x1x8x32xf32, #tpu.memory_space<vmem>>
    %dma_start3A_103 = tpu.memref_squeeze %dma_start3A_102 : memref<1x1x8x32xf32, #tpu.memory_space<vmem>> -> memref<8x32xf32, #tpu.memory_space<vmem>>
    %dma_start3A_104 = arith.constant 0 : i32
    %dma_start3A_105 = arith.constant 0 : i32
    %dma_start3A_106 = tpu.memref_slice %arg4[%squeeze3A_89, %dma_start3A_104, %dma_start3A_105] : memref<12500x8x32xf32, #tpu.memory_space<hbm>> -> memref<1x8x32xf32, #tpu.memory_space<hbm>>
    %dma_start3A_107 = tpu.memref_squeeze %dma_start3A_106 : memref<1x8x32xf32, #tpu.memory_space<hbm>> -> memref<8x32xf32, #tpu.memory_space<hbm>>
    tpu.enqueue_dma source(%dma_start3A_107 : memref<8x32xf32, #tpu.memory_space<hbm>>) target(%dma_start3A_103 : memref<8x32xf32, #tpu.memory_space<vmem>>) target_semaphore(%arg13 : memref<!tpu.dma_semaphore, #tpu.memory_space<semaphore_mem>>)
    %slice3A_108 = vector.extract_strided_slice %shift_right_logical3A_10 {offsets = [2], sizes = [1], strides = [1]} : vector<16xi32> to vector<1xi32>
    %squeeze3A_109 = vector.extract %slice3A_108[0] : i32 from vector<1xi32>
    %dma_start3A_110 = arith.constant 0 : i32
    %dma_start3A_111 = arith.constant 2 : i32
    %dma_start3A_112 = arith.constant 0 : i32
    %dma_start3A_113 = arith.constant 0 : i32
    %dma_start3A_114 = tpu.memref_slice %arg10[%dma_start3A_110, %dma_start3A_111, %dma_start3A_112, %dma_start3A_113] : memref<2x16x8x32xf32, #tpu.memory_space<vmem>> -> memref<1x1x8x32xf32, #tpu.memory_space<vmem>>
    %dma_start3A_115 = tpu.memref_squeeze %dma_start3A_114 : memref<1x1x8x32xf32, #tpu.memory_space<vmem>> -> memref<8x32xf32, #tpu.memory_space<vmem>>
    %dma_start3A_116 = arith.constant 0 : i32
    %dma_start3A_117 = arith.constant 0 : i32
    %dma_start3A_118 = tpu.memref_slice %arg5[%squeeze3A_109, %dma_start3A_116, %dma_start3A_117] : memref<125000x8x32xf32, #tpu.memory_space<hbm>> -> memref<1x8x32xf32, #tpu.memory_space<hbm>>
    %dma_start3A_119 = tpu.memref_squeeze %dma_start3A_118 : memref<1x8x32xf32, #tpu.memory_space<hbm>> -> memref<8x32xf32, #tpu.memory_space<hbm>>
    %dma_start3A_120 = arith.constant 0 : i32
    %dma_start3A_121 = arith.constant 0 : i32
    %dma_start3A_122 = tpu.memref_slice %arg10[%dma_start3A_110, %dma_start3A_111, %dma_start3A_120, %dma_start3A_121] : memref<2x16x8x32xf32, #tpu.memory_space<vmem>> -> memref<1x1x8x32xf32, #tpu.memory_space<vmem>>
    %dma_start3A_123 = tpu.memref_squeeze %dma_start3A_122 : memref<1x1x8x32xf32, #tpu.memory_space<vmem>> -> memref<8x32xf32, #tpu.memory_space<vmem>>
    %dma_start3A_124 = arith.constant 0 : i32
    %dma_start3A_125 = arith.constant 0 : i32
    %dma_start3A_126 = tpu.memref_slice %arg5[%squeeze3A_109, %dma_start3A_124, %dma_start3A_125] : memref<125000x8x32xf32, #tpu.memory_space<hbm>> -> memref<1x8x32xf32, #tpu.memory_space<hbm>>
    %dma_start3A_127 = tpu.memref_squeeze %dma_start3A_126 : memref<1x8x32xf32, #tpu.memory_space<hbm>> -> memref<8x32xf32, #tpu.memory_space<hbm>>
    tpu.enqueue_dma source(%dma_start3A_127 : memref<8x32xf32, #tpu.memory_space<hbm>>) target(%dma_start3A_123 : memref<8x32xf32, #tpu.memory_space<vmem>>) target_semaphore(%arg13 : memref<!tpu.dma_semaphore, #tpu.memory_space<semaphore_mem>>)
    %slice3A_128 = vector.extract_strided_slice %shift_right_logical3A_5 {offsets = [3], sizes = [1], strides = [1]} : vector<16xi32> to vector<1xi32>
    %squeeze3A_129 = vector.extract %slice3A_128[0] : i32 from vector<1xi32>
    %dma_start3A_130 = arith.constant 0 : i32
    %dma_start3A_131 = arith.constant 3 : i32
    %dma_start3A_132 = arith.constant 0 : i32
    %dma_start3A_133 = arith.constant 0 : i32
    %dma_start3A_134 = tpu.memref_slice %arg9[%dma_start3A_130, %dma_start3A_131, %dma_start3A_132, %dma_start3A_133] : memref<2x16x8x32xf32, #tpu.memory_space<vmem>> -> memref<1x1x8x32xf32, #tpu.memory_space<vmem>>
    %dma_start3A_135 = tpu.memref_squeeze %dma_start3A_134 : memref<1x1x8x32xf32, #tpu.memory_space<vmem>> -> memref<8x32xf32, #tpu.memory_space<vmem>>
    %dma_start3A_136 = arith.constant 0 : i32
    %dma_start3A_137 = arith.constant 0 : i32
    %dma_start3A_138 = tpu.memref_slice %arg4[%squeeze3A_129, %dma_start3A_136, %dma_start3A_137] : memref<12500x8x32xf32, #tpu.memory_space<hbm>> -> memref<1x8x32xf32, #tpu.memory_space<hbm>>
    %dma_start3A_139 = tpu.memref_squeeze %dma_start3A_138 : memref<1x8x32xf32, #tpu.memory_space<hbm>> -> memref<8x32xf32, #tpu.memory_space<hbm>>
    %dma_start3A_140 = arith.constant 0 : i32
    %dma_start3A_141 = arith.constant 0 : i32
    %dma_start3A_142 = tpu.memref_slice %arg9[%dma_start3A_130, %dma_start3A_131, %dma_start3A_140, %dma_start3A_141] : memref<2x16x8x32xf32, #tpu.memory_space<vmem>> -> memref<1x1x8x32xf32, #tpu.memory_space<vmem>>
    %dma_start3A_143 = tpu.memref_squeeze %dma_start3A_142 : memref<1x1x8x32xf32, #tpu.memory_space<vmem>> -> memref<8x32xf32, #tpu.memory_space<vmem>>
    %dma_start3A_144 = arith.constant 0 : i32
    %dma_start3A_145 = arith.constant 0 : i32
    %dma_start3A_146 = tpu.memref_slice %arg4[%squeeze3A_129, %dma_start3A_144, %dma_start3A_145] : memref<12500x8x32xf32, #tpu.memory_space<hbm>> -> memref<1x8x32xf32, #tpu.memory_space<hbm>>
    %dma_start3A_147 = tpu.memref_squeeze %dma_start3A_146 : memref<1x8x32xf32, #tpu.memory_space<hbm>> -> memref<8x32xf32, #tpu.memory_space<hbm>>
    tpu.enqueue_dma source(%dma_start3A_147 : memref<8x32xf32, #tpu.memory_space<hbm>>) target(%dma_start3A_143 : memref<8x32xf32, #tpu.memory_space<vmem>>) target_semaphore(%arg13 : memref<!tpu.dma_semaphore, #tpu.memory_space<semaphore_mem>>)
    %slice3A_148 = vector.extract_strided_slice %shift_right_logical3A_10 {offsets = [3], sizes = [1], strides = [1]} : vector<16xi32> to vector<1xi32>
    %squeeze3A_149 = vector.extract %slice3A_148[0] : i32 from vector<1xi32>
    %dma_start3A_150 = arith.constant 0 : i32
    %dma_start3A_151 = arith.constant 3 : i32
    %dma_start3A_152 = arith.constant 0 : i32
    %dma_start3A_153 = arith.constant 0 : i32
    %dma_start3A_154 = tpu.memref_slice %arg10[%dma_start3A_150, %dma_start3A_151, %dma_start3A_152, %dma_start3A_153] : memref<2x16x8x32xf32, #tpu.memory_space<vmem>> -> memref<1x1x8x32xf32, #tpu.memory_space<vmem>>
    %dma_start3A_155 = tpu.memref_squeeze %dma_start3A_154 : memref<1x1x8x32xf32, #tpu.memory_space<vmem>> -> memref<8x32xf32, #tpu.memory_space<vmem>>
    %dma_start3A_156 = arith.constant 0 : i32
    %dma_start3A_157 = arith.constant 0 : i32
    %dma_start3A_158 = tpu.memref_slice %arg5[%squeeze3A_149, %dma_start3A_156, %dma_start3A_157] : memref<125000x8x32xf32, #tpu.memory_space<hbm>> -> memref<1x8x32xf32, #tpu.memory_space<hbm>>
    %dma_start3A_159 = tpu.memref_squeeze %dma_start3A_158 : memref<1x8x32xf32, #tpu.memory_space<hbm>> -> memref<8x32xf32, #tpu.memory_space<hbm>>
    %dma_start3A_160 = arith.constant 0 : i32
    %dma_start3A_161 = arith.constant 0 : i32
    %dma_start3A_162 = tpu.memref_slice %arg10[%dma_start3A_150, %dma_start3A_151, %dma_start3A_160, %dma_start3A_161] : memref<2x16x8x32xf32, #tpu.memory_space<vmem>> -> memref<1x1x8x32xf32, #tpu.memory_space<vmem>>
    %dma_start3A_163 = tpu.memref_squeeze %dma_start3A_162 : memref<1x1x8x32xf32, #tpu.memory_space<vmem>> -> memref<8x32xf32, #tpu.memory_space<vmem>>
    %dma_start3A_164 = arith.constant 0 : i32
    %dma_start3A_165 = arith.constant 0 : i32
    %dma_start3A_166 = tpu.memref_slice %arg5[%squeeze3A_149, %dma_start3A_164, %dma_start3A_165] : memref<125000x8x32xf32, #tpu.memory_space<hbm>> -> memref<1x8x32xf32, #tpu.memory_space<hbm>>
    %dma_start3A_167 = tpu.memref_squeeze %dma_start3A_166 : memref<1x8x32xf32, #tpu.memory_space<hbm>> -> memref<8x32xf32, #tpu.memory_space<hbm>>
    tpu.enqueue_dma source(%dma_start3A_167 : memref<8x32xf32, #tpu.memory_space<hbm>>) target(%dma_start3A_163 : memref<8x32xf32, #tpu.memory_space<vmem>>) target_semaphore(%arg13 : memref<!tpu.dma_semaphore, #tpu.memory_space<semaphore_mem>>)
    %slice3A_168 = vector.extract_strided_slice %shift_right_logical3A_5 {offsets = [4], sizes = [1], strides = [1]} : vector<16xi32> to vector<1xi32>
    %squeeze3A_169 = vector.extract %slice3A_168[0] : i32 from vector<1xi32>
    %dma_start3A_170 = arith.constant 0 : i32
    %dma_start3A_171 = arith.constant 4 : i32
    %dma_start3A_172 = arith.constant 0 : i32
    %dma_start3A_173 = arith.constant 0 : i32
    %dma_start3A_174 = tpu.memref_slice %arg9[%dma_start3A_170, %dma_start3A_171, %dma_start3A_172, %dma_start3A_173] : memref<2x16x8x32xf32, #tpu.memory_space<vmem>> -> memref<1x1x8x32xf32, #tpu.memory_space<vmem>>
    %dma_start3A_175 = tpu.memref_squeeze %dma_start3A_174 : memref<1x1x8x32xf32, #tpu.memory_space<vmem>> -> memref<8x32xf32, #tpu.memory_space<vmem>>
    %dma_start3A_176 = arith.constant 0 : i32
    %dma_start3A_177 = arith.constant 0 : i32
    %dma_start3A_178 = tpu.memref_slice %arg4[%squeeze3A_169, %dma_start3A_176, %dma_start3A_177] : memref<12500x8x32xf32, #tpu.memory_space<hbm>> -> memref<1x8x32xf32, #tpu.memory_space<hbm>>
    %dma_start3A_179 = tpu.memref_squeeze %dma_start3A_178 : memref<1x8x32xf32, #tpu.memory_space<hbm>> -> memref<8x32xf32, #tpu.memory_space<hbm>>
    %dma_start3A_180 = arith.constant 0 : i32
    %dma_start3A_181 = arith.constant 0 : i32
    %dma_start3A_182 = tpu.memref_slice %arg9[%dma_start3A_170, %dma_start3A_171, %dma_start3A_180, %dma_start3A_181] : memref<2x16x8x32xf32, #tpu.memory_space<vmem>> -> memref<1x1x8x32xf32, #tpu.memory_space<vmem>>
    %dma_start3A_183 = tpu.memref_squeeze %dma_start3A_182 : memref<1x1x8x32xf32, #tpu.memory_space<vmem>> -> memref<8x32xf32, #tpu.memory_space<vmem>>
    %dma_start3A_184 = arith.constant 0 : i32
    %dma_start3A_185 = arith.constant 0 : i32
    %dma_start3A_186 = tpu.memref_slice %arg4[%squeeze3A_169, %dma_start3A_184, %dma_start3A_185] : memref<12500x8x32xf32, #tpu.memory_space<hbm>> -> memref<1x8x32xf32, #tpu.memory_space<hbm>>
    %dma_start3A_187 = tpu.memref_squeeze %dma_start3A_186 : memref<1x8x32xf32, #tpu.memory_space<hbm>> -> memref<8x32xf32, #tpu.memory_space<hbm>>
    tpu.enqueue_dma source(%dma_start3A_187 : memref<8x32xf32, #tpu.memory_space<hbm>>) target(%dma_start3A_183 : memref<8x32xf32, #tpu.memory_space<vmem>>) target_semaphore(%arg13 : memref<!tpu.dma_semaphore, #tpu.memory_space<semaphore_mem>>)
    %slice3A_188 = vector.extract_strided_slice %shift_right_logical3A_10 {offsets = [4], sizes = [1], strides = [1]} : vector<16xi32> to vector<1xi32>
    %squeeze3A_189 = vector.extract %slice3A_188[0] : i32 from vector<1xi32>
    %dma_start3A_190 = arith.constant 0 : i32
    %dma_start3A_191 = arith.constant 4 : i32
    %dma_start3A_192 = arith.constant 0 : i32
    %dma_start3A_193 = arith.constant 0 : i32
    %dma_start3A_194 = tpu.memref_slice %arg10[%dma_start3A_190, %dma_start3A_191, %dma_start3A_192, %dma_start3A_193] : memref<2x16x8x32xf32, #tpu.memory_space<vmem>> -> memref<1x1x8x32xf32, #tpu.memory_space<vmem>>
    %dma_start3A_195 = tpu.memref_squeeze %dma_start3A_194 : memref<1x1x8x32xf32, #tpu.memory_space<vmem>> -> memref<8x32xf32, #tpu.memory_space<vmem>>
    %dma_start3A_196 = arith.constant 0 : i32
    %dma_start3A_197 = arith.constant 0 : i32
    %dma_start3A_198 = tpu.memref_slice %arg5[%squeeze3A_189, %dma_start3A_196, %dma_start3A_197] : memref<125000x8x32xf32, #tpu.memory_space<hbm>> -> memref<1x8x32xf32, #tpu.memory_space<hbm>>
    %dma_start3A_199 = tpu.memref_squeeze %dma_start3A_198 : memref<1x8x32xf32, #tpu.memory_space<hbm>> -> memref<8x32xf32, #tpu.memory_space<hbm>>
    %dma_start3A_200 = arith.constant 0 : i32
    %dma_start3A_201 = arith.constant 0 : i32
    %dma_start3A_202 = tpu.memref_slice %arg10[%dma_start3A_190, %dma_start3A_191, %dma_start3A_200, %dma_start3A_201] : memref<2x16x8x32xf32, #tpu.memory_space<vmem>> -> memref<1x1x8x32xf32, #tpu.memory_space<vmem>>
    %dma_start3A_203 = tpu.memref_squeeze %dma_start3A_202 : memref<1x1x8x32xf32, #tpu.memory_space<vmem>> -> memref<8x32xf32, #tpu.memory_space<vmem>>
    %dma_start3A_204 = arith.constant 0 : i32
    %dma_start3A_205 = arith.constant 0 : i32
    %dma_start3A_206 = tpu.memref_slice %arg5[%squeeze3A_189, %dma_start3A_204, %dma_start3A_205] : memref<125000x8x32xf32, #tpu.memory_space<hbm>> -> memref<1x8x32xf32, #tpu.memory_space<hbm>>
    %dma_start3A_207 = tpu.memref_squeeze %dma_start3A_206 : memref<1x8x32xf32, #tpu.memory_space<hbm>> -> memref<8x32xf32, #tpu.memory_space<hbm>>
    tpu.enqueue_dma source(%dma_start3A_207 : memref<8x32xf32, #tpu.memory_space<hbm>>) target(%dma_start3A_203 : memref<8x32xf32, #tpu.memory_space<vmem>>) target_semaphore(%arg13 : memref<!tpu.dma_semaphore, #tpu.memory_space<semaphore_mem>>)
    %slice3A_208 = vector.extract_strided_slice %shift_right_logical3A_5 {offsets = [5], sizes = [1], strides = [1]} : vector<16xi32> to vector<1xi32>
    %squeeze3A_209 = vector.extract %slice3A_208[0] : i32 from vector<1xi32>
    %dma_start3A_210 = arith.constant 0 : i32
    %dma_start3A_211 = arith.constant 5 : i32
    %dma_start3A_212 = arith.constant 0 : i32
    %dma_start3A_213 = arith.constant 0 : i32
    %dma_start3A_214 = tpu.memref_slice %arg9[%dma_start3A_210, %dma_start3A_211, %dma_start3A_212, %dma_start3A_213] : memref<2x16x8x32xf32, #tpu.memory_space<vmem>> -> memref<1x1x8x32xf32, #tpu.memory_space<vmem>>
    %dma_start3A_215 = tpu.memref_squeeze %dma_start3A_214 : memref<1x1x8x32xf32, #tpu.memory_space<vmem>> -> memref<8x32xf32, #tpu.memory_space<vmem>>
    %dma_start3A_216 = arith.constant 0 : i32
    %dma_start3A_217 = arith.constant 0 : i32
    %dma_start3A_218 = tpu.memref_slice %arg4[%squeeze3A_209, %dma_start3A_216, %dma_start3A_217] : memref<12500x8x32xf32, #tpu.memory_space<hbm>> -> memref<1x8x32xf32, #tpu.memory_space<hbm>>
    %dma_start3A_219 = tpu.memref_squeeze %dma_start3A_218 : memref<1x8x32xf32, #tpu.memory_space<hbm>> -> memref<8x32xf32, #tpu.memory_space<hbm>>
    %dma_start3A_220 = arith.constant 0 : i32
    %dma_start3A_221 = arith.constant 0 : i32
    %dma_start3A_222 = tpu.memref_slice %arg9[%dma_start3A_210, %dma_start3A_211, %dma_start3A_220, %dma_start3A_221] : memref<2x16x8x32xf32, #tpu.memory_space<vmem>> -> memref<1x1x8x32xf32, #tpu.memory_space<vmem>>
    %dma_start3A_223 = tpu.memref_squeeze %dma_start3A_222 : memref<1x1x8x32xf32, #tpu.memory_space<vmem>> -> memref<8x32xf32, #tpu.memory_space<vmem>>
    %dma_start3A_224 = arith.constant 0 : i32
    %dma_start3A_225 = arith.constant 0 : i32
    %dma_start3A_226 = tpu.memref_slice %arg4[%squeeze3A_209, %dma_start3A_224, %dma_start3A_225] : memref<12500x8x32xf32, #tpu.memory_space<hbm>> -> memref<1x8x32xf32, #tpu.memory_space<hbm>>
    %dma_start3A_227 = tpu.memref_squeeze %dma_start3A_226 : memref<1x8x32xf32, #tpu.memory_space<hbm>> -> memref<8x32xf32, #tpu.memory_space<hbm>>
    tpu.enqueue_dma source(%dma_start3A_227 : memref<8x32xf32, #tpu.memory_space<hbm>>) target(%dma_start3A_223 : memref<8x32xf32, #tpu.memory_space<vmem>>) target_semaphore(%arg13 : memref<!tpu.dma_semaphore, #tpu.memory_space<semaphore_mem>>)
    %slice3A_228 = vector.extract_strided_slice %shift_right_logical3A_10 {offsets = [5], sizes = [1], strides = [1]} : vector<16xi32> to vector<1xi32>
    %squeeze3A_229 = vector.extract %slice3A_228[0] : i32 from vector<1xi32>
    %dma_start3A_230 = arith.constant 0 : i32
    %dma_start3A_231 = arith.constant 5 : i32
    %dma_start3A_232 = arith.constant 0 : i32
    %dma_start3A_233 = arith.constant 0 : i32
    %dma_start3A_234 = tpu.memref_slice %arg10[%dma_start3A_230, %dma_start3A_231, %dma_start3A_232, %dma_start3A_233] : memref<2x16x8x32xf32, #tpu.memory_space<vmem>> -> memref<1x1x8x32xf32, #tpu.memory_space<vmem>>
    %dma_start3A_235 = tpu.memref_squeeze %dma_start3A_234 : memref<1x1x8x32xf32, #tpu.memory_space<vmem>> -> memref<8x32xf32, #tpu.memory_space<vmem>>
    %dma_start3A_236 = arith.constant 0 : i32
    %dma_start3A_237 = arith.constant 0 : i32
    %dma_start3A_238 = tpu.memref_slice %arg5[%squeeze3A_229, %dma_start3A_236, %dma_start3A_237] : memref<125000x8x32xf32, #tpu.memory_space<hbm>> -> memref<1x8x32xf32, #tpu.memory_space<hbm>>
    %dma_start3A_239 = tpu.memref_squeeze %dma_start3A_238 : memref<1x8x32xf32, #tpu.memory_space<hbm>> -> memref<8x32xf32, #tpu.memory_space<hbm>>
    %dma_start3A_240 = arith.constant 0 : i32
    %dma_start3A_241 = arith.constant 0 : i32
    %dma_start3A_242 = tpu.memref_slice %arg10[%dma_start3A_230, %dma_start3A_231, %dma_start3A_240, %dma_start3A_241] : memref<2x16x8x32xf32, #tpu.memory_space<vmem>> -> memref<1x1x8x32xf32, #tpu.memory_space<vmem>>
    %dma_start3A_243 = tpu.memref_squeeze %dma_start3A_242 : memref<1x1x8x32xf32, #tpu.memory_space<vmem>> -> memref<8x32xf32, #tpu.memory_space<vmem>>
    %dma_start3A_244 = arith.constant 0 : i32
    %dma_start3A_245 = arith.constant 0 : i32
    %dma_start3A_246 = tpu.memref_slice %arg5[%squeeze3A_229, %dma_start3A_244, %dma_start3A_245] : memref<125000x8x32xf32, #tpu.memory_space<hbm>> -> memref<1x8x32xf32, #tpu.memory_space<hbm>>
    %dma_start3A_247 = tpu.memref_squeeze %dma_start3A_246 : memref<1x8x32xf32, #tpu.memory_space<hbm>> -> memref<8x32xf32, #tpu.memory_space<hbm>>
    tpu.enqueue_dma source(%dma_start3A_247 : memref<8x32xf32, #tpu.memory_space<hbm>>) target(%dma_start3A_243 : memref<8x32xf32, #tpu.memory_space<vmem>>) target_semaphore(%arg13 : memref<!tpu.dma_semaphore, #tpu.memory_space<semaphore_mem>>)
    %slice3A_248 = vector.extract_strided_slice %shift_right_logical3A_5 {offsets = [6], sizes = [1], strides = [1]} : vector<16xi32> to vector<1xi32>
    %squeeze3A_249 = vector.extract %slice3A_248[0] : i32 from vector<1xi32>
    %dma_start3A_250 = arith.constant 0 : i32
    %dma_start3A_251 = arith.constant 6 : i32
    %dma_start3A_252 = arith.constant 0 : i32
    %dma_start3A_253 = arith.constant 0 : i32
    %dma_start3A_254 = tpu.memref_slice %arg9[%dma_start3A_250, %dma_start3A_251, %dma_start3A_252, %dma_start3A_253] : memref<2x16x8x32xf32, #tpu.memory_space<vmem>> -> memref<1x1x8x32xf32, #tpu.memory_space<vmem>>
    %dma_start3A_255 = tpu.memref_squeeze %dma_start3A_254 : memref<1x1x8x32xf32, #tpu.memory_space<vmem>> -> memref<8x32xf32, #tpu.memory_space<vmem>>
    %dma_start3A_256 = arith.constant 0 : i32
    %dma_start3A_257 = arith.constant 0 : i32
    %dma_start3A_258 = tpu.memref_slice %arg4[%squeeze3A_249, %dma_start3A_256, %dma_start3A_257] : memref<12500x8x32xf32, #tpu.memory_space<hbm>> -> memref<1x8x32xf32, #tpu.memory_space<hbm>>
    %dma_start3A_259 = tpu.memref_squeeze %dma_start3A_258 : memref<1x8x32xf32, #tpu.memory_space<hbm>> -> memref<8x32xf32, #tpu.memory_space<hbm>>
    %dma_start3A_260 = arith.constant 0 : i32
    %dma_start3A_261 = arith.constant 0 : i32
    %dma_start3A_262 = tpu.memref_slice %arg9[%dma_start3A_250, %dma_start3A_251, %dma_start3A_260, %dma_start3A_261] : memref<2x16x8x32xf32, #tpu.memory_space<vmem>> -> memref<1x1x8x32xf32, #tpu.memory_space<vmem>>
    %dma_start3A_263 = tpu.memref_squeeze %dma_start3A_262 : memref<1x1x8x32xf32, #tpu.memory_space<vmem>> -> memref<8x32xf32, #tpu.memory_space<vmem>>
    %dma_start3A_264 = arith.constant 0 : i32
    %dma_start3A_265 = arith.constant 0 : i32
    %dma_start3A_266 = tpu.memref_slice %arg4[%squeeze3A_249, %dma_start3A_264, %dma_start3A_265] : memref<12500x8x32xf32, #tpu.memory_space<hbm>> -> memref<1x8x32xf32, #tpu.memory_space<hbm>>
    %dma_start3A_267 = tpu.memref_squeeze %dma_start3A_266 : memref<1x8x32xf32, #tpu.memory_space<hbm>> -> memref<8x32xf32, #tpu.memory_space<hbm>>
    tpu.enqueue_dma source(%dma_start3A_267 : memref<8x32xf32, #tpu.memory_space<hbm>>) target(%dma_start3A_263 : memref<8x32xf32, #tpu.memory_space<vmem>>) target_semaphore(%arg13 : memref<!tpu.dma_semaphore, #tpu.memory_space<semaphore_mem>>)
    %slice3A_268 = vector.extract_strided_slice %shift_right_logical3A_10 {offsets = [6], sizes = [1], strides = [1]} : vector<16xi32> to vector<1xi32>
    %squeeze3A_269 = vector.extract %slice3A_268[0] : i32 from vector<1xi32>
    %dma_start3A_270 = arith.constant 0 : i32
    %dma_start3A_271 = arith.constant 6 : i32
    %dma_start3A_272 = arith.constant 0 : i32
    %dma_start3A_273 = arith.constant 0 : i32
    %dma_start3A_274 = tpu.memref_slice %arg10[%dma_start3A_270, %dma_start3A_271, %dma_start3A_272, %dma_start3A_273] : memref<2x16x8x32xf32, #tpu.memory_space<vmem>> -> memref<1x1x8x32xf32, #tpu.memory_space<vmem>>
    %dma_start3A_275 = tpu.memref_squeeze %dma_start3A_274 : memref<1x1x8x32xf32, #tpu.memory_space<vmem>> -> memref<8x32xf32, #tpu.memory_space<vmem>>
    %dma_start3A_276 = arith.constant 0 : i32
    %dma_start3A_277 = arith.constant 0 : i32
    %dma_start3A_278 = tpu.memref_slice %arg5[%squeeze3A_269, %dma_start3A_276, %dma_start3A_277] : memref<125000x8x32xf32, #tpu.memory_space<hbm>> -> memref<1x8x32xf32, #tpu.memory_space<hbm>>
    %dma_start3A_279 = tpu.memref_squeeze %dma_start3A_278 : memref<1x8x32xf32, #tpu.memory_space<hbm>> -> memref<8x32xf32, #tpu.memory_space<hbm>>
    %dma_start3A_280 = arith.constant 0 : i32
    %dma_start3A_281 = arith.constant 0 : i32
    %dma_start3A_282 = tpu.memref_slice %arg10[%dma_start3A_270, %dma_start3A_271, %dma_start3A_280, %dma_start3A_281] : memref<2x16x8x32xf32, #tpu.memory_space<vmem>> -> memref<1x1x8x32xf32, #tpu.memory_space<vmem>>
    %dma_start3A_283 = tpu.memref_squeeze %dma_start3A_282 : memref<1x1x8x32xf32, #tpu.memory_space<vmem>> -> memref<8x32xf32, #tpu.memory_space<vmem>>
    %dma_start3A_284 = arith.constant 0 : i32
    %dma_start3A_285 = arith.constant 0 : i32
    %dma_start3A_286 = tpu.memref_slice %arg5[%squeeze3A_269, %dma_start3A_284, %dma_start3A_285] : memref<125000x8x32xf32, #tpu.memory_space<hbm>> -> memref<1x8x32xf32, #tpu.memory_space<hbm>>
    %dma_start3A_287 = tpu.memref_squeeze %dma_start3A_286 : memref<1x8x32xf32, #tpu.memory_space<hbm>> -> memref<8x32xf32, #tpu.memory_space<hbm>>
    tpu.enqueue_dma source(%dma_start3A_287 : memref<8x32xf32, #tpu.memory_space<hbm>>) target(%dma_start3A_283 : memref<8x32xf32, #tpu.memory_space<vmem>>) target_semaphore(%arg13 : memref<!tpu.dma_semaphore, #tpu.memory_space<semaphore_mem>>)
    %slice3A_288 = vector.extract_strided_slice %shift_right_logical3A_5 {offsets = [7], sizes = [1], strides = [1]} : vector<16xi32> to vector<1xi32>
    %squeeze3A_289 = vector.extract %slice3A_288[0] : i32 from vector<1xi32>
    %dma_start3A_290 = arith.constant 0 : i32
    %dma_start3A_291 = arith.constant 7 : i32
    %dma_start3A_292 = arith.constant 0 : i32
    %dma_start3A_293 = arith.constant 0 : i32
    %dma_start3A_294 = tpu.memref_slice %arg9[%dma_start3A_290, %dma_start3A_291, %dma_start3A_292, %dma_start3A_293] : memref<2x16x8x32xf32, #tpu.memory_space<vmem>> -> memref<1x1x8x32xf32, #tpu.memory_space<vmem>>
    %dma_start3A_295 = tpu.memref_squeeze %dma_start3A_294 : memref<1x1x8x32xf32, #tpu.memory_space<vmem>> -> memref<8x32xf32, #tpu.memory_space<vmem>>
    %dma_start3A_296 = arith.constant 0 : i32
    %dma_start3A_297 = arith.constant 0 : i32
    %dma_start3A_298 = tpu.memref_slice %arg4[%squeeze3A_289, %dma_start3A_296, %dma_start3A_297] : memref<12500x8x32xf32, #tpu.memory_space<hbm>> -> memref<1x8x32xf32, #tpu.memory_space<hbm>>
    %dma_start3A_299 = tpu.memref_squeeze %dma_start3A_298 : memref<1x8x32xf32, #tpu.memory_space<hbm>> -> memref<8x32xf32, #tpu.memory_space<hbm>>
    %dma_start3A_300 = arith.constant 0 : i32
    %dma_start3A_301 = arith.constant 0 : i32
    %dma_start3A_302 = tpu.memref_slice %arg9[%dma_start3A_290, %dma_start3A_291, %dma_start3A_300, %dma_start3A_301] : memref<2x16x8x32xf32, #tpu.memory_space<vmem>> -> memref<1x1x8x32xf32, #tpu.memory_space<vmem>>
    %dma_start3A_303 = tpu.memref_squeeze %dma_start3A_302 : memref<1x1x8x32xf32, #tpu.memory_space<vmem>> -> memref<8x32xf32, #tpu.memory_space<vmem>>
    %dma_start3A_304 = arith.constant 0 : i32
    %dma_start3A_305 = arith.constant 0 : i32
    %dma_start3A_306 = tpu.memref_slice %arg4[%squeeze3A_289, %dma_start3A_304, %dma_start3A_305] : memref<12500x8x32xf32, #tpu.memory_space<hbm>> -> memref<1x8x32xf32, #tpu.memory_space<hbm>>
    %dma_start3A_307 = tpu.memref_squeeze %dma_start3A_306 : memref<1x8x32xf32, #tpu.memory_space<hbm>> -> memref<8x32xf32, #tpu.memory_space<hbm>>
    tpu.enqueue_dma source(%dma_start3A_307 : memref<8x32xf32, #tpu.memory_space<hbm>>) target(%dma_start3A_303 : memref<8x32xf32, #tpu.memory_space<vmem>>) target_semaphore(%arg13 : memref<!tpu.dma_semaphore, #tpu.memory_space<semaphore_mem>>)
    %slice3A_308 = vector.extract_strided_slice %shift_right_logical3A_10 {offsets = [7], sizes = [1], strides = [1]} : vector<16xi32> to vector<1xi32>
    %squeeze3A_309 = vector.extract %slice3A_308[0] : i32 from vector<1xi32>
    %dma_start3A_310 = arith.constant 0 : i32
    %dma_start3A_311 = arith.constant 7 : i32
    %dma_start3A_312 = arith.constant 0 : i32
    %dma_start3A_313 = arith.constant 0 : i32
    %dma_start3A_314 = tpu.memref_slice %arg10[%dma_start3A_310, %dma_start3A_311, %dma_start3A_312, %dma_start3A_313] : memref<2x16x8x32xf32, #tpu.memory_space<vmem>> -> memref<1x1x8x32xf32, #tpu.memory_space<vmem>>
    %dma_start3A_315 = tpu.memref_squeeze %dma_start3A_314 : memref<1x1x8x32xf32, #tpu.memory_space<vmem>> -> memref<8x32xf32, #tpu.memory_space<vmem>>
    %dma_start3A_316 = arith.constant 0 : i32
    %dma_start3A_317 = arith.constant 0 : i32
    %dma_start3A_318 = tpu.memref_slice %arg5[%squeeze3A_309, %dma_start3A_316, %dma_start3A_317] : memref<125000x8x32xf32, #tpu.memory_space<hbm>> -> memref<1x8x32xf32, #tpu.memory_space<hbm>>
    %dma_start3A_319 = tpu.memref_squeeze %dma_start3A_318 : memref<1x8x32xf32, #tpu.memory_space<hbm>> -> memref<8x32xf32, #tpu.memory_space<hbm>>
    %dma_start3A_320 = arith.constant 0 : i32
    %dma_start3A_321 = arith.constant 0 : i32
    %dma_start3A_322 = tpu.memref_slice %arg10[%dma_start3A_310, %dma_start3A_311, %dma_start3A_320, %dma_start3A_321] : memref<2x16x8x32xf32, #tpu.memory_space<vmem>> -> memref<1x1x8x32xf32, #tpu.memory_space<vmem>>
    %dma_start3A_323 = tpu.memref_squeeze %dma_start3A_322 : memref<1x1x8x32xf32, #tpu.memory_space<vmem>> -> memref<8x32xf32, #tpu.memory_space<vmem>>
    %dma_start3A_324 = arith.constant 0 : i32
    %dma_start3A_325 = arith.constant 0 : i32
    %dma_start3A_326 = tpu.memref_slice %arg5[%squeeze3A_309, %dma_start3A_324, %dma_start3A_325] : memref<125000x8x32xf32, #tpu.memory_space<hbm>> -> memref<1x8x32xf32, #tpu.memory_space<hbm>>
    %dma_start3A_327 = tpu.memref_squeeze %dma_start3A_326 : memref<1x8x32xf32, #tpu.memory_space<hbm>> -> memref<8x32xf32, #tpu.memory_space<hbm>>
    tpu.enqueue_dma source(%dma_start3A_327 : memref<8x32xf32, #tpu.memory_space<hbm>>) target(%dma_start3A_323 : memref<8x32xf32, #tpu.memory_space<vmem>>) target_semaphore(%arg13 : memref<!tpu.dma_semaphore, #tpu.memory_space<semaphore_mem>>)
    %slice3A_328 = vector.extract_strided_slice %shift_right_logical3A_5 {offsets = [8], sizes = [1], strides = [1]} : vector<16xi32> to vector<1xi32>
    %squeeze3A_329 = vector.extract %slice3A_328[0] : i32 from vector<1xi32>
    %dma_start3A_330 = arith.constant 0 : i32
    %dma_start3A_331 = arith.constant 8 : i32
    %dma_start3A_332 = arith.constant 0 : i32
    %dma_start3A_333 = arith.constant 0 : i32
    %dma_start3A_334 = tpu.memref_slice %arg9[%dma_start3A_330, %dma_start3A_331, %dma_start3A_332, %dma_start3A_333] : memref<2x16x8x32xf32, #tpu.memory_space<vmem>> -> memref<1x1x8x32xf32, #tpu.memory_space<vmem>>
    %dma_start3A_335 = tpu.memref_squeeze %dma_start3A_334 : memref<1x1x8x32xf32, #tpu.memory_space<vmem>> -> memref<8x32xf32, #tpu.memory_space<vmem>>
    %dma_start3A_336 = arith.constant 0 : i32
    %dma_start3A_337 = arith.constant 0 : i32
    %dma_start3A_338 = tpu.memref_slice %arg4[%squeeze3A_329, %dma_start3A_336, %dma_start3A_337] : memref<12500x8x32xf32, #tpu.memory_space<hbm>> -> memref<1x8x32xf32, #tpu.memory_space<hbm>>
    %dma_start3A_339 = tpu.memref_squeeze %dma_start3A_338 : memref<1x8x32xf32, #tpu.memory_space<hbm>> -> memref<8x32xf32, #tpu.memory_space<hbm>>
    %dma_start3A_340 = arith.constant 0 : i32
    %dma_start3A_341 = arith.constant 0 : i32
    %dma_start3A_342 = tpu.memref_slice %arg9[%dma_start3A_330, %dma_start3A_331, %dma_start3A_340, %dma_start3A_341] : memref<2x16x8x32xf32, #tpu.memory_space<vmem>> -> memref<1x1x8x32xf32, #tpu.memory_space<vmem>>
    %dma_start3A_343 = tpu.memref_squeeze %dma_start3A_342 : memref<1x1x8x32xf32, #tpu.memory_space<vmem>> -> memref<8x32xf32, #tpu.memory_space<vmem>>
    %dma_start3A_344 = arith.constant 0 : i32
    %dma_start3A_345 = arith.constant 0 : i32
    %dma_start3A_346 = tpu.memref_slice %arg4[%squeeze3A_329, %dma_start3A_344, %dma_start3A_345] : memref<12500x8x32xf32, #tpu.memory_space<hbm>> -> memref<1x8x32xf32, #tpu.memory_space<hbm>>
    %dma_start3A_347 = tpu.memref_squeeze %dma_start3A_346 : memref<1x8x32xf32, #tpu.memory_space<hbm>> -> memref<8x32xf32, #tpu.memory_space<hbm>>
    tpu.enqueue_dma source(%dma_start3A_347 : memref<8x32xf32, #tpu.memory_space<hbm>>) target(%dma_start3A_343 : memref<8x32xf32, #tpu.memory_space<vmem>>) target_semaphore(%arg13 : memref<!tpu.dma_semaphore, #tpu.memory_space<semaphore_mem>>)
    %slice3A_348 = vector.extract_strided_slice %shift_right_logical3A_10 {offsets = [8], sizes = [1], strides = [1]} : vector<16xi32> to vector<1xi32>
    %squeeze3A_349 = vector.extract %slice3A_348[0] : i32 from vector<1xi32>
    %dma_start3A_350 = arith.constant 0 : i32
    %dma_start3A_351 = arith.constant 8 : i32
    %dma_start3A_352 = arith.constant 0 : i32
    %dma_start3A_353 = arith.constant 0 : i32
    %dma_start3A_354 = tpu.memref_slice %arg10[%dma_start3A_350, %dma_start3A_351, %dma_start3A_352, %dma_start3A_353] : memref<2x16x8x32xf32, #tpu.memory_space<vmem>> -> memref<1x1x8x32xf32, #tpu.memory_space<vmem>>
    %dma_start3A_355 = tpu.memref_squeeze %dma_start3A_354 : memref<1x1x8x32xf32, #tpu.memory_space<vmem>> -> memref<8x32xf32, #tpu.memory_space<vmem>>
    %dma_start3A_356 = arith.constant 0 : i32
    %dma_start3A_357 = arith.constant 0 : i32
    %dma_start3A_358 = tpu.memref_slice %arg5[%squeeze3A_349, %dma_start3A_356, %dma_start3A_357] : memref<125000x8x32xf32, #tpu.memory_space<hbm>> -> memref<1x8x32xf32, #tpu.memory_space<hbm>>
    %dma_start3A_359 = tpu.memref_squeeze %dma_start3A_358 : memref<1x8x32xf32, #tpu.memory_space<hbm>> -> memref<8x32xf32, #tpu.memory_space<hbm>>
    %dma_start3A_360 = arith.constant 0 : i32
    %dma_start3A_361 = arith.constant 0 : i32
    %dma_start3A_362 = tpu.memref_slice %arg10[%dma_start3A_350, %dma_start3A_351, %dma_start3A_360, %dma_start3A_361] : memref<2x16x8x32xf32, #tpu.memory_space<vmem>> -> memref<1x1x8x32xf32, #tpu.memory_space<vmem>>
    %dma_start3A_363 = tpu.memref_squeeze %dma_start3A_362 : memref<1x1x8x32xf32, #tpu.memory_space<vmem>> -> memref<8x32xf32, #tpu.memory_space<vmem>>
    %dma_start3A_364 = arith.constant 0 : i32
    %dma_start3A_365 = arith.constant 0 : i32
    %dma_start3A_366 = tpu.memref_slice %arg5[%squeeze3A_349, %dma_start3A_364, %dma_start3A_365] : memref<125000x8x32xf32, #tpu.memory_space<hbm>> -> memref<1x8x32xf32, #tpu.memory_space<hbm>>
    %dma_start3A_367 = tpu.memref_squeeze %dma_start3A_366 : memref<1x8x32xf32, #tpu.memory_space<hbm>> -> memref<8x32xf32, #tpu.memory_space<hbm>>
    tpu.enqueue_dma source(%dma_start3A_367 : memref<8x32xf32, #tpu.memory_space<hbm>>) target(%dma_start3A_363 : memref<8x32xf32, #tpu.memory_space<vmem>>) target_semaphore(%arg13 : memref<!tpu.dma_semaphore, #tpu.memory_space<semaphore_mem>>)
    %slice3A_368 = vector.extract_strided_slice %shift_right_logical3A_5 {offsets = [9], sizes = [1], strides = [1]} : vector<16xi32> to vector<1xi32>
    %squeeze3A_369 = vector.extract %slice3A_368[0] : i32 from vector<1xi32>
    %dma_start3A_370 = arith.constant 0 : i32
    %dma_start3A_371 = arith.constant 9 : i32
    %dma_start3A_372 = arith.constant 0 : i32
    %dma_start3A_373 = arith.constant 0 : i32
    %dma_start3A_374 = tpu.memref_slice %arg9[%dma_start3A_370, %dma_start3A_371, %dma_start3A_372, %dma_start3A_373] : memref<2x16x8x32xf32, #tpu.memory_space<vmem>> -> memref<1x1x8x32xf32, #tpu.memory_space<vmem>>
    %dma_start3A_375 = tpu.memref_squeeze %dma_start3A_374 : memref<1x1x8x32xf32, #tpu.memory_space<vmem>> -> memref<8x32xf32, #tpu.memory_space<vmem>>
    %dma_start3A_376 = arith.constant 0 : i32
    %dma_start3A_377 = arith.constant 0 : i32
    %dma_start3A_378 = tpu.memref_slice %arg4[%squeeze3A_369, %dma_start3A_376, %dma_start3A_377] : memref<12500x8x32xf32, #tpu.memory_space<hbm>> -> memref<1x8x32xf32, #tpu.memory_space<hbm>>
    %dma_start3A_379 = tpu.memref_squeeze %dma_start3A_378 : memref<1x8x32xf32, #tpu.memory_space<hbm>> -> memref<8x32xf32, #tpu.memory_space<hbm>>
    %dma_start3A_380 = arith.constant 0 : i32
    %dma_start3A_381 = arith.constant 0 : i32
    %dma_start3A_382 = tpu.memref_slice %arg9[%dma_start3A_370, %dma_start3A_371, %dma_start3A_380, %dma_start3A_381] : memref<2x16x8x32xf32, #tpu.memory_space<vmem>> -> memref<1x1x8x32xf32, #tpu.memory_space<vmem>>
    %dma_start3A_383 = tpu.memref_squeeze %dma_start3A_382 : memref<1x1x8x32xf32, #tpu.memory_space<vmem>> -> memref<8x32xf32, #tpu.memory_space<vmem>>
    %dma_start3A_384 = arith.constant 0 : i32
    %dma_start3A_385 = arith.constant 0 : i32
    %dma_start3A_386 = tpu.memref_slice %arg4[%squeeze3A_369, %dma_start3A_384, %dma_start3A_385] : memref<12500x8x32xf32, #tpu.memory_space<hbm>> -> memref<1x8x32xf32, #tpu.memory_space<hbm>>
    %dma_start3A_387 = tpu.memref_squeeze %dma_start3A_386 : memref<1x8x32xf32, #tpu.memory_space<hbm>> -> memref<8x32xf32, #tpu.memory_space<hbm>>
    tpu.enqueue_dma source(%dma_start3A_387 : memref<8x32xf32, #tpu.memory_space<hbm>>) target(%dma_start3A_383 : memref<8x32xf32, #tpu.memory_space<vmem>>) target_semaphore(%arg13 : memref<!tpu.dma_semaphore, #tpu.memory_space<semaphore_mem>>)
    %slice3A_388 = vector.extract_strided_slice %shift_right_logical3A_10 {offsets = [9], sizes = [1], strides = [1]} : vector<16xi32> to vector<1xi32>
    %squeeze3A_389 = vector.extract %slice3A_388[0] : i32 from vector<1xi32>
    %dma_start3A_390 = arith.constant 0 : i32
    %dma_start3A_391 = arith.constant 9 : i32
    %dma_start3A_392 = arith.constant 0 : i32
    %dma_start3A_393 = arith.constant 0 : i32
    %dma_start3A_394 = tpu.memref_slice %arg10[%dma_start3A_390, %dma_start3A_391, %dma_start3A_392, %dma_start3A_393] : memref<2x16x8x32xf32, #tpu.memory_space<vmem>> -> memref<1x1x8x32xf32, #tpu.memory_space<vmem>>
    %dma_start3A_395 = tpu.memref_squeeze %dma_start3A_394 : memref<1x1x8x32xf32, #tpu.memory_space<vmem>> -> memref<8x32xf32, #tpu.memory_space<vmem>>
    %dma_start3A_396 = arith.constant 0 : i32
    %dma_start3A_397 = arith.constant 0 : i32
    %dma_start3A_398 = tpu.memref_slice %arg5[%squeeze3A_389, %dma_start3A_396, %dma_start3A_397] : memref<125000x8x32xf32, #tpu.memory_space<hbm>> -> memref<1x8x32xf32, #tpu.memory_space<hbm>>
    %dma_start3A_399 = tpu.memref_squeeze %dma_start3A_398 : memref<1x8x32xf32, #tpu.memory_space<hbm>> -> memref<8x32xf32, #tpu.memory_space<hbm>>
    %dma_start3A_400 = arith.constant 0 : i32
    %dma_start3A_401 = arith.constant 0 : i32
    %dma_start3A_402 = tpu.memref_slice %arg10[%dma_start3A_390, %dma_start3A_391, %dma_start3A_400, %dma_start3A_401] : memref<2x16x8x32xf32, #tpu.memory_space<vmem>> -> memref<1x1x8x32xf32, #tpu.memory_space<vmem>>
    %dma_start3A_403 = tpu.memref_squeeze %dma_start3A_402 : memref<1x1x8x32xf32, #tpu.memory_space<vmem>> -> memref<8x32xf32, #tpu.memory_space<vmem>>
    %dma_start3A_404 = arith.constant 0 : i32
    %dma_start3A_405 = arith.constant 0 : i32
    %dma_start3A_406 = tpu.memref_slice %arg5[%squeeze3A_389, %dma_start3A_404, %dma_start3A_405] : memref<125000x8x32xf32, #tpu.memory_space<hbm>> -> memref<1x8x32xf32, #tpu.memory_space<hbm>>
    %dma_start3A_407 = tpu.memref_squeeze %dma_start3A_406 : memref<1x8x32xf32, #tpu.memory_space<hbm>> -> memref<8x32xf32, #tpu.memory_space<hbm>>
    tpu.enqueue_dma source(%dma_start3A_407 : memref<8x32xf32, #tpu.memory_space<hbm>>) target(%dma_start3A_403 : memref<8x32xf32, #tpu.memory_space<vmem>>) target_semaphore(%arg13 : memref<!tpu.dma_semaphore, #tpu.memory_space<semaphore_mem>>)
    %slice3A_408 = vector.extract_strided_slice %shift_right_logical3A_5 {offsets = [10], sizes = [1], strides = [1]} : vector<16xi32> to vector<1xi32>
    %squeeze3A_409 = vector.extract %slice3A_408[0] : i32 from vector<1xi32>
    %dma_start3A_410 = arith.constant 0 : i32
    %dma_start3A_411 = arith.constant 10 : i32
    %dma_start3A_412 = arith.constant 0 : i32
    %dma_start3A_413 = arith.constant 0 : i32
    %dma_start3A_414 = tpu.memref_slice %arg9[%dma_start3A_410, %dma_start3A_411, %dma_start3A_412, %dma_start3A_413] : memref<2x16x8x32xf32, #tpu.memory_space<vmem>> -> memref<1x1x8x32xf32, #tpu.memory_space<vmem>>
    %dma_start3A_415 = tpu.memref_squeeze %dma_start3A_414 : memref<1x1x8x32xf32, #tpu.memory_space<vmem>> -> memref<8x32xf32, #tpu.memory_space<vmem>>
    %dma_start3A_416 = arith.constant 0 : i32
    %dma_start3A_417 = arith.constant 0 : i32
    %dma_start3A_418 = tpu.memref_slice %arg4[%squeeze3A_409, %dma_start3A_416, %dma_start3A_417] : memref<12500x8x32xf32, #tpu.memory_space<hbm>> -> memref<1x8x32xf32, #tpu.memory_space<hbm>>
    %dma_start3A_419 = tpu.memref_squeeze %dma_start3A_418 : memref<1x8x32xf32, #tpu.memory_space<hbm>> -> memref<8x32xf32, #tpu.memory_space<hbm>>
    %dma_start3A_420 = arith.constant 0 : i32
    %dma_start3A_421 = arith.constant 0 : i32
    %dma_start3A_422 = tpu.memref_slice %arg9[%dma_start3A_410, %dma_start3A_411, %dma_start3A_420, %dma_start3A_421] : memref<2x16x8x32xf32, #tpu.memory_space<vmem>> -> memref<1x1x8x32xf32, #tpu.memory_space<vmem>>
    %dma_start3A_423 = tpu.memref_squeeze %dma_start3A_422 : memref<1x1x8x32xf32, #tpu.memory_space<vmem>> -> memref<8x32xf32, #tpu.memory_space<vmem>>
    %dma_start3A_424 = arith.constant 0 : i32
    %dma_start3A_425 = arith.constant 0 : i32
    %dma_start3A_426 = tpu.memref_slice %arg4[%squeeze3A_409, %dma_start3A_424, %dma_start3A_425] : memref<12500x8x32xf32, #tpu.memory_space<hbm>> -> memref<1x8x32xf32, #tpu.memory_space<hbm>>
    %dma_start3A_427 = tpu.memref_squeeze %dma_start3A_426 : memref<1x8x32xf32, #tpu.memory_space<hbm>> -> memref<8x32xf32, #tpu.memory_space<hbm>>
    tpu.enqueue_dma source(%dma_start3A_427 : memref<8x32xf32, #tpu.memory_space<hbm>>) target(%dma_start3A_423 : memref<8x32xf32, #tpu.memory_space<vmem>>) target_semaphore(%arg13 : memref<!tpu.dma_semaphore, #tpu.memory_space<semaphore_mem>>)
    %slice3A_428 = vector.extract_strided_slice %shift_right_logical3A_10 {offsets = [10], sizes = [1], strides = [1]} : vector<16xi32> to vector<1xi32>
    %squeeze3A_429 = vector.extract %slice3A_428[0] : i32 from vector<1xi32>
    %dma_start3A_430 = arith.constant 0 : i32
    %dma_start3A_431 = arith.constant 10 : i32
    %dma_start3A_432 = arith.constant 0 : i32
    %dma_start3A_433 = arith.constant 0 : i32
    %dma_start3A_434 = tpu.memref_slice %arg10[%dma_start3A_430, %dma_start3A_431, %dma_start3A_432, %dma_start3A_433] : memref<2x16x8x32xf32, #tpu.memory_space<vmem>> -> memref<1x1x8x32xf32, #tpu.memory_space<vmem>>
    %dma_start3A_435 = tpu.memref_squeeze %dma_start3A_434 : memref<1x1x8x32xf32, #tpu.memory_space<vmem>> -> memref<8x32xf32, #tpu.memory_space<vmem>>
    %dma_start3A_436 = arith.constant 0 : i32
    %dma_start3A_437 = arith.constant 0 : i32
    %dma_start3A_438 = tpu.memref_slice %arg5[%squeeze3A_429, %dma_start3A_436, %dma_start3A_437] : memref<125000x8x32xf32, #tpu.memory_space<hbm>> -> memref<1x8x32xf32, #tpu.memory_space<hbm>>
    %dma_start3A_439 = tpu.memref_squeeze %dma_start3A_438 : memref<1x8x32xf32, #tpu.memory_space<hbm>> -> memref<8x32xf32, #tpu.memory_space<hbm>>
    %dma_start3A_440 = arith.constant 0 : i32
    %dma_start3A_441 = arith.constant 0 : i32
    %dma_start3A_442 = tpu.memref_slice %arg10[%dma_start3A_430, %dma_start3A_431, %dma_start3A_440, %dma_start3A_441] : memref<2x16x8x32xf32, #tpu.memory_space<vmem>> -> memref<1x1x8x32xf32, #tpu.memory_space<vmem>>
    %dma_start3A_443 = tpu.memref_squeeze %dma_start3A_442 : memref<1x1x8x32xf32, #tpu.memory_space<vmem>> -> memref<8x32xf32, #tpu.memory_space<vmem>>
    %dma_start3A_444 = arith.constant 0 : i32
    %dma_start3A_445 = arith.constant 0 : i32
    %dma_start3A_446 = tpu.memref_slice %arg5[%squeeze3A_429, %dma_start3A_444, %dma_start3A_445] : memref<125000x8x32xf32, #tpu.memory_space<hbm>> -> memref<1x8x32xf32, #tpu.memory_space<hbm>>
    %dma_start3A_447 = tpu.memref_squeeze %dma_start3A_446 : memref<1x8x32xf32, #tpu.memory_space<hbm>> -> memref<8x32xf32, #tpu.memory_space<hbm>>
    tpu.enqueue_dma source(%dma_start3A_447 : memref<8x32xf32, #tpu.memory_space<hbm>>) target(%dma_start3A_443 : memref<8x32xf32, #tpu.memory_space<vmem>>) target_semaphore(%arg13 : memref<!tpu.dma_semaphore, #tpu.memory_space<semaphore_mem>>)
    %slice3A_448 = vector.extract_strided_slice %shift_right_logical3A_5 {offsets = [11], sizes = [1], strides = [1]} : vector<16xi32> to vector<1xi32>
    %squeeze3A_449 = vector.extract %slice3A_448[0] : i32 from vector<1xi32>
    %dma_start3A_450 = arith.constant 0 : i32
    %dma_start3A_451 = arith.constant 11 : i32
    %dma_start3A_452 = arith.constant 0 : i32
    %dma_start3A_453 = arith.constant 0 : i32
    %dma_start3A_454 = tpu.memref_slice %arg9[%dma_start3A_450, %dma_start3A_451, %dma_start3A_452, %dma_start3A_453] : memref<2x16x8x32xf32, #tpu.memory_space<vmem>> -> memref<1x1x8x32xf32, #tpu.memory_space<vmem>>
    %dma_start3A_455 = tpu.memref_squeeze %dma_start3A_454 : memref<1x1x8x32xf32, #tpu.memory_space<vmem>> -> memref<8x32xf32, #tpu.memory_space<vmem>>
    %dma_start3A_456 = arith.constant 0 : i32
    %dma_start3A_457 = arith.constant 0 : i32
    %dma_start3A_458 = tpu.memref_slice %arg4[%squeeze3A_449, %dma_start3A_456, %dma_start3A_457] : memref<12500x8x32xf32, #tpu.memory_space<hbm>> -> memref<1x8x32xf32, #tpu.memory_space<hbm>>
    %dma_start3A_459 = tpu.memref_squeeze %dma_start3A_458 : memref<1x8x32xf32, #tpu.memory_space<hbm>> -> memref<8x32xf32, #tpu.memory_space<hbm>>
    %dma_start3A_460 = arith.constant 0 : i32
    %dma_start3A_461 = arith.constant 0 : i32
    %dma_start3A_462 = tpu.memref_slice %arg9[%dma_start3A_450, %dma_start3A_451, %dma_start3A_460, %dma_start3A_461] : memref<2x16x8x32xf32, #tpu.memory_space<vmem>> -> memref<1x1x8x32xf32, #tpu.memory_space<vmem>>
    %dma_start3A_463 = tpu.memref_squeeze %dma_start3A_462 : memref<1x1x8x32xf32, #tpu.memory_space<vmem>> -> memref<8x32xf32, #tpu.memory_space<vmem>>
    %dma_start3A_464 = arith.constant 0 : i32
    %dma_start3A_465 = arith.constant 0 : i32
    %dma_start3A_466 = tpu.memref_slice %arg4[%squeeze3A_449, %dma_start3A_464, %dma_start3A_465] : memref<12500x8x32xf32, #tpu.memory_space<hbm>> -> memref<1x8x32xf32, #tpu.memory_space<hbm>>
    %dma_start3A_467 = tpu.memref_squeeze %dma_start3A_466 : memref<1x8x32xf32, #tpu.memory_space<hbm>> -> memref<8x32xf32, #tpu.memory_space<hbm>>
    tpu.enqueue_dma source(%dma_start3A_467 : memref<8x32xf32, #tpu.memory_space<hbm>>) target(%dma_start3A_463 : memref<8x32xf32, #tpu.memory_space<vmem>>) target_semaphore(%arg13 : memref<!tpu.dma_semaphore, #tpu.memory_space<semaphore_mem>>)
    %slice3A_468 = vector.extract_strided_slice %shift_right_logical3A_10 {offsets = [11], sizes = [1], strides = [1]} : vector<16xi32> to vector<1xi32>
    %squeeze3A_469 = vector.extract %slice3A_468[0] : i32 from vector<1xi32>
    %dma_start3A_470 = arith.constant 0 : i32
    %dma_start3A_471 = arith.constant 11 : i32
    %dma_start3A_472 = arith.constant 0 : i32
    %dma_start3A_473 = arith.constant 0 : i32
    %dma_start3A_474 = tpu.memref_slice %arg10[%dma_start3A_470, %dma_start3A_471, %dma_start3A_472, %dma_start3A_473] : memref<2x16x8x32xf32, #tpu.memory_space<vmem>> -> memref<1x1x8x32xf32, #tpu.memory_space<vmem>>
    %dma_start3A_475 = tpu.memref_squeeze %dma_start3A_474 : memref<1x1x8x32xf32, #tpu.memory_space<vmem>> -> memref<8x32xf32, #tpu.memory_space<vmem>>
    %dma_start3A_476 = arith.constant 0 : i32
    %dma_start3A_477 = arith.constant 0 : i32
    %dma_start3A_478 = tpu.memref_slice %arg5[%squeeze3A_469, %dma_start3A_476, %dma_start3A_477] : memref<125000x8x32xf32, #tpu.memory_space<hbm>> -> memref<1x8x32xf32, #tpu.memory_space<hbm>>
    %dma_start3A_479 = tpu.memref_squeeze %dma_start3A_478 : memref<1x8x32xf32, #tpu.memory_space<hbm>> -> memref<8x32xf32, #tpu.memory_space<hbm>>
    %dma_start3A_480 = arith.constant 0 : i32
    %dma_start3A_481 = arith.constant 0 : i32
    %dma_start3A_482 = tpu.memref_slice %arg10[%dma_start3A_470, %dma_start3A_471, %dma_start3A_480, %dma_start3A_481] : memref<2x16x8x32xf32, #tpu.memory_space<vmem>> -> memref<1x1x8x32xf32, #tpu.memory_space<vmem>>
    %dma_start3A_483 = tpu.memref_squeeze %dma_start3A_482 : memref<1x1x8x32xf32, #tpu.memory_space<vmem>> -> memref<8x32xf32, #tpu.memory_space<vmem>>
    %dma_start3A_484 = arith.constant 0 : i32
    %dma_start3A_485 = arith.constant 0 : i32
    %dma_start3A_486 = tpu.memref_slice %arg5[%squeeze3A_469, %dma_start3A_484, %dma_start3A_485] : memref<125000x8x32xf32, #tpu.memory_space<hbm>> -> memref<1x8x32xf32, #tpu.memory_space<hbm>>
    %dma_start3A_487 = tpu.memref_squeeze %dma_start3A_486 : memref<1x8x32xf32, #tpu.memory_space<hbm>> -> memref<8x32xf32, #tpu.memory_space<hbm>>
    tpu.enqueue_dma source(%dma_start3A_487 : memref<8x32xf32, #tpu.memory_space<hbm>>) target(%dma_start3A_483 : memref<8x32xf32, #tpu.memory_space<vmem>>) target_semaphore(%arg13 : memref<!tpu.dma_semaphore, #tpu.memory_space<semaphore_mem>>)
    %slice3A_488 = vector.extract_strided_slice %shift_right_logical3A_5 {offsets = [12], sizes = [1], strides = [1]} : vector<16xi32> to vector<1xi32>
    %squeeze3A_489 = vector.extract %slice3A_488[0] : i32 from vector<1xi32>
    %dma_start3A_490 = arith.constant 0 : i32
    %dma_start3A_491 = arith.constant 12 : i32
    %dma_start3A_492 = arith.constant 0 : i32
    %dma_start3A_493 = arith.constant 0 : i32
    %dma_start3A_494 = tpu.memref_slice %arg9[%dma_start3A_490, %dma_start3A_491, %dma_start3A_492, %dma_start3A_493] : memref<2x16x8x32xf32, #tpu.memory_space<vmem>> -> memref<1x1x8x32xf32, #tpu.memory_space<vmem>>
    %dma_start3A_495 = tpu.memref_squeeze %dma_start3A_494 : memref<1x1x8x32xf32, #tpu.memory_space<vmem>> -> memref<8x32xf32, #tpu.memory_space<vmem>>
    %dma_start3A_496 = arith.constant 0 : i32
    %dma_start3A_497 = arith.constant 0 : i32
    %dma_start3A_498 = tpu.memref_slice %arg4[%squeeze3A_489, %dma_start3A_496, %dma_start3A_497] : memref<12500x8x32xf32, #tpu.memory_space<hbm>> -> memref<1x8x32xf32, #tpu.memory_space<hbm>>
    %dma_start3A_499 = tpu.memref_squeeze %dma_start3A_498 : memref<1x8x32xf32, #tpu.memory_space<hbm>> -> memref<8x32xf32, #tpu.memory_space<hbm>>
    %dma_start3A_500 = arith.constant 0 : i32
    %dma_start3A_501 = arith.constant 0 : i32
    %dma_start3A_502 = tpu.memref_slice %arg9[%dma_start3A_490, %dma_start3A_491, %dma_start3A_500, %dma_start3A_501] : memref<2x16x8x32xf32, #tpu.memory_space<vmem>> -> memref<1x1x8x32xf32, #tpu.memory_space<vmem>>
    %dma_start3A_503 = tpu.memref_squeeze %dma_start3A_502 : memref<1x1x8x32xf32, #tpu.memory_space<vmem>> -> memref<8x32xf32, #tpu.memory_space<vmem>>
    %dma_start3A_504 = arith.constant 0 : i32
    %dma_start3A_505 = arith.constant 0 : i32
    %dma_start3A_506 = tpu.memref_slice %arg4[%squeeze3A_489, %dma_start3A_504, %dma_start3A_505] : memref<12500x8x32xf32, #tpu.memory_space<hbm>> -> memref<1x8x32xf32, #tpu.memory_space<hbm>>
    %dma_start3A_507 = tpu.memref_squeeze %dma_start3A_506 : memref<1x8x32xf32, #tpu.memory_space<hbm>> -> memref<8x32xf32, #tpu.memory_space<hbm>>
    tpu.enqueue_dma source(%dma_start3A_507 : memref<8x32xf32, #tpu.memory_space<hbm>>) target(%dma_start3A_503 : memref<8x32xf32, #tpu.memory_space<vmem>>) target_semaphore(%arg13 : memref<!tpu.dma_semaphore, #tpu.memory_space<semaphore_mem>>)
    %slice3A_508 = vector.extract_strided_slice %shift_right_logical3A_10 {offsets = [12], sizes = [1], strides = [1]} : vector<16xi32> to vector<1xi32>
    %squeeze3A_509 = vector.extract %slice3A_508[0] : i32 from vector<1xi32>
    %dma_start3A_510 = arith.constant 0 : i32
    %dma_start3A_511 = arith.constant 12 : i32
    %dma_start3A_512 = arith.constant 0 : i32
    %dma_start3A_513 = arith.constant 0 : i32
    %dma_start3A_514 = tpu.memref_slice %arg10[%dma_start3A_510, %dma_start3A_511, %dma_start3A_512, %dma_start3A_513] : memref<2x16x8x32xf32, #tpu.memory_space<vmem>> -> memref<1x1x8x32xf32, #tpu.memory_space<vmem>>
    %dma_start3A_515 = tpu.memref_squeeze %dma_start3A_514 : memref<1x1x8x32xf32, #tpu.memory_space<vmem>> -> memref<8x32xf32, #tpu.memory_space<vmem>>
    %dma_start3A_516 = arith.constant 0 : i32
    %dma_start3A_517 = arith.constant 0 : i32
    %dma_start3A_518 = tpu.memref_slice %arg5[%squeeze3A_509, %dma_start3A_516, %dma_start3A_517] : memref<125000x8x32xf32, #tpu.memory_space<hbm>> -> memref<1x8x32xf32, #tpu.memory_space<hbm>>
    %dma_start3A_519 = tpu.memref_squeeze %dma_start3A_518 : memref<1x8x32xf32, #tpu.memory_space<hbm>> -> memref<8x32xf32, #tpu.memory_space<hbm>>
    %dma_start3A_520 = arith.constant 0 : i32
    %dma_start3A_521 = arith.constant 0 : i32
    %dma_start3A_522 = tpu.memref_slice %arg10[%dma_start3A_510, %dma_start3A_511, %dma_start3A_520, %dma_start3A_521] : memref<2x16x8x32xf32, #tpu.memory_space<vmem>> -> memref<1x1x8x32xf32, #tpu.memory_space<vmem>>
    %dma_start3A_523 = tpu.memref_squeeze %dma_start3A_522 : memref<1x1x8x32xf32, #tpu.memory_space<vmem>> -> memref<8x32xf32, #tpu.memory_space<vmem>>
    %dma_start3A_524 = arith.constant 0 : i32
    %dma_start3A_525 = arith.constant 0 : i32
    %dma_start3A_526 = tpu.memref_slice %arg5[%squeeze3A_509, %dma_start3A_524, %dma_start3A_525] : memref<125000x8x32xf32, #tpu.memory_space<hbm>> -> memref<1x8x32xf32, #tpu.memory_space<hbm>>
    %dma_start3A_527 = tpu.memref_squeeze %dma_start3A_526 : memref<1x8x32xf32, #tpu.memory_space<hbm>> -> memref<8x32xf32, #tpu.memory_space<hbm>>
    tpu.enqueue_dma source(%dma_start3A_527 : memref<8x32xf32, #tpu.memory_space<hbm>>) target(%dma_start3A_523 : memref<8x32xf32, #tpu.memory_space<vmem>>) target_semaphore(%arg13 : memref<!tpu.dma_semaphore, #tpu.memory_space<semaphore_mem>>)
    %slice3A_528 = vector.extract_strided_slice %shift_right_logical3A_5 {offsets = [13], sizes = [1], strides = [1]} : vector<16xi32> to vector<1xi32>
    %squeeze3A_529 = vector.extract %slice3A_528[0] : i32 from vector<1xi32>
    %dma_start3A_530 = arith.constant 0 : i32
    %dma_start3A_531 = arith.constant 13 : i32
    %dma_start3A_532 = arith.constant 0 : i32
    %dma_start3A_533 = arith.constant 0 : i32
    %dma_start3A_534 = tpu.memref_slice %arg9[%dma_start3A_530, %dma_start3A_531, %dma_start3A_532, %dma_start3A_533] : memref<2x16x8x32xf32, #tpu.memory_space<vmem>> -> memref<1x1x8x32xf32, #tpu.memory_space<vmem>>
    %dma_start3A_535 = tpu.memref_squeeze %dma_start3A_534 : memref<1x1x8x32xf32, #tpu.memory_space<vmem>> -> memref<8x32xf32, #tpu.memory_space<vmem>>
    %dma_start3A_536 = arith.constant 0 : i32
    %dma_start3A_537 = arith.constant 0 : i32
    %dma_start3A_538 = tpu.memref_slice %arg4[%squeeze3A_529, %dma_start3A_536, %dma_start3A_537] : memref<12500x8x32xf32, #tpu.memory_space<hbm>> -> memref<1x8x32xf32, #tpu.memory_space<hbm>>
    %dma_start3A_539 = tpu.memref_squeeze %dma_start3A_538 : memref<1x8x32xf32, #tpu.memory_space<hbm>> -> memref<8x32xf32, #tpu.memory_space<hbm>>
    %dma_start3A_540 = arith.constant 0 : i32
    %dma_start3A_541 = arith.constant 0 : i32
    %dma_start3A_542 = tpu.memref_slice %arg9[%dma_start3A_530, %dma_start3A_531, %dma_start3A_540, %dma_start3A_541] : memref<2x16x8x32xf32, #tpu.memory_space<vmem>> -> memref<1x1x8x32xf32, #tpu.memory_space<vmem>>
    %dma_start3A_543 = tpu.memref_squeeze %dma_start3A_542 : memref<1x1x8x32xf32, #tpu.memory_space<vmem>> -> memref<8x32xf32, #tpu.memory_space<vmem>>
    %dma_start3A_544 = arith.constant 0 : i32
    %dma_start3A_545 = arith.constant 0 : i32
    %dma_start3A_546 = tpu.memref_slice %arg4[%squeeze3A_529, %dma_start3A_544, %dma_start3A_545] : memref<12500x8x32xf32, #tpu.memory_space<hbm>> -> memref<1x8x32xf32, #tpu.memory_space<hbm>>
    %dma_start3A_547 = tpu.memref_squeeze %dma_start3A_546 : memref<1x8x32xf32, #tpu.memory_space<hbm>> -> memref<8x32xf32, #tpu.memory_space<hbm>>
    tpu.enqueue_dma source(%dma_start3A_547 : memref<8x32xf32, #tpu.memory_space<hbm>>) target(%dma_start3A_543 : memref<8x32xf32, #tpu.memory_space<vmem>>) target_semaphore(%arg13 : memref<!tpu.dma_semaphore, #tpu.memory_space<semaphore_mem>>)
    %slice3A_548 = vector.extract_strided_slice %shift_right_logical3A_10 {offsets = [13], sizes = [1], strides = [1]} : vector<16xi32> to vector<1xi32>
    %squeeze3A_549 = vector.extract %slice3A_548[0] : i32 from vector<1xi32>
    %dma_start3A_550 = arith.constant 0 : i32
    %dma_start3A_551 = arith.constant 13 : i32
    %dma_start3A_552 = arith.constant 0 : i32
    %dma_start3A_553 = arith.constant 0 : i32
    %dma_start3A_554 = tpu.memref_slice %arg10[%dma_start3A_550, %dma_start3A_551, %dma_start3A_552, %dma_start3A_553] : memref<2x16x8x32xf32, #tpu.memory_space<vmem>> -> memref<1x1x8x32xf32, #tpu.memory_space<vmem>>
    %dma_start3A_555 = tpu.memref_squeeze %dma_start3A_554 : memref<1x1x8x32xf32, #tpu.memory_space<vmem>> -> memref<8x32xf32, #tpu.memory_space<vmem>>
    %dma_start3A_556 = arith.constant 0 : i32
    %dma_start3A_557 = arith.constant 0 : i32
    %dma_start3A_558 = tpu.memref_slice %arg5[%squeeze3A_549, %dma_start3A_556, %dma_start3A_557] : memref<125000x8x32xf32, #tpu.memory_space<hbm>> -> memref<1x8x32xf32, #tpu.memory_space<hbm>>
    %dma_start3A_559 = tpu.memref_squeeze %dma_start3A_558 : memref<1x8x32xf32, #tpu.memory_space<hbm>> -> memref<8x32xf32, #tpu.memory_space<hbm>>
    %dma_start3A_560 = arith.constant 0 : i32
    %dma_start3A_561 = arith.constant 0 : i32
    %dma_start3A_562 = tpu.memref_slice %arg10[%dma_start3A_550, %dma_start3A_551, %dma_start3A_560, %dma_start3A_561] : memref<2x16x8x32xf32, #tpu.memory_space<vmem>> -> memref<1x1x8x32xf32, #tpu.memory_space<vmem>>
    %dma_start3A_563 = tpu.memref_squeeze %dma_start3A_562 : memref<1x1x8x32xf32, #tpu.memory_space<vmem>> -> memref<8x32xf32, #tpu.memory_space<vmem>>
    %dma_start3A_564 = arith.constant 0 : i32
    %dma_start3A_565 = arith.constant 0 : i32
    %dma_start3A_566 = tpu.memref_slice %arg5[%squeeze3A_549, %dma_start3A_564, %dma_start3A_565] : memref<125000x8x32xf32, #tpu.memory_space<hbm>> -> memref<1x8x32xf32, #tpu.memory_space<hbm>>
    %dma_start3A_567 = tpu.memref_squeeze %dma_start3A_566 : memref<1x8x32xf32, #tpu.memory_space<hbm>> -> memref<8x32xf32, #tpu.memory_space<hbm>>
    tpu.enqueue_dma source(%dma_start3A_567 : memref<8x32xf32, #tpu.memory_space<hbm>>) target(%dma_start3A_563 : memref<8x32xf32, #tpu.memory_space<vmem>>) target_semaphore(%arg13 : memref<!tpu.dma_semaphore, #tpu.memory_space<semaphore_mem>>)
    %slice3A_568 = vector.extract_strided_slice %shift_right_logical3A_5 {offsets = [14], sizes = [1], strides = [1]} : vector<16xi32> to vector<1xi32>
    %squeeze3A_569 = vector.extract %slice3A_568[0] : i32 from vector<1xi32>
    %dma_start3A_570 = arith.constant 0 : i32
    %dma_start3A_571 = arith.constant 14 : i32
    %dma_start3A_572 = arith.constant 0 : i32
    %dma_start3A_573 = arith.constant 0 : i32
    %dma_start3A_574 = tpu.memref_slice %arg9[%dma_start3A_570, %dma_start3A_571, %dma_start3A_572, %dma_start3A_573] : memref<2x16x8x32xf32, #tpu.memory_space<vmem>> -> memref<1x1x8x32xf32, #tpu.memory_space<vmem>>
    %dma_start3A_575 = tpu.memref_squeeze %dma_start3A_574 : memref<1x1x8x32xf32, #tpu.memory_space<vmem>> -> memref<8x32xf32, #tpu.memory_space<vmem>>
    %dma_start3A_576 = arith.constant 0 : i32
    %dma_start3A_577 = arith.constant 0 : i32
    %dma_start3A_578 = tpu.memref_slice %arg4[%squeeze3A_569, %dma_start3A_576, %dma_start3A_577] : memref<12500x8x32xf32, #tpu.memory_space<hbm>> -> memref<1x8x32xf32, #tpu.memory_space<hbm>>
    %dma_start3A_579 = tpu.memref_squeeze %dma_start3A_578 : memref<1x8x32xf32, #tpu.memory_space<hbm>> -> memref<8x32xf32, #tpu.memory_space<hbm>>
    %dma_start3A_580 = arith.constant 0 : i32
    %dma_start3A_581 = arith.constant 0 : i32
    %dma_start3A_582 = tpu.memref_slice %arg9[%dma_start3A_570, %dma_start3A_571, %dma_start3A_580, %dma_start3A_581] : memref<2x16x8x32xf32, #tpu.memory_space<vmem>> -> memref<1x1x8x32xf32, #tpu.memory_space<vmem>>
    %dma_start3A_583 = tpu.memref_squeeze %dma_start3A_582 : memref<1x1x8x32xf32, #tpu.memory_space<vmem>> -> memref<8x32xf32, #tpu.memory_space<vmem>>
    %dma_start3A_584 = arith.constant 0 : i32
    %dma_start3A_585 = arith.constant 0 : i32
    %dma_start3A_586 = tpu.memref_slice %arg4[%squeeze3A_569, %dma_start3A_584, %dma_start3A_585] : memref<12500x8x32xf32, #tpu.memory_space<hbm>> -> memref<1x8x32xf32, #tpu.memory_space<hbm>>
    %dma_start3A_587 = tpu.memref_squeeze %dma_start3A_586 : memref<1x8x32xf32, #tpu.memory_space<hbm>> -> memref<8x32xf32, #tpu.memory_space<hbm>>
    tpu.enqueue_dma source(%dma_start3A_587 : memref<8x32xf32, #tpu.memory_space<hbm>>) target(%dma_start3A_583 : memref<8x32xf32, #tpu.memory_space<vmem>>) target_semaphore(%arg13 : memref<!tpu.dma_semaphore, #tpu.memory_space<semaphore_mem>>)
    %slice3A_588 = vector.extract_strided_slice %shift_right_logical3A_10 {offsets = [14], sizes = [1], strides = [1]} : vector<16xi32> to vector<1xi32>
    %squeeze3A_589 = vector.extract %slice3A_588[0] : i32 from vector<1xi32>
    %dma_start3A_590 = arith.constant 0 : i32
    %dma_start3A_591 = arith.constant 14 : i32
    %dma_start3A_592 = arith.constant 0 : i32
    %dma_start3A_593 = arith.constant 0 : i32
    %dma_start3A_594 = tpu.memref_slice %arg10[%dma_start3A_590, %dma_start3A_591, %dma_start3A_592, %dma_start3A_593] : memref<2x16x8x32xf32, #tpu.memory_space<vmem>> -> memref<1x1x8x32xf32, #tpu.memory_space<vmem>>
    %dma_start3A_595 = tpu.memref_squeeze %dma_start3A_594 : memref<1x1x8x32xf32, #tpu.memory_space<vmem>> -> memref<8x32xf32, #tpu.memory_space<vmem>>
    %dma_start3A_596 = arith.constant 0 : i32
    %dma_start3A_597 = arith.constant 0 : i32
    %dma_start3A_598 = tpu.memref_slice %arg5[%squeeze3A_589, %dma_start3A_596, %dma_start3A_597] : memref<125000x8x32xf32, #tpu.memory_space<hbm>> -> memref<1x8x32xf32, #tpu.memory_space<hbm>>
    %dma_start3A_599 = tpu.memref_squeeze %dma_start3A_598 : memref<1x8x32xf32, #tpu.memory_space<hbm>> -> memref<8x32xf32, #tpu.memory_space<hbm>>
    %dma_start3A_600 = arith.constant 0 : i32
    %dma_start3A_601 = arith.constant 0 : i32
    %dma_start3A_602 = tpu.memref_slice %arg10[%dma_start3A_590, %dma_start3A_591, %dma_start3A_600, %dma_start3A_601] : memref<2x16x8x32xf32, #tpu.memory_space<vmem>> -> memref<1x1x8x32xf32, #tpu.memory_space<vmem>>
    %dma_start3A_603 = tpu.memref_squeeze %dma_start3A_602 : memref<1x1x8x32xf32, #tpu.memory_space<vmem>> -> memref<8x32xf32, #tpu.memory_space<vmem>>
    %dma_start3A_604 = arith.constant 0 : i32
    %dma_start3A_605 = arith.constant 0 : i32
    %dma_start3A_606 = tpu.memref_slice %arg5[%squeeze3A_589, %dma_start3A_604, %dma_start3A_605] : memref<125000x8x32xf32, #tpu.memory_space<hbm>> -> memref<1x8x32xf32, #tpu.memory_space<hbm>>
    %dma_start3A_607 = tpu.memref_squeeze %dma_start3A_606 : memref<1x8x32xf32, #tpu.memory_space<hbm>> -> memref<8x32xf32, #tpu.memory_space<hbm>>
    tpu.enqueue_dma source(%dma_start3A_607 : memref<8x32xf32, #tpu.memory_space<hbm>>) target(%dma_start3A_603 : memref<8x32xf32, #tpu.memory_space<vmem>>) target_semaphore(%arg13 : memref<!tpu.dma_semaphore, #tpu.memory_space<semaphore_mem>>)
    %slice3A_608 = vector.extract_strided_slice %shift_right_logical3A_5 {offsets = [15], sizes = [1], strides = [1]} : vector<16xi32> to vector<1xi32>
    %squeeze3A_609 = vector.extract %slice3A_608[0] : i32 from vector<1xi32>
    %dma_start3A_610 = arith.constant 0 : i32
    %dma_start3A_611 = arith.constant 15 : i32
    %dma_start3A_612 = arith.constant 0 : i32
    %dma_start3A_613 = arith.constant 0 : i32
    %dma_start3A_614 = tpu.memref_slice %arg9[%dma_start3A_610, %dma_start3A_611, %dma_start3A_612, %dma_start3A_613] : memref<2x16x8x32xf32, #tpu.memory_space<vmem>> -> memref<1x1x8x32xf32, #tpu.memory_space<vmem>>
    %dma_start3A_615 = tpu.memref_squeeze %dma_start3A_614 : memref<1x1x8x32xf32, #tpu.memory_space<vmem>> -> memref<8x32xf32, #tpu.memory_space<vmem>>
    %dma_start3A_616 = arith.constant 0 : i32
    %dma_start3A_617 = arith.constant 0 : i32
    %dma_start3A_618 = tpu.memref_slice %arg4[%squeeze3A_609, %dma_start3A_616, %dma_start3A_617] : memref<12500x8x32xf32, #tpu.memory_space<hbm>> -> memref<1x8x32xf32, #tpu.memory_space<hbm>>
    %dma_start3A_619 = tpu.memref_squeeze %dma_start3A_618 : memref<1x8x32xf32, #tpu.memory_space<hbm>> -> memref<8x32xf32, #tpu.memory_space<hbm>>
    %dma_start3A_620 = arith.constant 0 : i32
    %dma_start3A_621 = arith.constant 0 : i32
    %dma_start3A_622 = tpu.memref_slice %arg9[%dma_start3A_610, %dma_start3A_611, %dma_start3A_620, %dma_start3A_621] : memref<2x16x8x32xf32, #tpu.memory_space<vmem>> -> memref<1x1x8x32xf32, #tpu.memory_space<vmem>>
    %dma_start3A_623 = tpu.memref_squeeze %dma_start3A_622 : memref<1x1x8x32xf32, #tpu.memory_space<vmem>> -> memref<8x32xf32, #tpu.memory_space<vmem>>
    %dma_start3A_624 = arith.constant 0 : i32
    %dma_start3A_625 = arith.constant 0 : i32
    %dma_start3A_626 = tpu.memref_slice %arg4[%squeeze3A_609, %dma_start3A_624, %dma_start3A_625] : memref<12500x8x32xf32, #tpu.memory_space<hbm>> -> memref<1x8x32xf32, #tpu.memory_space<hbm>>
    %dma_start3A_627 = tpu.memref_squeeze %dma_start3A_626 : memref<1x8x32xf32, #tpu.memory_space<hbm>> -> memref<8x32xf32, #tpu.memory_space<hbm>>
    tpu.enqueue_dma source(%dma_start3A_627 : memref<8x32xf32, #tpu.memory_space<hbm>>) target(%dma_start3A_623 : memref<8x32xf32, #tpu.memory_space<vmem>>) target_semaphore(%arg13 : memref<!tpu.dma_semaphore, #tpu.memory_space<semaphore_mem>>)
    %slice3A_628 = vector.extract_strided_slice %shift_right_logical3A_10 {offsets = [15], sizes = [1], strides = [1]} : vector<16xi32> to vector<1xi32>
    %squeeze3A_629 = vector.extract %slice3A_628[0] : i32 from vector<1xi32>
    %dma_start3A_630 = arith.constant 0 : i32
    %dma_start3A_631 = arith.constant 15 : i32
    %dma_start3A_632 = arith.constant 0 : i32
    %dma_start3A_633 = arith.constant 0 : i32
    %dma_start3A_634 = tpu.memref_slice %arg10[%dma_start3A_630, %dma_start3A_631, %dma_start3A_632, %dma_start3A_633] : memref<2x16x8x32xf32, #tpu.memory_space<vmem>> -> memref<1x1x8x32xf32, #tpu.memory_space<vmem>>
    %dma_start3A_635 = tpu.memref_squeeze %dma_start3A_634 : memref<1x1x8x32xf32, #tpu.memory_space<vmem>> -> memref<8x32xf32, #tpu.memory_space<vmem>>
    %dma_start3A_636 = arith.constant 0 : i32
    %dma_start3A_637 = arith.constant 0 : i32
    %dma_start3A_638 = tpu.memref_slice %arg5[%squeeze3A_629, %dma_start3A_636, %dma_start3A_637] : memref<125000x8x32xf32, #tpu.memory_space<hbm>> -> memref<1x8x32xf32, #tpu.memory_space<hbm>>
    %dma_start3A_639 = tpu.memref_squeeze %dma_start3A_638 : memref<1x8x32xf32, #tpu.memory_space<hbm>> -> memref<8x32xf32, #tpu.memory_space<hbm>>
    %dma_start3A_640 = arith.constant 0 : i32
    %dma_start3A_641 = arith.constant 0 : i32
    %dma_start3A_642 = tpu.memref_slice %arg10[%dma_start3A_630, %dma_start3A_631, %dma_start3A_640, %dma_start3A_641] : memref<2x16x8x32xf32, #tpu.memory_space<vmem>> -> memref<1x1x8x32xf32, #tpu.memory_space<vmem>>
    %dma_start3A_643 = tpu.memref_squeeze %dma_start3A_642 : memref<1x1x8x32xf32, #tpu.memory_space<vmem>> -> memref<8x32xf32, #tpu.memory_space<vmem>>
    %dma_start3A_644 = arith.constant 0 : i32
    %dma_start3A_645 = arith.constant 0 : i32
    %dma_start3A_646 = tpu.memref_slice %arg5[%squeeze3A_629, %dma_start3A_644, %dma_start3A_645] : memref<125000x8x32xf32, #tpu.memory_space<hbm>> -> memref<1x8x32xf32, #tpu.memory_space<hbm>>
    %dma_start3A_647 = tpu.memref_squeeze %dma_start3A_646 : memref<1x8x32xf32, #tpu.memory_space<hbm>> -> memref<8x32xf32, #tpu.memory_space<hbm>>
    tpu.enqueue_dma source(%dma_start3A_647 : memref<8x32xf32, #tpu.memory_space<hbm>>) target(%dma_start3A_643 : memref<8x32xf32, #tpu.memory_space<vmem>>) target_semaphore(%arg13 : memref<!tpu.dma_semaphore, #tpu.memory_space<semaphore_mem>>)
    %scan3A = arith.constant 0 : i32
    %scan3A_648 = arith.constant 0 : i32
    %scan3A_649 = arith.constant 16 : i32
    %scan3A_650 = arith.addi %scan3A_648, %scan3A_649 : i32
    %scan3A_651 = arith.constant 1 : i32
    scf.for %scan3A_653 = %scan3A_648 to %scan3A_650 step %scan3A_651  : i32 {
      %mul3A_654 = arith.constant 2 : i32
      %mul3A_655 = arith.muli %scan3A_653, %mul3A_654 : i32
      %add3A_656 = arith.constant 1 : i32
      %add3A_657 = arith.addi %mul3A_655, %add3A_656 : i32
      %mul3A_658 = arith.constant 16 : i32
      %mul3A_659 = arith.muli %add3A_657, %mul3A_658 : i32
      %get3A_660 = arith.index_cast %mul3A_659 : i32 to index
      %get3A_661 = tpu.vector_load %arg7[%get3A_660] {strides = array<i32>} : memref<512xi32, #tpu.memory_space<vmem>>, vector<16xi32>,
      %shift_right_logical3A_662 = arith.constant 3 : i32
      %shift_right_logical3A_663 = vector.broadcast %shift_right_logical3A_662 : i32 to vector<16xi32>
      %shift_right_logical3A_664 = arith.shrui %get3A_661, %shift_right_logical3A_663 : vector<16xi32>
      %mul3A_665 = arith.constant 16 : i32
      %mul3A_666 = arith.muli %add3A_657, %mul3A_665 : i32
      %get3A_667 = arith.index_cast %mul3A_666 : i32 to index
      %get3A_668 = tpu.vector_load %arg8[%get3A_667] {strides = array<i32>} : memref<512xi32, #tpu.memory_space<vmem>>, vector<16xi32>,
      %shift_right_logical3A_669 = arith.constant 3 : i32
      %shift_right_logical3A_670 = vector.broadcast %shift_right_logical3A_669 : i32 to vector<16xi32>
      %shift_right_logical3A_671 = arith.shrui %get3A_668, %shift_right_logical3A_670 : vector<16xi32>
      %slice3A_672 = vector.extract_strided_slice %shift_right_logical3A_664 {offsets = [0], sizes = [1], strides = [1]} : vector<16xi32> to vector<1xi32>
      %squeeze3A_673 = vector.extract %slice3A_672[0] : i32 from vector<1xi32>
      %dma_start3A_674 = arith.constant 1 : i32
      %dma_start3A_675 = arith.constant 0 : i32
      %dma_start3A_676 = arith.constant 0 : i32
      %dma_start3A_677 = arith.constant 0 : i32
      %dma_start3A_678 = tpu.memref_slice %arg9[%dma_start3A_674, %dma_start3A_675, %dma_start3A_676, %dma_start3A_677] : memref<2x16x8x32xf32, #tpu.memory_space<vmem>> -> memref<1x1x8x32xf32, #tpu.memory_space<vmem>>
      %dma_start3A_679 = tpu.memref_squeeze %dma_start3A_678 : memref<1x1x8x32xf32, #tpu.memory_space<vmem>> -> memref<8x32xf32, #tpu.memory_space<vmem>>
      %dma_start3A_680 = arith.constant 0 : i32
      %dma_start3A_681 = arith.constant 0 : i32
      %dma_start3A_682 = tpu.memref_slice %arg4[%squeeze3A_673, %dma_start3A_680, %dma_start3A_681] : memref<12500x8x32xf32, #tpu.memory_space<hbm>> -> memref<1x8x32xf32, #tpu.memory_space<hbm>>
      %dma_start3A_683 = tpu.memref_squeeze %dma_start3A_682 : memref<1x8x32xf32, #tpu.memory_space<hbm>> -> memref<8x32xf32, #tpu.memory_space<hbm>>
      %dma_start3A_684 = arith.constant 0 : i32
      %dma_start3A_685 = arith.constant 0 : i32
      %dma_start3A_686 = tpu.memref_slice %arg9[%dma_start3A_674, %dma_start3A_675, %dma_start3A_684, %dma_start3A_685] : memref<2x16x8x32xf32, #tpu.memory_space<vmem>> -> memref<1x1x8x32xf32, #tpu.memory_space<vmem>>
      %dma_start3A_687 = tpu.memref_squeeze %dma_start3A_686 : memref<1x1x8x32xf32, #tpu.memory_space<vmem>> -> memref<8x32xf32, #tpu.memory_space<vmem>>
      %dma_start3A_688 = arith.constant 0 : i32
      %dma_start3A_689 = arith.constant 0 : i32
      %dma_start3A_690 = tpu.memref_slice %arg4[%squeeze3A_673, %dma_start3A_688, %dma_start3A_689] : memref<12500x8x32xf32, #tpu.memory_space<hbm>> -> memref<1x8x32xf32, #tpu.memory_space<hbm>>
      %dma_start3A_691 = tpu.memref_squeeze %dma_start3A_690 : memref<1x8x32xf32, #tpu.memory_space<hbm>> -> memref<8x32xf32, #tpu.memory_space<hbm>>
      tpu.enqueue_dma source(%dma_start3A_691 : memref<8x32xf32, #tpu.memory_space<hbm>>) target(%dma_start3A_687 : memref<8x32xf32, #tpu.memory_space<vmem>>) target_semaphore(%arg14 : memref<!tpu.dma_semaphore, #tpu.memory_space<semaphore_mem>>)
      %slice3A_692 = vector.extract_strided_slice %shift_right_logical3A_671 {offsets = [0], sizes = [1], strides = [1]} : vector<16xi32> to vector<1xi32>
      %squeeze3A_693 = vector.extract %slice3A_692[0] : i32 from vector<1xi32>
      %dma_start3A_694 = arith.constant 1 : i32
      %dma_start3A_695 = arith.constant 0 : i32
      %dma_start3A_696 = arith.constant 0 : i32
      %dma_start3A_697 = arith.constant 0 : i32
      %dma_start3A_698 = tpu.memref_slice %arg10[%dma_start3A_694, %dma_start3A_695, %dma_start3A_696, %dma_start3A_697] : memref<2x16x8x32xf32, #tpu.memory_space<vmem>> -> memref<1x1x8x32xf32, #tpu.memory_space<vmem>>
      %dma_start3A_699 = tpu.memref_squeeze %dma_start3A_698 : memref<1x1x8x32xf32, #tpu.memory_space<vmem>> -> memref<8x32xf32, #tpu.memory_space<vmem>>
      %dma_start3A_700 = arith.constant 0 : i32
      %dma_start3A_701 = arith.constant 0 : i32
      %dma_start3A_702 = tpu.memref_slice %arg5[%squeeze3A_693, %dma_start3A_700, %dma_start3A_701] : memref<125000x8x32xf32, #tpu.memory_space<hbm>> -> memref<1x8x32xf32, #tpu.memory_space<hbm>>
      %dma_start3A_703 = tpu.memref_squeeze %dma_start3A_702 : memref<1x8x32xf32, #tpu.memory_space<hbm>> -> memref<8x32xf32, #tpu.memory_space<hbm>>
      %dma_start3A_704 = arith.constant 0 : i32
      %dma_start3A_705 = arith.constant 0 : i32
      %dma_start3A_706 = tpu.memref_slice %arg10[%dma_start3A_694, %dma_start3A_695, %dma_start3A_704, %dma_start3A_705] : memref<2x16x8x32xf32, #tpu.memory_space<vmem>> -> memref<1x1x8x32xf32, #tpu.memory_space<vmem>>
      %dma_start3A_707 = tpu.memref_squeeze %dma_start3A_706 : memref<1x1x8x32xf32, #tpu.memory_space<vmem>> -> memref<8x32xf32, #tpu.memory_space<vmem>>
      %dma_start3A_708 = arith.constant 0 : i32
      %dma_start3A_709 = arith.constant 0 : i32
      %dma_start3A_710 = tpu.memref_slice %arg5[%squeeze3A_693, %dma_start3A_708, %dma_start3A_709] : memref<125000x8x32xf32, #tpu.memory_space<hbm>> -> memref<1x8x32xf32, #tpu.memory_space<hbm>>
      %dma_start3A_711 = tpu.memref_squeeze %dma_start3A_710 : memref<1x8x32xf32, #tpu.memory_space<hbm>> -> memref<8x32xf32, #tpu.memory_space<hbm>>
      tpu.enqueue_dma source(%dma_start3A_711 : memref<8x32xf32, #tpu.memory_space<hbm>>) target(%dma_start3A_707 : memref<8x32xf32, #tpu.memory_space<vmem>>) target_semaphore(%arg14 : memref<!tpu.dma_semaphore, #tpu.memory_space<semaphore_mem>>)
      %slice3A_712 = vector.extract_strided_slice %shift_right_logical3A_664 {offsets = [1], sizes = [1], strides = [1]} : vector<16xi32> to vector<1xi32>
      %squeeze3A_713 = vector.extract %slice3A_712[0] : i32 from vector<1xi32>
      %dma_start3A_714 = arith.constant 1 : i32
      %dma_start3A_715 = arith.constant 1 : i32
      %dma_start3A_716 = arith.constant 0 : i32
      %dma_start3A_717 = arith.constant 0 : i32
      %dma_start3A_718 = tpu.memref_slice %arg9[%dma_start3A_714, %dma_start3A_715, %dma_start3A_716, %dma_start3A_717] : memref<2x16x8x32xf32, #tpu.memory_space<vmem>> -> memref<1x1x8x32xf32, #tpu.memory_space<vmem>>
      %dma_start3A_719 = tpu.memref_squeeze %dma_start3A_718 : memref<1x1x8x32xf32, #tpu.memory_space<vmem>> -> memref<8x32xf32, #tpu.memory_space<vmem>>
      %dma_start3A_720 = arith.constant 0 : i32
      %dma_start3A_721 = arith.constant 0 : i32
      %dma_start3A_722 = tpu.memref_slice %arg4[%squeeze3A_713, %dma_start3A_720, %dma_start3A_721] : memref<12500x8x32xf32, #tpu.memory_space<hbm>> -> memref<1x8x32xf32, #tpu.memory_space<hbm>>
      %dma_start3A_723 = tpu.memref_squeeze %dma_start3A_722 : memref<1x8x32xf32, #tpu.memory_space<hbm>> -> memref<8x32xf32, #tpu.memory_space<hbm>>
      %dma_start3A_724 = arith.constant 0 : i32
      %dma_start3A_725 = arith.constant 0 : i32
      %dma_start3A_726 = tpu.memref_slice %arg9[%dma_start3A_714, %dma_start3A_715, %dma_start3A_724, %dma_start3A_725] : memref<2x16x8x32xf32, #tpu.memory_space<vmem>> -> memref<1x1x8x32xf32, #tpu.memory_space<vmem>>
      %dma_start3A_727 = tpu.memref_squeeze %dma_start3A_726 : memref<1x1x8x32xf32, #tpu.memory_space<vmem>> -> memref<8x32xf32, #tpu.memory_space<vmem>>
      %dma_start3A_728 = arith.constant 0 : i32
      %dma_start3A_729 = arith.constant 0 : i32
      %dma_start3A_730 = tpu.memref_slice %arg4[%squeeze3A_713, %dma_start3A_728, %dma_start3A_729] : memref<12500x8x32xf32, #tpu.memory_space<hbm>> -> memref<1x8x32xf32, #tpu.memory_space<hbm>>
      %dma_start3A_731 = tpu.memref_squeeze %dma_start3A_730 : memref<1x8x32xf32, #tpu.memory_space<hbm>> -> memref<8x32xf32, #tpu.memory_space<hbm>>
      tpu.enqueue_dma source(%dma_start3A_731 : memref<8x32xf32, #tpu.memory_space<hbm>>) target(%dma_start3A_727 : memref<8x32xf32, #tpu.memory_space<vmem>>) target_semaphore(%arg14 : memref<!tpu.dma_semaphore, #tpu.memory_space<semaphore_mem>>)
      %slice3A_732 = vector.extract_strided_slice %shift_right_logical3A_671 {offsets = [1], sizes = [1], strides = [1]} : vector<16xi32> to vector<1xi32>
      %squeeze3A_733 = vector.extract %slice3A_732[0] : i32 from vector<1xi32>
      %dma_start3A_734 = arith.constant 1 : i32
      %dma_start3A_735 = arith.constant 1 : i32
      %dma_start3A_736 = arith.constant 0 : i32
      %dma_start3A_737 = arith.constant 0 : i32
      %dma_start3A_738 = tpu.memref_slice %arg10[%dma_start3A_734, %dma_start3A_735, %dma_start3A_736, %dma_start3A_737] : memref<2x16x8x32xf32, #tpu.memory_space<vmem>> -> memref<1x1x8x32xf32, #tpu.memory_space<vmem>>
      %dma_start3A_739 = tpu.memref_squeeze %dma_start3A_738 : memref<1x1x8x32xf32, #tpu.memory_space<vmem>> -> memref<8x32xf32, #tpu.memory_space<vmem>>
      %dma_start3A_740 = arith.constant 0 : i32
      %dma_start3A_741 = arith.constant 0 : i32
      %dma_start3A_742 = tpu.memref_slice %arg5[%squeeze3A_733, %dma_start3A_740, %dma_start3A_741] : memref<125000x8x32xf32, #tpu.memory_space<hbm>> -> memref<1x8x32xf32, #tpu.memory_space<hbm>>
      %dma_start3A_743 = tpu.memref_squeeze %dma_start3A_742 : memref<1x8x32xf32, #tpu.memory_space<hbm>> -> memref<8x32xf32, #tpu.memory_space<hbm>>
      %dma_start3A_744 = arith.constant 0 : i32
      %dma_start3A_745 = arith.constant 0 : i32
      %dma_start3A_746 = tpu.memref_slice %arg10[%dma_start3A_734, %dma_start3A_735, %dma_start3A_744, %dma_start3A_745] : memref<2x16x8x32xf32, #tpu.memory_space<vmem>> -> memref<1x1x8x32xf32, #tpu.memory_space<vmem>>
      %dma_start3A_747 = tpu.memref_squeeze %dma_start3A_746 : memref<1x1x8x32xf32, #tpu.memory_space<vmem>> -> memref<8x32xf32, #tpu.memory_space<vmem>>
      %dma_start3A_748 = arith.constant 0 : i32
      %dma_start3A_749 = arith.constant 0 : i32
      %dma_start3A_750 = tpu.memref_slice %arg5[%squeeze3A_733, %dma_start3A_748, %dma_start3A_749] : memref<125000x8x32xf32, #tpu.memory_space<hbm>> -> memref<1x8x32xf32, #tpu.memory_space<hbm>>
      %dma_start3A_751 = tpu.memref_squeeze %dma_start3A_750 : memref<1x8x32xf32, #tpu.memory_space<hbm>> -> memref<8x32xf32, #tpu.memory_space<hbm>>
      tpu.enqueue_dma source(%dma_start3A_751 : memref<8x32xf32, #tpu.memory_space<hbm>>) target(%dma_start3A_747 : memref<8x32xf32, #tpu.memory_space<vmem>>) target_semaphore(%arg14 : memref<!tpu.dma_semaphore, #tpu.memory_space<semaphore_mem>>)
      %slice3A_752 = vector.extract_strided_slice %shift_right_logical3A_664 {offsets = [2], sizes = [1], strides = [1]} : vector<16xi32> to vector<1xi32>
      %squeeze3A_753 = vector.extract %slice3A_752[0] : i32 from vector<1xi32>
      %dma_start3A_754 = arith.constant 1 : i32
      %dma_start3A_755 = arith.constant 2 : i32
      %dma_start3A_756 = arith.constant 0 : i32
      %dma_start3A_757 = arith.constant 0 : i32
      %dma_start3A_758 = tpu.memref_slice %arg9[%dma_start3A_754, %dma_start3A_755, %dma_start3A_756, %dma_start3A_757] : memref<2x16x8x32xf32, #tpu.memory_space<vmem>> -> memref<1x1x8x32xf32, #tpu.memory_space<vmem>>
      %dma_start3A_759 = tpu.memref_squeeze %dma_start3A_758 : memref<1x1x8x32xf32, #tpu.memory_space<vmem>> -> memref<8x32xf32, #tpu.memory_space<vmem>>
      %dma_start3A_760 = arith.constant 0 : i32
      %dma_start3A_761 = arith.constant 0 : i32
      %dma_start3A_762 = tpu.memref_slice %arg4[%squeeze3A_753, %dma_start3A_760, %dma_start3A_761] : memref<12500x8x32xf32, #tpu.memory_space<hbm>> -> memref<1x8x32xf32, #tpu.memory_space<hbm>>
      %dma_start3A_763 = tpu.memref_squeeze %dma_start3A_762 : memref<1x8x32xf32, #tpu.memory_space<hbm>> -> memref<8x32xf32, #tpu.memory_space<hbm>>
      %dma_start3A_764 = arith.constant 0 : i32
      %dma_start3A_765 = arith.constant 0 : i32
      %dma_start3A_766 = tpu.memref_slice %arg9[%dma_start3A_754, %dma_start3A_755, %dma_start3A_764, %dma_start3A_765] : memref<2x16x8x32xf32, #tpu.memory_space<vmem>> -> memref<1x1x8x32xf32, #tpu.memory_space<vmem>>
      %dma_start3A_767 = tpu.memref_squeeze %dma_start3A_766 : memref<1x1x8x32xf32, #tpu.memory_space<vmem>> -> memref<8x32xf32, #tpu.memory_space<vmem>>
      %dma_start3A_768 = arith.constant 0 : i32
      %dma_start3A_769 = arith.constant 0 : i32
      %dma_start3A_770 = tpu.memref_slice %arg4[%squeeze3A_753, %dma_start3A_768, %dma_start3A_769] : memref<12500x8x32xf32, #tpu.memory_space<hbm>> -> memref<1x8x32xf32, #tpu.memory_space<hbm>>
      %dma_start3A_771 = tpu.memref_squeeze %dma_start3A_770 : memref<1x8x32xf32, #tpu.memory_space<hbm>> -> memref<8x32xf32, #tpu.memory_space<hbm>>
      tpu.enqueue_dma source(%dma_start3A_771 : memref<8x32xf32, #tpu.memory_space<hbm>>) target(%dma_start3A_767 : memref<8x32xf32, #tpu.memory_space<vmem>>) target_semaphore(%arg14 : memref<!tpu.dma_semaphore, #tpu.memory_space<semaphore_mem>>)
      %slice3A_772 = vector.extract_strided_slice %shift_right_logical3A_671 {offsets = [2], sizes = [1], strides = [1]} : vector<16xi32> to vector<1xi32>
      %squeeze3A_773 = vector.extract %slice3A_772[0] : i32 from vector<1xi32>
      %dma_start3A_774 = arith.constant 1 : i32
      %dma_start3A_775 = arith.constant 2 : i32
      %dma_start3A_776 = arith.constant 0 : i32
      %dma_start3A_777 = arith.constant 0 : i32
      %dma_start3A_778 = tpu.memref_slice %arg10[%dma_start3A_774, %dma_start3A_775, %dma_start3A_776, %dma_start3A_777] : memref<2x16x8x32xf32, #tpu.memory_space<vmem>> -> memref<1x1x8x32xf32, #tpu.memory_space<vmem>>
      %dma_start3A_779 = tpu.memref_squeeze %dma_start3A_778 : memref<1x1x8x32xf32, #tpu.memory_space<vmem>> -> memref<8x32xf32, #tpu.memory_space<vmem>>
      %dma_start3A_780 = arith.constant 0 : i32
      %dma_start3A_781 = arith.constant 0 : i32
      %dma_start3A_782 = tpu.memref_slice %arg5[%squeeze3A_773, %dma_start3A_780, %dma_start3A_781] : memref<125000x8x32xf32, #tpu.memory_space<hbm>> -> memref<1x8x32xf32, #tpu.memory_space<hbm>>
      %dma_start3A_783 = tpu.memref_squeeze %dma_start3A_782 : memref<1x8x32xf32, #tpu.memory_space<hbm>> -> memref<8x32xf32, #tpu.memory_space<hbm>>
      %dma_start3A_784 = arith.constant 0 : i32
      %dma_start3A_785 = arith.constant 0 : i32
      %dma_start3A_786 = tpu.memref_slice %arg10[%dma_start3A_774, %dma_start3A_775, %dma_start3A_784, %dma_start3A_785] : memref<2x16x8x32xf32, #tpu.memory_space<vmem>> -> memref<1x1x8x32xf32, #tpu.memory_space<vmem>>
      %dma_start3A_787 = tpu.memref_squeeze %dma_start3A_786 : memref<1x1x8x32xf32, #tpu.memory_space<vmem>> -> memref<8x32xf32, #tpu.memory_space<vmem>>
      %dma_start3A_788 = arith.constant 0 : i32
      %dma_start3A_789 = arith.constant 0 : i32
      %dma_start3A_790 = tpu.memref_slice %arg5[%squeeze3A_773, %dma_start3A_788, %dma_start3A_789] : memref<125000x8x32xf32, #tpu.memory_space<hbm>> -> memref<1x8x32xf32, #tpu.memory_space<hbm>>
      %dma_start3A_791 = tpu.memref_squeeze %dma_start3A_790 : memref<1x8x32xf32, #tpu.memory_space<hbm>> -> memref<8x32xf32, #tpu.memory_space<hbm>>
      tpu.enqueue_dma source(%dma_start3A_791 : memref<8x32xf32, #tpu.memory_space<hbm>>) target(%dma_start3A_787 : memref<8x32xf32, #tpu.memory_space<vmem>>) target_semaphore(%arg14 : memref<!tpu.dma_semaphore, #tpu.memory_space<semaphore_mem>>)
      %slice3A_792 = vector.extract_strided_slice %shift_right_logical3A_664 {offsets = [3], sizes = [1], strides = [1]} : vector<16xi32> to vector<1xi32>
      %squeeze3A_793 = vector.extract %slice3A_792[0] : i32 from vector<1xi32>
      %dma_start3A_794 = arith.constant 1 : i32
      %dma_start3A_795 = arith.constant 3 : i32
      %dma_start3A_796 = arith.constant 0 : i32
      %dma_start3A_797 = arith.constant 0 : i32
      %dma_start3A_798 = tpu.memref_slice %arg9[%dma_start3A_794, %dma_start3A_795, %dma_start3A_796, %dma_start3A_797] : memref<2x16x8x32xf32, #tpu.memory_space<vmem>> -> memref<1x1x8x32xf32, #tpu.memory_space<vmem>>
      %dma_start3A_799 = tpu.memref_squeeze %dma_start3A_798 : memref<1x1x8x32xf32, #tpu.memory_space<vmem>> -> memref<8x32xf32, #tpu.memory_space<vmem>>
      %dma_start3A_800 = arith.constant 0 : i32
      %dma_start3A_801 = arith.constant 0 : i32
      %dma_start3A_802 = tpu.memref_slice %arg4[%squeeze3A_793, %dma_start3A_800, %dma_start3A_801] : memref<12500x8x32xf32, #tpu.memory_space<hbm>> -> memref<1x8x32xf32, #tpu.memory_space<hbm>>
      %dma_start3A_803 = tpu.memref_squeeze %dma_start3A_802 : memref<1x8x32xf32, #tpu.memory_space<hbm>> -> memref<8x32xf32, #tpu.memory_space<hbm>>
      %dma_start3A_804 = arith.constant 0 : i32
      %dma_start3A_805 = arith.constant 0 : i32
      %dma_start3A_806 = tpu.memref_slice %arg9[%dma_start3A_794, %dma_start3A_795, %dma_start3A_804, %dma_start3A_805] : memref<2x16x8x32xf32, #tpu.memory_space<vmem>> -> memref<1x1x8x32xf32, #tpu.memory_space<vmem>>
      %dma_start3A_807 = tpu.memref_squeeze %dma_start3A_806 : memref<1x1x8x32xf32, #tpu.memory_space<vmem>> -> memref<8x32xf32, #tpu.memory_space<vmem>>
      %dma_start3A_808 = arith.constant 0 : i32
      %dma_start3A_809 = arith.constant 0 : i32
      %dma_start3A_810 = tpu.memref_slice %arg4[%squeeze3A_793, %dma_start3A_808, %dma_start3A_809] : memref<12500x8x32xf32, #tpu.memory_space<hbm>> -> memref<1x8x32xf32, #tpu.memory_space<hbm>>
      %dma_start3A_811 = tpu.memref_squeeze %dma_start3A_810 : memref<1x8x32xf32, #tpu.memory_space<hbm>> -> memref<8x32xf32, #tpu.memory_space<hbm>>
      tpu.enqueue_dma source(%dma_start3A_811 : memref<8x32xf32, #tpu.memory_space<hbm>>) target(%dma_start3A_807 : memref<8x32xf32, #tpu.memory_space<vmem>>) target_semaphore(%arg14 : memref<!tpu.dma_semaphore, #tpu.memory_space<semaphore_mem>>)
      %slice3A_812 = vector.extract_strided_slice %shift_right_logical3A_671 {offsets = [3], sizes = [1], strides = [1]} : vector<16xi32> to vector<1xi32>
      %squeeze3A_813 = vector.extract %slice3A_812[0] : i32 from vector<1xi32>
      %dma_start3A_814 = arith.constant 1 : i32
      %dma_start3A_815 = arith.constant 3 : i32
      %dma_start3A_816 = arith.constant 0 : i32
      %dma_start3A_817 = arith.constant 0 : i32
      %dma_start3A_818 = tpu.memref_slice %arg10[%dma_start3A_814, %dma_start3A_815, %dma_start3A_816, %dma_start3A_817] : memref<2x16x8x32xf32, #tpu.memory_space<vmem>> -> memref<1x1x8x32xf32, #tpu.memory_space<vmem>>
      %dma_start3A_819 = tpu.memref_squeeze %dma_start3A_818 : memref<1x1x8x32xf32, #tpu.memory_space<vmem>> -> memref<8x32xf32, #tpu.memory_space<vmem>>
      %dma_start3A_820 = arith.constant 0 : i32
      %dma_start3A_821 = arith.constant 0 : i32
      %dma_start3A_822 = tpu.memref_slice %arg5[%squeeze3A_813, %dma_start3A_820, %dma_start3A_821] : memref<125000x8x32xf32, #tpu.memory_space<hbm>> -> memref<1x8x32xf32, #tpu.memory_space<hbm>>
      %dma_start3A_823 = tpu.memref_squeeze %dma_start3A_822 : memref<1x8x32xf32, #tpu.memory_space<hbm>> -> memref<8x32xf32, #tpu.memory_space<hbm>>
      %dma_start3A_824 = arith.constant 0 : i32
      %dma_start3A_825 = arith.constant 0 : i32
      %dma_start3A_826 = tpu.memref_slice %arg10[%dma_start3A_814, %dma_start3A_815, %dma_start3A_824, %dma_start3A_825] : memref<2x16x8x32xf32, #tpu.memory_space<vmem>> -> memref<1x1x8x32xf32, #tpu.memory_space<vmem>>
      %dma_start3A_827 = tpu.memref_squeeze %dma_start3A_826 : memref<1x1x8x32xf32, #tpu.memory_space<vmem>> -> memref<8x32xf32, #tpu.memory_space<vmem>>
      %dma_start3A_828 = arith.constant 0 : i32
      %dma_start3A_829 = arith.constant 0 : i32
      %dma_start3A_830 = tpu.memref_slice %arg5[%squeeze3A_813, %dma_start3A_828, %dma_start3A_829] : memref<125000x8x32xf32, #tpu.memory_space<hbm>> -> memref<1x8x32xf32, #tpu.memory_space<hbm>>
      %dma_start3A_831 = tpu.memref_squeeze %dma_start3A_830 : memref<1x8x32xf32, #tpu.memory_space<hbm>> -> memref<8x32xf32, #tpu.memory_space<hbm>>
      tpu.enqueue_dma source(%dma_start3A_831 : memref<8x32xf32, #tpu.memory_space<hbm>>) target(%dma_start3A_827 : memref<8x32xf32, #tpu.memory_space<vmem>>) target_semaphore(%arg14 : memref<!tpu.dma_semaphore, #tpu.memory_space<semaphore_mem>>)
      %slice3A_832 = vector.extract_strided_slice %shift_right_logical3A_664 {offsets = [4], sizes = [1], strides = [1]} : vector<16xi32> to vector<1xi32>
      %squeeze3A_833 = vector.extract %slice3A_832[0] : i32 from vector<1xi32>
      %dma_start3A_834 = arith.constant 1 : i32
      %dma_start3A_835 = arith.constant 4 : i32
      %dma_start3A_836 = arith.constant 0 : i32
      %dma_start3A_837 = arith.constant 0 : i32
      %dma_start3A_838 = tpu.memref_slice %arg9[%dma_start3A_834, %dma_start3A_835, %dma_start3A_836, %dma_start3A_837] : memref<2x16x8x32xf32, #tpu.memory_space<vmem>> -> memref<1x1x8x32xf32, #tpu.memory_space<vmem>>
      %dma_start3A_839 = tpu.memref_squeeze %dma_start3A_838 : memref<1x1x8x32xf32, #tpu.memory_space<vmem>> -> memref<8x32xf32, #tpu.memory_space<vmem>>
      %dma_start3A_840 = arith.constant 0 : i32
      %dma_start3A_841 = arith.constant 0 : i32
      %dma_start3A_842 = tpu.memref_slice %arg4[%squeeze3A_833, %dma_start3A_840, %dma_start3A_841] : memref<12500x8x32xf32, #tpu.memory_space<hbm>> -> memref<1x8x32xf32, #tpu.memory_space<hbm>>
      %dma_start3A_843 = tpu.memref_squeeze %dma_start3A_842 : memref<1x8x32xf32, #tpu.memory_space<hbm>> -> memref<8x32xf32, #tpu.memory_space<hbm>>
      %dma_start3A_844 = arith.constant 0 : i32
      %dma_start3A_845 = arith.constant 0 : i32
      %dma_start3A_846 = tpu.memref_slice %arg9[%dma_start3A_834, %dma_start3A_835, %dma_start3A_844, %dma_start3A_845] : memref<2x16x8x32xf32, #tpu.memory_space<vmem>> -> memref<1x1x8x32xf32, #tpu.memory_space<vmem>>
      %dma_start3A_847 = tpu.memref_squeeze %dma_start3A_846 : memref<1x1x8x32xf32, #tpu.memory_space<vmem>> -> memref<8x32xf32, #tpu.memory_space<vmem>>
      %dma_start3A_848 = arith.constant 0 : i32
      %dma_start3A_849 = arith.constant 0 : i32
      %dma_start3A_850 = tpu.memref_slice %arg4[%squeeze3A_833, %dma_start3A_848, %dma_start3A_849] : memref<12500x8x32xf32, #tpu.memory_space<hbm>> -> memref<1x8x32xf32, #tpu.memory_space<hbm>>
      %dma_start3A_851 = tpu.memref_squeeze %dma_start3A_850 : memref<1x8x32xf32, #tpu.memory_space<hbm>> -> memref<8x32xf32, #tpu.memory_space<hbm>>
      tpu.enqueue_dma source(%dma_start3A_851 : memref<8x32xf32, #tpu.memory_space<hbm>>) target(%dma_start3A_847 : memref<8x32xf32, #tpu.memory_space<vmem>>) target_semaphore(%arg14 : memref<!tpu.dma_semaphore, #tpu.memory_space<semaphore_mem>>)
      %slice3A_852 = vector.extract_strided_slice %shift_right_logical3A_671 {offsets = [4], sizes = [1], strides = [1]} : vector<16xi32> to vector<1xi32>
      %squeeze3A_853 = vector.extract %slice3A_852[0] : i32 from vector<1xi32>
      %dma_start3A_854 = arith.constant 1 : i32
      %dma_start3A_855 = arith.constant 4 : i32
      %dma_start3A_856 = arith.constant 0 : i32
      %dma_start3A_857 = arith.constant 0 : i32
      %dma_start3A_858 = tpu.memref_slice %arg10[%dma_start3A_854, %dma_start3A_855, %dma_start3A_856, %dma_start3A_857] : memref<2x16x8x32xf32, #tpu.memory_space<vmem>> -> memref<1x1x8x32xf32, #tpu.memory_space<vmem>>
      %dma_start3A_859 = tpu.memref_squeeze %dma_start3A_858 : memref<1x1x8x32xf32, #tpu.memory_space<vmem>> -> memref<8x32xf32, #tpu.memory_space<vmem>>
      %dma_start3A_860 = arith.constant 0 : i32
      %dma_start3A_861 = arith.constant 0 : i32
      %dma_start3A_862 = tpu.memref_slice %arg5[%squeeze3A_853, %dma_start3A_860, %dma_start3A_861] : memref<125000x8x32xf32, #tpu.memory_space<hbm>> -> memref<1x8x32xf32, #tpu.memory_space<hbm>>
      %dma_start3A_863 = tpu.memref_squeeze %dma_start3A_862 : memref<1x8x32xf32, #tpu.memory_space<hbm>> -> memref<8x32xf32, #tpu.memory_space<hbm>>
      %dma_start3A_864 = arith.constant 0 : i32
      %dma_start3A_865 = arith.constant 0 : i32
      %dma_start3A_866 = tpu.memref_slice %arg10[%dma_start3A_854, %dma_start3A_855, %dma_start3A_864, %dma_start3A_865] : memref<2x16x8x32xf32, #tpu.memory_space<vmem>> -> memref<1x1x8x32xf32, #tpu.memory_space<vmem>>
      %dma_start3A_867 = tpu.memref_squeeze %dma_start3A_866 : memref<1x1x8x32xf32, #tpu.memory_space<vmem>> -> memref<8x32xf32, #tpu.memory_space<vmem>>
      %dma_start3A_868 = arith.constant 0 : i32
      %dma_start3A_869 = arith.constant 0 : i32
      %dma_start3A_870 = tpu.memref_slice %arg5[%squeeze3A_853, %dma_start3A_868, %dma_start3A_869] : memref<125000x8x32xf32, #tpu.memory_space<hbm>> -> memref<1x8x32xf32, #tpu.memory_space<hbm>>
      %dma_start3A_871 = tpu.memref_squeeze %dma_start3A_870 : memref<1x8x32xf32, #tpu.memory_space<hbm>> -> memref<8x32xf32, #tpu.memory_space<hbm>>
      tpu.enqueue_dma source(%dma_start3A_871 : memref<8x32xf32, #tpu.memory_space<hbm>>) target(%dma_start3A_867 : memref<8x32xf32, #tpu.memory_space<vmem>>) target_semaphore(%arg14 : memref<!tpu.dma_semaphore, #tpu.memory_space<semaphore_mem>>)
      %slice3A_872 = vector.extract_strided_slice %shift_right_logical3A_664 {offsets = [5], sizes = [1], strides = [1]} : vector<16xi32> to vector<1xi32>
      %squeeze3A_873 = vector.extract %slice3A_872[0] : i32 from vector<1xi32>
      %dma_start3A_874 = arith.constant 1 : i32
      %dma_start3A_875 = arith.constant 5 : i32
      %dma_start3A_876 = arith.constant 0 : i32
      %dma_start3A_877 = arith.constant 0 : i32
      %dma_start3A_878 = tpu.memref_slice %arg9[%dma_start3A_874, %dma_start3A_875, %dma_start3A_876, %dma_start3A_877] : memref<2x16x8x32xf32, #tpu.memory_space<vmem>> -> memref<1x1x8x32xf32, #tpu.memory_space<vmem>>
      %dma_start3A_879 = tpu.memref_squeeze %dma_start3A_878 : memref<1x1x8x32xf32, #tpu.memory_space<vmem>> -> memref<8x32xf32, #tpu.memory_space<vmem>>
      %dma_start3A_880 = arith.constant 0 : i32
      %dma_start3A_881 = arith.constant 0 : i32
      %dma_start3A_882 = tpu.memref_slice %arg4[%squeeze3A_873, %dma_start3A_880, %dma_start3A_881] : memref<12500x8x32xf32, #tpu.memory_space<hbm>> -> memref<1x8x32xf32, #tpu.memory_space<hbm>>
      %dma_start3A_883 = tpu.memref_squeeze %dma_start3A_882 : memref<1x8x32xf32, #tpu.memory_space<hbm>> -> memref<8x32xf32, #tpu.memory_space<hbm>>
      %dma_start3A_884 = arith.constant 0 : i32
      %dma_start3A_885 = arith.constant 0 : i32
      %dma_start3A_886 = tpu.memref_slice %arg9[%dma_start3A_874, %dma_start3A_875, %dma_start3A_884, %dma_start3A_885] : memref<2x16x8x32xf32, #tpu.memory_space<vmem>> -> memref<1x1x8x32xf32, #tpu.memory_space<vmem>>
      %dma_start3A_887 = tpu.memref_squeeze %dma_start3A_886 : memref<1x1x8x32xf32, #tpu.memory_space<vmem>> -> memref<8x32xf32, #tpu.memory_space<vmem>>
      %dma_start3A_888 = arith.constant 0 : i32
      %dma_start3A_889 = arith.constant 0 : i32
      %dma_start3A_890 = tpu.memref_slice %arg4[%squeeze3A_873, %dma_start3A_888, %dma_start3A_889] : memref<12500x8x32xf32, #tpu.memory_space<hbm>> -> memref<1x8x32xf32, #tpu.memory_space<hbm>>
      %dma_start3A_891 = tpu.memref_squeeze %dma_start3A_890 : memref<1x8x32xf32, #tpu.memory_space<hbm>> -> memref<8x32xf32, #tpu.memory_space<hbm>>
      tpu.enqueue_dma source(%dma_start3A_891 : memref<8x32xf32, #tpu.memory_space<hbm>>) target(%dma_start3A_887 : memref<8x32xf32, #tpu.memory_space<vmem>>) target_semaphore(%arg14 : memref<!tpu.dma_semaphore, #tpu.memory_space<semaphore_mem>>)
      %slice3A_892 = vector.extract_strided_slice %shift_right_logical3A_671 {offsets = [5], sizes = [1], strides = [1]} : vector<16xi32> to vector<1xi32>
      %squeeze3A_893 = vector.extract %slice3A_892[0] : i32 from vector<1xi32>
      %dma_start3A_894 = arith.constant 1 : i32
      %dma_start3A_895 = arith.constant 5 : i32
      %dma_start3A_896 = arith.constant 0 : i32
      %dma_start3A_897 = arith.constant 0 : i32
      %dma_start3A_898 = tpu.memref_slice %arg10[%dma_start3A_894, %dma_start3A_895, %dma_start3A_896, %dma_start3A_897] : memref<2x16x8x32xf32, #tpu.memory_space<vmem>> -> memref<1x1x8x32xf32, #tpu.memory_space<vmem>>
      %dma_start3A_899 = tpu.memref_squeeze %dma_start3A_898 : memref<1x1x8x32xf32, #tpu.memory_space<vmem>> -> memref<8x32xf32, #tpu.memory_space<vmem>>
      %dma_start3A_900 = arith.constant 0 : i32
      %dma_start3A_901 = arith.constant 0 : i32
      %dma_start3A_902 = tpu.memref_slice %arg5[%squeeze3A_893, %dma_start3A_900, %dma_start3A_901] : memref<125000x8x32xf32, #tpu.memory_space<hbm>> -> memref<1x8x32xf32, #tpu.memory_space<hbm>>
      %dma_start3A_903 = tpu.memref_squeeze %dma_start3A_902 : memref<1x8x32xf32, #tpu.memory_space<hbm>> -> memref<8x32xf32, #tpu.memory_space<hbm>>
      %dma_start3A_904 = arith.constant 0 : i32
      %dma_start3A_905 = arith.constant 0 : i32
      %dma_start3A_906 = tpu.memref_slice %arg10[%dma_start3A_894, %dma_start3A_895, %dma_start3A_904, %dma_start3A_905] : memref<2x16x8x32xf32, #tpu.memory_space<vmem>> -> memref<1x1x8x32xf32, #tpu.memory_space<vmem>>
      %dma_start3A_907 = tpu.memref_squeeze %dma_start3A_906 : memref<1x1x8x32xf32, #tpu.memory_space<vmem>> -> memref<8x32xf32, #tpu.memory_space<vmem>>
      %dma_start3A_908 = arith.constant 0 : i32
      %dma_start3A_909 = arith.constant 0 : i32
      %dma_start3A_910 = tpu.memref_slice %arg5[%squeeze3A_893, %dma_start3A_908, %dma_start3A_909] : memref<125000x8x32xf32, #tpu.memory_space<hbm>> -> memref<1x8x32xf32, #tpu.memory_space<hbm>>
      %dma_start3A_911 = tpu.memref_squeeze %dma_start3A_910 : memref<1x8x32xf32, #tpu.memory_space<hbm>> -> memref<8x32xf32, #tpu.memory_space<hbm>>
      tpu.enqueue_dma source(%dma_start3A_911 : memref<8x32xf32, #tpu.memory_space<hbm>>) target(%dma_start3A_907 : memref<8x32xf32, #tpu.memory_space<vmem>>) target_semaphore(%arg14 : memref<!tpu.dma_semaphore, #tpu.memory_space<semaphore_mem>>)
      %slice3A_912 = vector.extract_strided_slice %shift_right_logical3A_664 {offsets = [6], sizes = [1], strides = [1]} : vector<16xi32> to vector<1xi32>
      %squeeze3A_913 = vector.extract %slice3A_912[0] : i32 from vector<1xi32>
      %dma_start3A_914 = arith.constant 1 : i32
      %dma_start3A_915 = arith.constant 6 : i32
      %dma_start3A_916 = arith.constant 0 : i32
      %dma_start3A_917 = arith.constant 0 : i32
      %dma_start3A_918 = tpu.memref_slice %arg9[%dma_start3A_914, %dma_start3A_915, %dma_start3A_916, %dma_start3A_917] : memref<2x16x8x32xf32, #tpu.memory_space<vmem>> -> memref<1x1x8x32xf32, #tpu.memory_space<vmem>>
      %dma_start3A_919 = tpu.memref_squeeze %dma_start3A_918 : memref<1x1x8x32xf32, #tpu.memory_space<vmem>> -> memref<8x32xf32, #tpu.memory_space<vmem>>
      %dma_start3A_920 = arith.constant 0 : i32
      %dma_start3A_921 = arith.constant 0 : i32
      %dma_start3A_922 = tpu.memref_slice %arg4[%squeeze3A_913, %dma_start3A_920, %dma_start3A_921] : memref<12500x8x32xf32, #tpu.memory_space<hbm>> -> memref<1x8x32xf32, #tpu.memory_space<hbm>>
      %dma_start3A_923 = tpu.memref_squeeze %dma_start3A_922 : memref<1x8x32xf32, #tpu.memory_space<hbm>> -> memref<8x32xf32, #tpu.memory_space<hbm>>
      %dma_start3A_924 = arith.constant 0 : i32
      %dma_start3A_925 = arith.constant 0 : i32
      %dma_start3A_926 = tpu.memref_slice %arg9[%dma_start3A_914, %dma_start3A_915, %dma_start3A_924, %dma_start3A_925] : memref<2x16x8x32xf32, #tpu.memory_space<vmem>> -> memref<1x1x8x32xf32, #tpu.memory_space<vmem>>
      %dma_start3A_927 = tpu.memref_squeeze %dma_start3A_926 : memref<1x1x8x32xf32, #tpu.memory_space<vmem>> -> memref<8x32xf32, #tpu.memory_space<vmem>>
      %dma_start3A_928 = arith.constant 0 : i32
      %dma_start3A_929 = arith.constant 0 : i32
      %dma_start3A_930 = tpu.memref_slice %arg4[%squeeze3A_913, %dma_start3A_928, %dma_start3A_929] : memref<12500x8x32xf32, #tpu.memory_space<hbm>> -> memref<1x8x32xf32, #tpu.memory_space<hbm>>
      %dma_start3A_931 = tpu.memref_squeeze %dma_start3A_930 : memref<1x8x32xf32, #tpu.memory_space<hbm>> -> memref<8x32xf32, #tpu.memory_space<hbm>>
      tpu.enqueue_dma source(%dma_start3A_931 : memref<8x32xf32, #tpu.memory_space<hbm>>) target(%dma_start3A_927 : memref<8x32xf32, #tpu.memory_space<vmem>>) target_semaphore(%arg14 : memref<!tpu.dma_semaphore, #tpu.memory_space<semaphore_mem>>)
      %slice3A_932 = vector.extract_strided_slice %shift_right_logical3A_671 {offsets = [6], sizes = [1], strides = [1]} : vector<16xi32> to vector<1xi32>
      %squeeze3A_933 = vector.extract %slice3A_932[0] : i32 from vector<1xi32>
      %dma_start3A_934 = arith.constant 1 : i32
      %dma_start3A_935 = arith.constant 6 : i32
      %dma_start3A_936 = arith.constant 0 : i32
      %dma_start3A_937 = arith.constant 0 : i32
      %dma_start3A_938 = tpu.memref_slice %arg10[%dma_start3A_934, %dma_start3A_935, %dma_start3A_936, %dma_start3A_937] : memref<2x16x8x32xf32, #tpu.memory_space<vmem>> -> memref<1x1x8x32xf32, #tpu.memory_space<vmem>>
      %dma_start3A_939 = tpu.memref_squeeze %dma_start3A_938 : memref<1x1x8x32xf32, #tpu.memory_space<vmem>> -> memref<8x32xf32, #tpu.memory_space<vmem>>
      %dma_start3A_940 = arith.constant 0 : i32
      %dma_start3A_941 = arith.constant 0 : i32
      %dma_start3A_942 = tpu.memref_slice %arg5[%squeeze3A_933, %dma_start3A_940, %dma_start3A_941] : memref<125000x8x32xf32, #tpu.memory_space<hbm>> -> memref<1x8x32xf32, #tpu.memory_space<hbm>>
      %dma_start3A_943 = tpu.memref_squeeze %dma_start3A_942 : memref<1x8x32xf32, #tpu.memory_space<hbm>> -> memref<8x32xf32, #tpu.memory_space<hbm>>
      %dma_start3A_944 = arith.constant 0 : i32
      %dma_start3A_945 = arith.constant 0 : i32
      %dma_start3A_946 = tpu.memref_slice %arg10[%dma_start3A_934, %dma_start3A_935, %dma_start3A_944, %dma_start3A_945] : memref<2x16x8x32xf32, #tpu.memory_space<vmem>> -> memref<1x1x8x32xf32, #tpu.memory_space<vmem>>
      %dma_start3A_947 = tpu.memref_squeeze %dma_start3A_946 : memref<1x1x8x32xf32, #tpu.memory_space<vmem>> -> memref<8x32xf32, #tpu.memory_space<vmem>>
      %dma_start3A_948 = arith.constant 0 : i32
      %dma_start3A_949 = arith.constant 0 : i32
      %dma_start3A_950 = tpu.memref_slice %arg5[%squeeze3A_933, %dma_start3A_948, %dma_start3A_949] : memref<125000x8x32xf32, #tpu.memory_space<hbm>> -> memref<1x8x32xf32, #tpu.memory_space<hbm>>
      %dma_start3A_951 = tpu.memref_squeeze %dma_start3A_950 : memref<1x8x32xf32, #tpu.memory_space<hbm>> -> memref<8x32xf32, #tpu.memory_space<hbm>>
      tpu.enqueue_dma source(%dma_start3A_951 : memref<8x32xf32, #tpu.memory_space<hbm>>) target(%dma_start3A_947 : memref<8x32xf32, #tpu.memory_space<vmem>>) target_semaphore(%arg14 : memref<!tpu.dma_semaphore, #tpu.memory_space<semaphore_mem>>)
      %slice3A_952 = vector.extract_strided_slice %shift_right_logical3A_664 {offsets = [7], sizes = [1], strides = [1]} : vector<16xi32> to vector<1xi32>
      %squeeze3A_953 = vector.extract %slice3A_952[0] : i32 from vector<1xi32>
      %dma_start3A_954 = arith.constant 1 : i32
      %dma_start3A_955 = arith.constant 7 : i32
      %dma_start3A_956 = arith.constant 0 : i32
      %dma_start3A_957 = arith.constant 0 : i32
      %dma_start3A_958 = tpu.memref_slice %arg9[%dma_start3A_954, %dma_start3A_955, %dma_start3A_956, %dma_start3A_957] : memref<2x16x8x32xf32, #tpu.memory_space<vmem>> -> memref<1x1x8x32xf32, #tpu.memory_space<vmem>>
      %dma_start3A_959 = tpu.memref_squeeze %dma_start3A_958 : memref<1x1x8x32xf32, #tpu.memory_space<vmem>> -> memref<8x32xf32, #tpu.memory_space<vmem>>
      %dma_start3A_960 = arith.constant 0 : i32
      %dma_start3A_961 = arith.constant 0 : i32
      %dma_start3A_962 = tpu.memref_slice %arg4[%squeeze3A_953, %dma_start3A_960, %dma_start3A_961] : memref<12500x8x32xf32, #tpu.memory_space<hbm>> -> memref<1x8x32xf32, #tpu.memory_space<hbm>>
      %dma_start3A_963 = tpu.memref_squeeze %dma_start3A_962 : memref<1x8x32xf32, #tpu.memory_space<hbm>> -> memref<8x32xf32, #tpu.memory_space<hbm>>
      %dma_start3A_964 = arith.constant 0 : i32
      %dma_start3A_965 = arith.constant 0 : i32
      %dma_start3A_966 = tpu.memref_slice %arg9[%dma_start3A_954, %dma_start3A_955, %dma_start3A_964, %dma_start3A_965] : memref<2x16x8x32xf32, #tpu.memory_space<vmem>> -> memref<1x1x8x32xf32, #tpu.memory_space<vmem>>
      %dma_start3A_967 = tpu.memref_squeeze %dma_start3A_966 : memref<1x1x8x32xf32, #tpu.memory_space<vmem>> -> memref<8x32xf32, #tpu.memory_space<vmem>>
      %dma_start3A_968 = arith.constant 0 : i32
      %dma_start3A_969 = arith.constant 0 : i32
      %dma_start3A_970 = tpu.memref_slice %arg4[%squeeze3A_953, %dma_start3A_968, %dma_start3A_969] : memref<12500x8x32xf32, #tpu.memory_space<hbm>> -> memref<1x8x32xf32, #tpu.memory_space<hbm>>
      %dma_start3A_971 = tpu.memref_squeeze %dma_start3A_970 : memref<1x8x32xf32, #tpu.memory_space<hbm>> -> memref<8x32xf32, #tpu.memory_space<hbm>>
      tpu.enqueue_dma source(%dma_start3A_971 : memref<8x32xf32, #tpu.memory_space<hbm>>) target(%dma_start3A_967 : memref<8x32xf32, #tpu.memory_space<vmem>>) target_semaphore(%arg14 : memref<!tpu.dma_semaphore, #tpu.memory_space<semaphore_mem>>)
      %slice3A_972 = vector.extract_strided_slice %shift_right_logical3A_671 {offsets = [7], sizes = [1], strides = [1]} : vector<16xi32> to vector<1xi32>
      %squeeze3A_973 = vector.extract %slice3A_972[0] : i32 from vector<1xi32>
      %dma_start3A_974 = arith.constant 1 : i32
      %dma_start3A_975 = arith.constant 7 : i32
      %dma_start3A_976 = arith.constant 0 : i32
      %dma_start3A_977 = arith.constant 0 : i32
      %dma_start3A_978 = tpu.memref_slice %arg10[%dma_start3A_974, %dma_start3A_975, %dma_start3A_976, %dma_start3A_977] : memref<2x16x8x32xf32, #tpu.memory_space<vmem>> -> memref<1x1x8x32xf32, #tpu.memory_space<vmem>>
      %dma_start3A_979 = tpu.memref_squeeze %dma_start3A_978 : memref<1x1x8x32xf32, #tpu.memory_space<vmem>> -> memref<8x32xf32, #tpu.memory_space<vmem>>
      %dma_start3A_980 = arith.constant 0 : i32
      %dma_start3A_981 = arith.constant 0 : i32
      %dma_start3A_982 = tpu.memref_slice %arg5[%squeeze3A_973, %dma_start3A_980, %dma_start3A_981] : memref<125000x8x32xf32, #tpu.memory_space<hbm>> -> memref<1x8x32xf32, #tpu.memory_space<hbm>>
      %dma_start3A_983 = tpu.memref_squeeze %dma_start3A_982 : memref<1x8x32xf32, #tpu.memory_space<hbm>> -> memref<8x32xf32, #tpu.memory_space<hbm>>
      %dma_start3A_984 = arith.constant 0 : i32
      %dma_start3A_985 = arith.constant 0 : i32
      %dma_start3A_986 = tpu.memref_slice %arg10[%dma_start3A_974, %dma_start3A_975, %dma_start3A_984, %dma_start3A_985] : memref<2x16x8x32xf32, #tpu.memory_space<vmem>> -> memref<1x1x8x32xf32, #tpu.memory_space<vmem>>
      %dma_start3A_987 = tpu.memref_squeeze %dma_start3A_986 : memref<1x1x8x32xf32, #tpu.memory_space<vmem>> -> memref<8x32xf32, #tpu.memory_space<vmem>>
      %dma_start3A_988 = arith.constant 0 : i32
      %dma_start3A_989 = arith.constant 0 : i32
      %dma_start3A_990 = tpu.memref_slice %arg5[%squeeze3A_973, %dma_start3A_988, %dma_start3A_989] : memref<125000x8x32xf32, #tpu.memory_space<hbm>> -> memref<1x8x32xf32, #tpu.memory_space<hbm>>
      %dma_start3A_991 = tpu.memref_squeeze %dma_start3A_990 : memref<1x8x32xf32, #tpu.memory_space<hbm>> -> memref<8x32xf32, #tpu.memory_space<hbm>>
      tpu.enqueue_dma source(%dma_start3A_991 : memref<8x32xf32, #tpu.memory_space<hbm>>) target(%dma_start3A_987 : memref<8x32xf32, #tpu.memory_space<vmem>>) target_semaphore(%arg14 : memref<!tpu.dma_semaphore, #tpu.memory_space<semaphore_mem>>)
      %slice3A_992 = vector.extract_strided_slice %shift_right_logical3A_664 {offsets = [8], sizes = [1], strides = [1]} : vector<16xi32> to vector<1xi32>
      %squeeze3A_993 = vector.extract %slice3A_992[0] : i32 from vector<1xi32>
      %dma_start3A_994 = arith.constant 1 : i32
      %dma_start3A_995 = arith.constant 8 : i32
      %dma_start3A_996 = arith.constant 0 : i32
      %dma_start3A_997 = arith.constant 0 : i32
      %dma_start3A_998 = tpu.memref_slice %arg9[%dma_start3A_994, %dma_start3A_995, %dma_start3A_996, %dma_start3A_997] : memref<2x16x8x32xf32, #tpu.memory_space<vmem>> -> memref<1x1x8x32xf32, #tpu.memory_space<vmem>>
      %dma_start3A_999 = tpu.memref_squeeze %dma_start3A_998 : memref<1x1x8x32xf32, #tpu.memory_space<vmem>> -> memref<8x32xf32, #tpu.memory_space<vmem>>
      %dma_start3A_1000 = arith.constant 0 : i32
      %dma_start3A_1001 = arith.constant 0 : i32
      %dma_start3A_1002 = tpu.memref_slice %arg4[%squeeze3A_993, %dma_start3A_1000, %dma_start3A_1001] : memref<12500x8x32xf32, #tpu.memory_space<hbm>> -> memref<1x8x32xf32, #tpu.memory_space<hbm>>
      %dma_start3A_1003 = tpu.memref_squeeze %dma_start3A_1002 : memref<1x8x32xf32, #tpu.memory_space<hbm>> -> memref<8x32xf32, #tpu.memory_space<hbm>>
      %dma_start3A_1004 = arith.constant 0 : i32
      %dma_start3A_1005 = arith.constant 0 : i32
      %dma_start3A_1006 = tpu.memref_slice %arg9[%dma_start3A_994, %dma_start3A_995, %dma_start3A_1004, %dma_start3A_1005] : memref<2x16x8x32xf32, #tpu.memory_space<vmem>> -> memref<1x1x8x32xf32, #tpu.memory_space<vmem>>
      %dma_start3A_1007 = tpu.memref_squeeze %dma_start3A_1006 : memref<1x1x8x32xf32, #tpu.memory_space<vmem>> -> memref<8x32xf32, #tpu.memory_space<vmem>>
      %dma_start3A_1008 = arith.constant 0 : i32
      %dma_start3A_1009 = arith.constant 0 : i32
      %dma_start3A_1010 = tpu.memref_slice %arg4[%squeeze3A_993, %dma_start3A_1008, %dma_start3A_1009] : memref<12500x8x32xf32, #tpu.memory_space<hbm>> -> memref<1x8x32xf32, #tpu.memory_space<hbm>>
      %dma_start3A_1011 = tpu.memref_squeeze %dma_start3A_1010 : memref<1x8x32xf32, #tpu.memory_space<hbm>> -> memref<8x32xf32, #tpu.memory_space<hbm>>
      tpu.enqueue_dma source(%dma_start3A_1011 : memref<8x32xf32, #tpu.memory_space<hbm>>) target(%dma_start3A_1007 : memref<8x32xf32, #tpu.memory_space<vmem>>) target_semaphore(%arg14 : memref<!tpu.dma_semaphore, #tpu.memory_space<semaphore_mem>>)
      %slice3A_1012 = vector.extract_strided_slice %shift_right_logical3A_671 {offsets = [8], sizes = [1], strides = [1]} : vector<16xi32> to vector<1xi32>
      %squeeze3A_1013 = vector.extract %slice3A_1012[0] : i32 from vector<1xi32>
      %dma_start3A_1014 = arith.constant 1 : i32
      %dma_start3A_1015 = arith.constant 8 : i32
      %dma_start3A_1016 = arith.constant 0 : i32
      %dma_start3A_1017 = arith.constant 0 : i32
      %dma_start3A_1018 = tpu.memref_slice %arg10[%dma_start3A_1014, %dma_start3A_1015, %dma_start3A_1016, %dma_start3A_1017] : memref<2x16x8x32xf32, #tpu.memory_space<vmem>> -> memref<1x1x8x32xf32, #tpu.memory_space<vmem>>
      %dma_start3A_1019 = tpu.memref_squeeze %dma_start3A_1018 : memref<1x1x8x32xf32, #tpu.memory_space<vmem>> -> memref<8x32xf32, #tpu.memory_space<vmem>>
      %dma_start3A_1020 = arith.constant 0 : i32
      %dma_start3A_1021 = arith.constant 0 : i32
      %dma_start3A_1022 = tpu.memref_slice %arg5[%squeeze3A_1013, %dma_start3A_1020, %dma_start3A_1021] : memref<125000x8x32xf32, #tpu.memory_space<hbm>> -> memref<1x8x32xf32, #tpu.memory_space<hbm>>
      %dma_start3A_1023 = tpu.memref_squeeze %dma_start3A_1022 : memref<1x8x32xf32, #tpu.memory_space<hbm>> -> memref<8x32xf32, #tpu.memory_space<hbm>>
      %dma_start3A_1024 = arith.constant 0 : i32
      %dma_start3A_1025 = arith.constant 0 : i32
      %dma_start3A_1026 = tpu.memref_slice %arg10[%dma_start3A_1014, %dma_start3A_1015, %dma_start3A_1024, %dma_start3A_1025] : memref<2x16x8x32xf32, #tpu.memory_space<vmem>> -> memref<1x1x8x32xf32, #tpu.memory_space<vmem>>
      %dma_start3A_1027 = tpu.memref_squeeze %dma_start3A_1026 : memref<1x1x8x32xf32, #tpu.memory_space<vmem>> -> memref<8x32xf32, #tpu.memory_space<vmem>>
      %dma_start3A_1028 = arith.constant 0 : i32
      %dma_start3A_1029 = arith.constant 0 : i32
      %dma_start3A_1030 = tpu.memref_slice %arg5[%squeeze3A_1013, %dma_start3A_1028, %dma_start3A_1029] : memref<125000x8x32xf32, #tpu.memory_space<hbm>> -> memref<1x8x32xf32, #tpu.memory_space<hbm>>
      %dma_start3A_1031 = tpu.memref_squeeze %dma_start3A_1030 : memref<1x8x32xf32, #tpu.memory_space<hbm>> -> memref<8x32xf32, #tpu.memory_space<hbm>>
      tpu.enqueue_dma source(%dma_start3A_1031 : memref<8x32xf32, #tpu.memory_space<hbm>>) target(%dma_start3A_1027 : memref<8x32xf32, #tpu.memory_space<vmem>>) target_semaphore(%arg14 : memref<!tpu.dma_semaphore, #tpu.memory_space<semaphore_mem>>)
      %slice3A_1032 = vector.extract_strided_slice %shift_right_logical3A_664 {offsets = [9], sizes = [1], strides = [1]} : vector<16xi32> to vector<1xi32>
      %squeeze3A_1033 = vector.extract %slice3A_1032[0] : i32 from vector<1xi32>
      %dma_start3A_1034 = arith.constant 1 : i32
      %dma_start3A_1035 = arith.constant 9 : i32
      %dma_start3A_1036 = arith.constant 0 : i32
      %dma_start3A_1037 = arith.constant 0 : i32
      %dma_start3A_1038 = tpu.memref_slice %arg9[%dma_start3A_1034, %dma_start3A_1035, %dma_start3A_1036, %dma_start3A_1037] : memref<2x16x8x32xf32, #tpu.memory_space<vmem>> -> memref<1x1x8x32xf32, #tpu.memory_space<vmem>>
      %dma_start3A_1039 = tpu.memref_squeeze %dma_start3A_1038 : memref<1x1x8x32xf32, #tpu.memory_space<vmem>> -> memref<8x32xf32, #tpu.memory_space<vmem>>
      %dma_start3A_1040 = arith.constant 0 : i32
      %dma_start3A_1041 = arith.constant 0 : i32
      %dma_start3A_1042 = tpu.memref_slice %arg4[%squeeze3A_1033, %dma_start3A_1040, %dma_start3A_1041] : memref<12500x8x32xf32, #tpu.memory_space<hbm>> -> memref<1x8x32xf32, #tpu.memory_space<hbm>>
      %dma_start3A_1043 = tpu.memref_squeeze %dma_start3A_1042 : memref<1x8x32xf32, #tpu.memory_space<hbm>> -> memref<8x32xf32, #tpu.memory_space<hbm>>
      %dma_start3A_1044 = arith.constant 0 : i32
      %dma_start3A_1045 = arith.constant 0 : i32
      %dma_start3A_1046 = tpu.memref_slice %arg9[%dma_start3A_1034, %dma_start3A_1035, %dma_start3A_1044, %dma_start3A_1045] : memref<2x16x8x32xf32, #tpu.memory_space<vmem>> -> memref<1x1x8x32xf32, #tpu.memory_space<vmem>>
      %dma_start3A_1047 = tpu.memref_squeeze %dma_start3A_1046 : memref<1x1x8x32xf32, #tpu.memory_space<vmem>> -> memref<8x32xf32, #tpu.memory_space<vmem>>
      %dma_start3A_1048 = arith.constant 0 : i32
      %dma_start3A_1049 = arith.constant 0 : i32
      %dma_start3A_1050 = tpu.memref_slice %arg4[%squeeze3A_1033, %dma_start3A_1048, %dma_start3A_1049] : memref<12500x8x32xf32, #tpu.memory_space<hbm>> -> memref<1x8x32xf32, #tpu.memory_space<hbm>>
      %dma_start3A_1051 = tpu.memref_squeeze %dma_start3A_1050 : memref<1x8x32xf32, #tpu.memory_space<hbm>> -> memref<8x32xf32, #tpu.memory_space<hbm>>
      tpu.enqueue_dma source(%dma_start3A_1051 : memref<8x32xf32, #tpu.memory_space<hbm>>) target(%dma_start3A_1047 : memref<8x32xf32, #tpu.memory_space<vmem>>) target_semaphore(%arg14 : memref<!tpu.dma_semaphore, #tpu.memory_space<semaphore_mem>>)
      %slice3A_1052 = vector.extract_strided_slice %shift_right_logical3A_671 {offsets = [9], sizes = [1], strides = [1]} : vector<16xi32> to vector<1xi32>
      %squeeze3A_1053 = vector.extract %slice3A_1052[0] : i32 from vector<1xi32>
      %dma_start3A_1054 = arith.constant 1 : i32
      %dma_start3A_1055 = arith.constant 9 : i32
      %dma_start3A_1056 = arith.constant 0 : i32
      %dma_start3A_1057 = arith.constant 0 : i32
      %dma_start3A_1058 = tpu.memref_slice %arg10[%dma_start3A_1054, %dma_start3A_1055, %dma_start3A_1056, %dma_start3A_1057] : memref<2x16x8x32xf32, #tpu.memory_space<vmem>> -> memref<1x1x8x32xf32, #tpu.memory_space<vmem>>
      %dma_start3A_1059 = tpu.memref_squeeze %dma_start3A_1058 : memref<1x1x8x32xf32, #tpu.memory_space<vmem>> -> memref<8x32xf32, #tpu.memory_space<vmem>>
      %dma_start3A_1060 = arith.constant 0 : i32
      %dma_start3A_1061 = arith.constant 0 : i32
      %dma_start3A_1062 = tpu.memref_slice %arg5[%squeeze3A_1053, %dma_start3A_1060, %dma_start3A_1061] : memref<125000x8x32xf32, #tpu.memory_space<hbm>> -> memref<1x8x32xf32, #tpu.memory_space<hbm>>
      %dma_start3A_1063 = tpu.memref_squeeze %dma_start3A_1062 : memref<1x8x32xf32, #tpu.memory_space<hbm>> -> memref<8x32xf32, #tpu.memory_space<hbm>>
      %dma_start3A_1064 = arith.constant 0 : i32
      %dma_start3A_1065 = arith.constant 0 : i32
      %dma_start3A_1066 = tpu.memref_slice %arg10[%dma_start3A_1054, %dma_start3A_1055, %dma_start3A_1064, %dma_start3A_1065] : memref<2x16x8x32xf32, #tpu.memory_space<vmem>> -> memref<1x1x8x32xf32, #tpu.memory_space<vmem>>
      %dma_start3A_1067 = tpu.memref_squeeze %dma_start3A_1066 : memref<1x1x8x32xf32, #tpu.memory_space<vmem>> -> memref<8x32xf32, #tpu.memory_space<vmem>>
      %dma_start3A_1068 = arith.constant 0 : i32
      %dma_start3A_1069 = arith.constant 0 : i32
      %dma_start3A_1070 = tpu.memref_slice %arg5[%squeeze3A_1053, %dma_start3A_1068, %dma_start3A_1069] : memref<125000x8x32xf32, #tpu.memory_space<hbm>> -> memref<1x8x32xf32, #tpu.memory_space<hbm>>
      %dma_start3A_1071 = tpu.memref_squeeze %dma_start3A_1070 : memref<1x8x32xf32, #tpu.memory_space<hbm>> -> memref<8x32xf32, #tpu.memory_space<hbm>>
      tpu.enqueue_dma source(%dma_start3A_1071 : memref<8x32xf32, #tpu.memory_space<hbm>>) target(%dma_start3A_1067 : memref<8x32xf32, #tpu.memory_space<vmem>>) target_semaphore(%arg14 : memref<!tpu.dma_semaphore, #tpu.memory_space<semaphore_mem>>)
      %slice3A_1072 = vector.extract_strided_slice %shift_right_logical3A_664 {offsets = [10], sizes = [1], strides = [1]} : vector<16xi32> to vector<1xi32>
      %squeeze3A_1073 = vector.extract %slice3A_1072[0] : i32 from vector<1xi32>
      %dma_start3A_1074 = arith.constant 1 : i32
      %dma_start3A_1075 = arith.constant 10 : i32
      %dma_start3A_1076 = arith.constant 0 : i32
      %dma_start3A_1077 = arith.constant 0 : i32
      %dma_start3A_1078 = tpu.memref_slice %arg9[%dma_start3A_1074, %dma_start3A_1075, %dma_start3A_1076, %dma_start3A_1077] : memref<2x16x8x32xf32, #tpu.memory_space<vmem>> -> memref<1x1x8x32xf32, #tpu.memory_space<vmem>>
      %dma_start3A_1079 = tpu.memref_squeeze %dma_start3A_1078 : memref<1x1x8x32xf32, #tpu.memory_space<vmem>> -> memref<8x32xf32, #tpu.memory_space<vmem>>
      %dma_start3A_1080 = arith.constant 0 : i32
      %dma_start3A_1081 = arith.constant 0 : i32
      %dma_start3A_1082 = tpu.memref_slice %arg4[%squeeze3A_1073, %dma_start3A_1080, %dma_start3A_1081] : memref<12500x8x32xf32, #tpu.memory_space<hbm>> -> memref<1x8x32xf32, #tpu.memory_space<hbm>>
      %dma_start3A_1083 = tpu.memref_squeeze %dma_start3A_1082 : memref<1x8x32xf32, #tpu.memory_space<hbm>> -> memref<8x32xf32, #tpu.memory_space<hbm>>
      %dma_start3A_1084 = arith.constant 0 : i32
      %dma_start3A_1085 = arith.constant 0 : i32
      %dma_start3A_1086 = tpu.memref_slice %arg9[%dma_start3A_1074, %dma_start3A_1075, %dma_start3A_1084, %dma_start3A_1085] : memref<2x16x8x32xf32, #tpu.memory_space<vmem>> -> memref<1x1x8x32xf32, #tpu.memory_space<vmem>>
      %dma_start3A_1087 = tpu.memref_squeeze %dma_start3A_1086 : memref<1x1x8x32xf32, #tpu.memory_space<vmem>> -> memref<8x32xf32, #tpu.memory_space<vmem>>
      %dma_start3A_1088 = arith.constant 0 : i32
      %dma_start3A_1089 = arith.constant 0 : i32
      %dma_start3A_1090 = tpu.memref_slice %arg4[%squeeze3A_1073, %dma_start3A_1088, %dma_start3A_1089] : memref<12500x8x32xf32, #tpu.memory_space<hbm>> -> memref<1x8x32xf32, #tpu.memory_space<hbm>>
      %dma_start3A_1091 = tpu.memref_squeeze %dma_start3A_1090 : memref<1x8x32xf32, #tpu.memory_space<hbm>> -> memref<8x32xf32, #tpu.memory_space<hbm>>
      tpu.enqueue_dma source(%dma_start3A_1091 : memref<8x32xf32, #tpu.memory_space<hbm>>) target(%dma_start3A_1087 : memref<8x32xf32, #tpu.memory_space<vmem>>) target_semaphore(%arg14 : memref<!tpu.dma_semaphore, #tpu.memory_space<semaphore_mem>>)
      %slice3A_1092 = vector.extract_strided_slice %shift_right_logical3A_671 {offsets = [10], sizes = [1], strides = [1]} : vector<16xi32> to vector<1xi32>
      %squeeze3A_1093 = vector.extract %slice3A_1092[0] : i32 from vector<1xi32>
      %dma_start3A_1094 = arith.constant 1 : i32
      %dma_start3A_1095 = arith.constant 10 : i32
      %dma_start3A_1096 = arith.constant 0 : i32
      %dma_start3A_1097 = arith.constant 0 : i32
      %dma_start3A_1098 = tpu.memref_slice %arg10[%dma_start3A_1094, %dma_start3A_1095, %dma_start3A_1096, %dma_start3A_1097] : memref<2x16x8x32xf32, #tpu.memory_space<vmem>> -> memref<1x1x8x32xf32, #tpu.memory_space<vmem>>
      %dma_start3A_1099 = tpu.memref_squeeze %dma_start3A_1098 : memref<1x1x8x32xf32, #tpu.memory_space<vmem>> -> memref<8x32xf32, #tpu.memory_space<vmem>>
      %dma_start3A_1100 = arith.constant 0 : i32
      %dma_start3A_1101 = arith.constant 0 : i32
      %dma_start3A_1102 = tpu.memref_slice %arg5[%squeeze3A_1093, %dma_start3A_1100, %dma_start3A_1101] : memref<125000x8x32xf32, #tpu.memory_space<hbm>> -> memref<1x8x32xf32, #tpu.memory_space<hbm>>
      %dma_start3A_1103 = tpu.memref_squeeze %dma_start3A_1102 : memref<1x8x32xf32, #tpu.memory_space<hbm>> -> memref<8x32xf32, #tpu.memory_space<hbm>>
      %dma_start3A_1104 = arith.constant 0 : i32
      %dma_start3A_1105 = arith.constant 0 : i32
      %dma_start3A_1106 = tpu.memref_slice %arg10[%dma_start3A_1094, %dma_start3A_1095, %dma_start3A_1104, %dma_start3A_1105] : memref<2x16x8x32xf32, #tpu.memory_space<vmem>> -> memref<1x1x8x32xf32, #tpu.memory_space<vmem>>
      %dma_start3A_1107 = tpu.memref_squeeze %dma_start3A_1106 : memref<1x1x8x32xf32, #tpu.memory_space<vmem>> -> memref<8x32xf32, #tpu.memory_space<vmem>>
      %dma_start3A_1108 = arith.constant 0 : i32
      %dma_start3A_1109 = arith.constant 0 : i32
      %dma_start3A_1110 = tpu.memref_slice %arg5[%squeeze3A_1093, %dma_start3A_1108, %dma_start3A_1109] : memref<125000x8x32xf32, #tpu.memory_space<hbm>> -> memref<1x8x32xf32, #tpu.memory_space<hbm>>
      %dma_start3A_1111 = tpu.memref_squeeze %dma_start3A_1110 : memref<1x8x32xf32, #tpu.memory_space<hbm>> -> memref<8x32xf32, #tpu.memory_space<hbm>>
      tpu.enqueue_dma source(%dma_start3A_1111 : memref<8x32xf32, #tpu.memory_space<hbm>>) target(%dma_start3A_1107 : memref<8x32xf32, #tpu.memory_space<vmem>>) target_semaphore(%arg14 : memref<!tpu.dma_semaphore, #tpu.memory_space<semaphore_mem>>)
      %slice3A_1112 = vector.extract_strided_slice %shift_right_logical3A_664 {offsets = [11], sizes = [1], strides = [1]} : vector<16xi32> to vector<1xi32>
      %squeeze3A_1113 = vector.extract %slice3A_1112[0] : i32 from vector<1xi32>
      %dma_start3A_1114 = arith.constant 1 : i32
      %dma_start3A_1115 = arith.constant 11 : i32
      %dma_start3A_1116 = arith.constant 0 : i32
      %dma_start3A_1117 = arith.constant 0 : i32
      %dma_start3A_1118 = tpu.memref_slice %arg9[%dma_start3A_1114, %dma_start3A_1115, %dma_start3A_1116, %dma_start3A_1117] : memref<2x16x8x32xf32, #tpu.memory_space<vmem>> -> memref<1x1x8x32xf32, #tpu.memory_space<vmem>>
      %dma_start3A_1119 = tpu.memref_squeeze %dma_start3A_1118 : memref<1x1x8x32xf32, #tpu.memory_space<vmem>> -> memref<8x32xf32, #tpu.memory_space<vmem>>
      %dma_start3A_1120 = arith.constant 0 : i32
      %dma_start3A_1121 = arith.constant 0 : i32
      %dma_start3A_1122 = tpu.memref_slice %arg4[%squeeze3A_1113, %dma_start3A_1120, %dma_start3A_1121] : memref<12500x8x32xf32, #tpu.memory_space<hbm>> -> memref<1x8x32xf32, #tpu.memory_space<hbm>>
      %dma_start3A_1123 = tpu.memref_squeeze %dma_start3A_1122 : memref<1x8x32xf32, #tpu.memory_space<hbm>> -> memref<8x32xf32, #tpu.memory_space<hbm>>
      %dma_start3A_1124 = arith.constant 0 : i32
      %dma_start3A_1125 = arith.constant 0 : i32
      %dma_start3A_1126 = tpu.memref_slice %arg9[%dma_start3A_1114, %dma_start3A_1115, %dma_start3A_1124, %dma_start3A_1125] : memref<2x16x8x32xf32, #tpu.memory_space<vmem>> -> memref<1x1x8x32xf32, #tpu.memory_space<vmem>>
      %dma_start3A_1127 = tpu.memref_squeeze %dma_start3A_1126 : memref<1x1x8x32xf32, #tpu.memory_space<vmem>> -> memref<8x32xf32, #tpu.memory_space<vmem>>
      %dma_start3A_1128 = arith.constant 0 : i32
      %dma_start3A_1129 = arith.constant 0 : i32
      %dma_start3A_1130 = tpu.memref_slice %arg4[%squeeze3A_1113, %dma_start3A_1128, %dma_start3A_1129] : memref<12500x8x32xf32, #tpu.memory_space<hbm>> -> memref<1x8x32xf32, #tpu.memory_space<hbm>>
      %dma_start3A_1131 = tpu.memref_squeeze %dma_start3A_1130 : memref<1x8x32xf32, #tpu.memory_space<hbm>> -> memref<8x32xf32, #tpu.memory_space<hbm>>
      tpu.enqueue_dma source(%dma_start3A_1131 : memref<8x32xf32, #tpu.memory_space<hbm>>) target(%dma_start3A_1127 : memref<8x32xf32, #tpu.memory_space<vmem>>) target_semaphore(%arg14 : memref<!tpu.dma_semaphore, #tpu.memory_space<semaphore_mem>>)
      %slice3A_1132 = vector.extract_strided_slice %shift_right_logical3A_671 {offsets = [11], sizes = [1], strides = [1]} : vector<16xi32> to vector<1xi32>
      %squeeze3A_1133 = vector.extract %slice3A_1132[0] : i32 from vector<1xi32>
      %dma_start3A_1134 = arith.constant 1 : i32
      %dma_start3A_1135 = arith.constant 11 : i32
      %dma_start3A_1136 = arith.constant 0 : i32
      %dma_start3A_1137 = arith.constant 0 : i32
      %dma_start3A_1138 = tpu.memref_slice %arg10[%dma_start3A_1134, %dma_start3A_1135, %dma_start3A_1136, %dma_start3A_1137] : memref<2x16x8x32xf32, #tpu.memory_space<vmem>> -> memref<1x1x8x32xf32, #tpu.memory_space<vmem>>
      %dma_start3A_1139 = tpu.memref_squeeze %dma_start3A_1138 : memref<1x1x8x32xf32, #tpu.memory_space<vmem>> -> memref<8x32xf32, #tpu.memory_space<vmem>>
      %dma_start3A_1140 = arith.constant 0 : i32
      %dma_start3A_1141 = arith.constant 0 : i32
      %dma_start3A_1142 = tpu.memref_slice %arg5[%squeeze3A_1133, %dma_start3A_1140, %dma_start3A_1141] : memref<125000x8x32xf32, #tpu.memory_space<hbm>> -> memref<1x8x32xf32, #tpu.memory_space<hbm>>
      %dma_start3A_1143 = tpu.memref_squeeze %dma_start3A_1142 : memref<1x8x32xf32, #tpu.memory_space<hbm>> -> memref<8x32xf32, #tpu.memory_space<hbm>>
      %dma_start3A_1144 = arith.constant 0 : i32
      %dma_start3A_1145 = arith.constant 0 : i32
      %dma_start3A_1146 = tpu.memref_slice %arg10[%dma_start3A_1134, %dma_start3A_1135, %dma_start3A_1144, %dma_start3A_1145] : memref<2x16x8x32xf32, #tpu.memory_space<vmem>> -> memref<1x1x8x32xf32, #tpu.memory_space<vmem>>
      %dma_start3A_1147 = tpu.memref_squeeze %dma_start3A_1146 : memref<1x1x8x32xf32, #tpu.memory_space<vmem>> -> memref<8x32xf32, #tpu.memory_space<vmem>>
      %dma_start3A_1148 = arith.constant 0 : i32
      %dma_start3A_1149 = arith.constant 0 : i32
      %dma_start3A_1150 = tpu.memref_slice %arg5[%squeeze3A_1133, %dma_start3A_1148, %dma_start3A_1149] : memref<125000x8x32xf32, #tpu.memory_space<hbm>> -> memref<1x8x32xf32, #tpu.memory_space<hbm>>
      %dma_start3A_1151 = tpu.memref_squeeze %dma_start3A_1150 : memref<1x8x32xf32, #tpu.memory_space<hbm>> -> memref<8x32xf32, #tpu.memory_space<hbm>>
      tpu.enqueue_dma source(%dma_start3A_1151 : memref<8x32xf32, #tpu.memory_space<hbm>>) target(%dma_start3A_1147 : memref<8x32xf32, #tpu.memory_space<vmem>>) target_semaphore(%arg14 : memref<!tpu.dma_semaphore, #tpu.memory_space<semaphore_mem>>)
      %slice3A_1152 = vector.extract_strided_slice %shift_right_logical3A_664 {offsets = [12], sizes = [1], strides = [1]} : vector<16xi32> to vector<1xi32>
      %squeeze3A_1153 = vector.extract %slice3A_1152[0] : i32 from vector<1xi32>
      %dma_start3A_1154 = arith.constant 1 : i32
      %dma_start3A_1155 = arith.constant 12 : i32
      %dma_start3A_1156 = arith.constant 0 : i32
      %dma_start3A_1157 = arith.constant 0 : i32
      %dma_start3A_1158 = tpu.memref_slice %arg9[%dma_start3A_1154, %dma_start3A_1155, %dma_start3A_1156, %dma_start3A_1157] : memref<2x16x8x32xf32, #tpu.memory_space<vmem>> -> memref<1x1x8x32xf32, #tpu.memory_space<vmem>>
      %dma_start3A_1159 = tpu.memref_squeeze %dma_start3A_1158 : memref<1x1x8x32xf32, #tpu.memory_space<vmem>> -> memref<8x32xf32, #tpu.memory_space<vmem>>
      %dma_start3A_1160 = arith.constant 0 : i32
      %dma_start3A_1161 = arith.constant 0 : i32
      %dma_start3A_1162 = tpu.memref_slice %arg4[%squeeze3A_1153, %dma_start3A_1160, %dma_start3A_1161] : memref<12500x8x32xf32, #tpu.memory_space<hbm>> -> memref<1x8x32xf32, #tpu.memory_space<hbm>>
      %dma_start3A_1163 = tpu.memref_squeeze %dma_start3A_1162 : memref<1x8x32xf32, #tpu.memory_space<hbm>> -> memref<8x32xf32, #tpu.memory_space<hbm>>
      %dma_start3A_1164 = arith.constant 0 : i32
      %dma_start3A_1165 = arith.constant 0 : i32
      %dma_start3A_1166 = tpu.memref_slice %arg9[%dma_start3A_1154, %dma_start3A_1155, %dma_start3A_1164, %dma_start3A_1165] : memref<2x16x8x32xf32, #tpu.memory_space<vmem>> -> memref<1x1x8x32xf32, #tpu.memory_space<vmem>>
      %dma_start3A_1167 = tpu.memref_squeeze %dma_start3A_1166 : memref<1x1x8x32xf32, #tpu.memory_space<vmem>> -> memref<8x32xf32, #tpu.memory_space<vmem>>
      %dma_start3A_1168 = arith.constant 0 : i32
      %dma_start3A_1169 = arith.constant 0 : i32
      %dma_start3A_1170 = tpu.memref_slice %arg4[%squeeze3A_1153, %dma_start3A_1168, %dma_start3A_1169] : memref<12500x8x32xf32, #tpu.memory_space<hbm>> -> memref<1x8x32xf32, #tpu.memory_space<hbm>>
      %dma_start3A_1171 = tpu.memref_squeeze %dma_start3A_1170 : memref<1x8x32xf32, #tpu.memory_space<hbm>> -> memref<8x32xf32, #tpu.memory_space<hbm>>
      tpu.enqueue_dma source(%dma_start3A_1171 : memref<8x32xf32, #tpu.memory_space<hbm>>) target(%dma_start3A_1167 : memref<8x32xf32, #tpu.memory_space<vmem>>) target_semaphore(%arg14 : memref<!tpu.dma_semaphore, #tpu.memory_space<semaphore_mem>>)
      %slice3A_1172 = vector.extract_strided_slice %shift_right_logical3A_671 {offsets = [12], sizes = [1], strides = [1]} : vector<16xi32> to vector<1xi32>
      %squeeze3A_1173 = vector.extract %slice3A_1172[0] : i32 from vector<1xi32>
      %dma_start3A_1174 = arith.constant 1 : i32
      %dma_start3A_1175 = arith.constant 12 : i32
      %dma_start3A_1176 = arith.constant 0 : i32
      %dma_start3A_1177 = arith.constant 0 : i32
      %dma_start3A_1178 = tpu.memref_slice %arg10[%dma_start3A_1174, %dma_start3A_1175, %dma_start3A_1176, %dma_start3A_1177] : memref<2x16x8x32xf32, #tpu.memory_space<vmem>> -> memref<1x1x8x32xf32, #tpu.memory_space<vmem>>
      %dma_start3A_1179 = tpu.memref_squeeze %dma_start3A_1178 : memref<1x1x8x32xf32, #tpu.memory_space<vmem>> -> memref<8x32xf32, #tpu.memory_space<vmem>>
      %dma_start3A_1180 = arith.constant 0 : i32
      %dma_start3A_1181 = arith.constant 0 : i32
      %dma_start3A_1182 = tpu.memref_slice %arg5[%squeeze3A_1173, %dma_start3A_1180, %dma_start3A_1181] : memref<125000x8x32xf32, #tpu.memory_space<hbm>> -> memref<1x8x32xf32, #tpu.memory_space<hbm>>
      %dma_start3A_1183 = tpu.memref_squeeze %dma_start3A_1182 : memref<1x8x32xf32, #tpu.memory_space<hbm>> -> memref<8x32xf32, #tpu.memory_space<hbm>>
      %dma_start3A_1184 = arith.constant 0 : i32
      %dma_start3A_1185 = arith.constant 0 : i32
      %dma_start3A_1186 = tpu.memref_slice %arg10[%dma_start3A_1174, %dma_start3A_1175, %dma_start3A_1184, %dma_start3A_1185] : memref<2x16x8x32xf32, #tpu.memory_space<vmem>> -> memref<1x1x8x32xf32, #tpu.memory_space<vmem>>
      %dma_start3A_1187 = tpu.memref_squeeze %dma_start3A_1186 : memref<1x1x8x32xf32, #tpu.memory_space<vmem>> -> memref<8x32xf32, #tpu.memory_space<vmem>>
      %dma_start3A_1188 = arith.constant 0 : i32
      %dma_start3A_1189 = arith.constant 0 : i32
      %dma_start3A_1190 = tpu.memref_slice %arg5[%squeeze3A_1173, %dma_start3A_1188, %dma_start3A_1189] : memref<125000x8x32xf32, #tpu.memory_space<hbm>> -> memref<1x8x32xf32, #tpu.memory_space<hbm>>
      %dma_start3A_1191 = tpu.memref_squeeze %dma_start3A_1190 : memref<1x8x32xf32, #tpu.memory_space<hbm>> -> memref<8x32xf32, #tpu.memory_space<hbm>>
      tpu.enqueue_dma source(%dma_start3A_1191 : memref<8x32xf32, #tpu.memory_space<hbm>>) target(%dma_start3A_1187 : memref<8x32xf32, #tpu.memory_space<vmem>>) target_semaphore(%arg14 : memref<!tpu.dma_semaphore, #tpu.memory_space<semaphore_mem>>)
      %slice3A_1192 = vector.extract_strided_slice %shift_right_logical3A_664 {offsets = [13], sizes = [1], strides = [1]} : vector<16xi32> to vector<1xi32>
      %squeeze3A_1193 = vector.extract %slice3A_1192[0] : i32 from vector<1xi32>
      %dma_start3A_1194 = arith.constant 1 : i32
      %dma_start3A_1195 = arith.constant 13 : i32
      %dma_start3A_1196 = arith.constant 0 : i32
      %dma_start3A_1197 = arith.constant 0 : i32
      %dma_start3A_1198 = tpu.memref_slice %arg9[%dma_start3A_1194, %dma_start3A_1195, %dma_start3A_1196, %dma_start3A_1197] : memref<2x16x8x32xf32, #tpu.memory_space<vmem>> -> memref<1x1x8x32xf32, #tpu.memory_space<vmem>>
      %dma_start3A_1199 = tpu.memref_squeeze %dma_start3A_1198 : memref<1x1x8x32xf32, #tpu.memory_space<vmem>> -> memref<8x32xf32, #tpu.memory_space<vmem>>
      %dma_start3A_1200 = arith.constant 0 : i32
      %dma_start3A_1201 = arith.constant 0 : i32
      %dma_start3A_1202 = tpu.memref_slice %arg4[%squeeze3A_1193, %dma_start3A_1200, %dma_start3A_1201] : memref<12500x8x32xf32, #tpu.memory_space<hbm>> -> memref<1x8x32xf32, #tpu.memory_space<hbm>>
      %dma_start3A_1203 = tpu.memref_squeeze %dma_start3A_1202 : memref<1x8x32xf32, #tpu.memory_space<hbm>> -> memref<8x32xf32, #tpu.memory_space<hbm>>
      %dma_start3A_1204 = arith.constant 0 : i32
      %dma_start3A_1205 = arith.constant 0 : i32
      %dma_start3A_1206 = tpu.memref_slice %arg9[%dma_start3A_1194, %dma_start3A_1195, %dma_start3A_1204, %dma_start3A_1205] : memref<2x16x8x32xf32, #tpu.memory_space<vmem>> -> memref<1x1x8x32xf32, #tpu.memory_space<vmem>>
      %dma_start3A_1207 = tpu.memref_squeeze %dma_start3A_1206 : memref<1x1x8x32xf32, #tpu.memory_space<vmem>> -> memref<8x32xf32, #tpu.memory_space<vmem>>
      %dma_start3A_1208 = arith.constant 0 : i32
      %dma_start3A_1209 = arith.constant 0 : i32
      %dma_start3A_1210 = tpu.memref_slice %arg4[%squeeze3A_1193, %dma_start3A_1208, %dma_start3A_1209] : memref<12500x8x32xf32, #tpu.memory_space<hbm>> -> memref<1x8x32xf32, #tpu.memory_space<hbm>>
      %dma_start3A_1211 = tpu.memref_squeeze %dma_start3A_1210 : memref<1x8x32xf32, #tpu.memory_space<hbm>> -> memref<8x32xf32, #tpu.memory_space<hbm>>
      tpu.enqueue_dma source(%dma_start3A_1211 : memref<8x32xf32, #tpu.memory_space<hbm>>) target(%dma_start3A_1207 : memref<8x32xf32, #tpu.memory_space<vmem>>) target_semaphore(%arg14 : memref<!tpu.dma_semaphore, #tpu.memory_space<semaphore_mem>>)
      %slice3A_1212 = vector.extract_strided_slice %shift_right_logical3A_671 {offsets = [13], sizes = [1], strides = [1]} : vector<16xi32> to vector<1xi32>
      %squeeze3A_1213 = vector.extract %slice3A_1212[0] : i32 from vector<1xi32>
      %dma_start3A_1214 = arith.constant 1 : i32
      %dma_start3A_1215 = arith.constant 13 : i32
      %dma_start3A_1216 = arith.constant 0 : i32
      %dma_start3A_1217 = arith.constant 0 : i32
      %dma_start3A_1218 = tpu.memref_slice %arg10[%dma_start3A_1214, %dma_start3A_1215, %dma_start3A_1216, %dma_start3A_1217] : memref<2x16x8x32xf32, #tpu.memory_space<vmem>> -> memref<1x1x8x32xf32, #tpu.memory_space<vmem>>
      %dma_start3A_1219 = tpu.memref_squeeze %dma_start3A_1218 : memref<1x1x8x32xf32, #tpu.memory_space<vmem>> -> memref<8x32xf32, #tpu.memory_space<vmem>>
      %dma_start3A_1220 = arith.constant 0 : i32
      %dma_start3A_1221 = arith.constant 0 : i32
      %dma_start3A_1222 = tpu.memref_slice %arg5[%squeeze3A_1213, %dma_start3A_1220, %dma_start3A_1221] : memref<125000x8x32xf32, #tpu.memory_space<hbm>> -> memref<1x8x32xf32, #tpu.memory_space<hbm>>
      %dma_start3A_1223 = tpu.memref_squeeze %dma_start3A_1222 : memref<1x8x32xf32, #tpu.memory_space<hbm>> -> memref<8x32xf32, #tpu.memory_space<hbm>>
      %dma_start3A_1224 = arith.constant 0 : i32
      %dma_start3A_1225 = arith.constant 0 : i32
      %dma_start3A_1226 = tpu.memref_slice %arg10[%dma_start3A_1214, %dma_start3A_1215, %dma_start3A_1224, %dma_start3A_1225] : memref<2x16x8x32xf32, #tpu.memory_space<vmem>> -> memref<1x1x8x32xf32, #tpu.memory_space<vmem>>
      %dma_start3A_1227 = tpu.memref_squeeze %dma_start3A_1226 : memref<1x1x8x32xf32, #tpu.memory_space<vmem>> -> memref<8x32xf32, #tpu.memory_space<vmem>>
      %dma_start3A_1228 = arith.constant 0 : i32
      %dma_start3A_1229 = arith.constant 0 : i32
      %dma_start3A_1230 = tpu.memref_slice %arg5[%squeeze3A_1213, %dma_start3A_1228, %dma_start3A_1229] : memref<125000x8x32xf32, #tpu.memory_space<hbm>> -> memref<1x8x32xf32, #tpu.memory_space<hbm>>
      %dma_start3A_1231 = tpu.memref_squeeze %dma_start3A_1230 : memref<1x8x32xf32, #tpu.memory_space<hbm>> -> memref<8x32xf32, #tpu.memory_space<hbm>>
      tpu.enqueue_dma source(%dma_start3A_1231 : memref<8x32xf32, #tpu.memory_space<hbm>>) target(%dma_start3A_1227 : memref<8x32xf32, #tpu.memory_space<vmem>>) target_semaphore(%arg14 : memref<!tpu.dma_semaphore, #tpu.memory_space<semaphore_mem>>)
      %slice3A_1232 = vector.extract_strided_slice %shift_right_logical3A_664 {offsets = [14], sizes = [1], strides = [1]} : vector<16xi32> to vector<1xi32>
      %squeeze3A_1233 = vector.extract %slice3A_1232[0] : i32 from vector<1xi32>
      %dma_start3A_1234 = arith.constant 1 : i32
      %dma_start3A_1235 = arith.constant 14 : i32
      %dma_start3A_1236 = arith.constant 0 : i32
      %dma_start3A_1237 = arith.constant 0 : i32
      %dma_start3A_1238 = tpu.memref_slice %arg9[%dma_start3A_1234, %dma_start3A_1235, %dma_start3A_1236, %dma_start3A_1237] : memref<2x16x8x32xf32, #tpu.memory_space<vmem>> -> memref<1x1x8x32xf32, #tpu.memory_space<vmem>>
      %dma_start3A_1239 = tpu.memref_squeeze %dma_start3A_1238 : memref<1x1x8x32xf32, #tpu.memory_space<vmem>> -> memref<8x32xf32, #tpu.memory_space<vmem>>
      %dma_start3A_1240 = arith.constant 0 : i32
      %dma_start3A_1241 = arith.constant 0 : i32
      %dma_start3A_1242 = tpu.memref_slice %arg4[%squeeze3A_1233, %dma_start3A_1240, %dma_start3A_1241] : memref<12500x8x32xf32, #tpu.memory_space<hbm>> -> memref<1x8x32xf32, #tpu.memory_space<hbm>>
      %dma_start3A_1243 = tpu.memref_squeeze %dma_start3A_1242 : memref<1x8x32xf32, #tpu.memory_space<hbm>> -> memref<8x32xf32, #tpu.memory_space<hbm>>
      %dma_start3A_1244 = arith.constant 0 : i32
      %dma_start3A_1245 = arith.constant 0 : i32
      %dma_start3A_1246 = tpu.memref_slice %arg9[%dma_start3A_1234, %dma_start3A_1235, %dma_start3A_1244, %dma_start3A_1245] : memref<2x16x8x32xf32, #tpu.memory_space<vmem>> -> memref<1x1x8x32xf32, #tpu.memory_space<vmem>>
      %dma_start3A_1247 = tpu.memref_squeeze %dma_start3A_1246 : memref<1x1x8x32xf32, #tpu.memory_space<vmem>> -> memref<8x32xf32, #tpu.memory_space<vmem>>
      %dma_start3A_1248 = arith.constant 0 : i32
      %dma_start3A_1249 = arith.constant 0 : i32
      %dma_start3A_1250 = tpu.memref_slice %arg4[%squeeze3A_1233, %dma_start3A_1248, %dma_start3A_1249] : memref<12500x8x32xf32, #tpu.memory_space<hbm>> -> memref<1x8x32xf32, #tpu.memory_space<hbm>>
      %dma_start3A_1251 = tpu.memref_squeeze %dma_start3A_1250 : memref<1x8x32xf32, #tpu.memory_space<hbm>> -> memref<8x32xf32, #tpu.memory_space<hbm>>
      tpu.enqueue_dma source(%dma_start3A_1251 : memref<8x32xf32, #tpu.memory_space<hbm>>) target(%dma_start3A_1247 : memref<8x32xf32, #tpu.memory_space<vmem>>) target_semaphore(%arg14 : memref<!tpu.dma_semaphore, #tpu.memory_space<semaphore_mem>>)
      %slice3A_1252 = vector.extract_strided_slice %shift_right_logical3A_671 {offsets = [14], sizes = [1], strides = [1]} : vector<16xi32> to vector<1xi32>
      %squeeze3A_1253 = vector.extract %slice3A_1252[0] : i32 from vector<1xi32>
      %dma_start3A_1254 = arith.constant 1 : i32
      %dma_start3A_1255 = arith.constant 14 : i32
      %dma_start3A_1256 = arith.constant 0 : i32
      %dma_start3A_1257 = arith.constant 0 : i32
      %dma_start3A_1258 = tpu.memref_slice %arg10[%dma_start3A_1254, %dma_start3A_1255, %dma_start3A_1256, %dma_start3A_1257] : memref<2x16x8x32xf32, #tpu.memory_space<vmem>> -> memref<1x1x8x32xf32, #tpu.memory_space<vmem>>
      %dma_start3A_1259 = tpu.memref_squeeze %dma_start3A_1258 : memref<1x1x8x32xf32, #tpu.memory_space<vmem>> -> memref<8x32xf32, #tpu.memory_space<vmem>>
      %dma_start3A_1260 = arith.constant 0 : i32
      %dma_start3A_1261 = arith.constant 0 : i32
      %dma_start3A_1262 = tpu.memref_slice %arg5[%squeeze3A_1253, %dma_start3A_1260, %dma_start3A_1261] : memref<125000x8x32xf32, #tpu.memory_space<hbm>> -> memref<1x8x32xf32, #tpu.memory_space<hbm>>
      %dma_start3A_1263 = tpu.memref_squeeze %dma_start3A_1262 : memref<1x8x32xf32, #tpu.memory_space<hbm>> -> memref<8x32xf32, #tpu.memory_space<hbm>>
      %dma_start3A_1264 = arith.constant 0 : i32
      %dma_start3A_1265 = arith.constant 0 : i32
      %dma_start3A_1266 = tpu.memref_slice %arg10[%dma_start3A_1254, %dma_start3A_1255, %dma_start3A_1264, %dma_start3A_1265] : memref<2x16x8x32xf32, #tpu.memory_space<vmem>> -> memref<1x1x8x32xf32, #tpu.memory_space<vmem>>
      %dma_start3A_1267 = tpu.memref_squeeze %dma_start3A_1266 : memref<1x1x8x32xf32, #tpu.memory_space<vmem>> -> memref<8x32xf32, #tpu.memory_space<vmem>>
      %dma_start3A_1268 = arith.constant 0 : i32
      %dma_start3A_1269 = arith.constant 0 : i32
      %dma_start3A_1270 = tpu.memref_slice %arg5[%squeeze3A_1253, %dma_start3A_1268, %dma_start3A_1269] : memref<125000x8x32xf32, #tpu.memory_space<hbm>> -> memref<1x8x32xf32, #tpu.memory_space<hbm>>
      %dma_start3A_1271 = tpu.memref_squeeze %dma_start3A_1270 : memref<1x8x32xf32, #tpu.memory_space<hbm>> -> memref<8x32xf32, #tpu.memory_space<hbm>>
      tpu.enqueue_dma source(%dma_start3A_1271 : memref<8x32xf32, #tpu.memory_space<hbm>>) target(%dma_start3A_1267 : memref<8x32xf32, #tpu.memory_space<vmem>>) target_semaphore(%arg14 : memref<!tpu.dma_semaphore, #tpu.memory_space<semaphore_mem>>)
      %slice3A_1272 = vector.extract_strided_slice %shift_right_logical3A_664 {offsets = [15], sizes = [1], strides = [1]} : vector<16xi32> to vector<1xi32>
      %squeeze3A_1273 = vector.extract %slice3A_1272[0] : i32 from vector<1xi32>
      %dma_start3A_1274 = arith.constant 1 : i32
      %dma_start3A_1275 = arith.constant 15 : i32
      %dma_start3A_1276 = arith.constant 0 : i32
      %dma_start3A_1277 = arith.constant 0 : i32
      %dma_start3A_1278 = tpu.memref_slice %arg9[%dma_start3A_1274, %dma_start3A_1275, %dma_start3A_1276, %dma_start3A_1277] : memref<2x16x8x32xf32, #tpu.memory_space<vmem>> -> memref<1x1x8x32xf32, #tpu.memory_space<vmem>>
      %dma_start3A_1279 = tpu.memref_squeeze %dma_start3A_1278 : memref<1x1x8x32xf32, #tpu.memory_space<vmem>> -> memref<8x32xf32, #tpu.memory_space<vmem>>
      %dma_start3A_1280 = arith.constant 0 : i32
      %dma_start3A_1281 = arith.constant 0 : i32
      %dma_start3A_1282 = tpu.memref_slice %arg4[%squeeze3A_1273, %dma_start3A_1280, %dma_start3A_1281] : memref<12500x8x32xf32, #tpu.memory_space<hbm>> -> memref<1x8x32xf32, #tpu.memory_space<hbm>>
      %dma_start3A_1283 = tpu.memref_squeeze %dma_start3A_1282 : memref<1x8x32xf32, #tpu.memory_space<hbm>> -> memref<8x32xf32, #tpu.memory_space<hbm>>
      %dma_start3A_1284 = arith.constant 0 : i32
      %dma_start3A_1285 = arith.constant 0 : i32
      %dma_start3A_1286 = tpu.memref_slice %arg9[%dma_start3A_1274, %dma_start3A_1275, %dma_start3A_1284, %dma_start3A_1285] : memref<2x16x8x32xf32, #tpu.memory_space<vmem>> -> memref<1x1x8x32xf32, #tpu.memory_space<vmem>>
      %dma_start3A_1287 = tpu.memref_squeeze %dma_start3A_1286 : memref<1x1x8x32xf32, #tpu.memory_space<vmem>> -> memref<8x32xf32, #tpu.memory_space<vmem>>
      %dma_start3A_1288 = arith.constant 0 : i32
      %dma_start3A_1289 = arith.constant 0 : i32
      %dma_start3A_1290 = tpu.memref_slice %arg4[%squeeze3A_1273, %dma_start3A_1288, %dma_start3A_1289] : memref<12500x8x32xf32, #tpu.memory_space<hbm>> -> memref<1x8x32xf32, #tpu.memory_space<hbm>>
      %dma_start3A_1291 = tpu.memref_squeeze %dma_start3A_1290 : memref<1x8x32xf32, #tpu.memory_space<hbm>> -> memref<8x32xf32, #tpu.memory_space<hbm>>
      tpu.enqueue_dma source(%dma_start3A_1291 : memref<8x32xf32, #tpu.memory_space<hbm>>) target(%dma_start3A_1287 : memref<8x32xf32, #tpu.memory_space<vmem>>) target_semaphore(%arg14 : memref<!tpu.dma_semaphore, #tpu.memory_space<semaphore_mem>>)
      %slice3A_1292 = vector.extract_strided_slice %shift_right_logical3A_671 {offsets = [15], sizes = [1], strides = [1]} : vector<16xi32> to vector<1xi32>
      %squeeze3A_1293 = vector.extract %slice3A_1292[0] : i32 from vector<1xi32>
      %dma_start3A_1294 = arith.constant 1 : i32
      %dma_start3A_1295 = arith.constant 15 : i32
      %dma_start3A_1296 = arith.constant 0 : i32
      %dma_start3A_1297 = arith.constant 0 : i32
      %dma_start3A_1298 = tpu.memref_slice %arg10[%dma_start3A_1294, %dma_start3A_1295, %dma_start3A_1296, %dma_start3A_1297] : memref<2x16x8x32xf32, #tpu.memory_space<vmem>> -> memref<1x1x8x32xf32, #tpu.memory_space<vmem>>
      %dma_start3A_1299 = tpu.memref_squeeze %dma_start3A_1298 : memref<1x1x8x32xf32, #tpu.memory_space<vmem>> -> memref<8x32xf32, #tpu.memory_space<vmem>>
      %dma_start3A_1300 = arith.constant 0 : i32
      %dma_start3A_1301 = arith.constant 0 : i32
      %dma_start3A_1302 = tpu.memref_slice %arg5[%squeeze3A_1293, %dma_start3A_1300, %dma_start3A_1301] : memref<125000x8x32xf32, #tpu.memory_space<hbm>> -> memref<1x8x32xf32, #tpu.memory_space<hbm>>
      %dma_start3A_1303 = tpu.memref_squeeze %dma_start3A_1302 : memref<1x8x32xf32, #tpu.memory_space<hbm>> -> memref<8x32xf32, #tpu.memory_space<hbm>>
      %dma_start3A_1304 = arith.constant 0 : i32
      %dma_start3A_1305 = arith.constant 0 : i32
      %dma_start3A_1306 = tpu.memref_slice %arg10[%dma_start3A_1294, %dma_start3A_1295, %dma_start3A_1304, %dma_start3A_1305] : memref<2x16x8x32xf32, #tpu.memory_space<vmem>> -> memref<1x1x8x32xf32, #tpu.memory_space<vmem>>
      %dma_start3A_1307 = tpu.memref_squeeze %dma_start3A_1306 : memref<1x1x8x32xf32, #tpu.memory_space<vmem>> -> memref<8x32xf32, #tpu.memory_space<vmem>>
      %dma_start3A_1308 = arith.constant 0 : i32
      %dma_start3A_1309 = arith.constant 0 : i32
      %dma_start3A_1310 = tpu.memref_slice %arg5[%squeeze3A_1293, %dma_start3A_1308, %dma_start3A_1309] : memref<125000x8x32xf32, #tpu.memory_space<hbm>> -> memref<1x8x32xf32, #tpu.memory_space<hbm>>
      %dma_start3A_1311 = tpu.memref_squeeze %dma_start3A_1310 : memref<1x8x32xf32, #tpu.memory_space<hbm>> -> memref<8x32xf32, #tpu.memory_space<hbm>>
      tpu.enqueue_dma source(%dma_start3A_1311 : memref<8x32xf32, #tpu.memory_space<hbm>>) target(%dma_start3A_1307 : memref<8x32xf32, #tpu.memory_space<vmem>>) target_semaphore(%arg14 : memref<!tpu.dma_semaphore, #tpu.memory_space<semaphore_mem>>)
      %dma_wait3A = arith.constant 0 : i32
      %dma_wait3A_1312 = arith.constant 0 : i32
      %dma_wait3A_1313 = arith.constant 0 : i32
      %dma_wait3A_1314 = arith.constant 0 : i32
      %dma_wait3A_1315 = tpu.memref_slice %arg9[%dma_wait3A, %dma_wait3A_1312, %dma_wait3A_1313, %dma_wait3A_1314] : memref<2x16x8x32xf32, #tpu.memory_space<vmem>> -> memref<1x16x8x32xf32, #tpu.memory_space<vmem>>
      %dma_wait3A_1316 = tpu.memref_squeeze %dma_wait3A_1315 : memref<1x16x8x32xf32, #tpu.memory_space<vmem>> -> memref<16x8x32xf32, #tpu.memory_space<vmem>>
      %dma_wait3A_1317 = arith.constant 0 : i32
      %dma_wait3A_1318 = arith.constant 0 : i32
      %dma_wait3A_1319 = arith.constant 0 : i32
      %dma_wait3A_1320 = tpu.memref_slice %arg4[%dma_wait3A_1317, %dma_wait3A_1318, %dma_wait3A_1319] : memref<12500x8x32xf32, #tpu.memory_space<hbm>> -> memref<16x8x32xf32, #tpu.memory_space<hbm>>
      %dma_wait3A_1321 = arith.constant 0 : i32
      %dma_wait3A_1322 = arith.constant 0 : i32
      %dma_wait3A_1323 = arith.constant 0 : i32
      %dma_wait3A_1324 = tpu.memref_slice %arg9[%dma_wait3A, %dma_wait3A_1321, %dma_wait3A_1322, %dma_wait3A_1323] : memref<2x16x8x32xf32, #tpu.memory_space<vmem>> -> memref<1x16x8x32xf32, #tpu.memory_space<vmem>>
      %dma_wait3A_1325 = tpu.memref_squeeze %dma_wait3A_1324 : memref<1x16x8x32xf32, #tpu.memory_space<vmem>> -> memref<16x8x32xf32, #tpu.memory_space<vmem>>
      %dma_wait3A_1326 = arith.constant 0 : i32
      %dma_wait3A_1327 = arith.constant 0 : i32
      %dma_wait3A_1328 = arith.constant 0 : i32
      %dma_wait3A_1329 = tpu.memref_slice %arg4[%dma_wait3A_1326, %dma_wait3A_1327, %dma_wait3A_1328] : memref<12500x8x32xf32, #tpu.memory_space<hbm>> -> memref<16x8x32xf32, #tpu.memory_space<hbm>>
      tpu.wait_dma2 semaphore(%arg13 : memref<!tpu.dma_semaphore, #tpu.memory_space<semaphore_mem>>) src(%dma_wait3A_1329 : memref<16x8x32xf32, #tpu.memory_space<hbm>>) dst(%dma_wait3A_1325 : memref<16x8x32xf32, #tpu.memory_space<vmem>>)
      %dma_wait3A_1330 = arith.constant 0 : i32
      %dma_wait3A_1331 = arith.constant 0 : i32
      %dma_wait3A_1332 = arith.constant 0 : i32
      %dma_wait3A_1333 = arith.constant 0 : i32
      %dma_wait3A_1334 = tpu.memref_slice %arg10[%dma_wait3A_1330, %dma_wait3A_1331, %dma_wait3A_1332, %dma_wait3A_1333] : memref<2x16x8x32xf32, #tpu.memory_space<vmem>> -> memref<1x16x8x32xf32, #tpu.memory_space<vmem>>
      %dma_wait3A_1335 = tpu.memref_squeeze %dma_wait3A_1334 : memref<1x16x8x32xf32, #tpu.memory_space<vmem>> -> memref<16x8x32xf32, #tpu.memory_space<vmem>>
      %dma_wait3A_1336 = arith.constant 0 : i32
      %dma_wait3A_1337 = arith.constant 0 : i32
      %dma_wait3A_1338 = arith.constant 0 : i32
      %dma_wait3A_1339 = tpu.memref_slice %arg5[%dma_wait3A_1336, %dma_wait3A_1337, %dma_wait3A_1338] : memref<125000x8x32xf32, #tpu.memory_space<hbm>> -> memref<16x8x32xf32, #tpu.memory_space<hbm>>
      %dma_wait3A_1340 = arith.constant 0 : i32
      %dma_wait3A_1341 = arith.constant 0 : i32
      %dma_wait3A_1342 = arith.constant 0 : i32
      %dma_wait3A_1343 = tpu.memref_slice %arg10[%dma_wait3A_1330, %dma_wait3A_1340, %dma_wait3A_1341, %dma_wait3A_1342] : memref<2x16x8x32xf32, #tpu.memory_space<vmem>> -> memref<1x16x8x32xf32, #tpu.memory_space<vmem>>
      %dma_wait3A_1344 = tpu.memref_squeeze %dma_wait3A_1343 : memref<1x16x8x32xf32, #tpu.memory_space<vmem>> -> memref<16x8x32xf32, #tpu.memory_space<vmem>>
      %dma_wait3A_1345 = arith.constant 0 : i32
      %dma_wait3A_1346 = arith.constant 0 : i32
      %dma_wait3A_1347 = arith.constant 0 : i32
      %dma_wait3A_1348 = tpu.memref_slice %arg5[%dma_wait3A_1345, %dma_wait3A_1346, %dma_wait3A_1347] : memref<125000x8x32xf32, #tpu.memory_space<hbm>> -> memref<16x8x32xf32, #tpu.memory_space<hbm>>
      tpu.wait_dma2 semaphore(%arg13 : memref<!tpu.dma_semaphore, #tpu.memory_space<semaphore_mem>>) src(%dma_wait3A_1348 : memref<16x8x32xf32, #tpu.memory_space<hbm>>) dst(%dma_wait3A_1344 : memref<16x8x32xf32, #tpu.memory_space<vmem>>)
      %mul3A_1349 = arith.constant 16 : i32
      %mul3A_1350 = arith.muli %mul3A_655, %mul3A_1349 : i32
      %get3A_1351 = arith.index_cast %mul3A_1350 : i32 to index
      %get3A_1352 = tpu.vector_load %arg7[%get3A_1351] {strides = array<i32>} : memref<512xi32, #tpu.memory_space<vmem>>, vector<16xi32>,
      %and3A = arith.constant 7 : i32
      %and3A_1353 = vector.broadcast %and3A : i32 to vector<16xi32>
      %and3A_1354 = arith.andi %get3A_1352, %and3A_1353 : vector<16xi32>
      %mul3A_1355 = arith.constant 16 : i32
      %mul3A_1356 = arith.muli %mul3A_655, %mul3A_1355 : i32
      %get3A_1357 = arith.index_cast %mul3A_1356 : i32 to index
      %get3A_1358 = tpu.vector_load %arg8[%get3A_1357] {strides = array<i32>} : memref<512xi32, #tpu.memory_space<vmem>>, vector<16xi32>,
      %and3A_1359 = arith.constant 7 : i32
      %and3A_1360 = vector.broadcast %and3A_1359 : i32 to vector<16xi32>
      %and3A_1361 = arith.andi %get3A_1358, %and3A_1360 : vector<16xi32>
      %slice3A_1362 = vector.extract_strided_slice %and3A_1354 {offsets = [0], sizes = [1], strides = [1]} : vector<16xi32> to vector<1xi32>
      %squeeze3A_1363 = vector.extract %slice3A_1362[0] : i32 from vector<1xi32>
      %slice3A_1364 = vector.extract_strided_slice %and3A_1361 {offsets = [0], sizes = [1], strides = [1]} : vector<16xi32> to vector<1xi32>
      %squeeze3A_1365 = vector.extract %slice3A_1364[0] : i32 from vector<1xi32>
      %get3A_1366 = arith.constant 0 : i32
      %get3A_1367 = arith.constant 0 : i32
      %get3A_1368 = arith.index_cast %get3A_1366 : i32 to index
      %get3A_1369 = arith.index_cast %get3A_1367 : i32 to index
      %get3A_1370 = arith.index_cast %squeeze3A_1363 : i32 to index
      %get3A_1371 = arith.constant 0 : index
      %get3A_1372 = tpu.vector_load %arg9[%get3A_1368, %get3A_1369, %get3A_1370, %get3A_1371] {strides = array<i32>} : memref<2x16x8x32xf32, #tpu.memory_space<vmem>>, vector<16xf32>,
      %get3A_1373 = arith.constant 0 : i32
      %get3A_1374 = arith.constant 0 : i32
      %get3A_1375 = arith.index_cast %get3A_1373 : i32 to index
      %get3A_1376 = arith.index_cast %get3A_1374 : i32 to index
      %get3A_1377 = arith.index_cast %squeeze3A_1365 : i32 to index
      %get3A_1378 = arith.constant 0 : index
      %get3A_1379 = tpu.vector_load %arg10[%get3A_1375, %get3A_1376, %get3A_1377, %get3A_1378] {strides = array<i32>} : memref<2x16x8x32xf32, #tpu.memory_space<vmem>>, vector<16xf32>,
      %mul3A_1380 = arith.mulf %get3A_1372, %get3A_1379 : vector<16xf32>
      %get3A_1381 = arith.constant 0 : i32
      %get3A_1382 = arith.constant 0 : i32
      %get3A_1383 = arith.index_cast %get3A_1381 : i32 to index
      %get3A_1384 = arith.index_cast %get3A_1382 : i32 to index
      %get3A_1385 = arith.index_cast %squeeze3A_1363 : i32 to index
      %get3A_1386 = arith.constant 16 : index
      %get3A_1387 = tpu.vector_load %arg9[%get3A_1383, %get3A_1384, %get3A_1385, %get3A_1386] {strides = array<i32>} : memref<2x16x8x32xf32, #tpu.memory_space<vmem>>, vector<16xf32>,
      %get3A_1388 = arith.constant 0 : i32
      %get3A_1389 = arith.constant 0 : i32
      %get3A_1390 = arith.index_cast %get3A_1388 : i32 to index
      %get3A_1391 = arith.index_cast %get3A_1389 : i32 to index
      %get3A_1392 = arith.index_cast %squeeze3A_1365 : i32 to index
      %get3A_1393 = arith.constant 16 : index
      %get3A_1394 = tpu.vector_load %arg10[%get3A_1390, %get3A_1391, %get3A_1392, %get3A_1393] {strides = array<i32>} : memref<2x16x8x32xf32, #tpu.memory_space<vmem>>, vector<16xf32>,
      %mul3A_1395 = arith.mulf %get3A_1387, %get3A_1394 : vector<16xf32>
      %add3A_1396 = arith.addf %mul3A_1380, %mul3A_1395 : vector<16xf32>
      %swap3A = arith.constant 0 : i32
      %swap3A_1397 = arith.index_cast %swap3A : i32 to index
      %swap3A_1398 = arith.constant 0 : index
      %swap3A_1399 = tpu.vector_load %arg11[%swap3A_1397, %swap3A_1398] {strides = array<i32>} : memref<16x17xf32, #tpu.memory_space<vmem>>, vector<16xf32>,
      tpu.vector_store %arg11[%swap3A_1397, %swap3A_1398], %add3A_1396 {strides = array<i32>} : memref<16x17xf32, #tpu.memory_space<vmem>>, vector<16xf32>,
      %slice3A_1400 = vector.extract_strided_slice %and3A_1354 {offsets = [1], sizes = [1], strides = [1]} : vector<16xi32> to vector<1xi32>
      %squeeze3A_1401 = vector.extract %slice3A_1400[0] : i32 from vector<1xi32>
      %slice3A_1402 = vector.extract_strided_slice %and3A_1361 {offsets = [1], sizes = [1], strides = [1]} : vector<16xi32> to vector<1xi32>
      %squeeze3A_1403 = vector.extract %slice3A_1402[0] : i32 from vector<1xi32>
      %get3A_1404 = arith.constant 0 : i32
      %get3A_1405 = arith.constant 1 : i32
      %get3A_1406 = arith.index_cast %get3A_1404 : i32 to index
      %get3A_1407 = arith.index_cast %get3A_1405 : i32 to index
      %get3A_1408 = arith.index_cast %squeeze3A_1401 : i32 to index
      %get3A_1409 = arith.constant 0 : index
      %get3A_1410 = tpu.vector_load %arg9[%get3A_1406, %get3A_1407, %get3A_1408, %get3A_1409] {strides = array<i32>} : memref<2x16x8x32xf32, #tpu.memory_space<vmem>>, vector<16xf32>,
      %get3A_1411 = arith.constant 0 : i32
      %get3A_1412 = arith.constant 1 : i32
      %get3A_1413 = arith.index_cast %get3A_1411 : i32 to index
      %get3A_1414 = arith.index_cast %get3A_1412 : i32 to index
      %get3A_1415 = arith.index_cast %squeeze3A_1403 : i32 to index
      %get3A_1416 = arith.constant 0 : index
      %get3A_1417 = tpu.vector_load %arg10[%get3A_1413, %get3A_1414, %get3A_1415, %get3A_1416] {strides = array<i32>} : memref<2x16x8x32xf32, #tpu.memory_space<vmem>>, vector<16xf32>,
      %mul3A_1418 = arith.mulf %get3A_1410, %get3A_1417 : vector<16xf32>
      %get3A_1419 = arith.constant 0 : i32
      %get3A_1420 = arith.constant 1 : i32
      %get3A_1421 = arith.index_cast %get3A_1419 : i32 to index
      %get3A_1422 = arith.index_cast %get3A_1420 : i32 to index
      %get3A_1423 = arith.index_cast %squeeze3A_1401 : i32 to index
      %get3A_1424 = arith.constant 16 : index
      %get3A_1425 = tpu.vector_load %arg9[%get3A_1421, %get3A_1422, %get3A_1423, %get3A_1424] {strides = array<i32>} : memref<2x16x8x32xf32, #tpu.memory_space<vmem>>, vector<16xf32>,
      %get3A_1426 = arith.constant 0 : i32
      %get3A_1427 = arith.constant 1 : i32
      %get3A_1428 = arith.index_cast %get3A_1426 : i32 to index
      %get3A_1429 = arith.index_cast %get3A_1427 : i32 to index
      %get3A_1430 = arith.index_cast %squeeze3A_1403 : i32 to index
      %get3A_1431 = arith.constant 16 : index
      %get3A_1432 = tpu.vector_load %arg10[%get3A_1428, %get3A_1429, %get3A_1430, %get3A_1431] {strides = array<i32>} : memref<2x16x8x32xf32, #tpu.memory_space<vmem>>, vector<16xf32>,
      %mul3A_1433 = arith.mulf %get3A_1425, %get3A_1432 : vector<16xf32>
      %add3A_1434 = arith.addf %mul3A_1418, %mul3A_1433 : vector<16xf32>
      %swap3A_1435 = arith.constant 1 : i32
      %swap3A_1436 = arith.index_cast %swap3A_1435 : i32 to index
      %swap3A_1437 = arith.constant 0 : index
      %swap3A_1438 = tpu.vector_load %arg11[%swap3A_1436, %swap3A_1437] {strides = array<i32>} : memref<16x17xf32, #tpu.memory_space<vmem>>, vector<16xf32>,
      tpu.vector_store %arg11[%swap3A_1436, %swap3A_1437], %add3A_1434 {strides = array<i32>} : memref<16x17xf32, #tpu.memory_space<vmem>>, vector<16xf32>,
      %slice3A_1439 = vector.extract_strided_slice %and3A_1354 {offsets = [2], sizes = [1], strides = [1]} : vector<16xi32> to vector<1xi32>
      %squeeze3A_1440 = vector.extract %slice3A_1439[0] : i32 from vector<1xi32>
      %slice3A_1441 = vector.extract_strided_slice %and3A_1361 {offsets = [2], sizes = [1], strides = [1]} : vector<16xi32> to vector<1xi32>
      %squeeze3A_1442 = vector.extract %slice3A_1441[0] : i32 from vector<1xi32>
      %get3A_1443 = arith.constant 0 : i32
      %get3A_1444 = arith.constant 2 : i32
      %get3A_1445 = arith.index_cast %get3A_1443 : i32 to index
      %get3A_1446 = arith.index_cast %get3A_1444 : i32 to index
      %get3A_1447 = arith.index_cast %squeeze3A_1440 : i32 to index
      %get3A_1448 = arith.constant 0 : index
      %get3A_1449 = tpu.vector_load %arg9[%get3A_1445, %get3A_1446, %get3A_1447, %get3A_1448] {strides = array<i32>} : memref<2x16x8x32xf32, #tpu.memory_space<vmem>>, vector<16xf32>,
      %get3A_1450 = arith.constant 0 : i32
      %get3A_1451 = arith.constant 2 : i32
      %get3A_1452 = arith.index_cast %get3A_1450 : i32 to index
      %get3A_1453 = arith.index_cast %get3A_1451 : i32 to index
      %get3A_1454 = arith.index_cast %squeeze3A_1442 : i32 to index
      %get3A_1455 = arith.constant 0 : index
      %get3A_1456 = tpu.vector_load %arg10[%get3A_1452, %get3A_1453, %get3A_1454, %get3A_1455] {strides = array<i32>} : memref<2x16x8x32xf32, #tpu.memory_space<vmem>>, vector<16xf32>,
      %mul3A_1457 = arith.mulf %get3A_1449, %get3A_1456 : vector<16xf32>
      %get3A_1458 = arith.constant 0 : i32
      %get3A_1459 = arith.constant 2 : i32
      %get3A_1460 = arith.index_cast %get3A_1458 : i32 to index
      %get3A_1461 = arith.index_cast %get3A_1459 : i32 to index
      %get3A_1462 = arith.index_cast %squeeze3A_1440 : i32 to index
      %get3A_1463 = arith.constant 16 : index
      %get3A_1464 = tpu.vector_load %arg9[%get3A_1460, %get3A_1461, %get3A_1462, %get3A_1463] {strides = array<i32>} : memref<2x16x8x32xf32, #tpu.memory_space<vmem>>, vector<16xf32>,
      %get3A_1465 = arith.constant 0 : i32
      %get3A_1466 = arith.constant 2 : i32
      %get3A_1467 = arith.index_cast %get3A_1465 : i32 to index
      %get3A_1468 = arith.index_cast %get3A_1466 : i32 to index
      %get3A_1469 = arith.index_cast %squeeze3A_1442 : i32 to index
      %get3A_1470 = arith.constant 16 : index
      %get3A_1471 = tpu.vector_load %arg10[%get3A_1467, %get3A_1468, %get3A_1469, %get3A_1470] {strides = array<i32>} : memref<2x16x8x32xf32, #tpu.memory_space<vmem>>, vector<16xf32>,
      %mul3A_1472 = arith.mulf %get3A_1464, %get3A_1471 : vector<16xf32>
      %add3A_1473 = arith.addf %mul3A_1457, %mul3A_1472 : vector<16xf32>
      %swap3A_1474 = arith.constant 2 : i32
      %swap3A_1475 = arith.index_cast %swap3A_1474 : i32 to index
      %swap3A_1476 = arith.constant 0 : index
      %swap3A_1477 = tpu.vector_load %arg11[%swap3A_1475, %swap3A_1476] {strides = array<i32>} : memref<16x17xf32, #tpu.memory_space<vmem>>, vector<16xf32>,
      tpu.vector_store %arg11[%swap3A_1475, %swap3A_1476], %add3A_1473 {strides = array<i32>} : memref<16x17xf32, #tpu.memory_space<vmem>>, vector<16xf32>,
      %slice3A_1478 = vector.extract_strided_slice %and3A_1354 {offsets = [3], sizes = [1], strides = [1]} : vector<16xi32> to vector<1xi32>
      %squeeze3A_1479 = vector.extract %slice3A_1478[0] : i32 from vector<1xi32>
      %slice3A_1480 = vector.extract_strided_slice %and3A_1361 {offsets = [3], sizes = [1], strides = [1]} : vector<16xi32> to vector<1xi32>
      %squeeze3A_1481 = vector.extract %slice3A_1480[0] : i32 from vector<1xi32>
      %get3A_1482 = arith.constant 0 : i32
      %get3A_1483 = arith.constant 3 : i32
      %get3A_1484 = arith.index_cast %get3A_1482 : i32 to index
      %get3A_1485 = arith.index_cast %get3A_1483 : i32 to index
      %get3A_1486 = arith.index_cast %squeeze3A_1479 : i32 to index
      %get3A_1487 = arith.constant 0 : index
      %get3A_1488 = tpu.vector_load %arg9[%get3A_1484, %get3A_1485, %get3A_1486, %get3A_1487] {strides = array<i32>} : memref<2x16x8x32xf32, #tpu.memory_space<vmem>>, vector<16xf32>,
      %get3A_1489 = arith.constant 0 : i32
      %get3A_1490 = arith.constant 3 : i32
      %get3A_1491 = arith.index_cast %get3A_1489 : i32 to index
      %get3A_1492 = arith.index_cast %get3A_1490 : i32 to index
      %get3A_1493 = arith.index_cast %squeeze3A_1481 : i32 to index
      %get3A_1494 = arith.constant 0 : index
      %get3A_1495 = tpu.vector_load %arg10[%get3A_1491, %get3A_1492, %get3A_1493, %get3A_1494] {strides = array<i32>} : memref<2x16x8x32xf32, #tpu.memory_space<vmem>>, vector<16xf32>,
      %mul3A_1496 = arith.mulf %get3A_1488, %get3A_1495 : vector<16xf32>
      %get3A_1497 = arith.constant 0 : i32
      %get3A_1498 = arith.constant 3 : i32
      %get3A_1499 = arith.index_cast %get3A_1497 : i32 to index
      %get3A_1500 = arith.index_cast %get3A_1498 : i32 to index
      %get3A_1501 = arith.index_cast %squeeze3A_1479 : i32 to index
      %get3A_1502 = arith.constant 16 : index
      %get3A_1503 = tpu.vector_load %arg9[%get3A_1499, %get3A_1500, %get3A_1501, %get3A_1502] {strides = array<i32>} : memref<2x16x8x32xf32, #tpu.memory_space<vmem>>, vector<16xf32>,
      %get3A_1504 = arith.constant 0 : i32
      %get3A_1505 = arith.constant 3 : i32
      %get3A_1506 = arith.index_cast %get3A_1504 : i32 to index
      %get3A_1507 = arith.index_cast %get3A_1505 : i32 to index
      %get3A_1508 = arith.index_cast %squeeze3A_1481 : i32 to index
      %get3A_1509 = arith.constant 16 : index
      %get3A_1510 = tpu.vector_load %arg10[%get3A_1506, %get3A_1507, %get3A_1508, %get3A_1509] {strides = array<i32>} : memref<2x16x8x32xf32, #tpu.memory_space<vmem>>, vector<16xf32>,
      %mul3A_1511 = arith.mulf %get3A_1503, %get3A_1510 : vector<16xf32>
      %add3A_1512 = arith.addf %mul3A_1496, %mul3A_1511 : vector<16xf32>
      %swap3A_1513 = arith.constant 3 : i32
      %swap3A_1514 = arith.index_cast %swap3A_1513 : i32 to index
      %swap3A_1515 = arith.constant 0 : index
      %swap3A_1516 = tpu.vector_load %arg11[%swap3A_1514, %swap3A_1515] {strides = array<i32>} : memref<16x17xf32, #tpu.memory_space<vmem>>, vector<16xf32>,
      tpu.vector_store %arg11[%swap3A_1514, %swap3A_1515], %add3A_1512 {strides = array<i32>} : memref<16x17xf32, #tpu.memory_space<vmem>>, vector<16xf32>,
      %slice3A_1517 = vector.extract_strided_slice %and3A_1354 {offsets = [4], sizes = [1], strides = [1]} : vector<16xi32> to vector<1xi32>
      %squeeze3A_1518 = vector.extract %slice3A_1517[0] : i32 from vector<1xi32>
      %slice3A_1519 = vector.extract_strided_slice %and3A_1361 {offsets = [4], sizes = [1], strides = [1]} : vector<16xi32> to vector<1xi32>
      %squeeze3A_1520 = vector.extract %slice3A_1519[0] : i32 from vector<1xi32>
      %get3A_1521 = arith.constant 0 : i32
      %get3A_1522 = arith.constant 4 : i32
      %get3A_1523 = arith.index_cast %get3A_1521 : i32 to index
      %get3A_1524 = arith.index_cast %get3A_1522 : i32 to index
      %get3A_1525 = arith.index_cast %squeeze3A_1518 : i32 to index
      %get3A_1526 = arith.constant 0 : index
      %get3A_1527 = tpu.vector_load %arg9[%get3A_1523, %get3A_1524, %get3A_1525, %get3A_1526] {strides = array<i32>} : memref<2x16x8x32xf32, #tpu.memory_space<vmem>>, vector<16xf32>,
      %get3A_1528 = arith.constant 0 : i32
      %get3A_1529 = arith.constant 4 : i32
      %get3A_1530 = arith.index_cast %get3A_1528 : i32 to index
      %get3A_1531 = arith.index_cast %get3A_1529 : i32 to index
      %get3A_1532 = arith.index_cast %squeeze3A_1520 : i32 to index
      %get3A_1533 = arith.constant 0 : index
      %get3A_1534 = tpu.vector_load %arg10[%get3A_1530, %get3A_1531, %get3A_1532, %get3A_1533] {strides = array<i32>} : memref<2x16x8x32xf32, #tpu.memory_space<vmem>>, vector<16xf32>,
      %mul3A_1535 = arith.mulf %get3A_1527, %get3A_1534 : vector<16xf32>
      %get3A_1536 = arith.constant 0 : i32
      %get3A_1537 = arith.constant 4 : i32
      %get3A_1538 = arith.index_cast %get3A_1536 : i32 to index
      %get3A_1539 = arith.index_cast %get3A_1537 : i32 to index
      %get3A_1540 = arith.index_cast %squeeze3A_1518 : i32 to index
      %get3A_1541 = arith.constant 16 : index
      %get3A_1542 = tpu.vector_load %arg9[%get3A_1538, %get3A_1539, %get3A_1540, %get3A_1541] {strides = array<i32>} : memref<2x16x8x32xf32, #tpu.memory_space<vmem>>, vector<16xf32>,
      %get3A_1543 = arith.constant 0 : i32
      %get3A_1544 = arith.constant 4 : i32
      %get3A_1545 = arith.index_cast %get3A_1543 : i32 to index
      %get3A_1546 = arith.index_cast %get3A_1544 : i32 to index
      %get3A_1547 = arith.index_cast %squeeze3A_1520 : i32 to index
      %get3A_1548 = arith.constant 16 : index
      %get3A_1549 = tpu.vector_load %arg10[%get3A_1545, %get3A_1546, %get3A_1547, %get3A_1548] {strides = array<i32>} : memref<2x16x8x32xf32, #tpu.memory_space<vmem>>, vector<16xf32>,
      %mul3A_1550 = arith.mulf %get3A_1542, %get3A_1549 : vector<16xf32>
      %add3A_1551 = arith.addf %mul3A_1535, %mul3A_1550 : vector<16xf32>
      %swap3A_1552 = arith.constant 4 : i32
      %swap3A_1553 = arith.index_cast %swap3A_1552 : i32 to index
      %swap3A_1554 = arith.constant 0 : index
      %swap3A_1555 = tpu.vector_load %arg11[%swap3A_1553, %swap3A_1554] {strides = array<i32>} : memref<16x17xf32, #tpu.memory_space<vmem>>, vector<16xf32>,
      tpu.vector_store %arg11[%swap3A_1553, %swap3A_1554], %add3A_1551 {strides = array<i32>} : memref<16x17xf32, #tpu.memory_space<vmem>>, vector<16xf32>,
      %slice3A_1556 = vector.extract_strided_slice %and3A_1354 {offsets = [5], sizes = [1], strides = [1]} : vector<16xi32> to vector<1xi32>
      %squeeze3A_1557 = vector.extract %slice3A_1556[0] : i32 from vector<1xi32>
      %slice3A_1558 = vector.extract_strided_slice %and3A_1361 {offsets = [5], sizes = [1], strides = [1]} : vector<16xi32> to vector<1xi32>
      %squeeze3A_1559 = vector.extract %slice3A_1558[0] : i32 from vector<1xi32>
      %get3A_1560 = arith.constant 0 : i32
      %get3A_1561 = arith.constant 5 : i32
      %get3A_1562 = arith.index_cast %get3A_1560 : i32 to index
      %get3A_1563 = arith.index_cast %get3A_1561 : i32 to index
      %get3A_1564 = arith.index_cast %squeeze3A_1557 : i32 to index
      %get3A_1565 = arith.constant 0 : index
      %get3A_1566 = tpu.vector_load %arg9[%get3A_1562, %get3A_1563, %get3A_1564, %get3A_1565] {strides = array<i32>} : memref<2x16x8x32xf32, #tpu.memory_space<vmem>>, vector<16xf32>,
      %get3A_1567 = arith.constant 0 : i32
      %get3A_1568 = arith.constant 5 : i32
      %get3A_1569 = arith.index_cast %get3A_1567 : i32 to index
      %get3A_1570 = arith.index_cast %get3A_1568 : i32 to index
      %get3A_1571 = arith.index_cast %squeeze3A_1559 : i32 to index
      %get3A_1572 = arith.constant 0 : index
      %get3A_1573 = tpu.vector_load %arg10[%get3A_1569, %get3A_1570, %get3A_1571, %get3A_1572] {strides = array<i32>} : memref<2x16x8x32xf32, #tpu.memory_space<vmem>>, vector<16xf32>,
      %mul3A_1574 = arith.mulf %get3A_1566, %get3A_1573 : vector<16xf32>
      %get3A_1575 = arith.constant 0 : i32
      %get3A_1576 = arith.constant 5 : i32
      %get3A_1577 = arith.index_cast %get3A_1575 : i32 to index
      %get3A_1578 = arith.index_cast %get3A_1576 : i32 to index
      %get3A_1579 = arith.index_cast %squeeze3A_1557 : i32 to index
      %get3A_1580 = arith.constant 16 : index
      %get3A_1581 = tpu.vector_load %arg9[%get3A_1577, %get3A_1578, %get3A_1579, %get3A_1580] {strides = array<i32>} : memref<2x16x8x32xf32, #tpu.memory_space<vmem>>, vector<16xf32>,
      %get3A_1582 = arith.constant 0 : i32
      %get3A_1583 = arith.constant 5 : i32
      %get3A_1584 = arith.index_cast %get3A_1582 : i32 to index
      %get3A_1585 = arith.index_cast %get3A_1583 : i32 to index
      %get3A_1586 = arith.index_cast %squeeze3A_1559 : i32 to index
      %get3A_1587 = arith.constant 16 : index
      %get3A_1588 = tpu.vector_load %arg10[%get3A_1584, %get3A_1585, %get3A_1586, %get3A_1587] {strides = array<i32>} : memref<2x16x8x32xf32, #tpu.memory_space<vmem>>, vector<16xf32>,
      %mul3A_1589 = arith.mulf %get3A_1581, %get3A_1588 : vector<16xf32>
      %add3A_1590 = arith.addf %mul3A_1574, %mul3A_1589 : vector<16xf32>
      %swap3A_1591 = arith.constant 5 : i32
      %swap3A_1592 = arith.index_cast %swap3A_1591 : i32 to index
      %swap3A_1593 = arith.constant 0 : index
      %swap3A_1594 = tpu.vector_load %arg11[%swap3A_1592, %swap3A_1593] {strides = array<i32>} : memref<16x17xf32, #tpu.memory_space<vmem>>, vector<16xf32>,
      tpu.vector_store %arg11[%swap3A_1592, %swap3A_1593], %add3A_1590 {strides = array<i32>} : memref<16x17xf32, #tpu.memory_space<vmem>>, vector<16xf32>,
      %slice3A_1595 = vector.extract_strided_slice %and3A_1354 {offsets = [6], sizes = [1], strides = [1]} : vector<16xi32> to vector<1xi32>
      %squeeze3A_1596 = vector.extract %slice3A_1595[0] : i32 from vector<1xi32>
      %slice3A_1597 = vector.extract_strided_slice %and3A_1361 {offsets = [6], sizes = [1], strides = [1]} : vector<16xi32> to vector<1xi32>
      %squeeze3A_1598 = vector.extract %slice3A_1597[0] : i32 from vector<1xi32>
      %get3A_1599 = arith.constant 0 : i32
      %get3A_1600 = arith.constant 6 : i32
      %get3A_1601 = arith.index_cast %get3A_1599 : i32 to index
      %get3A_1602 = arith.index_cast %get3A_1600 : i32 to index
      %get3A_1603 = arith.index_cast %squeeze3A_1596 : i32 to index
      %get3A_1604 = arith.constant 0 : index
      %get3A_1605 = tpu.vector_load %arg9[%get3A_1601, %get3A_1602, %get3A_1603, %get3A_1604] {strides = array<i32>} : memref<2x16x8x32xf32, #tpu.memory_space<vmem>>, vector<16xf32>,
      %get3A_1606 = arith.constant 0 : i32
      %get3A_1607 = arith.constant 6 : i32
      %get3A_1608 = arith.index_cast %get3A_1606 : i32 to index
      %get3A_1609 = arith.index_cast %get3A_1607 : i32 to index
      %get3A_1610 = arith.index_cast %squeeze3A_1598 : i32 to index
      %get3A_1611 = arith.constant 0 : index
      %get3A_1612 = tpu.vector_load %arg10[%get3A_1608, %get3A_1609, %get3A_1610, %get3A_1611] {strides = array<i32>} : memref<2x16x8x32xf32, #tpu.memory_space<vmem>>, vector<16xf32>,
      %mul3A_1613 = arith.mulf %get3A_1605, %get3A_1612 : vector<16xf32>
      %get3A_1614 = arith.constant 0 : i32
      %get3A_1615 = arith.constant 6 : i32
      %get3A_1616 = arith.index_cast %get3A_1614 : i32 to index
      %get3A_1617 = arith.index_cast %get3A_1615 : i32 to index
      %get3A_1618 = arith.index_cast %squeeze3A_1596 : i32 to index
      %get3A_1619 = arith.constant 16 : index
      %get3A_1620 = tpu.vector_load %arg9[%get3A_1616, %get3A_1617, %get3A_1618, %get3A_1619] {strides = array<i32>} : memref<2x16x8x32xf32, #tpu.memory_space<vmem>>, vector<16xf32>,
      %get3A_1621 = arith.constant 0 : i32
      %get3A_1622 = arith.constant 6 : i32
      %get3A_1623 = arith.index_cast %get3A_1621 : i32 to index
      %get3A_1624 = arith.index_cast %get3A_1622 : i32 to index
      %get3A_1625 = arith.index_cast %squeeze3A_1598 : i32 to index
      %get3A_1626 = arith.constant 16 : index
      %get3A_1627 = tpu.vector_load %arg10[%get3A_1623, %get3A_1624, %get3A_1625, %get3A_1626] {strides = array<i32>} : memref<2x16x8x32xf32, #tpu.memory_space<vmem>>, vector<16xf32>,
      %mul3A_1628 = arith.mulf %get3A_1620, %get3A_1627 : vector<16xf32>
      %add3A_1629 = arith.addf %mul3A_1613, %mul3A_1628 : vector<16xf32>
      %swap3A_1630 = arith.constant 6 : i32
      %swap3A_1631 = arith.index_cast %swap3A_1630 : i32 to index
      %swap3A_1632 = arith.constant 0 : index
      %swap3A_1633 = tpu.vector_load %arg11[%swap3A_1631, %swap3A_1632] {strides = array<i32>} : memref<16x17xf32, #tpu.memory_space<vmem>>, vector<16xf32>,
      tpu.vector_store %arg11[%swap3A_1631, %swap3A_1632], %add3A_1629 {strides = array<i32>} : memref<16x17xf32, #tpu.memory_space<vmem>>, vector<16xf32>,
      %slice3A_1634 = vector.extract_strided_slice %and3A_1354 {offsets = [7], sizes = [1], strides = [1]} : vector<16xi32> to vector<1xi32>
      %squeeze3A_1635 = vector.extract %slice3A_1634[0] : i32 from vector<1xi32>
      %slice3A_1636 = vector.extract_strided_slice %and3A_1361 {offsets = [7], sizes = [1], strides = [1]} : vector<16xi32> to vector<1xi32>
      %squeeze3A_1637 = vector.extract %slice3A_1636[0] : i32 from vector<1xi32>
      %get3A_1638 = arith.constant 0 : i32
      %get3A_1639 = arith.constant 7 : i32
      %get3A_1640 = arith.index_cast %get3A_1638 : i32 to index
      %get3A_1641 = arith.index_cast %get3A_1639 : i32 to index
      %get3A_1642 = arith.index_cast %squeeze3A_1635 : i32 to index
      %get3A_1643 = arith.constant 0 : index
      %get3A_1644 = tpu.vector_load %arg9[%get3A_1640, %get3A_1641, %get3A_1642, %get3A_1643] {strides = array<i32>} : memref<2x16x8x32xf32, #tpu.memory_space<vmem>>, vector<16xf32>,
      %get3A_1645 = arith.constant 0 : i32
      %get3A_1646 = arith.constant 7 : i32
      %get3A_1647 = arith.index_cast %get3A_1645 : i32 to index
      %get3A_1648 = arith.index_cast %get3A_1646 : i32 to index
      %get3A_1649 = arith.index_cast %squeeze3A_1637 : i32 to index
      %get3A_1650 = arith.constant 0 : index
      %get3A_1651 = tpu.vector_load %arg10[%get3A_1647, %get3A_1648, %get3A_1649, %get3A_1650] {strides = array<i32>} : memref<2x16x8x32xf32, #tpu.memory_space<vmem>>, vector<16xf32>,
      %mul3A_1652 = arith.mulf %get3A_1644, %get3A_1651 : vector<16xf32>
      %get3A_1653 = arith.constant 0 : i32
      %get3A_1654 = arith.constant 7 : i32
      %get3A_1655 = arith.index_cast %get3A_1653 : i32 to index
      %get3A_1656 = arith.index_cast %get3A_1654 : i32 to index
      %get3A_1657 = arith.index_cast %squeeze3A_1635 : i32 to index
      %get3A_1658 = arith.constant 16 : index
      %get3A_1659 = tpu.vector_load %arg9[%get3A_1655, %get3A_1656, %get3A_1657, %get3A_1658] {strides = array<i32>} : memref<2x16x8x32xf32, #tpu.memory_space<vmem>>, vector<16xf32>,
      %get3A_1660 = arith.constant 0 : i32
      %get3A_1661 = arith.constant 7 : i32
      %get3A_1662 = arith.index_cast %get3A_1660 : i32 to index
      %get3A_1663 = arith.index_cast %get3A_1661 : i32 to index
      %get3A_1664 = arith.index_cast %squeeze3A_1637 : i32 to index
      %get3A_1665 = arith.constant 16 : index
      %get3A_1666 = tpu.vector_load %arg10[%get3A_1662, %get3A_1663, %get3A_1664, %get3A_1665] {strides = array<i32>} : memref<2x16x8x32xf32, #tpu.memory_space<vmem>>, vector<16xf32>,
      %mul3A_1667 = arith.mulf %get3A_1659, %get3A_1666 : vector<16xf32>
      %add3A_1668 = arith.addf %mul3A_1652, %mul3A_1667 : vector<16xf32>
      %swap3A_1669 = arith.constant 7 : i32
      %swap3A_1670 = arith.index_cast %swap3A_1669 : i32 to index
      %swap3A_1671 = arith.constant 0 : index
      %swap3A_1672 = tpu.vector_load %arg11[%swap3A_1670, %swap3A_1671] {strides = array<i32>} : memref<16x17xf32, #tpu.memory_space<vmem>>, vector<16xf32>,
      tpu.vector_store %arg11[%swap3A_1670, %swap3A_1671], %add3A_1668 {strides = array<i32>} : memref<16x17xf32, #tpu.memory_space<vmem>>, vector<16xf32>,
      %slice3A_1673 = vector.extract_strided_slice %and3A_1354 {offsets = [8], sizes = [1], strides = [1]} : vector<16xi32> to vector<1xi32>
      %squeeze3A_1674 = vector.extract %slice3A_1673[0] : i32 from vector<1xi32>
      %slice3A_1675 = vector.extract_strided_slice %and3A_1361 {offsets = [8], sizes = [1], strides = [1]} : vector<16xi32> to vector<1xi32>
      %squeeze3A_1676 = vector.extract %slice3A_1675[0] : i32 from vector<1xi32>
      %get3A_1677 = arith.constant 0 : i32
      %get3A_1678 = arith.constant 8 : i32
      %get3A_1679 = arith.index_cast %get3A_1677 : i32 to index
      %get3A_1680 = arith.index_cast %get3A_1678 : i32 to index
      %get3A_1681 = arith.index_cast %squeeze3A_1674 : i32 to index
      %get3A_1682 = arith.constant 0 : index
      %get3A_1683 = tpu.vector_load %arg9[%get3A_1679, %get3A_1680, %get3A_1681, %get3A_1682] {strides = array<i32>} : memref<2x16x8x32xf32, #tpu.memory_space<vmem>>, vector<16xf32>,
      %get3A_1684 = arith.constant 0 : i32
      %get3A_1685 = arith.constant 8 : i32
      %get3A_1686 = arith.index_cast %get3A_1684 : i32 to index
      %get3A_1687 = arith.index_cast %get3A_1685 : i32 to index
      %get3A_1688 = arith.index_cast %squeeze3A_1676 : i32 to index
      %get3A_1689 = arith.constant 0 : index
      %get3A_1690 = tpu.vector_load %arg10[%get3A_1686, %get3A_1687, %get3A_1688, %get3A_1689] {strides = array<i32>} : memref<2x16x8x32xf32, #tpu.memory_space<vmem>>, vector<16xf32>,
      %mul3A_1691 = arith.mulf %get3A_1683, %get3A_1690 : vector<16xf32>
      %get3A_1692 = arith.constant 0 : i32
      %get3A_1693 = arith.constant 8 : i32
      %get3A_1694 = arith.index_cast %get3A_1692 : i32 to index
      %get3A_1695 = arith.index_cast %get3A_1693 : i32 to index
      %get3A_1696 = arith.index_cast %squeeze3A_1674 : i32 to index
      %get3A_1697 = arith.constant 16 : index
      %get3A_1698 = tpu.vector_load %arg9[%get3A_1694, %get3A_1695, %get3A_1696, %get3A_1697] {strides = array<i32>} : memref<2x16x8x32xf32, #tpu.memory_space<vmem>>, vector<16xf32>,
      %get3A_1699 = arith.constant 0 : i32
      %get3A_1700 = arith.constant 8 : i32
      %get3A_1701 = arith.index_cast %get3A_1699 : i32 to index
      %get3A_1702 = arith.index_cast %get3A_1700 : i32 to index
      %get3A_1703 = arith.index_cast %squeeze3A_1676 : i32 to index
      %get3A_1704 = arith.constant 16 : index
      %get3A_1705 = tpu.vector_load %arg10[%get3A_1701, %get3A_1702, %get3A_1703, %get3A_1704] {strides = array<i32>} : memref<2x16x8x32xf32, #tpu.memory_space<vmem>>, vector<16xf32>,
      %mul3A_1706 = arith.mulf %get3A_1698, %get3A_1705 : vector<16xf32>
      %add3A_1707 = arith.addf %mul3A_1691, %mul3A_1706 : vector<16xf32>
      %swap3A_1708 = arith.constant 8 : i32
      %swap3A_1709 = arith.index_cast %swap3A_1708 : i32 to index
      %swap3A_1710 = arith.constant 0 : index
      %swap3A_1711 = tpu.vector_load %arg11[%swap3A_1709, %swap3A_1710] {strides = array<i32>} : memref<16x17xf32, #tpu.memory_space<vmem>>, vector<16xf32>,
      tpu.vector_store %arg11[%swap3A_1709, %swap3A_1710], %add3A_1707 {strides = array<i32>} : memref<16x17xf32, #tpu.memory_space<vmem>>, vector<16xf32>,
      %slice3A_1712 = vector.extract_strided_slice %and3A_1354 {offsets = [9], sizes = [1], strides = [1]} : vector<16xi32> to vector<1xi32>
      %squeeze3A_1713 = vector.extract %slice3A_1712[0] : i32 from vector<1xi32>
      %slice3A_1714 = vector.extract_strided_slice %and3A_1361 {offsets = [9], sizes = [1], strides = [1]} : vector<16xi32> to vector<1xi32>
      %squeeze3A_1715 = vector.extract %slice3A_1714[0] : i32 from vector<1xi32>
      %get3A_1716 = arith.constant 0 : i32
      %get3A_1717 = arith.constant 9 : i32
      %get3A_1718 = arith.index_cast %get3A_1716 : i32 to index
      %get3A_1719 = arith.index_cast %get3A_1717 : i32 to index
      %get3A_1720 = arith.index_cast %squeeze3A_1713 : i32 to index
      %get3A_1721 = arith.constant 0 : index
      %get3A_1722 = tpu.vector_load %arg9[%get3A_1718, %get3A_1719, %get3A_1720, %get3A_1721] {strides = array<i32>} : memref<2x16x8x32xf32, #tpu.memory_space<vmem>>, vector<16xf32>,
      %get3A_1723 = arith.constant 0 : i32
      %get3A_1724 = arith.constant 9 : i32
      %get3A_1725 = arith.index_cast %get3A_1723 : i32 to index
      %get3A_1726 = arith.index_cast %get3A_1724 : i32 to index
      %get3A_1727 = arith.index_cast %squeeze3A_1715 : i32 to index
      %get3A_1728 = arith.constant 0 : index
      %get3A_1729 = tpu.vector_load %arg10[%get3A_1725, %get3A_1726, %get3A_1727, %get3A_1728] {strides = array<i32>} : memref<2x16x8x32xf32, #tpu.memory_space<vmem>>, vector<16xf32>,
      %mul3A_1730 = arith.mulf %get3A_1722, %get3A_1729 : vector<16xf32>
      %get3A_1731 = arith.constant 0 : i32
      %get3A_1732 = arith.constant 9 : i32
      %get3A_1733 = arith.index_cast %get3A_1731 : i32 to index
      %get3A_1734 = arith.index_cast %get3A_1732 : i32 to index
      %get3A_1735 = arith.index_cast %squeeze3A_1713 : i32 to index
      %get3A_1736 = arith.constant 16 : index
      %get3A_1737 = tpu.vector_load %arg9[%get3A_1733, %get3A_1734, %get3A_1735, %get3A_1736] {strides = array<i32>} : memref<2x16x8x32xf32, #tpu.memory_space<vmem>>, vector<16xf32>,
      %get3A_1738 = arith.constant 0 : i32
      %get3A_1739 = arith.constant 9 : i32
      %get3A_1740 = arith.index_cast %get3A_1738 : i32 to index
      %get3A_1741 = arith.index_cast %get3A_1739 : i32 to index
      %get3A_1742 = arith.index_cast %squeeze3A_1715 : i32 to index
      %get3A_1743 = arith.constant 16 : index
      %get3A_1744 = tpu.vector_load %arg10[%get3A_1740, %get3A_1741, %get3A_1742, %get3A_1743] {strides = array<i32>} : memref<2x16x8x32xf32, #tpu.memory_space<vmem>>, vector<16xf32>,
      %mul3A_1745 = arith.mulf %get3A_1737, %get3A_1744 : vector<16xf32>
      %add3A_1746 = arith.addf %mul3A_1730, %mul3A_1745 : vector<16xf32>
      %swap3A_1747 = arith.constant 9 : i32
      %swap3A_1748 = arith.index_cast %swap3A_1747 : i32 to index
      %swap3A_1749 = arith.constant 0 : index
      %swap3A_1750 = tpu.vector_load %arg11[%swap3A_1748, %swap3A_1749] {strides = array<i32>} : memref<16x17xf32, #tpu.memory_space<vmem>>, vector<16xf32>,
      tpu.vector_store %arg11[%swap3A_1748, %swap3A_1749], %add3A_1746 {strides = array<i32>} : memref<16x17xf32, #tpu.memory_space<vmem>>, vector<16xf32>,
      %slice3A_1751 = vector.extract_strided_slice %and3A_1354 {offsets = [10], sizes = [1], strides = [1]} : vector<16xi32> to vector<1xi32>
      %squeeze3A_1752 = vector.extract %slice3A_1751[0] : i32 from vector<1xi32>
      %slice3A_1753 = vector.extract_strided_slice %and3A_1361 {offsets = [10], sizes = [1], strides = [1]} : vector<16xi32> to vector<1xi32>
      %squeeze3A_1754 = vector.extract %slice3A_1753[0] : i32 from vector<1xi32>
      %get3A_1755 = arith.constant 0 : i32
      %get3A_1756 = arith.constant 10 : i32
      %get3A_1757 = arith.index_cast %get3A_1755 : i32 to index
      %get3A_1758 = arith.index_cast %get3A_1756 : i32 to index
      %get3A_1759 = arith.index_cast %squeeze3A_1752 : i32 to index
      %get3A_1760 = arith.constant 0 : index
      %get3A_1761 = tpu.vector_load %arg9[%get3A_1757, %get3A_1758, %get3A_1759, %get3A_1760] {strides = array<i32>} : memref<2x16x8x32xf32, #tpu.memory_space<vmem>>, vector<16xf32>,
      %get3A_1762 = arith.constant 0 : i32
      %get3A_1763 = arith.constant 10 : i32
      %get3A_1764 = arith.index_cast %get3A_1762 : i32 to index
      %get3A_1765 = arith.index_cast %get3A_1763 : i32 to index
      %get3A_1766 = arith.index_cast %squeeze3A_1754 : i32 to index
      %get3A_1767 = arith.constant 0 : index
      %get3A_1768 = tpu.vector_load %arg10[%get3A_1764, %get3A_1765, %get3A_1766, %get3A_1767] {strides = array<i32>} : memref<2x16x8x32xf32, #tpu.memory_space<vmem>>, vector<16xf32>,
      %mul3A_1769 = arith.mulf %get3A_1761, %get3A_1768 : vector<16xf32>
      %get3A_1770 = arith.constant 0 : i32
      %get3A_1771 = arith.constant 10 : i32
      %get3A_1772 = arith.index_cast %get3A_1770 : i32 to index
      %get3A_1773 = arith.index_cast %get3A_1771 : i32 to index
      %get3A_1774 = arith.index_cast %squeeze3A_1752 : i32 to index
      %get3A_1775 = arith.constant 16 : index
      %get3A_1776 = tpu.vector_load %arg9[%get3A_1772, %get3A_1773, %get3A_1774, %get3A_1775] {strides = array<i32>} : memref<2x16x8x32xf32, #tpu.memory_space<vmem>>, vector<16xf32>,
      %get3A_1777 = arith.constant 0 : i32
      %get3A_1778 = arith.constant 10 : i32
      %get3A_1779 = arith.index_cast %get3A_1777 : i32 to index
      %get3A_1780 = arith.index_cast %get3A_1778 : i32 to index
      %get3A_1781 = arith.index_cast %squeeze3A_1754 : i32 to index
      %get3A_1782 = arith.constant 16 : index
      %get3A_1783 = tpu.vector_load %arg10[%get3A_1779, %get3A_1780, %get3A_1781, %get3A_1782] {strides = array<i32>} : memref<2x16x8x32xf32, #tpu.memory_space<vmem>>, vector<16xf32>,
      %mul3A_1784 = arith.mulf %get3A_1776, %get3A_1783 : vector<16xf32>
      %add3A_1785 = arith.addf %mul3A_1769, %mul3A_1784 : vector<16xf32>
      %swap3A_1786 = arith.constant 10 : i32
      %swap3A_1787 = arith.index_cast %swap3A_1786 : i32 to index
      %swap3A_1788 = arith.constant 0 : index
      %swap3A_1789 = tpu.vector_load %arg11[%swap3A_1787, %swap3A_1788] {strides = array<i32>} : memref<16x17xf32, #tpu.memory_space<vmem>>, vector<16xf32>,
      tpu.vector_store %arg11[%swap3A_1787, %swap3A_1788], %add3A_1785 {strides = array<i32>} : memref<16x17xf32, #tpu.memory_space<vmem>>, vector<16xf32>,
      %slice3A_1790 = vector.extract_strided_slice %and3A_1354 {offsets = [11], sizes = [1], strides = [1]} : vector<16xi32> to vector<1xi32>
      %squeeze3A_1791 = vector.extract %slice3A_1790[0] : i32 from vector<1xi32>
      %slice3A_1792 = vector.extract_strided_slice %and3A_1361 {offsets = [11], sizes = [1], strides = [1]} : vector<16xi32> to vector<1xi32>
      %squeeze3A_1793 = vector.extract %slice3A_1792[0] : i32 from vector<1xi32>
      %get3A_1794 = arith.constant 0 : i32
      %get3A_1795 = arith.constant 11 : i32
      %get3A_1796 = arith.index_cast %get3A_1794 : i32 to index
      %get3A_1797 = arith.index_cast %get3A_1795 : i32 to index
      %get3A_1798 = arith.index_cast %squeeze3A_1791 : i32 to index
      %get3A_1799 = arith.constant 0 : index
      %get3A_1800 = tpu.vector_load %arg9[%get3A_1796, %get3A_1797, %get3A_1798, %get3A_1799] {strides = array<i32>} : memref<2x16x8x32xf32, #tpu.memory_space<vmem>>, vector<16xf32>,
      %get3A_1801 = arith.constant 0 : i32
      %get3A_1802 = arith.constant 11 : i32
      %get3A_1803 = arith.index_cast %get3A_1801 : i32 to index
      %get3A_1804 = arith.index_cast %get3A_1802 : i32 to index
      %get3A_1805 = arith.index_cast %squeeze3A_1793 : i32 to index
      %get3A_1806 = arith.constant 0 : index
      %get3A_1807 = tpu.vector_load %arg10[%get3A_1803, %get3A_1804, %get3A_1805, %get3A_1806] {strides = array<i32>} : memref<2x16x8x32xf32, #tpu.memory_space<vmem>>, vector<16xf32>,
      %mul3A_1808 = arith.mulf %get3A_1800, %get3A_1807 : vector<16xf32>
      %get3A_1809 = arith.constant 0 : i32
      %get3A_1810 = arith.constant 11 : i32
      %get3A_1811 = arith.index_cast %get3A_1809 : i32 to index
      %get3A_1812 = arith.index_cast %get3A_1810 : i32 to index
      %get3A_1813 = arith.index_cast %squeeze3A_1791 : i32 to index
      %get3A_1814 = arith.constant 16 : index
      %get3A_1815 = tpu.vector_load %arg9[%get3A_1811, %get3A_1812, %get3A_1813, %get3A_1814] {strides = array<i32>} : memref<2x16x8x32xf32, #tpu.memory_space<vmem>>, vector<16xf32>,
      %get3A_1816 = arith.constant 0 : i32
      %get3A_1817 = arith.constant 11 : i32
      %get3A_1818 = arith.index_cast %get3A_1816 : i32 to index
      %get3A_1819 = arith.index_cast %get3A_1817 : i32 to index
      %get3A_1820 = arith.index_cast %squeeze3A_1793 : i32 to index
      %get3A_1821 = arith.constant 16 : index
      %get3A_1822 = tpu.vector_load %arg10[%get3A_1818, %get3A_1819, %get3A_1820, %get3A_1821] {strides = array<i32>} : memref<2x16x8x32xf32, #tpu.memory_space<vmem>>, vector<16xf32>,
      %mul3A_1823 = arith.mulf %get3A_1815, %get3A_1822 : vector<16xf32>
      %add3A_1824 = arith.addf %mul3A_1808, %mul3A_1823 : vector<16xf32>
      %swap3A_1825 = arith.constant 11 : i32
      %swap3A_1826 = arith.index_cast %swap3A_1825 : i32 to index
      %swap3A_1827 = arith.constant 0 : index
      %swap3A_1828 = tpu.vector_load %arg11[%swap3A_1826, %swap3A_1827] {strides = array<i32>} : memref<16x17xf32, #tpu.memory_space<vmem>>, vector<16xf32>,
      tpu.vector_store %arg11[%swap3A_1826, %swap3A_1827], %add3A_1824 {strides = array<i32>} : memref<16x17xf32, #tpu.memory_space<vmem>>, vector<16xf32>,
      %slice3A_1829 = vector.extract_strided_slice %and3A_1354 {offsets = [12], sizes = [1], strides = [1]} : vector<16xi32> to vector<1xi32>
      %squeeze3A_1830 = vector.extract %slice3A_1829[0] : i32 from vector<1xi32>
      %slice3A_1831 = vector.extract_strided_slice %and3A_1361 {offsets = [12], sizes = [1], strides = [1]} : vector<16xi32> to vector<1xi32>
      %squeeze3A_1832 = vector.extract %slice3A_1831[0] : i32 from vector<1xi32>
      %get3A_1833 = arith.constant 0 : i32
      %get3A_1834 = arith.constant 12 : i32
      %get3A_1835 = arith.index_cast %get3A_1833 : i32 to index
      %get3A_1836 = arith.index_cast %get3A_1834 : i32 to index
      %get3A_1837 = arith.index_cast %squeeze3A_1830 : i32 to index
      %get3A_1838 = arith.constant 0 : index
      %get3A_1839 = tpu.vector_load %arg9[%get3A_1835, %get3A_1836, %get3A_1837, %get3A_1838] {strides = array<i32>} : memref<2x16x8x32xf32, #tpu.memory_space<vmem>>, vector<16xf32>,
      %get3A_1840 = arith.constant 0 : i32
      %get3A_1841 = arith.constant 12 : i32
      %get3A_1842 = arith.index_cast %get3A_1840 : i32 to index
      %get3A_1843 = arith.index_cast %get3A_1841 : i32 to index
      %get3A_1844 = arith.index_cast %squeeze3A_1832 : i32 to index
      %get3A_1845 = arith.constant 0 : index
      %get3A_1846 = tpu.vector_load %arg10[%get3A_1842, %get3A_1843, %get3A_1844, %get3A_1845] {strides = array<i32>} : memref<2x16x8x32xf32, #tpu.memory_space<vmem>>, vector<16xf32>,
      %mul3A_1847 = arith.mulf %get3A_1839, %get3A_1846 : vector<16xf32>
      %get3A_1848 = arith.constant 0 : i32
      %get3A_1849 = arith.constant 12 : i32
      %get3A_1850 = arith.index_cast %get3A_1848 : i32 to index
      %get3A_1851 = arith.index_cast %get3A_1849 : i32 to index
      %get3A_1852 = arith.index_cast %squeeze3A_1830 : i32 to index
      %get3A_1853 = arith.constant 16 : index
      %get3A_1854 = tpu.vector_load %arg9[%get3A_1850, %get3A_1851, %get3A_1852, %get3A_1853] {strides = array<i32>} : memref<2x16x8x32xf32, #tpu.memory_space<vmem>>, vector<16xf32>,
      %get3A_1855 = arith.constant 0 : i32
      %get3A_1856 = arith.constant 12 : i32
      %get3A_1857 = arith.index_cast %get3A_1855 : i32 to index
      %get3A_1858 = arith.index_cast %get3A_1856 : i32 to index
      %get3A_1859 = arith.index_cast %squeeze3A_1832 : i32 to index
      %get3A_1860 = arith.constant 16 : index
      %get3A_1861 = tpu.vector_load %arg10[%get3A_1857, %get3A_1858, %get3A_1859, %get3A_1860] {strides = array<i32>} : memref<2x16x8x32xf32, #tpu.memory_space<vmem>>, vector<16xf32>,
      %mul3A_1862 = arith.mulf %get3A_1854, %get3A_1861 : vector<16xf32>
      %add3A_1863 = arith.addf %mul3A_1847, %mul3A_1862 : vector<16xf32>
      %swap3A_1864 = arith.constant 12 : i32
      %swap3A_1865 = arith.index_cast %swap3A_1864 : i32 to index
      %swap3A_1866 = arith.constant 0 : index
      %swap3A_1867 = tpu.vector_load %arg11[%swap3A_1865, %swap3A_1866] {strides = array<i32>} : memref<16x17xf32, #tpu.memory_space<vmem>>, vector<16xf32>,
      tpu.vector_store %arg11[%swap3A_1865, %swap3A_1866], %add3A_1863 {strides = array<i32>} : memref<16x17xf32, #tpu.memory_space<vmem>>, vector<16xf32>,
      %slice3A_1868 = vector.extract_strided_slice %and3A_1354 {offsets = [13], sizes = [1], strides = [1]} : vector<16xi32> to vector<1xi32>
      %squeeze3A_1869 = vector.extract %slice3A_1868[0] : i32 from vector<1xi32>
      %slice3A_1870 = vector.extract_strided_slice %and3A_1361 {offsets = [13], sizes = [1], strides = [1]} : vector<16xi32> to vector<1xi32>
      %squeeze3A_1871 = vector.extract %slice3A_1870[0] : i32 from vector<1xi32>
      %get3A_1872 = arith.constant 0 : i32
      %get3A_1873 = arith.constant 13 : i32
      %get3A_1874 = arith.index_cast %get3A_1872 : i32 to index
      %get3A_1875 = arith.index_cast %get3A_1873 : i32 to index
      %get3A_1876 = arith.index_cast %squeeze3A_1869 : i32 to index
      %get3A_1877 = arith.constant 0 : index
      %get3A_1878 = tpu.vector_load %arg9[%get3A_1874, %get3A_1875, %get3A_1876, %get3A_1877] {strides = array<i32>} : memref<2x16x8x32xf32, #tpu.memory_space<vmem>>, vector<16xf32>,
      %get3A_1879 = arith.constant 0 : i32
      %get3A_1880 = arith.constant 13 : i32
      %get3A_1881 = arith.index_cast %get3A_1879 : i32 to index
      %get3A_1882 = arith.index_cast %get3A_1880 : i32 to index
      %get3A_1883 = arith.index_cast %squeeze3A_1871 : i32 to index
      %get3A_1884 = arith.constant 0 : index
      %get3A_1885 = tpu.vector_load %arg10[%get3A_1881, %get3A_1882, %get3A_1883, %get3A_1884] {strides = array<i32>} : memref<2x16x8x32xf32, #tpu.memory_space<vmem>>, vector<16xf32>,
      %mul3A_1886 = arith.mulf %get3A_1878, %get3A_1885 : vector<16xf32>
      %get3A_1887 = arith.constant 0 : i32
      %get3A_1888 = arith.constant 13 : i32
      %get3A_1889 = arith.index_cast %get3A_1887 : i32 to index
      %get3A_1890 = arith.index_cast %get3A_1888 : i32 to index
      %get3A_1891 = arith.index_cast %squeeze3A_1869 : i32 to index
      %get3A_1892 = arith.constant 16 : index
      %get3A_1893 = tpu.vector_load %arg9[%get3A_1889, %get3A_1890, %get3A_1891, %get3A_1892] {strides = array<i32>} : memref<2x16x8x32xf32, #tpu.memory_space<vmem>>, vector<16xf32>,
      %get3A_1894 = arith.constant 0 : i32
      %get3A_1895 = arith.constant 13 : i32
      %get3A_1896 = arith.index_cast %get3A_1894 : i32 to index
      %get3A_1897 = arith.index_cast %get3A_1895 : i32 to index
      %get3A_1898 = arith.index_cast %squeeze3A_1871 : i32 to index
      %get3A_1899 = arith.constant 16 : index
      %get3A_1900 = tpu.vector_load %arg10[%get3A_1896, %get3A_1897, %get3A_1898, %get3A_1899] {strides = array<i32>} : memref<2x16x8x32xf32, #tpu.memory_space<vmem>>, vector<16xf32>,
      %mul3A_1901 = arith.mulf %get3A_1893, %get3A_1900 : vector<16xf32>
      %add3A_1902 = arith.addf %mul3A_1886, %mul3A_1901 : vector<16xf32>
      %swap3A_1903 = arith.constant 13 : i32
      %swap3A_1904 = arith.index_cast %swap3A_1903 : i32 to index
      %swap3A_1905 = arith.constant 0 : index
      %swap3A_1906 = tpu.vector_load %arg11[%swap3A_1904, %swap3A_1905] {strides = array<i32>} : memref<16x17xf32, #tpu.memory_space<vmem>>, vector<16xf32>,
      tpu.vector_store %arg11[%swap3A_1904, %swap3A_1905], %add3A_1902 {strides = array<i32>} : memref<16x17xf32, #tpu.memory_space<vmem>>, vector<16xf32>,
      %slice3A_1907 = vector.extract_strided_slice %and3A_1354 {offsets = [14], sizes = [1], strides = [1]} : vector<16xi32> to vector<1xi32>
      %squeeze3A_1908 = vector.extract %slice3A_1907[0] : i32 from vector<1xi32>
      %slice3A_1909 = vector.extract_strided_slice %and3A_1361 {offsets = [14], sizes = [1], strides = [1]} : vector<16xi32> to vector<1xi32>
      %squeeze3A_1910 = vector.extract %slice3A_1909[0] : i32 from vector<1xi32>
      %get3A_1911 = arith.constant 0 : i32
      %get3A_1912 = arith.constant 14 : i32
      %get3A_1913 = arith.index_cast %get3A_1911 : i32 to index
      %get3A_1914 = arith.index_cast %get3A_1912 : i32 to index
      %get3A_1915 = arith.index_cast %squeeze3A_1908 : i32 to index
      %get3A_1916 = arith.constant 0 : index
      %get3A_1917 = tpu.vector_load %arg9[%get3A_1913, %get3A_1914, %get3A_1915, %get3A_1916] {strides = array<i32>} : memref<2x16x8x32xf32, #tpu.memory_space<vmem>>, vector<16xf32>,
      %get3A_1918 = arith.constant 0 : i32
      %get3A_1919 = arith.constant 14 : i32
      %get3A_1920 = arith.index_cast %get3A_1918 : i32 to index
      %get3A_1921 = arith.index_cast %get3A_1919 : i32 to index
      %get3A_1922 = arith.index_cast %squeeze3A_1910 : i32 to index
      %get3A_1923 = arith.constant 0 : index
      %get3A_1924 = tpu.vector_load %arg10[%get3A_1920, %get3A_1921, %get3A_1922, %get3A_1923] {strides = array<i32>} : memref<2x16x8x32xf32, #tpu.memory_space<vmem>>, vector<16xf32>,
      %mul3A_1925 = arith.mulf %get3A_1917, %get3A_1924 : vector<16xf32>
      %get3A_1926 = arith.constant 0 : i32
      %get3A_1927 = arith.constant 14 : i32
      %get3A_1928 = arith.index_cast %get3A_1926 : i32 to index
      %get3A_1929 = arith.index_cast %get3A_1927 : i32 to index
      %get3A_1930 = arith.index_cast %squeeze3A_1908 : i32 to index
      %get3A_1931 = arith.constant 16 : index
      %get3A_1932 = tpu.vector_load %arg9[%get3A_1928, %get3A_1929, %get3A_1930, %get3A_1931] {strides = array<i32>} : memref<2x16x8x32xf32, #tpu.memory_space<vmem>>, vector<16xf32>,
      %get3A_1933 = arith.constant 0 : i32
      %get3A_1934 = arith.constant 14 : i32
      %get3A_1935 = arith.index_cast %get3A_1933 : i32 to index
      %get3A_1936 = arith.index_cast %get3A_1934 : i32 to index
      %get3A_1937 = arith.index_cast %squeeze3A_1910 : i32 to index
      %get3A_1938 = arith.constant 16 : index
      %get3A_1939 = tpu.vector_load %arg10[%get3A_1935, %get3A_1936, %get3A_1937, %get3A_1938] {strides = array<i32>} : memref<2x16x8x32xf32, #tpu.memory_space<vmem>>, vector<16xf32>,
      %mul3A_1940 = arith.mulf %get3A_1932, %get3A_1939 : vector<16xf32>
      %add3A_1941 = arith.addf %mul3A_1925, %mul3A_1940 : vector<16xf32>
      %swap3A_1942 = arith.constant 14 : i32
      %swap3A_1943 = arith.index_cast %swap3A_1942 : i32 to index
      %swap3A_1944 = arith.constant 0 : index
      %swap3A_1945 = tpu.vector_load %arg11[%swap3A_1943, %swap3A_1944] {strides = array<i32>} : memref<16x17xf32, #tpu.memory_space<vmem>>, vector<16xf32>,
      tpu.vector_store %arg11[%swap3A_1943, %swap3A_1944], %add3A_1941 {strides = array<i32>} : memref<16x17xf32, #tpu.memory_space<vmem>>, vector<16xf32>,
      %slice3A_1946 = vector.extract_strided_slice %and3A_1354 {offsets = [15], sizes = [1], strides = [1]} : vector<16xi32> to vector<1xi32>
      %squeeze3A_1947 = vector.extract %slice3A_1946[0] : i32 from vector<1xi32>
      %slice3A_1948 = vector.extract_strided_slice %and3A_1361 {offsets = [15], sizes = [1], strides = [1]} : vector<16xi32> to vector<1xi32>
      %squeeze3A_1949 = vector.extract %slice3A_1948[0] : i32 from vector<1xi32>
      %get3A_1950 = arith.constant 0 : i32
      %get3A_1951 = arith.constant 15 : i32
      %get3A_1952 = arith.index_cast %get3A_1950 : i32 to index
      %get3A_1953 = arith.index_cast %get3A_1951 : i32 to index
      %get3A_1954 = arith.index_cast %squeeze3A_1947 : i32 to index
      %get3A_1955 = arith.constant 0 : index
      %get3A_1956 = tpu.vector_load %arg9[%get3A_1952, %get3A_1953, %get3A_1954, %get3A_1955] {strides = array<i32>} : memref<2x16x8x32xf32, #tpu.memory_space<vmem>>, vector<16xf32>,
      %get3A_1957 = arith.constant 0 : i32
      %get3A_1958 = arith.constant 15 : i32
      %get3A_1959 = arith.index_cast %get3A_1957 : i32 to index
      %get3A_1960 = arith.index_cast %get3A_1958 : i32 to index
      %get3A_1961 = arith.index_cast %squeeze3A_1949 : i32 to index
      %get3A_1962 = arith.constant 0 : index
      %get3A_1963 = tpu.vector_load %arg10[%get3A_1959, %get3A_1960, %get3A_1961, %get3A_1962] {strides = array<i32>} : memref<2x16x8x32xf32, #tpu.memory_space<vmem>>, vector<16xf32>,
      %mul3A_1964 = arith.mulf %get3A_1956, %get3A_1963 : vector<16xf32>
      %get3A_1965 = arith.constant 0 : i32
      %get3A_1966 = arith.constant 15 : i32
      %get3A_1967 = arith.index_cast %get3A_1965 : i32 to index
      %get3A_1968 = arith.index_cast %get3A_1966 : i32 to index
      %get3A_1969 = arith.index_cast %squeeze3A_1947 : i32 to index
      %get3A_1970 = arith.constant 16 : index
      %get3A_1971 = tpu.vector_load %arg9[%get3A_1967, %get3A_1968, %get3A_1969, %get3A_1970] {strides = array<i32>} : memref<2x16x8x32xf32, #tpu.memory_space<vmem>>, vector<16xf32>,
      %get3A_1972 = arith.constant 0 : i32
      %get3A_1973 = arith.constant 15 : i32
      %get3A_1974 = arith.index_cast %get3A_1972 : i32 to index
      %get3A_1975 = arith.index_cast %get3A_1973 : i32 to index
      %get3A_1976 = arith.index_cast %squeeze3A_1949 : i32 to index
      %get3A_1977 = arith.constant 16 : index
      %get3A_1978 = tpu.vector_load %arg10[%get3A_1974, %get3A_1975, %get3A_1976, %get3A_1977] {strides = array<i32>} : memref<2x16x8x32xf32, #tpu.memory_space<vmem>>, vector<16xf32>,
      %mul3A_1979 = arith.mulf %get3A_1971, %get3A_1978 : vector<16xf32>
      %add3A_1980 = arith.addf %mul3A_1964, %mul3A_1979 : vector<16xf32>
      %swap3A_1981 = arith.constant 15 : i32
      %swap3A_1982 = arith.index_cast %swap3A_1981 : i32 to index
      %swap3A_1983 = arith.constant 0 : index
      %swap3A_1984 = tpu.vector_load %arg11[%swap3A_1982, %swap3A_1983] {strides = array<i32>} : memref<16x17xf32, #tpu.memory_space<vmem>>, vector<16xf32>,
      tpu.vector_store %arg11[%swap3A_1982, %swap3A_1983], %add3A_1980 {strides = array<i32>} : memref<16x17xf32, #tpu.memory_space<vmem>>, vector<16xf32>,
      %broadcast_in_dim3A = arith.constant 0.000000e+00 : f32
      %broadcast_in_dim3A_1985 = vector.broadcast %broadcast_in_dim3A : f32 to vector<16xf32>
      %broadcast_in_dim3A_1986 = arith.constant 0 : i32
      %broadcast_in_dim3A_1987 = vector.broadcast %broadcast_in_dim3A_1986 : i32 to vector<16xi32>
      %gather3A = tpu.vector_load_idx %arg11[%iota3A, %broadcast_in_dim3A_1987] : memref<16x17xf32, #tpu.memory_space<vmem>>[vector<16xi32>, vector<16xi32>], vector<16xf32>,
      %add3A_1988 = arith.addf %broadcast_in_dim3A_1985, %gather3A : vector<16xf32>
      %broadcast_in_dim3A_1989 = arith.constant 1 : i32
      %broadcast_in_dim3A_1990 = vector.broadcast %broadcast_in_dim3A_1989 : i32 to vector<16xi32>
      %gather3A_1991 = tpu.vector_load_idx %arg11[%iota3A, %broadcast_in_dim3A_1990] : memref<16x17xf32, #tpu.memory_space<vmem>>[vector<16xi32>, vector<16xi32>], vector<16xf32>,
      %add3A_1992 = arith.addf %add3A_1988, %gather3A_1991 : vector<16xf32>
      %broadcast_in_dim3A_1993 = arith.constant 2 : i32
      %broadcast_in_dim3A_1994 = vector.broadcast %broadcast_in_dim3A_1993 : i32 to vector<16xi32>
      %gather3A_1995 = tpu.vector_load_idx %arg11[%iota3A, %broadcast_in_dim3A_1994] : memref<16x17xf32, #tpu.memory_space<vmem>>[vector<16xi32>, vector<16xi32>], vector<16xf32>,
      %add3A_1996 = arith.addf %add3A_1992, %gather3A_1995 : vector<16xf32>
      %broadcast_in_dim3A_1997 = arith.constant 3 : i32
      %broadcast_in_dim3A_1998 = vector.broadcast %broadcast_in_dim3A_1997 : i32 to vector<16xi32>
      %gather3A_1999 = tpu.vector_load_idx %arg11[%iota3A, %broadcast_in_dim3A_1998] : memref<16x17xf32, #tpu.memory_space<vmem>>[vector<16xi32>, vector<16xi32>], vector<16xf32>,
      %add3A_2000 = arith.addf %add3A_1996, %gather3A_1999 : vector<16xf32>
      %broadcast_in_dim3A_2001 = arith.constant 4 : i32
      %broadcast_in_dim3A_2002 = vector.broadcast %broadcast_in_dim3A_2001 : i32 to vector<16xi32>
      %gather3A_2003 = tpu.vector_load_idx %arg11[%iota3A, %broadcast_in_dim3A_2002] : memref<16x17xf32, #tpu.memory_space<vmem>>[vector<16xi32>, vector<16xi32>], vector<16xf32>,
      %add3A_2004 = arith.addf %add3A_2000, %gather3A_2003 : vector<16xf32>
      %broadcast_in_dim3A_2005 = arith.constant 5 : i32
      %broadcast_in_dim3A_2006 = vector.broadcast %broadcast_in_dim3A_2005 : i32 to vector<16xi32>
      %gather3A_2007 = tpu.vector_load_idx %arg11[%iota3A, %broadcast_in_dim3A_2006] : memref<16x17xf32, #tpu.memory_space<vmem>>[vector<16xi32>, vector<16xi32>], vector<16xf32>,
      %add3A_2008 = arith.addf %add3A_2004, %gather3A_2007 : vector<16xf32>
      %broadcast_in_dim3A_2009 = arith.constant 6 : i32
      %broadcast_in_dim3A_2010 = vector.broadcast %broadcast_in_dim3A_2009 : i32 to vector<16xi32>
      %gather3A_2011 = tpu.vector_load_idx %arg11[%iota3A, %broadcast_in_dim3A_2010] : memref<16x17xf32, #tpu.memory_space<vmem>>[vector<16xi32>, vector<16xi32>], vector<16xf32>,
      %add3A_2012 = arith.addf %add3A_2008, %gather3A_2011 : vector<16xf32>
      %broadcast_in_dim3A_2013 = arith.constant 7 : i32
      %broadcast_in_dim3A_2014 = vector.broadcast %broadcast_in_dim3A_2013 : i32 to vector<16xi32>
      %gather3A_2015 = tpu.vector_load_idx %arg11[%iota3A, %broadcast_in_dim3A_2014] : memref<16x17xf32, #tpu.memory_space<vmem>>[vector<16xi32>, vector<16xi32>], vector<16xf32>,
      %add3A_2016 = arith.addf %add3A_2012, %gather3A_2015 : vector<16xf32>
      %broadcast_in_dim3A_2017 = arith.constant 8 : i32
      %broadcast_in_dim3A_2018 = vector.broadcast %broadcast_in_dim3A_2017 : i32 to vector<16xi32>
      %gather3A_2019 = tpu.vector_load_idx %arg11[%iota3A, %broadcast_in_dim3A_2018] : memref<16x17xf32, #tpu.memory_space<vmem>>[vector<16xi32>, vector<16xi32>], vector<16xf32>,
      %add3A_2020 = arith.addf %add3A_2016, %gather3A_2019 : vector<16xf32>
      %broadcast_in_dim3A_2021 = arith.constant 9 : i32
      %broadcast_in_dim3A_2022 = vector.broadcast %broadcast_in_dim3A_2021 : i32 to vector<16xi32>
      %gather3A_2023 = tpu.vector_load_idx %arg11[%iota3A, %broadcast_in_dim3A_2022] : memref<16x17xf32, #tpu.memory_space<vmem>>[vector<16xi32>, vector<16xi32>], vector<16xf32>,
      %add3A_2024 = arith.addf %add3A_2020, %gather3A_2023 : vector<16xf32>
      %broadcast_in_dim3A_2025 = arith.constant 10 : i32
      %broadcast_in_dim3A_2026 = vector.broadcast %broadcast_in_dim3A_2025 : i32 to vector<16xi32>
      %gather3A_2027 = tpu.vector_load_idx %arg11[%iota3A, %broadcast_in_dim3A_2026] : memref<16x17xf32, #tpu.memory_space<vmem>>[vector<16xi32>, vector<16xi32>], vector<16xf32>,
      %add3A_2028 = arith.addf %add3A_2024, %gather3A_2027 : vector<16xf32>
      %broadcast_in_dim3A_2029 = arith.constant 11 : i32
      %broadcast_in_dim3A_2030 = vector.broadcast %broadcast_in_dim3A_2029 : i32 to vector<16xi32>
      %gather3A_2031 = tpu.vector_load_idx %arg11[%iota3A, %broadcast_in_dim3A_2030] : memref<16x17xf32, #tpu.memory_space<vmem>>[vector<16xi32>, vector<16xi32>], vector<16xf32>,
      %add3A_2032 = arith.addf %add3A_2028, %gather3A_2031 : vector<16xf32>
      %broadcast_in_dim3A_2033 = arith.constant 12 : i32
      %broadcast_in_dim3A_2034 = vector.broadcast %broadcast_in_dim3A_2033 : i32 to vector<16xi32>
      %gather3A_2035 = tpu.vector_load_idx %arg11[%iota3A, %broadcast_in_dim3A_2034] : memref<16x17xf32, #tpu.memory_space<vmem>>[vector<16xi32>, vector<16xi32>], vector<16xf32>,
      %add3A_2036 = arith.addf %add3A_2032, %gather3A_2035 : vector<16xf32>
      %broadcast_in_dim3A_2037 = arith.constant 13 : i32
      %broadcast_in_dim3A_2038 = vector.broadcast %broadcast_in_dim3A_2037 : i32 to vector<16xi32>
      %gather3A_2039 = tpu.vector_load_idx %arg11[%iota3A, %broadcast_in_dim3A_2038] : memref<16x17xf32, #tpu.memory_space<vmem>>[vector<16xi32>, vector<16xi32>], vector<16xf32>,
      %add3A_2040 = arith.addf %add3A_2036, %gather3A_2039 : vector<16xf32>
      %broadcast_in_dim3A_2041 = arith.constant 14 : i32
      %broadcast_in_dim3A_2042 = vector.broadcast %broadcast_in_dim3A_2041 : i32 to vector<16xi32>
      %gather3A_2043 = tpu.vector_load_idx %arg11[%iota3A, %broadcast_in_dim3A_2042] : memref<16x17xf32, #tpu.memory_space<vmem>>[vector<16xi32>, vector<16xi32>], vector<16xf32>,
      %add3A_2044 = arith.addf %add3A_2040, %gather3A_2043 : vector<16xf32>
      %broadcast_in_dim3A_2045 = arith.constant 15 : i32
      %broadcast_in_dim3A_2046 = vector.broadcast %broadcast_in_dim3A_2045 : i32 to vector<16xi32>
      %gather3A_2047 = tpu.vector_load_idx %arg11[%iota3A, %broadcast_in_dim3A_2046] : memref<16x17xf32, #tpu.memory_space<vmem>>[vector<16xi32>, vector<16xi32>], vector<16xf32>,
      %add3A_2048 = arith.addf %add3A_2044, %gather3A_2047 : vector<16xf32>
      %mul3A_2049 = arith.constant 16 : i32
      %mul3A_2050 = arith.muli %mul3A_655, %mul3A_2049 : i32
      %swap3A_2051 = arith.index_cast %mul3A_2050 : i32 to index
      %swap3A_2052 = tpu.vector_load %arg12[%swap3A_2051] {strides = array<i32>} : memref<512xf32, #tpu.memory_space<vmem>>, vector<16xf32>,
      tpu.vector_store %arg12[%swap3A_2051], %add3A_2048 {strides = array<i32>} : memref<512xf32, #tpu.memory_space<vmem>>, vector<16xf32>,
      %add3A_2053 = arith.constant 1 : i32
      %add3A_2054 = arith.addi %scan3A_653, %add3A_2053 : i32
      %lt3A = arith.constant 16 : i32
      %lt3A_2055 = arith.cmpi slt, %add3A_2054, %lt3A : i32
      %convert_element_type3A = arith.extui %lt3A_2055 : i1 to i32
      %cond3A = arith.constant 0 : i32
      %cond3A_2056 = arith.cmpi ne, %convert_element_type3A, %cond3A : i32
      scf.if %cond3A_2056 {
        %add3A_2805 = arith.constant 2 : i32
        %add3A_2806 = arith.addi %mul3A_655, %add3A_2805 : i32
        %mul3A_2807 = arith.constant 16 : i32
        %mul3A_2808 = arith.muli %add3A_2806, %mul3A_2807 : i32
        %get3A_2809 = arith.index_cast %mul3A_2808 : i32 to index
        %get3A_2810 = tpu.vector_load %arg7[%get3A_2809] {strides = array<i32>} : memref<512xi32, #tpu.memory_space<vmem>>, vector<16xi32>,
        %shift_right_logical3A_2811 = arith.constant 3 : i32
        %shift_right_logical3A_2812 = vector.broadcast %shift_right_logical3A_2811 : i32 to vector<16xi32>
        %shift_right_logical3A_2813 = arith.shrui %get3A_2810, %shift_right_logical3A_2812 : vector<16xi32>
        %mul3A_2814 = arith.constant 16 : i32
        %mul3A_2815 = arith.muli %add3A_2806, %mul3A_2814 : i32
        %get3A_2816 = arith.index_cast %mul3A_2815 : i32 to index
        %get3A_2817 = tpu.vector_load %arg8[%get3A_2816] {strides = array<i32>} : memref<512xi32, #tpu.memory_space<vmem>>, vector<16xi32>,
        %shift_right_logical3A_2818 = arith.constant 3 : i32
        %shift_right_logical3A_2819 = vector.broadcast %shift_right_logical3A_2818 : i32 to vector<16xi32>
        %shift_right_logical3A_2820 = arith.shrui %get3A_2817, %shift_right_logical3A_2819 : vector<16xi32>
        %slice3A_2821 = vector.extract_strided_slice %shift_right_logical3A_2813 {offsets = [0], sizes = [1], strides = [1]} : vector<16xi32> to vector<1xi32>
        %squeeze3A_2822 = vector.extract %slice3A_2821[0] : i32 from vector<1xi32>
        %dma_start3A_2823 = arith.constant 0 : i32
        %dma_start3A_2824 = arith.constant 0 : i32
        %dma_start3A_2825 = arith.constant 0 : i32
        %dma_start3A_2826 = arith.constant 0 : i32
        %dma_start3A_2827 = tpu.memref_slice %arg9[%dma_start3A_2823, %dma_start3A_2824, %dma_start3A_2825, %dma_start3A_2826] : memref<2x16x8x32xf32, #tpu.memory_space<vmem>> -> memref<1x1x8x32xf32, #tpu.memory_space<vmem>>
        %dma_start3A_2828 = tpu.memref_squeeze %dma_start3A_2827 : memref<1x1x8x32xf32, #tpu.memory_space<vmem>> -> memref<8x32xf32, #tpu.memory_space<vmem>>
        %dma_start3A_2829 = arith.constant 0 : i32
        %dma_start3A_2830 = arith.constant 0 : i32
        %dma_start3A_2831 = tpu.memref_slice %arg4[%squeeze3A_2822, %dma_start3A_2829, %dma_start3A_2830] : memref<12500x8x32xf32, #tpu.memory_space<hbm>> -> memref<1x8x32xf32, #tpu.memory_space<hbm>>
        %dma_start3A_2832 = tpu.memref_squeeze %dma_start3A_2831 : memref<1x8x32xf32, #tpu.memory_space<hbm>> -> memref<8x32xf32, #tpu.memory_space<hbm>>
        %dma_start3A_2833 = arith.constant 0 : i32
        %dma_start3A_2834 = arith.constant 0 : i32
        %dma_start3A_2835 = tpu.memref_slice %arg9[%dma_start3A_2823, %dma_start3A_2824, %dma_start3A_2833, %dma_start3A_2834] : memref<2x16x8x32xf32, #tpu.memory_space<vmem>> -> memref<1x1x8x32xf32, #tpu.memory_space<vmem>>
        %dma_start3A_2836 = tpu.memref_squeeze %dma_start3A_2835 : memref<1x1x8x32xf32, #tpu.memory_space<vmem>> -> memref<8x32xf32, #tpu.memory_space<vmem>>
        %dma_start3A_2837 = arith.constant 0 : i32
        %dma_start3A_2838 = arith.constant 0 : i32
        %dma_start3A_2839 = tpu.memref_slice %arg4[%squeeze3A_2822, %dma_start3A_2837, %dma_start3A_2838] : memref<12500x8x32xf32, #tpu.memory_space<hbm>> -> memref<1x8x32xf32, #tpu.memory_space<hbm>>
        %dma_start3A_2840 = tpu.memref_squeeze %dma_start3A_2839 : memref<1x8x32xf32, #tpu.memory_space<hbm>> -> memref<8x32xf32, #tpu.memory_space<hbm>>
        tpu.enqueue_dma source(%dma_start3A_2840 : memref<8x32xf32, #tpu.memory_space<hbm>>) target(%dma_start3A_2836 : memref<8x32xf32, #tpu.memory_space<vmem>>) target_semaphore(%arg13 : memref<!tpu.dma_semaphore, #tpu.memory_space<semaphore_mem>>)
        %slice3A_2841 = vector.extract_strided_slice %shift_right_logical3A_2820 {offsets = [0], sizes = [1], strides = [1]} : vector<16xi32> to vector<1xi32>
        %squeeze3A_2842 = vector.extract %slice3A_2841[0] : i32 from vector<1xi32>
        %dma_start3A_2843 = arith.constant 0 : i32
        %dma_start3A_2844 = arith.constant 0 : i32
        %dma_start3A_2845 = arith.constant 0 : i32
        %dma_start3A_2846 = arith.constant 0 : i32
        %dma_start3A_2847 = tpu.memref_slice %arg10[%dma_start3A_2843, %dma_start3A_2844, %dma_start3A_2845, %dma_start3A_2846] : memref<2x16x8x32xf32, #tpu.memory_space<vmem>> -> memref<1x1x8x32xf32, #tpu.memory_space<vmem>>
        %dma_start3A_2848 = tpu.memref_squeeze %dma_start3A_2847 : memref<1x1x8x32xf32, #tpu.memory_space<vmem>> -> memref<8x32xf32, #tpu.memory_space<vmem>>
        %dma_start3A_2849 = arith.constant 0 : i32
        %dma_start3A_2850 = arith.constant 0 : i32
        %dma_start3A_2851 = tpu.memref_slice %arg5[%squeeze3A_2842, %dma_start3A_2849, %dma_start3A_2850] : memref<125000x8x32xf32, #tpu.memory_space<hbm>> -> memref<1x8x32xf32, #tpu.memory_space<hbm>>
        %dma_start3A_2852 = tpu.memref_squeeze %dma_start3A_2851 : memref<1x8x32xf32, #tpu.memory_space<hbm>> -> memref<8x32xf32, #tpu.memory_space<hbm>>
        %dma_start3A_2853 = arith.constant 0 : i32
        %dma_start3A_2854 = arith.constant 0 : i32
        %dma_start3A_2855 = tpu.memref_slice %arg10[%dma_start3A_2843, %dma_start3A_2844, %dma_start3A_2853, %dma_start3A_2854] : memref<2x16x8x32xf32, #tpu.memory_space<vmem>> -> memref<1x1x8x32xf32, #tpu.memory_space<vmem>>
        %dma_start3A_2856 = tpu.memref_squeeze %dma_start3A_2855 : memref<1x1x8x32xf32, #tpu.memory_space<vmem>> -> memref<8x32xf32, #tpu.memory_space<vmem>>
        %dma_start3A_2857 = arith.constant 0 : i32
        %dma_start3A_2858 = arith.constant 0 : i32
        %dma_start3A_2859 = tpu.memref_slice %arg5[%squeeze3A_2842, %dma_start3A_2857, %dma_start3A_2858] : memref<125000x8x32xf32, #tpu.memory_space<hbm>> -> memref<1x8x32xf32, #tpu.memory_space<hbm>>
        %dma_start3A_2860 = tpu.memref_squeeze %dma_start3A_2859 : memref<1x8x32xf32, #tpu.memory_space<hbm>> -> memref<8x32xf32, #tpu.memory_space<hbm>>
        tpu.enqueue_dma source(%dma_start3A_2860 : memref<8x32xf32, #tpu.memory_space<hbm>>) target(%dma_start3A_2856 : memref<8x32xf32, #tpu.memory_space<vmem>>) target_semaphore(%arg13 : memref<!tpu.dma_semaphore, #tpu.memory_space<semaphore_mem>>)
        %slice3A_2861 = vector.extract_strided_slice %shift_right_logical3A_2813 {offsets = [1], sizes = [1], strides = [1]} : vector<16xi32> to vector<1xi32>
        %squeeze3A_2862 = vector.extract %slice3A_2861[0] : i32 from vector<1xi32>
        %dma_start3A_2863 = arith.constant 0 : i32
        %dma_start3A_2864 = arith.constant 1 : i32
        %dma_start3A_2865 = arith.constant 0 : i32
        %dma_start3A_2866 = arith.constant 0 : i32
        %dma_start3A_2867 = tpu.memref_slice %arg9[%dma_start3A_2863, %dma_start3A_2864, %dma_start3A_2865, %dma_start3A_2866] : memref<2x16x8x32xf32, #tpu.memory_space<vmem>> -> memref<1x1x8x32xf32, #tpu.memory_space<vmem>>
        %dma_start3A_2868 = tpu.memref_squeeze %dma_start3A_2867 : memref<1x1x8x32xf32, #tpu.memory_space<vmem>> -> memref<8x32xf32, #tpu.memory_space<vmem>>
        %dma_start3A_2869 = arith.constant 0 : i32
        %dma_start3A_2870 = arith.constant 0 : i32
        %dma_start3A_2871 = tpu.memref_slice %arg4[%squeeze3A_2862, %dma_start3A_2869, %dma_start3A_2870] : memref<12500x8x32xf32, #tpu.memory_space<hbm>> -> memref<1x8x32xf32, #tpu.memory_space<hbm>>
        %dma_start3A_2872 = tpu.memref_squeeze %dma_start3A_2871 : memref<1x8x32xf32, #tpu.memory_space<hbm>> -> memref<8x32xf32, #tpu.memory_space<hbm>>
        %dma_start3A_2873 = arith.constant 0 : i32
        %dma_start3A_2874 = arith.constant 0 : i32
        %dma_start3A_2875 = tpu.memref_slice %arg9[%dma_start3A_2863, %dma_start3A_2864, %dma_start3A_2873, %dma_start3A_2874] : memref<2x16x8x32xf32, #tpu.memory_space<vmem>> -> memref<1x1x8x32xf32, #tpu.memory_space<vmem>>
        %dma_start3A_2876 = tpu.memref_squeeze %dma_start3A_2875 : memref<1x1x8x32xf32, #tpu.memory_space<vmem>> -> memref<8x32xf32, #tpu.memory_space<vmem>>
        %dma_start3A_2877 = arith.constant 0 : i32
        %dma_start3A_2878 = arith.constant 0 : i32
        %dma_start3A_2879 = tpu.memref_slice %arg4[%squeeze3A_2862, %dma_start3A_2877, %dma_start3A_2878] : memref<12500x8x32xf32, #tpu.memory_space<hbm>> -> memref<1x8x32xf32, #tpu.memory_space<hbm>>
        %dma_start3A_2880 = tpu.memref_squeeze %dma_start3A_2879 : memref<1x8x32xf32, #tpu.memory_space<hbm>> -> memref<8x32xf32, #tpu.memory_space<hbm>>
        tpu.enqueue_dma source(%dma_start3A_2880 : memref<8x32xf32, #tpu.memory_space<hbm>>) target(%dma_start3A_2876 : memref<8x32xf32, #tpu.memory_space<vmem>>) target_semaphore(%arg13 : memref<!tpu.dma_semaphore, #tpu.memory_space<semaphore_mem>>)
        %slice3A_2881 = vector.extract_strided_slice %shift_right_logical3A_2820 {offsets = [1], sizes = [1], strides = [1]} : vector<16xi32> to vector<1xi32>
        %squeeze3A_2882 = vector.extract %slice3A_2881[0] : i32 from vector<1xi32>
        %dma_start3A_2883 = arith.constant 0 : i32
        %dma_start3A_2884 = arith.constant 1 : i32
        %dma_start3A_2885 = arith.constant 0 : i32
        %dma_start3A_2886 = arith.constant 0 : i32
        %dma_start3A_2887 = tpu.memref_slice %arg10[%dma_start3A_2883, %dma_start3A_2884, %dma_start3A_2885, %dma_start3A_2886] : memref<2x16x8x32xf32, #tpu.memory_space<vmem>> -> memref<1x1x8x32xf32, #tpu.memory_space<vmem>>
        %dma_start3A_2888 = tpu.memref_squeeze %dma_start3A_2887 : memref<1x1x8x32xf32, #tpu.memory_space<vmem>> -> memref<8x32xf32, #tpu.memory_space<vmem>>
        %dma_start3A_2889 = arith.constant 0 : i32
        %dma_start3A_2890 = arith.constant 0 : i32
        %dma_start3A_2891 = tpu.memref_slice %arg5[%squeeze3A_2882, %dma_start3A_2889, %dma_start3A_2890] : memref<125000x8x32xf32, #tpu.memory_space<hbm>> -> memref<1x8x32xf32, #tpu.memory_space<hbm>>
        %dma_start3A_2892 = tpu.memref_squeeze %dma_start3A_2891 : memref<1x8x32xf32, #tpu.memory_space<hbm>> -> memref<8x32xf32, #tpu.memory_space<hbm>>
        %dma_start3A_2893 = arith.constant 0 : i32
        %dma_start3A_2894 = arith.constant 0 : i32
        %dma_start3A_2895 = tpu.memref_slice %arg10[%dma_start3A_2883, %dma_start3A_2884, %dma_start3A_2893, %dma_start3A_2894] : memref<2x16x8x32xf32, #tpu.memory_space<vmem>> -> memref<1x1x8x32xf32, #tpu.memory_space<vmem>>
        %dma_start3A_2896 = tpu.memref_squeeze %dma_start3A_2895 : memref<1x1x8x32xf32, #tpu.memory_space<vmem>> -> memref<8x32xf32, #tpu.memory_space<vmem>>
        %dma_start3A_2897 = arith.constant 0 : i32
        %dma_start3A_2898 = arith.constant 0 : i32
        %dma_start3A_2899 = tpu.memref_slice %arg5[%squeeze3A_2882, %dma_start3A_2897, %dma_start3A_2898] : memref<125000x8x32xf32, #tpu.memory_space<hbm>> -> memref<1x8x32xf32, #tpu.memory_space<hbm>>
        %dma_start3A_2900 = tpu.memref_squeeze %dma_start3A_2899 : memref<1x8x32xf32, #tpu.memory_space<hbm>> -> memref<8x32xf32, #tpu.memory_space<hbm>>
        tpu.enqueue_dma source(%dma_start3A_2900 : memref<8x32xf32, #tpu.memory_space<hbm>>) target(%dma_start3A_2896 : memref<8x32xf32, #tpu.memory_space<vmem>>) target_semaphore(%arg13 : memref<!tpu.dma_semaphore, #tpu.memory_space<semaphore_mem>>)
        %slice3A_2901 = vector.extract_strided_slice %shift_right_logical3A_2813 {offsets = [2], sizes = [1], strides = [1]} : vector<16xi32> to vector<1xi32>
        %squeeze3A_2902 = vector.extract %slice3A_2901[0] : i32 from vector<1xi32>
        %dma_start3A_2903 = arith.constant 0 : i32
        %dma_start3A_2904 = arith.constant 2 : i32
        %dma_start3A_2905 = arith.constant 0 : i32
        %dma_start3A_2906 = arith.constant 0 : i32
        %dma_start3A_2907 = tpu.memref_slice %arg9[%dma_start3A_2903, %dma_start3A_2904, %dma_start3A_2905, %dma_start3A_2906] : memref<2x16x8x32xf32, #tpu.memory_space<vmem>> -> memref<1x1x8x32xf32, #tpu.memory_space<vmem>>
        %dma_start3A_2908 = tpu.memref_squeeze %dma_start3A_2907 : memref<1x1x8x32xf32, #tpu.memory_space<vmem>> -> memref<8x32xf32, #tpu.memory_space<vmem>>
        %dma_start3A_2909 = arith.constant 0 : i32
        %dma_start3A_2910 = arith.constant 0 : i32
        %dma_start3A_2911 = tpu.memref_slice %arg4[%squeeze3A_2902, %dma_start3A_2909, %dma_start3A_2910] : memref<12500x8x32xf32, #tpu.memory_space<hbm>> -> memref<1x8x32xf32, #tpu.memory_space<hbm>>
        %dma_start3A_2912 = tpu.memref_squeeze %dma_start3A_2911 : memref<1x8x32xf32, #tpu.memory_space<hbm>> -> memref<8x32xf32, #tpu.memory_space<hbm>>
        %dma_start3A_2913 = arith.constant 0 : i32
        %dma_start3A_2914 = arith.constant 0 : i32
        %dma_start3A_2915 = tpu.memref_slice %arg9[%dma_start3A_2903, %dma_start3A_2904, %dma_start3A_2913, %dma_start3A_2914] : memref<2x16x8x32xf32, #tpu.memory_space<vmem>> -> memref<1x1x8x32xf32, #tpu.memory_space<vmem>>
        %dma_start3A_2916 = tpu.memref_squeeze %dma_start3A_2915 : memref<1x1x8x32xf32, #tpu.memory_space<vmem>> -> memref<8x32xf32, #tpu.memory_space<vmem>>
        %dma_start3A_2917 = arith.constant 0 : i32
        %dma_start3A_2918 = arith.constant 0 : i32
        %dma_start3A_2919 = tpu.memref_slice %arg4[%squeeze3A_2902, %dma_start3A_2917, %dma_start3A_2918] : memref<12500x8x32xf32, #tpu.memory_space<hbm>> -> memref<1x8x32xf32, #tpu.memory_space<hbm>>
        %dma_start3A_2920 = tpu.memref_squeeze %dma_start3A_2919 : memref<1x8x32xf32, #tpu.memory_space<hbm>> -> memref<8x32xf32, #tpu.memory_space<hbm>>
        tpu.enqueue_dma source(%dma_start3A_2920 : memref<8x32xf32, #tpu.memory_space<hbm>>) target(%dma_start3A_2916 : memref<8x32xf32, #tpu.memory_space<vmem>>) target_semaphore(%arg13 : memref<!tpu.dma_semaphore, #tpu.memory_space<semaphore_mem>>)
        %slice3A_2921 = vector.extract_strided_slice %shift_right_logical3A_2820 {offsets = [2], sizes = [1], strides = [1]} : vector<16xi32> to vector<1xi32>
        %squeeze3A_2922 = vector.extract %slice3A_2921[0] : i32 from vector<1xi32>
        %dma_start3A_2923 = arith.constant 0 : i32
        %dma_start3A_2924 = arith.constant 2 : i32
        %dma_start3A_2925 = arith.constant 0 : i32
        %dma_start3A_2926 = arith.constant 0 : i32
        %dma_start3A_2927 = tpu.memref_slice %arg10[%dma_start3A_2923, %dma_start3A_2924, %dma_start3A_2925, %dma_start3A_2926] : memref<2x16x8x32xf32, #tpu.memory_space<vmem>> -> memref<1x1x8x32xf32, #tpu.memory_space<vmem>>
        %dma_start3A_2928 = tpu.memref_squeeze %dma_start3A_2927 : memref<1x1x8x32xf32, #tpu.memory_space<vmem>> -> memref<8x32xf32, #tpu.memory_space<vmem>>
        %dma_start3A_2929 = arith.constant 0 : i32
        %dma_start3A_2930 = arith.constant 0 : i32
        %dma_start3A_2931 = tpu.memref_slice %arg5[%squeeze3A_2922, %dma_start3A_2929, %dma_start3A_2930] : memref<125000x8x32xf32, #tpu.memory_space<hbm>> -> memref<1x8x32xf32, #tpu.memory_space<hbm>>
        %dma_start3A_2932 = tpu.memref_squeeze %dma_start3A_2931 : memref<1x8x32xf32, #tpu.memory_space<hbm>> -> memref<8x32xf32, #tpu.memory_space<hbm>>
        %dma_start3A_2933 = arith.constant 0 : i32
        %dma_start3A_2934 = arith.constant 0 : i32
        %dma_start3A_2935 = tpu.memref_slice %arg10[%dma_start3A_2923, %dma_start3A_2924, %dma_start3A_2933, %dma_start3A_2934] : memref<2x16x8x32xf32, #tpu.memory_space<vmem>> -> memref<1x1x8x32xf32, #tpu.memory_space<vmem>>
        %dma_start3A_2936 = tpu.memref_squeeze %dma_start3A_2935 : memref<1x1x8x32xf32, #tpu.memory_space<vmem>> -> memref<8x32xf32, #tpu.memory_space<vmem>>
        %dma_start3A_2937 = arith.constant 0 : i32
        %dma_start3A_2938 = arith.constant 0 : i32
        %dma_start3A_2939 = tpu.memref_slice %arg5[%squeeze3A_2922, %dma_start3A_2937, %dma_start3A_2938] : memref<125000x8x32xf32, #tpu.memory_space<hbm>> -> memref<1x8x32xf32, #tpu.memory_space<hbm>>
        %dma_start3A_2940 = tpu.memref_squeeze %dma_start3A_2939 : memref<1x8x32xf32, #tpu.memory_space<hbm>> -> memref<8x32xf32, #tpu.memory_space<hbm>>
        tpu.enqueue_dma source(%dma_start3A_2940 : memref<8x32xf32, #tpu.memory_space<hbm>>) target(%dma_start3A_2936 : memref<8x32xf32, #tpu.memory_space<vmem>>) target_semaphore(%arg13 : memref<!tpu.dma_semaphore, #tpu.memory_space<semaphore_mem>>)
        %slice3A_2941 = vector.extract_strided_slice %shift_right_logical3A_2813 {offsets = [3], sizes = [1], strides = [1]} : vector<16xi32> to vector<1xi32>
        %squeeze3A_2942 = vector.extract %slice3A_2941[0] : i32 from vector<1xi32>
        %dma_start3A_2943 = arith.constant 0 : i32
        %dma_start3A_2944 = arith.constant 3 : i32
        %dma_start3A_2945 = arith.constant 0 : i32
        %dma_start3A_2946 = arith.constant 0 : i32
        %dma_start3A_2947 = tpu.memref_slice %arg9[%dma_start3A_2943, %dma_start3A_2944, %dma_start3A_2945, %dma_start3A_2946] : memref<2x16x8x32xf32, #tpu.memory_space<vmem>> -> memref<1x1x8x32xf32, #tpu.memory_space<vmem>>
        %dma_start3A_2948 = tpu.memref_squeeze %dma_start3A_2947 : memref<1x1x8x32xf32, #tpu.memory_space<vmem>> -> memref<8x32xf32, #tpu.memory_space<vmem>>
        %dma_start3A_2949 = arith.constant 0 : i32
        %dma_start3A_2950 = arith.constant 0 : i32
        %dma_start3A_2951 = tpu.memref_slice %arg4[%squeeze3A_2942, %dma_start3A_2949, %dma_start3A_2950] : memref<12500x8x32xf32, #tpu.memory_space<hbm>> -> memref<1x8x32xf32, #tpu.memory_space<hbm>>
        %dma_start3A_2952 = tpu.memref_squeeze %dma_start3A_2951 : memref<1x8x32xf32, #tpu.memory_space<hbm>> -> memref<8x32xf32, #tpu.memory_space<hbm>>
        %dma_start3A_2953 = arith.constant 0 : i32
        %dma_start3A_2954 = arith.constant 0 : i32
        %dma_start3A_2955 = tpu.memref_slice %arg9[%dma_start3A_2943, %dma_start3A_2944, %dma_start3A_2953, %dma_start3A_2954] : memref<2x16x8x32xf32, #tpu.memory_space<vmem>> -> memref<1x1x8x32xf32, #tpu.memory_space<vmem>>
        %dma_start3A_2956 = tpu.memref_squeeze %dma_start3A_2955 : memref<1x1x8x32xf32, #tpu.memory_space<vmem>> -> memref<8x32xf32, #tpu.memory_space<vmem>>
        %dma_start3A_2957 = arith.constant 0 : i32
        %dma_start3A_2958 = arith.constant 0 : i32
        %dma_start3A_2959 = tpu.memref_slice %arg4[%squeeze3A_2942, %dma_start3A_2957, %dma_start3A_2958] : memref<12500x8x32xf32, #tpu.memory_space<hbm>> -> memref<1x8x32xf32, #tpu.memory_space<hbm>>
        %dma_start3A_2960 = tpu.memref_squeeze %dma_start3A_2959 : memref<1x8x32xf32, #tpu.memory_space<hbm>> -> memref<8x32xf32, #tpu.memory_space<hbm>>
        tpu.enqueue_dma source(%dma_start3A_2960 : memref<8x32xf32, #tpu.memory_space<hbm>>) target(%dma_start3A_2956 : memref<8x32xf32, #tpu.memory_space<vmem>>) target_semaphore(%arg13 : memref<!tpu.dma_semaphore, #tpu.memory_space<semaphore_mem>>)
        %slice3A_2961 = vector.extract_strided_slice %shift_right_logical3A_2820 {offsets = [3], sizes = [1], strides = [1]} : vector<16xi32> to vector<1xi32>
        %squeeze3A_2962 = vector.extract %slice3A_2961[0] : i32 from vector<1xi32>
        %dma_start3A_2963 = arith.constant 0 : i32
        %dma_start3A_2964 = arith.constant 3 : i32
        %dma_start3A_2965 = arith.constant 0 : i32
        %dma_start3A_2966 = arith.constant 0 : i32
        %dma_start3A_2967 = tpu.memref_slice %arg10[%dma_start3A_2963, %dma_start3A_2964, %dma_start3A_2965, %dma_start3A_2966] : memref<2x16x8x32xf32, #tpu.memory_space<vmem>> -> memref<1x1x8x32xf32, #tpu.memory_space<vmem>>
        %dma_start3A_2968 = tpu.memref_squeeze %dma_start3A_2967 : memref<1x1x8x32xf32, #tpu.memory_space<vmem>> -> memref<8x32xf32, #tpu.memory_space<vmem>>
        %dma_start3A_2969 = arith.constant 0 : i32
        %dma_start3A_2970 = arith.constant 0 : i32
        %dma_start3A_2971 = tpu.memref_slice %arg5[%squeeze3A_2962, %dma_start3A_2969, %dma_start3A_2970] : memref<125000x8x32xf32, #tpu.memory_space<hbm>> -> memref<1x8x32xf32, #tpu.memory_space<hbm>>
        %dma_start3A_2972 = tpu.memref_squeeze %dma_start3A_2971 : memref<1x8x32xf32, #tpu.memory_space<hbm>> -> memref<8x32xf32, #tpu.memory_space<hbm>>
        %dma_start3A_2973 = arith.constant 0 : i32
        %dma_start3A_2974 = arith.constant 0 : i32
        %dma_start3A_2975 = tpu.memref_slice %arg10[%dma_start3A_2963, %dma_start3A_2964, %dma_start3A_2973, %dma_start3A_2974] : memref<2x16x8x32xf32, #tpu.memory_space<vmem>> -> memref<1x1x8x32xf32, #tpu.memory_space<vmem>>
        %dma_start3A_2976 = tpu.memref_squeeze %dma_start3A_2975 : memref<1x1x8x32xf32, #tpu.memory_space<vmem>> -> memref<8x32xf32, #tpu.memory_space<vmem>>
        %dma_start3A_2977 = arith.constant 0 : i32
        %dma_start3A_2978 = arith.constant 0 : i32
        %dma_start3A_2979 = tpu.memref_slice %arg5[%squeeze3A_2962, %dma_start3A_2977, %dma_start3A_2978] : memref<125000x8x32xf32, #tpu.memory_space<hbm>> -> memref<1x8x32xf32, #tpu.memory_space<hbm>>
        %dma_start3A_2980 = tpu.memref_squeeze %dma_start3A_2979 : memref<1x8x32xf32, #tpu.memory_space<hbm>> -> memref<8x32xf32, #tpu.memory_space<hbm>>
        tpu.enqueue_dma source(%dma_start3A_2980 : memref<8x32xf32, #tpu.memory_space<hbm>>) target(%dma_start3A_2976 : memref<8x32xf32, #tpu.memory_space<vmem>>) target_semaphore(%arg13 : memref<!tpu.dma_semaphore, #tpu.memory_space<semaphore_mem>>)
        %slice3A_2981 = vector.extract_strided_slice %shift_right_logical3A_2813 {offsets = [4], sizes = [1], strides = [1]} : vector<16xi32> to vector<1xi32>
        %squeeze3A_2982 = vector.extract %slice3A_2981[0] : i32 from vector<1xi32>
        %dma_start3A_2983 = arith.constant 0 : i32
        %dma_start3A_2984 = arith.constant 4 : i32
        %dma_start3A_2985 = arith.constant 0 : i32
        %dma_start3A_2986 = arith.constant 0 : i32
        %dma_start3A_2987 = tpu.memref_slice %arg9[%dma_start3A_2983, %dma_start3A_2984, %dma_start3A_2985, %dma_start3A_2986] : memref<2x16x8x32xf32, #tpu.memory_space<vmem>> -> memref<1x1x8x32xf32, #tpu.memory_space<vmem>>
        %dma_start3A_2988 = tpu.memref_squeeze %dma_start3A_2987 : memref<1x1x8x32xf32, #tpu.memory_space<vmem>> -> memref<8x32xf32, #tpu.memory_space<vmem>>
        %dma_start3A_2989 = arith.constant 0 : i32
        %dma_start3A_2990 = arith.constant 0 : i32
        %dma_start3A_2991 = tpu.memref_slice %arg4[%squeeze3A_2982, %dma_start3A_2989, %dma_start3A_2990] : memref<12500x8x32xf32, #tpu.memory_space<hbm>> -> memref<1x8x32xf32, #tpu.memory_space<hbm>>
        %dma_start3A_2992 = tpu.memref_squeeze %dma_start3A_2991 : memref<1x8x32xf32, #tpu.memory_space<hbm>> -> memref<8x32xf32, #tpu.memory_space<hbm>>
        %dma_start3A_2993 = arith.constant 0 : i32
        %dma_start3A_2994 = arith.constant 0 : i32
        %dma_start3A_2995 = tpu.memref_slice %arg9[%dma_start3A_2983, %dma_start3A_2984, %dma_start3A_2993, %dma_start3A_2994] : memref<2x16x8x32xf32, #tpu.memory_space<vmem>> -> memref<1x1x8x32xf32, #tpu.memory_space<vmem>>
        %dma_start3A_2996 = tpu.memref_squeeze %dma_start3A_2995 : memref<1x1x8x32xf32, #tpu.memory_space<vmem>> -> memref<8x32xf32, #tpu.memory_space<vmem>>
        %dma_start3A_2997 = arith.constant 0 : i32
        %dma_start3A_2998 = arith.constant 0 : i32
        %dma_start3A_2999 = tpu.memref_slice %arg4[%squeeze3A_2982, %dma_start3A_2997, %dma_start3A_2998] : memref<12500x8x32xf32, #tpu.memory_space<hbm>> -> memref<1x8x32xf32, #tpu.memory_space<hbm>>
        %dma_start3A_3000 = tpu.memref_squeeze %dma_start3A_2999 : memref<1x8x32xf32, #tpu.memory_space<hbm>> -> memref<8x32xf32, #tpu.memory_space<hbm>>
        tpu.enqueue_dma source(%dma_start3A_3000 : memref<8x32xf32, #tpu.memory_space<hbm>>) target(%dma_start3A_2996 : memref<8x32xf32, #tpu.memory_space<vmem>>) target_semaphore(%arg13 : memref<!tpu.dma_semaphore, #tpu.memory_space<semaphore_mem>>)
        %slice3A_3001 = vector.extract_strided_slice %shift_right_logical3A_2820 {offsets = [4], sizes = [1], strides = [1]} : vector<16xi32> to vector<1xi32>
        %squeeze3A_3002 = vector.extract %slice3A_3001[0] : i32 from vector<1xi32>
        %dma_start3A_3003 = arith.constant 0 : i32
        %dma_start3A_3004 = arith.constant 4 : i32
        %dma_start3A_3005 = arith.constant 0 : i32
        %dma_start3A_3006 = arith.constant 0 : i32
        %dma_start3A_3007 = tpu.memref_slice %arg10[%dma_start3A_3003, %dma_start3A_3004, %dma_start3A_3005, %dma_start3A_3006] : memref<2x16x8x32xf32, #tpu.memory_space<vmem>> -> memref<1x1x8x32xf32, #tpu.memory_space<vmem>>
        %dma_start3A_3008 = tpu.memref_squeeze %dma_start3A_3007 : memref<1x1x8x32xf32, #tpu.memory_space<vmem>> -> memref<8x32xf32, #tpu.memory_space<vmem>>
        %dma_start3A_3009 = arith.constant 0 : i32
        %dma_start3A_3010 = arith.constant 0 : i32
        %dma_start3A_3011 = tpu.memref_slice %arg5[%squeeze3A_3002, %dma_start3A_3009, %dma_start3A_3010] : memref<125000x8x32xf32, #tpu.memory_space<hbm>> -> memref<1x8x32xf32, #tpu.memory_space<hbm>>
        %dma_start3A_3012 = tpu.memref_squeeze %dma_start3A_3011 : memref<1x8x32xf32, #tpu.memory_space<hbm>> -> memref<8x32xf32, #tpu.memory_space<hbm>>
        %dma_start3A_3013 = arith.constant 0 : i32
        %dma_start3A_3014 = arith.constant 0 : i32
        %dma_start3A_3015 = tpu.memref_slice %arg10[%dma_start3A_3003, %dma_start3A_3004, %dma_start3A_3013, %dma_start3A_3014] : memref<2x16x8x32xf32, #tpu.memory_space<vmem>> -> memref<1x1x8x32xf32, #tpu.memory_space<vmem>>
        %dma_start3A_3016 = tpu.memref_squeeze %dma_start3A_3015 : memref<1x1x8x32xf32, #tpu.memory_space<vmem>> -> memref<8x32xf32, #tpu.memory_space<vmem>>
        %dma_start3A_3017 = arith.constant 0 : i32
        %dma_start3A_3018 = arith.constant 0 : i32
        %dma_start3A_3019 = tpu.memref_slice %arg5[%squeeze3A_3002, %dma_start3A_3017, %dma_start3A_3018] : memref<125000x8x32xf32, #tpu.memory_space<hbm>> -> memref<1x8x32xf32, #tpu.memory_space<hbm>>
        %dma_start3A_3020 = tpu.memref_squeeze %dma_start3A_3019 : memref<1x8x32xf32, #tpu.memory_space<hbm>> -> memref<8x32xf32, #tpu.memory_space<hbm>>
        tpu.enqueue_dma source(%dma_start3A_3020 : memref<8x32xf32, #tpu.memory_space<hbm>>) target(%dma_start3A_3016 : memref<8x32xf32, #tpu.memory_space<vmem>>) target_semaphore(%arg13 : memref<!tpu.dma_semaphore, #tpu.memory_space<semaphore_mem>>)
        %slice3A_3021 = vector.extract_strided_slice %shift_right_logical3A_2813 {offsets = [5], sizes = [1], strides = [1]} : vector<16xi32> to vector<1xi32>
        %squeeze3A_3022 = vector.extract %slice3A_3021[0] : i32 from vector<1xi32>
        %dma_start3A_3023 = arith.constant 0 : i32
        %dma_start3A_3024 = arith.constant 5 : i32
        %dma_start3A_3025 = arith.constant 0 : i32
        %dma_start3A_3026 = arith.constant 0 : i32
        %dma_start3A_3027 = tpu.memref_slice %arg9[%dma_start3A_3023, %dma_start3A_3024, %dma_start3A_3025, %dma_start3A_3026] : memref<2x16x8x32xf32, #tpu.memory_space<vmem>> -> memref<1x1x8x32xf32, #tpu.memory_space<vmem>>
        %dma_start3A_3028 = tpu.memref_squeeze %dma_start3A_3027 : memref<1x1x8x32xf32, #tpu.memory_space<vmem>> -> memref<8x32xf32, #tpu.memory_space<vmem>>
        %dma_start3A_3029 = arith.constant 0 : i32
        %dma_start3A_3030 = arith.constant 0 : i32
        %dma_start3A_3031 = tpu.memref_slice %arg4[%squeeze3A_3022, %dma_start3A_3029, %dma_start3A_3030] : memref<12500x8x32xf32, #tpu.memory_space<hbm>> -> memref<1x8x32xf32, #tpu.memory_space<hbm>>
        %dma_start3A_3032 = tpu.memref_squeeze %dma_start3A_3031 : memref<1x8x32xf32, #tpu.memory_space<hbm>> -> memref<8x32xf32, #tpu.memory_space<hbm>>
        %dma_start3A_3033 = arith.constant 0 : i32
        %dma_start3A_3034 = arith.constant 0 : i32
        %dma_start3A_3035 = tpu.memref_slice %arg9[%dma_start3A_3023, %dma_start3A_3024, %dma_start3A_3033, %dma_start3A_3034] : memref<2x16x8x32xf32, #tpu.memory_space<vmem>> -> memref<1x1x8x32xf32, #tpu.memory_space<vmem>>
        %dma_start3A_3036 = tpu.memref_squeeze %dma_start3A_3035 : memref<1x1x8x32xf32, #tpu.memory_space<vmem>> -> memref<8x32xf32, #tpu.memory_space<vmem>>
        %dma_start3A_3037 = arith.constant 0 : i32
        %dma_start3A_3038 = arith.constant 0 : i32
        %dma_start3A_3039 = tpu.memref_slice %arg4[%squeeze3A_3022, %dma_start3A_3037, %dma_start3A_3038] : memref<12500x8x32xf32, #tpu.memory_space<hbm>> -> memref<1x8x32xf32, #tpu.memory_space<hbm>>
        %dma_start3A_3040 = tpu.memref_squeeze %dma_start3A_3039 : memref<1x8x32xf32, #tpu.memory_space<hbm>> -> memref<8x32xf32, #tpu.memory_space<hbm>>
        tpu.enqueue_dma source(%dma_start3A_3040 : memref<8x32xf32, #tpu.memory_space<hbm>>) target(%dma_start3A_3036 : memref<8x32xf32, #tpu.memory_space<vmem>>) target_semaphore(%arg13 : memref<!tpu.dma_semaphore, #tpu.memory_space<semaphore_mem>>)
        %slice3A_3041 = vector.extract_strided_slice %shift_right_logical3A_2820 {offsets = [5], sizes = [1], strides = [1]} : vector<16xi32> to vector<1xi32>
        %squeeze3A_3042 = vector.extract %slice3A_3041[0] : i32 from vector<1xi32>
        %dma_start3A_3043 = arith.constant 0 : i32
        %dma_start3A_3044 = arith.constant 5 : i32
        %dma_start3A_3045 = arith.constant 0 : i32
        %dma_start3A_3046 = arith.constant 0 : i32
        %dma_start3A_3047 = tpu.memref_slice %arg10[%dma_start3A_3043, %dma_start3A_3044, %dma_start3A_3045, %dma_start3A_3046] : memref<2x16x8x32xf32, #tpu.memory_space<vmem>> -> memref<1x1x8x32xf32, #tpu.memory_space<vmem>>
        %dma_start3A_3048 = tpu.memref_squeeze %dma_start3A_3047 : memref<1x1x8x32xf32, #tpu.memory_space<vmem>> -> memref<8x32xf32, #tpu.memory_space<vmem>>
        %dma_start3A_3049 = arith.constant 0 : i32
        %dma_start3A_3050 = arith.constant 0 : i32
        %dma_start3A_3051 = tpu.memref_slice %arg5[%squeeze3A_3042, %dma_start3A_3049, %dma_start3A_3050] : memref<125000x8x32xf32, #tpu.memory_space<hbm>> -> memref<1x8x32xf32, #tpu.memory_space<hbm>>
        %dma_start3A_3052 = tpu.memref_squeeze %dma_start3A_3051 : memref<1x8x32xf32, #tpu.memory_space<hbm>> -> memref<8x32xf32, #tpu.memory_space<hbm>>
        %dma_start3A_3053 = arith.constant 0 : i32
        %dma_start3A_3054 = arith.constant 0 : i32
        %dma_start3A_3055 = tpu.memref_slice %arg10[%dma_start3A_3043, %dma_start3A_3044, %dma_start3A_3053, %dma_start3A_3054] : memref<2x16x8x32xf32, #tpu.memory_space<vmem>> -> memref<1x1x8x32xf32, #tpu.memory_space<vmem>>
        %dma_start3A_3056 = tpu.memref_squeeze %dma_start3A_3055 : memref<1x1x8x32xf32, #tpu.memory_space<vmem>> -> memref<8x32xf32, #tpu.memory_space<vmem>>
        %dma_start3A_3057 = arith.constant 0 : i32
        %dma_start3A_3058 = arith.constant 0 : i32
        %dma_start3A_3059 = tpu.memref_slice %arg5[%squeeze3A_3042, %dma_start3A_3057, %dma_start3A_3058] : memref<125000x8x32xf32, #tpu.memory_space<hbm>> -> memref<1x8x32xf32, #tpu.memory_space<hbm>>
        %dma_start3A_3060 = tpu.memref_squeeze %dma_start3A_3059 : memref<1x8x32xf32, #tpu.memory_space<hbm>> -> memref<8x32xf32, #tpu.memory_space<hbm>>
        tpu.enqueue_dma source(%dma_start3A_3060 : memref<8x32xf32, #tpu.memory_space<hbm>>) target(%dma_start3A_3056 : memref<8x32xf32, #tpu.memory_space<vmem>>) target_semaphore(%arg13 : memref<!tpu.dma_semaphore, #tpu.memory_space<semaphore_mem>>)
        %slice3A_3061 = vector.extract_strided_slice %shift_right_logical3A_2813 {offsets = [6], sizes = [1], strides = [1]} : vector<16xi32> to vector<1xi32>
        %squeeze3A_3062 = vector.extract %slice3A_3061[0] : i32 from vector<1xi32>
        %dma_start3A_3063 = arith.constant 0 : i32
        %dma_start3A_3064 = arith.constant 6 : i32
        %dma_start3A_3065 = arith.constant 0 : i32
        %dma_start3A_3066 = arith.constant 0 : i32
        %dma_start3A_3067 = tpu.memref_slice %arg9[%dma_start3A_3063, %dma_start3A_3064, %dma_start3A_3065, %dma_start3A_3066] : memref<2x16x8x32xf32, #tpu.memory_space<vmem>> -> memref<1x1x8x32xf32, #tpu.memory_space<vmem>>
        %dma_start3A_3068 = tpu.memref_squeeze %dma_start3A_3067 : memref<1x1x8x32xf32, #tpu.memory_space<vmem>> -> memref<8x32xf32, #tpu.memory_space<vmem>>
        %dma_start3A_3069 = arith.constant 0 : i32
        %dma_start3A_3070 = arith.constant 0 : i32
        %dma_start3A_3071 = tpu.memref_slice %arg4[%squeeze3A_3062, %dma_start3A_3069, %dma_start3A_3070] : memref<12500x8x32xf32, #tpu.memory_space<hbm>> -> memref<1x8x32xf32, #tpu.memory_space<hbm>>
        %dma_start3A_3072 = tpu.memref_squeeze %dma_start3A_3071 : memref<1x8x32xf32, #tpu.memory_space<hbm>> -> memref<8x32xf32, #tpu.memory_space<hbm>>
        %dma_start3A_3073 = arith.constant 0 : i32
        %dma_start3A_3074 = arith.constant 0 : i32
        %dma_start3A_3075 = tpu.memref_slice %arg9[%dma_start3A_3063, %dma_start3A_3064, %dma_start3A_3073, %dma_start3A_3074] : memref<2x16x8x32xf32, #tpu.memory_space<vmem>> -> memref<1x1x8x32xf32, #tpu.memory_space<vmem>>
        %dma_start3A_3076 = tpu.memref_squeeze %dma_start3A_3075 : memref<1x1x8x32xf32, #tpu.memory_space<vmem>> -> memref<8x32xf32, #tpu.memory_space<vmem>>
        %dma_start3A_3077 = arith.constant 0 : i32
        %dma_start3A_3078 = arith.constant 0 : i32
        %dma_start3A_3079 = tpu.memref_slice %arg4[%squeeze3A_3062, %dma_start3A_3077, %dma_start3A_3078] : memref<12500x8x32xf32, #tpu.memory_space<hbm>> -> memref<1x8x32xf32, #tpu.memory_space<hbm>>
        %dma_start3A_3080 = tpu.memref_squeeze %dma_start3A_3079 : memref<1x8x32xf32, #tpu.memory_space<hbm>> -> memref<8x32xf32, #tpu.memory_space<hbm>>
        tpu.enqueue_dma source(%dma_start3A_3080 : memref<8x32xf32, #tpu.memory_space<hbm>>) target(%dma_start3A_3076 : memref<8x32xf32, #tpu.memory_space<vmem>>) target_semaphore(%arg13 : memref<!tpu.dma_semaphore, #tpu.memory_space<semaphore_mem>>)
        %slice3A_3081 = vector.extract_strided_slice %shift_right_logical3A_2820 {offsets = [6], sizes = [1], strides = [1]} : vector<16xi32> to vector<1xi32>
        %squeeze3A_3082 = vector.extract %slice3A_3081[0] : i32 from vector<1xi32>
        %dma_start3A_3083 = arith.constant 0 : i32
        %dma_start3A_3084 = arith.constant 6 : i32
        %dma_start3A_3085 = arith.constant 0 : i32
        %dma_start3A_3086 = arith.constant 0 : i32
        %dma_start3A_3087 = tpu.memref_slice %arg10[%dma_start3A_3083, %dma_start3A_3084, %dma_start3A_3085, %dma_start3A_3086] : memref<2x16x8x32xf32, #tpu.memory_space<vmem>> -> memref<1x1x8x32xf32, #tpu.memory_space<vmem>>
        %dma_start3A_3088 = tpu.memref_squeeze %dma_start3A_3087 : memref<1x1x8x32xf32, #tpu.memory_space<vmem>> -> memref<8x32xf32, #tpu.memory_space<vmem>>
        %dma_start3A_3089 = arith.constant 0 : i32
        %dma_start3A_3090 = arith.constant 0 : i32
        %dma_start3A_3091 = tpu.memref_slice %arg5[%squeeze3A_3082, %dma_start3A_3089, %dma_start3A_3090] : memref<125000x8x32xf32, #tpu.memory_space<hbm>> -> memref<1x8x32xf32, #tpu.memory_space<hbm>>
        %dma_start3A_3092 = tpu.memref_squeeze %dma_start3A_3091 : memref<1x8x32xf32, #tpu.memory_space<hbm>> -> memref<8x32xf32, #tpu.memory_space<hbm>>
        %dma_start3A_3093 = arith.constant 0 : i32
        %dma_start3A_3094 = arith.constant 0 : i32
        %dma_start3A_3095 = tpu.memref_slice %arg10[%dma_start3A_3083, %dma_start3A_3084, %dma_start3A_3093, %dma_start3A_3094] : memref<2x16x8x32xf32, #tpu.memory_space<vmem>> -> memref<1x1x8x32xf32, #tpu.memory_space<vmem>>
        %dma_start3A_3096 = tpu.memref_squeeze %dma_start3A_3095 : memref<1x1x8x32xf32, #tpu.memory_space<vmem>> -> memref<8x32xf32, #tpu.memory_space<vmem>>
        %dma_start3A_3097 = arith.constant 0 : i32
        %dma_start3A_3098 = arith.constant 0 : i32
        %dma_start3A_3099 = tpu.memref_slice %arg5[%squeeze3A_3082, %dma_start3A_3097, %dma_start3A_3098] : memref<125000x8x32xf32, #tpu.memory_space<hbm>> -> memref<1x8x32xf32, #tpu.memory_space<hbm>>
        %dma_start3A_3100 = tpu.memref_squeeze %dma_start3A_3099 : memref<1x8x32xf32, #tpu.memory_space<hbm>> -> memref<8x32xf32, #tpu.memory_space<hbm>>
        tpu.enqueue_dma source(%dma_start3A_3100 : memref<8x32xf32, #tpu.memory_space<hbm>>) target(%dma_start3A_3096 : memref<8x32xf32, #tpu.memory_space<vmem>>) target_semaphore(%arg13 : memref<!tpu.dma_semaphore, #tpu.memory_space<semaphore_mem>>)
        %slice3A_3101 = vector.extract_strided_slice %shift_right_logical3A_2813 {offsets = [7], sizes = [1], strides = [1]} : vector<16xi32> to vector<1xi32>
        %squeeze3A_3102 = vector.extract %slice3A_3101[0] : i32 from vector<1xi32>
        %dma_start3A_3103 = arith.constant 0 : i32
        %dma_start3A_3104 = arith.constant 7 : i32
        %dma_start3A_3105 = arith.constant 0 : i32
        %dma_start3A_3106 = arith.constant 0 : i32
        %dma_start3A_3107 = tpu.memref_slice %arg9[%dma_start3A_3103, %dma_start3A_3104, %dma_start3A_3105, %dma_start3A_3106] : memref<2x16x8x32xf32, #tpu.memory_space<vmem>> -> memref<1x1x8x32xf32, #tpu.memory_space<vmem>>
        %dma_start3A_3108 = tpu.memref_squeeze %dma_start3A_3107 : memref<1x1x8x32xf32, #tpu.memory_space<vmem>> -> memref<8x32xf32, #tpu.memory_space<vmem>>
        %dma_start3A_3109 = arith.constant 0 : i32
        %dma_start3A_3110 = arith.constant 0 : i32
        %dma_start3A_3111 = tpu.memref_slice %arg4[%squeeze3A_3102, %dma_start3A_3109, %dma_start3A_3110] : memref<12500x8x32xf32, #tpu.memory_space<hbm>> -> memref<1x8x32xf32, #tpu.memory_space<hbm>>
        %dma_start3A_3112 = tpu.memref_squeeze %dma_start3A_3111 : memref<1x8x32xf32, #tpu.memory_space<hbm>> -> memref<8x32xf32, #tpu.memory_space<hbm>>
        %dma_start3A_3113 = arith.constant 0 : i32
        %dma_start3A_3114 = arith.constant 0 : i32
        %dma_start3A_3115 = tpu.memref_slice %arg9[%dma_start3A_3103, %dma_start3A_3104, %dma_start3A_3113, %dma_start3A_3114] : memref<2x16x8x32xf32, #tpu.memory_space<vmem>> -> memref<1x1x8x32xf32, #tpu.memory_space<vmem>>
        %dma_start3A_3116 = tpu.memref_squeeze %dma_start3A_3115 : memref<1x1x8x32xf32, #tpu.memory_space<vmem>> -> memref<8x32xf32, #tpu.memory_space<vmem>>
        %dma_start3A_3117 = arith.constant 0 : i32
        %dma_start3A_3118 = arith.constant 0 : i32
        %dma_start3A_3119 = tpu.memref_slice %arg4[%squeeze3A_3102, %dma_start3A_3117, %dma_start3A_3118] : memref<12500x8x32xf32, #tpu.memory_space<hbm>> -> memref<1x8x32xf32, #tpu.memory_space<hbm>>
        %dma_start3A_3120 = tpu.memref_squeeze %dma_start3A_3119 : memref<1x8x32xf32, #tpu.memory_space<hbm>> -> memref<8x32xf32, #tpu.memory_space<hbm>>
        tpu.enqueue_dma source(%dma_start3A_3120 : memref<8x32xf32, #tpu.memory_space<hbm>>) target(%dma_start3A_3116 : memref<8x32xf32, #tpu.memory_space<vmem>>) target_semaphore(%arg13 : memref<!tpu.dma_semaphore, #tpu.memory_space<semaphore_mem>>)
        %slice3A_3121 = vector.extract_strided_slice %shift_right_logical3A_2820 {offsets = [7], sizes = [1], strides = [1]} : vector<16xi32> to vector<1xi32>
        %squeeze3A_3122 = vector.extract %slice3A_3121[0] : i32 from vector<1xi32>
        %dma_start3A_3123 = arith.constant 0 : i32
        %dma_start3A_3124 = arith.constant 7 : i32
        %dma_start3A_3125 = arith.constant 0 : i32
        %dma_start3A_3126 = arith.constant 0 : i32
        %dma_start3A_3127 = tpu.memref_slice %arg10[%dma_start3A_3123, %dma_start3A_3124, %dma_start3A_3125, %dma_start3A_3126] : memref<2x16x8x32xf32, #tpu.memory_space<vmem>> -> memref<1x1x8x32xf32, #tpu.memory_space<vmem>>
        %dma_start3A_3128 = tpu.memref_squeeze %dma_start3A_3127 : memref<1x1x8x32xf32, #tpu.memory_space<vmem>> -> memref<8x32xf32, #tpu.memory_space<vmem>>
        %dma_start3A_3129 = arith.constant 0 : i32
        %dma_start3A_3130 = arith.constant 0 : i32
        %dma_start3A_3131 = tpu.memref_slice %arg5[%squeeze3A_3122, %dma_start3A_3129, %dma_start3A_3130] : memref<125000x8x32xf32, #tpu.memory_space<hbm>> -> memref<1x8x32xf32, #tpu.memory_space<hbm>>
        %dma_start3A_3132 = tpu.memref_squeeze %dma_start3A_3131 : memref<1x8x32xf32, #tpu.memory_space<hbm>> -> memref<8x32xf32, #tpu.memory_space<hbm>>
        %dma_start3A_3133 = arith.constant 0 : i32
        %dma_start3A_3134 = arith.constant 0 : i32
        %dma_start3A_3135 = tpu.memref_slice %arg10[%dma_start3A_3123, %dma_start3A_3124, %dma_start3A_3133, %dma_start3A_3134] : memref<2x16x8x32xf32, #tpu.memory_space<vmem>> -> memref<1x1x8x32xf32, #tpu.memory_space<vmem>>
        %dma_start3A_3136 = tpu.memref_squeeze %dma_start3A_3135 : memref<1x1x8x32xf32, #tpu.memory_space<vmem>> -> memref<8x32xf32, #tpu.memory_space<vmem>>
        %dma_start3A_3137 = arith.constant 0 : i32
        %dma_start3A_3138 = arith.constant 0 : i32
        %dma_start3A_3139 = tpu.memref_slice %arg5[%squeeze3A_3122, %dma_start3A_3137, %dma_start3A_3138] : memref<125000x8x32xf32, #tpu.memory_space<hbm>> -> memref<1x8x32xf32, #tpu.memory_space<hbm>>
        %dma_start3A_3140 = tpu.memref_squeeze %dma_start3A_3139 : memref<1x8x32xf32, #tpu.memory_space<hbm>> -> memref<8x32xf32, #tpu.memory_space<hbm>>
        tpu.enqueue_dma source(%dma_start3A_3140 : memref<8x32xf32, #tpu.memory_space<hbm>>) target(%dma_start3A_3136 : memref<8x32xf32, #tpu.memory_space<vmem>>) target_semaphore(%arg13 : memref<!tpu.dma_semaphore, #tpu.memory_space<semaphore_mem>>)
        %slice3A_3141 = vector.extract_strided_slice %shift_right_logical3A_2813 {offsets = [8], sizes = [1], strides = [1]} : vector<16xi32> to vector<1xi32>
        %squeeze3A_3142 = vector.extract %slice3A_3141[0] : i32 from vector<1xi32>
        %dma_start3A_3143 = arith.constant 0 : i32
        %dma_start3A_3144 = arith.constant 8 : i32
        %dma_start3A_3145 = arith.constant 0 : i32
        %dma_start3A_3146 = arith.constant 0 : i32
        %dma_start3A_3147 = tpu.memref_slice %arg9[%dma_start3A_3143, %dma_start3A_3144, %dma_start3A_3145, %dma_start3A_3146] : memref<2x16x8x32xf32, #tpu.memory_space<vmem>> -> memref<1x1x8x32xf32, #tpu.memory_space<vmem>>
        %dma_start3A_3148 = tpu.memref_squeeze %dma_start3A_3147 : memref<1x1x8x32xf32, #tpu.memory_space<vmem>> -> memref<8x32xf32, #tpu.memory_space<vmem>>
        %dma_start3A_3149 = arith.constant 0 : i32
        %dma_start3A_3150 = arith.constant 0 : i32
        %dma_start3A_3151 = tpu.memref_slice %arg4[%squeeze3A_3142, %dma_start3A_3149, %dma_start3A_3150] : memref<12500x8x32xf32, #tpu.memory_space<hbm>> -> memref<1x8x32xf32, #tpu.memory_space<hbm>>
        %dma_start3A_3152 = tpu.memref_squeeze %dma_start3A_3151 : memref<1x8x32xf32, #tpu.memory_space<hbm>> -> memref<8x32xf32, #tpu.memory_space<hbm>>
        %dma_start3A_3153 = arith.constant 0 : i32
        %dma_start3A_3154 = arith.constant 0 : i32
        %dma_start3A_3155 = tpu.memref_slice %arg9[%dma_start3A_3143, %dma_start3A_3144, %dma_start3A_3153, %dma_start3A_3154] : memref<2x16x8x32xf32, #tpu.memory_space<vmem>> -> memref<1x1x8x32xf32, #tpu.memory_space<vmem>>
        %dma_start3A_3156 = tpu.memref_squeeze %dma_start3A_3155 : memref<1x1x8x32xf32, #tpu.memory_space<vmem>> -> memref<8x32xf32, #tpu.memory_space<vmem>>
        %dma_start3A_3157 = arith.constant 0 : i32
        %dma_start3A_3158 = arith.constant 0 : i32
        %dma_start3A_3159 = tpu.memref_slice %arg4[%squeeze3A_3142, %dma_start3A_3157, %dma_start3A_3158] : memref<12500x8x32xf32, #tpu.memory_space<hbm>> -> memref<1x8x32xf32, #tpu.memory_space<hbm>>
        %dma_start3A_3160 = tpu.memref_squeeze %dma_start3A_3159 : memref<1x8x32xf32, #tpu.memory_space<hbm>> -> memref<8x32xf32, #tpu.memory_space<hbm>>
        tpu.enqueue_dma source(%dma_start3A_3160 : memref<8x32xf32, #tpu.memory_space<hbm>>) target(%dma_start3A_3156 : memref<8x32xf32, #tpu.memory_space<vmem>>) target_semaphore(%arg13 : memref<!tpu.dma_semaphore, #tpu.memory_space<semaphore_mem>>)
        %slice3A_3161 = vector.extract_strided_slice %shift_right_logical3A_2820 {offsets = [8], sizes = [1], strides = [1]} : vector<16xi32> to vector<1xi32>
        %squeeze3A_3162 = vector.extract %slice3A_3161[0] : i32 from vector<1xi32>
        %dma_start3A_3163 = arith.constant 0 : i32
        %dma_start3A_3164 = arith.constant 8 : i32
        %dma_start3A_3165 = arith.constant 0 : i32
        %dma_start3A_3166 = arith.constant 0 : i32
        %dma_start3A_3167 = tpu.memref_slice %arg10[%dma_start3A_3163, %dma_start3A_3164, %dma_start3A_3165, %dma_start3A_3166] : memref<2x16x8x32xf32, #tpu.memory_space<vmem>> -> memref<1x1x8x32xf32, #tpu.memory_space<vmem>>
        %dma_start3A_3168 = tpu.memref_squeeze %dma_start3A_3167 : memref<1x1x8x32xf32, #tpu.memory_space<vmem>> -> memref<8x32xf32, #tpu.memory_space<vmem>>
        %dma_start3A_3169 = arith.constant 0 : i32
        %dma_start3A_3170 = arith.constant 0 : i32
        %dma_start3A_3171 = tpu.memref_slice %arg5[%squeeze3A_3162, %dma_start3A_3169, %dma_start3A_3170] : memref<125000x8x32xf32, #tpu.memory_space<hbm>> -> memref<1x8x32xf32, #tpu.memory_space<hbm>>
        %dma_start3A_3172 = tpu.memref_squeeze %dma_start3A_3171 : memref<1x8x32xf32, #tpu.memory_space<hbm>> -> memref<8x32xf32, #tpu.memory_space<hbm>>
        %dma_start3A_3173 = arith.constant 0 : i32
        %dma_start3A_3174 = arith.constant 0 : i32
        %dma_start3A_3175 = tpu.memref_slice %arg10[%dma_start3A_3163, %dma_start3A_3164, %dma_start3A_3173, %dma_start3A_3174] : memref<2x16x8x32xf32, #tpu.memory_space<vmem>> -> memref<1x1x8x32xf32, #tpu.memory_space<vmem>>
        %dma_start3A_3176 = tpu.memref_squeeze %dma_start3A_3175 : memref<1x1x8x32xf32, #tpu.memory_space<vmem>> -> memref<8x32xf32, #tpu.memory_space<vmem>>
        %dma_start3A_3177 = arith.constant 0 : i32
        %dma_start3A_3178 = arith.constant 0 : i32
        %dma_start3A_3179 = tpu.memref_slice %arg5[%squeeze3A_3162, %dma_start3A_3177, %dma_start3A_3178] : memref<125000x8x32xf32, #tpu.memory_space<hbm>> -> memref<1x8x32xf32, #tpu.memory_space<hbm>>
        %dma_start3A_3180 = tpu.memref_squeeze %dma_start3A_3179 : memref<1x8x32xf32, #tpu.memory_space<hbm>> -> memref<8x32xf32, #tpu.memory_space<hbm>>
        tpu.enqueue_dma source(%dma_start3A_3180 : memref<8x32xf32, #tpu.memory_space<hbm>>) target(%dma_start3A_3176 : memref<8x32xf32, #tpu.memory_space<vmem>>) target_semaphore(%arg13 : memref<!tpu.dma_semaphore, #tpu.memory_space<semaphore_mem>>)
        %slice3A_3181 = vector.extract_strided_slice %shift_right_logical3A_2813 {offsets = [9], sizes = [1], strides = [1]} : vector<16xi32> to vector<1xi32>
        %squeeze3A_3182 = vector.extract %slice3A_3181[0] : i32 from vector<1xi32>
        %dma_start3A_3183 = arith.constant 0 : i32
        %dma_start3A_3184 = arith.constant 9 : i32
        %dma_start3A_3185 = arith.constant 0 : i32
        %dma_start3A_3186 = arith.constant 0 : i32
        %dma_start3A_3187 = tpu.memref_slice %arg9[%dma_start3A_3183, %dma_start3A_3184, %dma_start3A_3185, %dma_start3A_3186] : memref<2x16x8x32xf32, #tpu.memory_space<vmem>> -> memref<1x1x8x32xf32, #tpu.memory_space<vmem>>
        %dma_start3A_3188 = tpu.memref_squeeze %dma_start3A_3187 : memref<1x1x8x32xf32, #tpu.memory_space<vmem>> -> memref<8x32xf32, #tpu.memory_space<vmem>>
        %dma_start3A_3189 = arith.constant 0 : i32
        %dma_start3A_3190 = arith.constant 0 : i32
        %dma_start3A_3191 = tpu.memref_slice %arg4[%squeeze3A_3182, %dma_start3A_3189, %dma_start3A_3190] : memref<12500x8x32xf32, #tpu.memory_space<hbm>> -> memref<1x8x32xf32, #tpu.memory_space<hbm>>
        %dma_start3A_3192 = tpu.memref_squeeze %dma_start3A_3191 : memref<1x8x32xf32, #tpu.memory_space<hbm>> -> memref<8x32xf32, #tpu.memory_space<hbm>>
        %dma_start3A_3193 = arith.constant 0 : i32
        %dma_start3A_3194 = arith.constant 0 : i32
        %dma_start3A_3195 = tpu.memref_slice %arg9[%dma_start3A_3183, %dma_start3A_3184, %dma_start3A_3193, %dma_start3A_3194] : memref<2x16x8x32xf32, #tpu.memory_space<vmem>> -> memref<1x1x8x32xf32, #tpu.memory_space<vmem>>
        %dma_start3A_3196 = tpu.memref_squeeze %dma_start3A_3195 : memref<1x1x8x32xf32, #tpu.memory_space<vmem>> -> memref<8x32xf32, #tpu.memory_space<vmem>>
        %dma_start3A_3197 = arith.constant 0 : i32
        %dma_start3A_3198 = arith.constant 0 : i32
        %dma_start3A_3199 = tpu.memref_slice %arg4[%squeeze3A_3182, %dma_start3A_3197, %dma_start3A_3198] : memref<12500x8x32xf32, #tpu.memory_space<hbm>> -> memref<1x8x32xf32, #tpu.memory_space<hbm>>
        %dma_start3A_3200 = tpu.memref_squeeze %dma_start3A_3199 : memref<1x8x32xf32, #tpu.memory_space<hbm>> -> memref<8x32xf32, #tpu.memory_space<hbm>>
        tpu.enqueue_dma source(%dma_start3A_3200 : memref<8x32xf32, #tpu.memory_space<hbm>>) target(%dma_start3A_3196 : memref<8x32xf32, #tpu.memory_space<vmem>>) target_semaphore(%arg13 : memref<!tpu.dma_semaphore, #tpu.memory_space<semaphore_mem>>)
        %slice3A_3201 = vector.extract_strided_slice %shift_right_logical3A_2820 {offsets = [9], sizes = [1], strides = [1]} : vector<16xi32> to vector<1xi32>
        %squeeze3A_3202 = vector.extract %slice3A_3201[0] : i32 from vector<1xi32>
        %dma_start3A_3203 = arith.constant 0 : i32
        %dma_start3A_3204 = arith.constant 9 : i32
        %dma_start3A_3205 = arith.constant 0 : i32
        %dma_start3A_3206 = arith.constant 0 : i32
        %dma_start3A_3207 = tpu.memref_slice %arg10[%dma_start3A_3203, %dma_start3A_3204, %dma_start3A_3205, %dma_start3A_3206] : memref<2x16x8x32xf32, #tpu.memory_space<vmem>> -> memref<1x1x8x32xf32, #tpu.memory_space<vmem>>
        %dma_start3A_3208 = tpu.memref_squeeze %dma_start3A_3207 : memref<1x1x8x32xf32, #tpu.memory_space<vmem>> -> memref<8x32xf32, #tpu.memory_space<vmem>>
        %dma_start3A_3209 = arith.constant 0 : i32
        %dma_start3A_3210 = arith.constant 0 : i32
        %dma_start3A_3211 = tpu.memref_slice %arg5[%squeeze3A_3202, %dma_start3A_3209, %dma_start3A_3210] : memref<125000x8x32xf32, #tpu.memory_space<hbm>> -> memref<1x8x32xf32, #tpu.memory_space<hbm>>
        %dma_start3A_3212 = tpu.memref_squeeze %dma_start3A_3211 : memref<1x8x32xf32, #tpu.memory_space<hbm>> -> memref<8x32xf32, #tpu.memory_space<hbm>>
        %dma_start3A_3213 = arith.constant 0 : i32
        %dma_start3A_3214 = arith.constant 0 : i32
        %dma_start3A_3215 = tpu.memref_slice %arg10[%dma_start3A_3203, %dma_start3A_3204, %dma_start3A_3213, %dma_start3A_3214] : memref<2x16x8x32xf32, #tpu.memory_space<vmem>> -> memref<1x1x8x32xf32, #tpu.memory_space<vmem>>
        %dma_start3A_3216 = tpu.memref_squeeze %dma_start3A_3215 : memref<1x1x8x32xf32, #tpu.memory_space<vmem>> -> memref<8x32xf32, #tpu.memory_space<vmem>>
        %dma_start3A_3217 = arith.constant 0 : i32
        %dma_start3A_3218 = arith.constant 0 : i32
        %dma_start3A_3219 = tpu.memref_slice %arg5[%squeeze3A_3202, %dma_start3A_3217, %dma_start3A_3218] : memref<125000x8x32xf32, #tpu.memory_space<hbm>> -> memref<1x8x32xf32, #tpu.memory_space<hbm>>
        %dma_start3A_3220 = tpu.memref_squeeze %dma_start3A_3219 : memref<1x8x32xf32, #tpu.memory_space<hbm>> -> memref<8x32xf32, #tpu.memory_space<hbm>>
        tpu.enqueue_dma source(%dma_start3A_3220 : memref<8x32xf32, #tpu.memory_space<hbm>>) target(%dma_start3A_3216 : memref<8x32xf32, #tpu.memory_space<vmem>>) target_semaphore(%arg13 : memref<!tpu.dma_semaphore, #tpu.memory_space<semaphore_mem>>)
        %slice3A_3221 = vector.extract_strided_slice %shift_right_logical3A_2813 {offsets = [10], sizes = [1], strides = [1]} : vector<16xi32> to vector<1xi32>
        %squeeze3A_3222 = vector.extract %slice3A_3221[0] : i32 from vector<1xi32>
        %dma_start3A_3223 = arith.constant 0 : i32
        %dma_start3A_3224 = arith.constant 10 : i32
        %dma_start3A_3225 = arith.constant 0 : i32
        %dma_start3A_3226 = arith.constant 0 : i32
        %dma_start3A_3227 = tpu.memref_slice %arg9[%dma_start3A_3223, %dma_start3A_3224, %dma_start3A_3225, %dma_start3A_3226] : memref<2x16x8x32xf32, #tpu.memory_space<vmem>> -> memref<1x1x8x32xf32, #tpu.memory_space<vmem>>
        %dma_start3A_3228 = tpu.memref_squeeze %dma_start3A_3227 : memref<1x1x8x32xf32, #tpu.memory_space<vmem>> -> memref<8x32xf32, #tpu.memory_space<vmem>>
        %dma_start3A_3229 = arith.constant 0 : i32
        %dma_start3A_3230 = arith.constant 0 : i32
        %dma_start3A_3231 = tpu.memref_slice %arg4[%squeeze3A_3222, %dma_start3A_3229, %dma_start3A_3230] : memref<12500x8x32xf32, #tpu.memory_space<hbm>> -> memref<1x8x32xf32, #tpu.memory_space<hbm>>
        %dma_start3A_3232 = tpu.memref_squeeze %dma_start3A_3231 : memref<1x8x32xf32, #tpu.memory_space<hbm>> -> memref<8x32xf32, #tpu.memory_space<hbm>>
        %dma_start3A_3233 = arith.constant 0 : i32
        %dma_start3A_3234 = arith.constant 0 : i32
        %dma_start3A_3235 = tpu.memref_slice %arg9[%dma_start3A_3223, %dma_start3A_3224, %dma_start3A_3233, %dma_start3A_3234] : memref<2x16x8x32xf32, #tpu.memory_space<vmem>> -> memref<1x1x8x32xf32, #tpu.memory_space<vmem>>
        %dma_start3A_3236 = tpu.memref_squeeze %dma_start3A_3235 : memref<1x1x8x32xf32, #tpu.memory_space<vmem>> -> memref<8x32xf32, #tpu.memory_space<vmem>>
        %dma_start3A_3237 = arith.constant 0 : i32
        %dma_start3A_3238 = arith.constant 0 : i32
        %dma_start3A_3239 = tpu.memref_slice %arg4[%squeeze3A_3222, %dma_start3A_3237, %dma_start3A_3238] : memref<12500x8x32xf32, #tpu.memory_space<hbm>> -> memref<1x8x32xf32, #tpu.memory_space<hbm>>
        %dma_start3A_3240 = tpu.memref_squeeze %dma_start3A_3239 : memref<1x8x32xf32, #tpu.memory_space<hbm>> -> memref<8x32xf32, #tpu.memory_space<hbm>>
        tpu.enqueue_dma source(%dma_start3A_3240 : memref<8x32xf32, #tpu.memory_space<hbm>>) target(%dma_start3A_3236 : memref<8x32xf32, #tpu.memory_space<vmem>>) target_semaphore(%arg13 : memref<!tpu.dma_semaphore, #tpu.memory_space<semaphore_mem>>)
        %slice3A_3241 = vector.extract_strided_slice %shift_right_logical3A_2820 {offsets = [10], sizes = [1], strides = [1]} : vector<16xi32> to vector<1xi32>
        %squeeze3A_3242 = vector.extract %slice3A_3241[0] : i32 from vector<1xi32>
        %dma_start3A_3243 = arith.constant 0 : i32
        %dma_start3A_3244 = arith.constant 10 : i32
        %dma_start3A_3245 = arith.constant 0 : i32
        %dma_start3A_3246 = arith.constant 0 : i32
        %dma_start3A_3247 = tpu.memref_slice %arg10[%dma_start3A_3243, %dma_start3A_3244, %dma_start3A_3245, %dma_start3A_3246] : memref<2x16x8x32xf32, #tpu.memory_space<vmem>> -> memref<1x1x8x32xf32, #tpu.memory_space<vmem>>
        %dma_start3A_3248 = tpu.memref_squeeze %dma_start3A_3247 : memref<1x1x8x32xf32, #tpu.memory_space<vmem>> -> memref<8x32xf32, #tpu.memory_space<vmem>>
        %dma_start3A_3249 = arith.constant 0 : i32
        %dma_start3A_3250 = arith.constant 0 : i32
        %dma_start3A_3251 = tpu.memref_slice %arg5[%squeeze3A_3242, %dma_start3A_3249, %dma_start3A_3250] : memref<125000x8x32xf32, #tpu.memory_space<hbm>> -> memref<1x8x32xf32, #tpu.memory_space<hbm>>
        %dma_start3A_3252 = tpu.memref_squeeze %dma_start3A_3251 : memref<1x8x32xf32, #tpu.memory_space<hbm>> -> memref<8x32xf32, #tpu.memory_space<hbm>>
        %dma_start3A_3253 = arith.constant 0 : i32
        %dma_start3A_3254 = arith.constant 0 : i32
        %dma_start3A_3255 = tpu.memref_slice %arg10[%dma_start3A_3243, %dma_start3A_3244, %dma_start3A_3253, %dma_start3A_3254] : memref<2x16x8x32xf32, #tpu.memory_space<vmem>> -> memref<1x1x8x32xf32, #tpu.memory_space<vmem>>
        %dma_start3A_3256 = tpu.memref_squeeze %dma_start3A_3255 : memref<1x1x8x32xf32, #tpu.memory_space<vmem>> -> memref<8x32xf32, #tpu.memory_space<vmem>>
        %dma_start3A_3257 = arith.constant 0 : i32
        %dma_start3A_3258 = arith.constant 0 : i32
        %dma_start3A_3259 = tpu.memref_slice %arg5[%squeeze3A_3242, %dma_start3A_3257, %dma_start3A_3258] : memref<125000x8x32xf32, #tpu.memory_space<hbm>> -> memref<1x8x32xf32, #tpu.memory_space<hbm>>
        %dma_start3A_3260 = tpu.memref_squeeze %dma_start3A_3259 : memref<1x8x32xf32, #tpu.memory_space<hbm>> -> memref<8x32xf32, #tpu.memory_space<hbm>>
        tpu.enqueue_dma source(%dma_start3A_3260 : memref<8x32xf32, #tpu.memory_space<hbm>>) target(%dma_start3A_3256 : memref<8x32xf32, #tpu.memory_space<vmem>>) target_semaphore(%arg13 : memref<!tpu.dma_semaphore, #tpu.memory_space<semaphore_mem>>)
        %slice3A_3261 = vector.extract_strided_slice %shift_right_logical3A_2813 {offsets = [11], sizes = [1], strides = [1]} : vector<16xi32> to vector<1xi32>
        %squeeze3A_3262 = vector.extract %slice3A_3261[0] : i32 from vector<1xi32>
        %dma_start3A_3263 = arith.constant 0 : i32
        %dma_start3A_3264 = arith.constant 11 : i32
        %dma_start3A_3265 = arith.constant 0 : i32
        %dma_start3A_3266 = arith.constant 0 : i32
        %dma_start3A_3267 = tpu.memref_slice %arg9[%dma_start3A_3263, %dma_start3A_3264, %dma_start3A_3265, %dma_start3A_3266] : memref<2x16x8x32xf32, #tpu.memory_space<vmem>> -> memref<1x1x8x32xf32, #tpu.memory_space<vmem>>
        %dma_start3A_3268 = tpu.memref_squeeze %dma_start3A_3267 : memref<1x1x8x32xf32, #tpu.memory_space<vmem>> -> memref<8x32xf32, #tpu.memory_space<vmem>>
        %dma_start3A_3269 = arith.constant 0 : i32
        %dma_start3A_3270 = arith.constant 0 : i32
        %dma_start3A_3271 = tpu.memref_slice %arg4[%squeeze3A_3262, %dma_start3A_3269, %dma_start3A_3270] : memref<12500x8x32xf32, #tpu.memory_space<hbm>> -> memref<1x8x32xf32, #tpu.memory_space<hbm>>
        %dma_start3A_3272 = tpu.memref_squeeze %dma_start3A_3271 : memref<1x8x32xf32, #tpu.memory_space<hbm>> -> memref<8x32xf32, #tpu.memory_space<hbm>>
        %dma_start3A_3273 = arith.constant 0 : i32
        %dma_start3A_3274 = arith.constant 0 : i32
        %dma_start3A_3275 = tpu.memref_slice %arg9[%dma_start3A_3263, %dma_start3A_3264, %dma_start3A_3273, %dma_start3A_3274] : memref<2x16x8x32xf32, #tpu.memory_space<vmem>> -> memref<1x1x8x32xf32, #tpu.memory_space<vmem>>
        %dma_start3A_3276 = tpu.memref_squeeze %dma_start3A_3275 : memref<1x1x8x32xf32, #tpu.memory_space<vmem>> -> memref<8x32xf32, #tpu.memory_space<vmem>>
        %dma_start3A_3277 = arith.constant 0 : i32
        %dma_start3A_3278 = arith.constant 0 : i32
        %dma_start3A_3279 = tpu.memref_slice %arg4[%squeeze3A_3262, %dma_start3A_3277, %dma_start3A_3278] : memref<12500x8x32xf32, #tpu.memory_space<hbm>> -> memref<1x8x32xf32, #tpu.memory_space<hbm>>
        %dma_start3A_3280 = tpu.memref_squeeze %dma_start3A_3279 : memref<1x8x32xf32, #tpu.memory_space<hbm>> -> memref<8x32xf32, #tpu.memory_space<hbm>>
        tpu.enqueue_dma source(%dma_start3A_3280 : memref<8x32xf32, #tpu.memory_space<hbm>>) target(%dma_start3A_3276 : memref<8x32xf32, #tpu.memory_space<vmem>>) target_semaphore(%arg13 : memref<!tpu.dma_semaphore, #tpu.memory_space<semaphore_mem>>)
        %slice3A_3281 = vector.extract_strided_slice %shift_right_logical3A_2820 {offsets = [11], sizes = [1], strides = [1]} : vector<16xi32> to vector<1xi32>
        %squeeze3A_3282 = vector.extract %slice3A_3281[0] : i32 from vector<1xi32>
        %dma_start3A_3283 = arith.constant 0 : i32
        %dma_start3A_3284 = arith.constant 11 : i32
        %dma_start3A_3285 = arith.constant 0 : i32
        %dma_start3A_3286 = arith.constant 0 : i32
        %dma_start3A_3287 = tpu.memref_slice %arg10[%dma_start3A_3283, %dma_start3A_3284, %dma_start3A_3285, %dma_start3A_3286] : memref<2x16x8x32xf32, #tpu.memory_space<vmem>> -> memref<1x1x8x32xf32, #tpu.memory_space<vmem>>
        %dma_start3A_3288 = tpu.memref_squeeze %dma_start3A_3287 : memref<1x1x8x32xf32, #tpu.memory_space<vmem>> -> memref<8x32xf32, #tpu.memory_space<vmem>>
        %dma_start3A_3289 = arith.constant 0 : i32
        %dma_start3A_3290 = arith.constant 0 : i32
        %dma_start3A_3291 = tpu.memref_slice %arg5[%squeeze3A_3282, %dma_start3A_3289, %dma_start3A_3290] : memref<125000x8x32xf32, #tpu.memory_space<hbm>> -> memref<1x8x32xf32, #tpu.memory_space<hbm>>
        %dma_start3A_3292 = tpu.memref_squeeze %dma_start3A_3291 : memref<1x8x32xf32, #tpu.memory_space<hbm>> -> memref<8x32xf32, #tpu.memory_space<hbm>>
        %dma_start3A_3293 = arith.constant 0 : i32
        %dma_start3A_3294 = arith.constant 0 : i32
        %dma_start3A_3295 = tpu.memref_slice %arg10[%dma_start3A_3283, %dma_start3A_3284, %dma_start3A_3293, %dma_start3A_3294] : memref<2x16x8x32xf32, #tpu.memory_space<vmem>> -> memref<1x1x8x32xf32, #tpu.memory_space<vmem>>
        %dma_start3A_3296 = tpu.memref_squeeze %dma_start3A_3295 : memref<1x1x8x32xf32, #tpu.memory_space<vmem>> -> memref<8x32xf32, #tpu.memory_space<vmem>>
        %dma_start3A_3297 = arith.constant 0 : i32
        %dma_start3A_3298 = arith.constant 0 : i32
        %dma_start3A_3299 = tpu.memref_slice %arg5[%squeeze3A_3282, %dma_start3A_3297, %dma_start3A_3298] : memref<125000x8x32xf32, #tpu.memory_space<hbm>> -> memref<1x8x32xf32, #tpu.memory_space<hbm>>
        %dma_start3A_3300 = tpu.memref_squeeze %dma_start3A_3299 : memref<1x8x32xf32, #tpu.memory_space<hbm>> -> memref<8x32xf32, #tpu.memory_space<hbm>>
        tpu.enqueue_dma source(%dma_start3A_3300 : memref<8x32xf32, #tpu.memory_space<hbm>>) target(%dma_start3A_3296 : memref<8x32xf32, #tpu.memory_space<vmem>>) target_semaphore(%arg13 : memref<!tpu.dma_semaphore, #tpu.memory_space<semaphore_mem>>)
        %slice3A_3301 = vector.extract_strided_slice %shift_right_logical3A_2813 {offsets = [12], sizes = [1], strides = [1]} : vector<16xi32> to vector<1xi32>
        %squeeze3A_3302 = vector.extract %slice3A_3301[0] : i32 from vector<1xi32>
        %dma_start3A_3303 = arith.constant 0 : i32
        %dma_start3A_3304 = arith.constant 12 : i32
        %dma_start3A_3305 = arith.constant 0 : i32
        %dma_start3A_3306 = arith.constant 0 : i32
        %dma_start3A_3307 = tpu.memref_slice %arg9[%dma_start3A_3303, %dma_start3A_3304, %dma_start3A_3305, %dma_start3A_3306] : memref<2x16x8x32xf32, #tpu.memory_space<vmem>> -> memref<1x1x8x32xf32, #tpu.memory_space<vmem>>
        %dma_start3A_3308 = tpu.memref_squeeze %dma_start3A_3307 : memref<1x1x8x32xf32, #tpu.memory_space<vmem>> -> memref<8x32xf32, #tpu.memory_space<vmem>>
        %dma_start3A_3309 = arith.constant 0 : i32
        %dma_start3A_3310 = arith.constant 0 : i32
        %dma_start3A_3311 = tpu.memref_slice %arg4[%squeeze3A_3302, %dma_start3A_3309, %dma_start3A_3310] : memref<12500x8x32xf32, #tpu.memory_space<hbm>> -> memref<1x8x32xf32, #tpu.memory_space<hbm>>
        %dma_start3A_3312 = tpu.memref_squeeze %dma_start3A_3311 : memref<1x8x32xf32, #tpu.memory_space<hbm>> -> memref<8x32xf32, #tpu.memory_space<hbm>>
        %dma_start3A_3313 = arith.constant 0 : i32
        %dma_start3A_3314 = arith.constant 0 : i32
        %dma_start3A_3315 = tpu.memref_slice %arg9[%dma_start3A_3303, %dma_start3A_3304, %dma_start3A_3313, %dma_start3A_3314] : memref<2x16x8x32xf32, #tpu.memory_space<vmem>> -> memref<1x1x8x32xf32, #tpu.memory_space<vmem>>
        %dma_start3A_3316 = tpu.memref_squeeze %dma_start3A_3315 : memref<1x1x8x32xf32, #tpu.memory_space<vmem>> -> memref<8x32xf32, #tpu.memory_space<vmem>>
        %dma_start3A_3317 = arith.constant 0 : i32
        %dma_start3A_3318 = arith.constant 0 : i32
        %dma_start3A_3319 = tpu.memref_slice %arg4[%squeeze3A_3302, %dma_start3A_3317, %dma_start3A_3318] : memref<12500x8x32xf32, #tpu.memory_space<hbm>> -> memref<1x8x32xf32, #tpu.memory_space<hbm>>
        %dma_start3A_3320 = tpu.memref_squeeze %dma_start3A_3319 : memref<1x8x32xf32, #tpu.memory_space<hbm>> -> memref<8x32xf32, #tpu.memory_space<hbm>>
        tpu.enqueue_dma source(%dma_start3A_3320 : memref<8x32xf32, #tpu.memory_space<hbm>>) target(%dma_start3A_3316 : memref<8x32xf32, #tpu.memory_space<vmem>>) target_semaphore(%arg13 : memref<!tpu.dma_semaphore, #tpu.memory_space<semaphore_mem>>)
        %slice3A_3321 = vector.extract_strided_slice %shift_right_logical3A_2820 {offsets = [12], sizes = [1], strides = [1]} : vector<16xi32> to vector<1xi32>
        %squeeze3A_3322 = vector.extract %slice3A_3321[0] : i32 from vector<1xi32>
        %dma_start3A_3323 = arith.constant 0 : i32
        %dma_start3A_3324 = arith.constant 12 : i32
        %dma_start3A_3325 = arith.constant 0 : i32
        %dma_start3A_3326 = arith.constant 0 : i32
        %dma_start3A_3327 = tpu.memref_slice %arg10[%dma_start3A_3323, %dma_start3A_3324, %dma_start3A_3325, %dma_start3A_3326] : memref<2x16x8x32xf32, #tpu.memory_space<vmem>> -> memref<1x1x8x32xf32, #tpu.memory_space<vmem>>
        %dma_start3A_3328 = tpu.memref_squeeze %dma_start3A_3327 : memref<1x1x8x32xf32, #tpu.memory_space<vmem>> -> memref<8x32xf32, #tpu.memory_space<vmem>>
        %dma_start3A_3329 = arith.constant 0 : i32
        %dma_start3A_3330 = arith.constant 0 : i32
        %dma_start3A_3331 = tpu.memref_slice %arg5[%squeeze3A_3322, %dma_start3A_3329, %dma_start3A_3330] : memref<125000x8x32xf32, #tpu.memory_space<hbm>> -> memref<1x8x32xf32, #tpu.memory_space<hbm>>
        %dma_start3A_3332 = tpu.memref_squeeze %dma_start3A_3331 : memref<1x8x32xf32, #tpu.memory_space<hbm>> -> memref<8x32xf32, #tpu.memory_space<hbm>>
        %dma_start3A_3333 = arith.constant 0 : i32
        %dma_start3A_3334 = arith.constant 0 : i32
        %dma_start3A_3335 = tpu.memref_slice %arg10[%dma_start3A_3323, %dma_start3A_3324, %dma_start3A_3333, %dma_start3A_3334] : memref<2x16x8x32xf32, #tpu.memory_space<vmem>> -> memref<1x1x8x32xf32, #tpu.memory_space<vmem>>
        %dma_start3A_3336 = tpu.memref_squeeze %dma_start3A_3335 : memref<1x1x8x32xf32, #tpu.memory_space<vmem>> -> memref<8x32xf32, #tpu.memory_space<vmem>>
        %dma_start3A_3337 = arith.constant 0 : i32
        %dma_start3A_3338 = arith.constant 0 : i32
        %dma_start3A_3339 = tpu.memref_slice %arg5[%squeeze3A_3322, %dma_start3A_3337, %dma_start3A_3338] : memref<125000x8x32xf32, #tpu.memory_space<hbm>> -> memref<1x8x32xf32, #tpu.memory_space<hbm>>
        %dma_start3A_3340 = tpu.memref_squeeze %dma_start3A_3339 : memref<1x8x32xf32, #tpu.memory_space<hbm>> -> memref<8x32xf32, #tpu.memory_space<hbm>>
        tpu.enqueue_dma source(%dma_start3A_3340 : memref<8x32xf32, #tpu.memory_space<hbm>>) target(%dma_start3A_3336 : memref<8x32xf32, #tpu.memory_space<vmem>>) target_semaphore(%arg13 : memref<!tpu.dma_semaphore, #tpu.memory_space<semaphore_mem>>)
        %slice3A_3341 = vector.extract_strided_slice %shift_right_logical3A_2813 {offsets = [13], sizes = [1], strides = [1]} : vector<16xi32> to vector<1xi32>
        %squeeze3A_3342 = vector.extract %slice3A_3341[0] : i32 from vector<1xi32>
        %dma_start3A_3343 = arith.constant 0 : i32
        %dma_start3A_3344 = arith.constant 13 : i32
        %dma_start3A_3345 = arith.constant 0 : i32
        %dma_start3A_3346 = arith.constant 0 : i32
        %dma_start3A_3347 = tpu.memref_slice %arg9[%dma_start3A_3343, %dma_start3A_3344, %dma_start3A_3345, %dma_start3A_3346] : memref<2x16x8x32xf32, #tpu.memory_space<vmem>> -> memref<1x1x8x32xf32, #tpu.memory_space<vmem>>
        %dma_start3A_3348 = tpu.memref_squeeze %dma_start3A_3347 : memref<1x1x8x32xf32, #tpu.memory_space<vmem>> -> memref<8x32xf32, #tpu.memory_space<vmem>>
        %dma_start3A_3349 = arith.constant 0 : i32
        %dma_start3A_3350 = arith.constant 0 : i32
        %dma_start3A_3351 = tpu.memref_slice %arg4[%squeeze3A_3342, %dma_start3A_3349, %dma_start3A_3350] : memref<12500x8x32xf32, #tpu.memory_space<hbm>> -> memref<1x8x32xf32, #tpu.memory_space<hbm>>
        %dma_start3A_3352 = tpu.memref_squeeze %dma_start3A_3351 : memref<1x8x32xf32, #tpu.memory_space<hbm>> -> memref<8x32xf32, #tpu.memory_space<hbm>>
        %dma_start3A_3353 = arith.constant 0 : i32
        %dma_start3A_3354 = arith.constant 0 : i32
        %dma_start3A_3355 = tpu.memref_slice %arg9[%dma_start3A_3343, %dma_start3A_3344, %dma_start3A_3353, %dma_start3A_3354] : memref<2x16x8x32xf32, #tpu.memory_space<vmem>> -> memref<1x1x8x32xf32, #tpu.memory_space<vmem>>
        %dma_start3A_3356 = tpu.memref_squeeze %dma_start3A_3355 : memref<1x1x8x32xf32, #tpu.memory_space<vmem>> -> memref<8x32xf32, #tpu.memory_space<vmem>>
        %dma_start3A_3357 = arith.constant 0 : i32
        %dma_start3A_3358 = arith.constant 0 : i32
        %dma_start3A_3359 = tpu.memref_slice %arg4[%squeeze3A_3342, %dma_start3A_3357, %dma_start3A_3358] : memref<12500x8x32xf32, #tpu.memory_space<hbm>> -> memref<1x8x32xf32, #tpu.memory_space<hbm>>
        %dma_start3A_3360 = tpu.memref_squeeze %dma_start3A_3359 : memref<1x8x32xf32, #tpu.memory_space<hbm>> -> memref<8x32xf32, #tpu.memory_space<hbm>>
        tpu.enqueue_dma source(%dma_start3A_3360 : memref<8x32xf32, #tpu.memory_space<hbm>>) target(%dma_start3A_3356 : memref<8x32xf32, #tpu.memory_space<vmem>>) target_semaphore(%arg13 : memref<!tpu.dma_semaphore, #tpu.memory_space<semaphore_mem>>)
        %slice3A_3361 = vector.extract_strided_slice %shift_right_logical3A_2820 {offsets = [13], sizes = [1], strides = [1]} : vector<16xi32> to vector<1xi32>
        %squeeze3A_3362 = vector.extract %slice3A_3361[0] : i32 from vector<1xi32>
        %dma_start3A_3363 = arith.constant 0 : i32
        %dma_start3A_3364 = arith.constant 13 : i32
        %dma_start3A_3365 = arith.constant 0 : i32
        %dma_start3A_3366 = arith.constant 0 : i32
        %dma_start3A_3367 = tpu.memref_slice %arg10[%dma_start3A_3363, %dma_start3A_3364, %dma_start3A_3365, %dma_start3A_3366] : memref<2x16x8x32xf32, #tpu.memory_space<vmem>> -> memref<1x1x8x32xf32, #tpu.memory_space<vmem>>
        %dma_start3A_3368 = tpu.memref_squeeze %dma_start3A_3367 : memref<1x1x8x32xf32, #tpu.memory_space<vmem>> -> memref<8x32xf32, #tpu.memory_space<vmem>>
        %dma_start3A_3369 = arith.constant 0 : i32
        %dma_start3A_3370 = arith.constant 0 : i32
        %dma_start3A_3371 = tpu.memref_slice %arg5[%squeeze3A_3362, %dma_start3A_3369, %dma_start3A_3370] : memref<125000x8x32xf32, #tpu.memory_space<hbm>> -> memref<1x8x32xf32, #tpu.memory_space<hbm>>
        %dma_start3A_3372 = tpu.memref_squeeze %dma_start3A_3371 : memref<1x8x32xf32, #tpu.memory_space<hbm>> -> memref<8x32xf32, #tpu.memory_space<hbm>>
        %dma_start3A_3373 = arith.constant 0 : i32
        %dma_start3A_3374 = arith.constant 0 : i32
        %dma_start3A_3375 = tpu.memref_slice %arg10[%dma_start3A_3363, %dma_start3A_3364, %dma_start3A_3373, %dma_start3A_3374] : memref<2x16x8x32xf32, #tpu.memory_space<vmem>> -> memref<1x1x8x32xf32, #tpu.memory_space<vmem>>
        %dma_start3A_3376 = tpu.memref_squeeze %dma_start3A_3375 : memref<1x1x8x32xf32, #tpu.memory_space<vmem>> -> memref<8x32xf32, #tpu.memory_space<vmem>>
        %dma_start3A_3377 = arith.constant 0 : i32
        %dma_start3A_3378 = arith.constant 0 : i32
        %dma_start3A_3379 = tpu.memref_slice %arg5[%squeeze3A_3362, %dma_start3A_3377, %dma_start3A_3378] : memref<125000x8x32xf32, #tpu.memory_space<hbm>> -> memref<1x8x32xf32, #tpu.memory_space<hbm>>
        %dma_start3A_3380 = tpu.memref_squeeze %dma_start3A_3379 : memref<1x8x32xf32, #tpu.memory_space<hbm>> -> memref<8x32xf32, #tpu.memory_space<hbm>>
        tpu.enqueue_dma source(%dma_start3A_3380 : memref<8x32xf32, #tpu.memory_space<hbm>>) target(%dma_start3A_3376 : memref<8x32xf32, #tpu.memory_space<vmem>>) target_semaphore(%arg13 : memref<!tpu.dma_semaphore, #tpu.memory_space<semaphore_mem>>)
        %slice3A_3381 = vector.extract_strided_slice %shift_right_logical3A_2813 {offsets = [14], sizes = [1], strides = [1]} : vector<16xi32> to vector<1xi32>
        %squeeze3A_3382 = vector.extract %slice3A_3381[0] : i32 from vector<1xi32>
        %dma_start3A_3383 = arith.constant 0 : i32
        %dma_start3A_3384 = arith.constant 14 : i32
        %dma_start3A_3385 = arith.constant 0 : i32
        %dma_start3A_3386 = arith.constant 0 : i32
        %dma_start3A_3387 = tpu.memref_slice %arg9[%dma_start3A_3383, %dma_start3A_3384, %dma_start3A_3385, %dma_start3A_3386] : memref<2x16x8x32xf32, #tpu.memory_space<vmem>> -> memref<1x1x8x32xf32, #tpu.memory_space<vmem>>
        %dma_start3A_3388 = tpu.memref_squeeze %dma_start3A_3387 : memref<1x1x8x32xf32, #tpu.memory_space<vmem>> -> memref<8x32xf32, #tpu.memory_space<vmem>>
        %dma_start3A_3389 = arith.constant 0 : i32
        %dma_start3A_3390 = arith.constant 0 : i32
        %dma_start3A_3391 = tpu.memref_slice %arg4[%squeeze3A_3382, %dma_start3A_3389, %dma_start3A_3390] : memref<12500x8x32xf32, #tpu.memory_space<hbm>> -> memref<1x8x32xf32, #tpu.memory_space<hbm>>
        %dma_start3A_3392 = tpu.memref_squeeze %dma_start3A_3391 : memref<1x8x32xf32, #tpu.memory_space<hbm>> -> memref<8x32xf32, #tpu.memory_space<hbm>>
        %dma_start3A_3393 = arith.constant 0 : i32
        %dma_start3A_3394 = arith.constant 0 : i32
        %dma_start3A_3395 = tpu.memref_slice %arg9[%dma_start3A_3383, %dma_start3A_3384, %dma_start3A_3393, %dma_start3A_3394] : memref<2x16x8x32xf32, #tpu.memory_space<vmem>> -> memref<1x1x8x32xf32, #tpu.memory_space<vmem>>
        %dma_start3A_3396 = tpu.memref_squeeze %dma_start3A_3395 : memref<1x1x8x32xf32, #tpu.memory_space<vmem>> -> memref<8x32xf32, #tpu.memory_space<vmem>>
        %dma_start3A_3397 = arith.constant 0 : i32
        %dma_start3A_3398 = arith.constant 0 : i32
        %dma_start3A_3399 = tpu.memref_slice %arg4[%squeeze3A_3382, %dma_start3A_3397, %dma_start3A_3398] : memref<12500x8x32xf32, #tpu.memory_space<hbm>> -> memref<1x8x32xf32, #tpu.memory_space<hbm>>
        %dma_start3A_3400 = tpu.memref_squeeze %dma_start3A_3399 : memref<1x8x32xf32, #tpu.memory_space<hbm>> -> memref<8x32xf32, #tpu.memory_space<hbm>>
        tpu.enqueue_dma source(%dma_start3A_3400 : memref<8x32xf32, #tpu.memory_space<hbm>>) target(%dma_start3A_3396 : memref<8x32xf32, #tpu.memory_space<vmem>>) target_semaphore(%arg13 : memref<!tpu.dma_semaphore, #tpu.memory_space<semaphore_mem>>)
        %slice3A_3401 = vector.extract_strided_slice %shift_right_logical3A_2820 {offsets = [14], sizes = [1], strides = [1]} : vector<16xi32> to vector<1xi32>
        %squeeze3A_3402 = vector.extract %slice3A_3401[0] : i32 from vector<1xi32>
        %dma_start3A_3403 = arith.constant 0 : i32
        %dma_start3A_3404 = arith.constant 14 : i32
        %dma_start3A_3405 = arith.constant 0 : i32
        %dma_start3A_3406 = arith.constant 0 : i32
        %dma_start3A_3407 = tpu.memref_slice %arg10[%dma_start3A_3403, %dma_start3A_3404, %dma_start3A_3405, %dma_start3A_3406] : memref<2x16x8x32xf32, #tpu.memory_space<vmem>> -> memref<1x1x8x32xf32, #tpu.memory_space<vmem>>
        %dma_start3A_3408 = tpu.memref_squeeze %dma_start3A_3407 : memref<1x1x8x32xf32, #tpu.memory_space<vmem>> -> memref<8x32xf32, #tpu.memory_space<vmem>>
        %dma_start3A_3409 = arith.constant 0 : i32
        %dma_start3A_3410 = arith.constant 0 : i32
        %dma_start3A_3411 = tpu.memref_slice %arg5[%squeeze3A_3402, %dma_start3A_3409, %dma_start3A_3410] : memref<125000x8x32xf32, #tpu.memory_space<hbm>> -> memref<1x8x32xf32, #tpu.memory_space<hbm>>
        %dma_start3A_3412 = tpu.memref_squeeze %dma_start3A_3411 : memref<1x8x32xf32, #tpu.memory_space<hbm>> -> memref<8x32xf32, #tpu.memory_space<hbm>>
        %dma_start3A_3413 = arith.constant 0 : i32
        %dma_start3A_3414 = arith.constant 0 : i32
        %dma_start3A_3415 = tpu.memref_slice %arg10[%dma_start3A_3403, %dma_start3A_3404, %dma_start3A_3413, %dma_start3A_3414] : memref<2x16x8x32xf32, #tpu.memory_space<vmem>> -> memref<1x1x8x32xf32, #tpu.memory_space<vmem>>
        %dma_start3A_3416 = tpu.memref_squeeze %dma_start3A_3415 : memref<1x1x8x32xf32, #tpu.memory_space<vmem>> -> memref<8x32xf32, #tpu.memory_space<vmem>>
        %dma_start3A_3417 = arith.constant 0 : i32
        %dma_start3A_3418 = arith.constant 0 : i32
        %dma_start3A_3419 = tpu.memref_slice %arg5[%squeeze3A_3402, %dma_start3A_3417, %dma_start3A_3418] : memref<125000x8x32xf32, #tpu.memory_space<hbm>> -> memref<1x8x32xf32, #tpu.memory_space<hbm>>
        %dma_start3A_3420 = tpu.memref_squeeze %dma_start3A_3419 : memref<1x8x32xf32, #tpu.memory_space<hbm>> -> memref<8x32xf32, #tpu.memory_space<hbm>>
        tpu.enqueue_dma source(%dma_start3A_3420 : memref<8x32xf32, #tpu.memory_space<hbm>>) target(%dma_start3A_3416 : memref<8x32xf32, #tpu.memory_space<vmem>>) target_semaphore(%arg13 : memref<!tpu.dma_semaphore, #tpu.memory_space<semaphore_mem>>)
        %slice3A_3421 = vector.extract_strided_slice %shift_right_logical3A_2813 {offsets = [15], sizes = [1], strides = [1]} : vector<16xi32> to vector<1xi32>
        %squeeze3A_3422 = vector.extract %slice3A_3421[0] : i32 from vector<1xi32>
        %dma_start3A_3423 = arith.constant 0 : i32
        %dma_start3A_3424 = arith.constant 15 : i32
        %dma_start3A_3425 = arith.constant 0 : i32
        %dma_start3A_3426 = arith.constant 0 : i32
        %dma_start3A_3427 = tpu.memref_slice %arg9[%dma_start3A_3423, %dma_start3A_3424, %dma_start3A_3425, %dma_start3A_3426] : memref<2x16x8x32xf32, #tpu.memory_space<vmem>> -> memref<1x1x8x32xf32, #tpu.memory_space<vmem>>
        %dma_start3A_3428 = tpu.memref_squeeze %dma_start3A_3427 : memref<1x1x8x32xf32, #tpu.memory_space<vmem>> -> memref<8x32xf32, #tpu.memory_space<vmem>>
        %dma_start3A_3429 = arith.constant 0 : i32
        %dma_start3A_3430 = arith.constant 0 : i32
        %dma_start3A_3431 = tpu.memref_slice %arg4[%squeeze3A_3422, %dma_start3A_3429, %dma_start3A_3430] : memref<12500x8x32xf32, #tpu.memory_space<hbm>> -> memref<1x8x32xf32, #tpu.memory_space<hbm>>
        %dma_start3A_3432 = tpu.memref_squeeze %dma_start3A_3431 : memref<1x8x32xf32, #tpu.memory_space<hbm>> -> memref<8x32xf32, #tpu.memory_space<hbm>>
        %dma_start3A_3433 = arith.constant 0 : i32
        %dma_start3A_3434 = arith.constant 0 : i32
        %dma_start3A_3435 = tpu.memref_slice %arg9[%dma_start3A_3423, %dma_start3A_3424, %dma_start3A_3433, %dma_start3A_3434] : memref<2x16x8x32xf32, #tpu.memory_space<vmem>> -> memref<1x1x8x32xf32, #tpu.memory_space<vmem>>
        %dma_start3A_3436 = tpu.memref_squeeze %dma_start3A_3435 : memref<1x1x8x32xf32, #tpu.memory_space<vmem>> -> memref<8x32xf32, #tpu.memory_space<vmem>>
        %dma_start3A_3437 = arith.constant 0 : i32
        %dma_start3A_3438 = arith.constant 0 : i32
        %dma_start3A_3439 = tpu.memref_slice %arg4[%squeeze3A_3422, %dma_start3A_3437, %dma_start3A_3438] : memref<12500x8x32xf32, #tpu.memory_space<hbm>> -> memref<1x8x32xf32, #tpu.memory_space<hbm>>
        %dma_start3A_3440 = tpu.memref_squeeze %dma_start3A_3439 : memref<1x8x32xf32, #tpu.memory_space<hbm>> -> memref<8x32xf32, #tpu.memory_space<hbm>>
        tpu.enqueue_dma source(%dma_start3A_3440 : memref<8x32xf32, #tpu.memory_space<hbm>>) target(%dma_start3A_3436 : memref<8x32xf32, #tpu.memory_space<vmem>>) target_semaphore(%arg13 : memref<!tpu.dma_semaphore, #tpu.memory_space<semaphore_mem>>)
        %slice3A_3441 = vector.extract_strided_slice %shift_right_logical3A_2820 {offsets = [15], sizes = [1], strides = [1]} : vector<16xi32> to vector<1xi32>
        %squeeze3A_3442 = vector.extract %slice3A_3441[0] : i32 from vector<1xi32>
        %dma_start3A_3443 = arith.constant 0 : i32
        %dma_start3A_3444 = arith.constant 15 : i32
        %dma_start3A_3445 = arith.constant 0 : i32
        %dma_start3A_3446 = arith.constant 0 : i32
        %dma_start3A_3447 = tpu.memref_slice %arg10[%dma_start3A_3443, %dma_start3A_3444, %dma_start3A_3445, %dma_start3A_3446] : memref<2x16x8x32xf32, #tpu.memory_space<vmem>> -> memref<1x1x8x32xf32, #tpu.memory_space<vmem>>
        %dma_start3A_3448 = tpu.memref_squeeze %dma_start3A_3447 : memref<1x1x8x32xf32, #tpu.memory_space<vmem>> -> memref<8x32xf32, #tpu.memory_space<vmem>>
        %dma_start3A_3449 = arith.constant 0 : i32
        %dma_start3A_3450 = arith.constant 0 : i32
        %dma_start3A_3451 = tpu.memref_slice %arg5[%squeeze3A_3442, %dma_start3A_3449, %dma_start3A_3450] : memref<125000x8x32xf32, #tpu.memory_space<hbm>> -> memref<1x8x32xf32, #tpu.memory_space<hbm>>
        %dma_start3A_3452 = tpu.memref_squeeze %dma_start3A_3451 : memref<1x8x32xf32, #tpu.memory_space<hbm>> -> memref<8x32xf32, #tpu.memory_space<hbm>>
        %dma_start3A_3453 = arith.constant 0 : i32
        %dma_start3A_3454 = arith.constant 0 : i32
        %dma_start3A_3455 = tpu.memref_slice %arg10[%dma_start3A_3443, %dma_start3A_3444, %dma_start3A_3453, %dma_start3A_3454] : memref<2x16x8x32xf32, #tpu.memory_space<vmem>> -> memref<1x1x8x32xf32, #tpu.memory_space<vmem>>
        %dma_start3A_3456 = tpu.memref_squeeze %dma_start3A_3455 : memref<1x1x8x32xf32, #tpu.memory_space<vmem>> -> memref<8x32xf32, #tpu.memory_space<vmem>>
        %dma_start3A_3457 = arith.constant 0 : i32
        %dma_start3A_3458 = arith.constant 0 : i32
        %dma_start3A_3459 = tpu.memref_slice %arg5[%squeeze3A_3442, %dma_start3A_3457, %dma_start3A_3458] : memref<125000x8x32xf32, #tpu.memory_space<hbm>> -> memref<1x8x32xf32, #tpu.memory_space<hbm>>
        %dma_start3A_3460 = tpu.memref_squeeze %dma_start3A_3459 : memref<1x8x32xf32, #tpu.memory_space<hbm>> -> memref<8x32xf32, #tpu.memory_space<hbm>>
        tpu.enqueue_dma source(%dma_start3A_3460 : memref<8x32xf32, #tpu.memory_space<hbm>>) target(%dma_start3A_3456 : memref<8x32xf32, #tpu.memory_space<vmem>>) target_semaphore(%arg13 : memref<!tpu.dma_semaphore, #tpu.memory_space<semaphore_mem>>)
      } else {
      }
      %dma_wait3A_2057 = arith.constant 1 : i32
      %dma_wait3A_2058 = arith.constant 0 : i32
      %dma_wait3A_2059 = arith.constant 0 : i32
      %dma_wait3A_2060 = arith.constant 0 : i32
      %dma_wait3A_2061 = tpu.memref_slice %arg9[%dma_wait3A_2057, %dma_wait3A_2058, %dma_wait3A_2059, %dma_wait3A_2060] : memref<2x16x8x32xf32, #tpu.memory_space<vmem>> -> memref<1x16x8x32xf32, #tpu.memory_space<vmem>>
      %dma_wait3A_2062 = tpu.memref_squeeze %dma_wait3A_2061 : memref<1x16x8x32xf32, #tpu.memory_space<vmem>> -> memref<16x8x32xf32, #tpu.memory_space<vmem>>
      %dma_wait3A_2063 = arith.constant 0 : i32
      %dma_wait3A_2064 = arith.constant 0 : i32
      %dma_wait3A_2065 = arith.constant 0 : i32
      %dma_wait3A_2066 = tpu.memref_slice %arg4[%dma_wait3A_2063, %dma_wait3A_2064, %dma_wait3A_2065] : memref<12500x8x32xf32, #tpu.memory_space<hbm>> -> memref<16x8x32xf32, #tpu.memory_space<hbm>>
      %dma_wait3A_2067 = arith.constant 0 : i32
      %dma_wait3A_2068 = arith.constant 0 : i32
      %dma_wait3A_2069 = arith.constant 0 : i32
      %dma_wait3A_2070 = tpu.memref_slice %arg9[%dma_wait3A_2057, %dma_wait3A_2067, %dma_wait3A_2068, %dma_wait3A_2069] : memref<2x16x8x32xf32, #tpu.memory_space<vmem>> -> memref<1x16x8x32xf32, #tpu.memory_space<vmem>>
      %dma_wait3A_2071 = tpu.memref_squeeze %dma_wait3A_2070 : memref<1x16x8x32xf32, #tpu.memory_space<vmem>> -> memref<16x8x32xf32, #tpu.memory_space<vmem>>
      %dma_wait3A_2072 = arith.constant 0 : i32
      %dma_wait3A_2073 = arith.constant 0 : i32
      %dma_wait3A_2074 = arith.constant 0 : i32
      %dma_wait3A_2075 = tpu.memref_slice %arg4[%dma_wait3A_2072, %dma_wait3A_2073, %dma_wait3A_2074] : memref<12500x8x32xf32, #tpu.memory_space<hbm>> -> memref<16x8x32xf32, #tpu.memory_space<hbm>>
      tpu.wait_dma2 semaphore(%arg14 : memref<!tpu.dma_semaphore, #tpu.memory_space<semaphore_mem>>) src(%dma_wait3A_2075 : memref<16x8x32xf32, #tpu.memory_space<hbm>>) dst(%dma_wait3A_2071 : memref<16x8x32xf32, #tpu.memory_space<vmem>>)
      %dma_wait3A_2076 = arith.constant 1 : i32
      %dma_wait3A_2077 = arith.constant 0 : i32
      %dma_wait3A_2078 = arith.constant 0 : i32
      %dma_wait3A_2079 = arith.constant 0 : i32
      %dma_wait3A_2080 = tpu.memref_slice %arg10[%dma_wait3A_2076, %dma_wait3A_2077, %dma_wait3A_2078, %dma_wait3A_2079] : memref<2x16x8x32xf32, #tpu.memory_space<vmem>> -> memref<1x16x8x32xf32, #tpu.memory_space<vmem>>
      %dma_wait3A_2081 = tpu.memref_squeeze %dma_wait3A_2080 : memref<1x16x8x32xf32, #tpu.memory_space<vmem>> -> memref<16x8x32xf32, #tpu.memory_space<vmem>>
      %dma_wait3A_2082 = arith.constant 0 : i32
      %dma_wait3A_2083 = arith.constant 0 : i32
      %dma_wait3A_2084 = arith.constant 0 : i32
      %dma_wait3A_2085 = tpu.memref_slice %arg5[%dma_wait3A_2082, %dma_wait3A_2083, %dma_wait3A_2084] : memref<125000x8x32xf32, #tpu.memory_space<hbm>> -> memref<16x8x32xf32, #tpu.memory_space<hbm>>
      %dma_wait3A_2086 = arith.constant 0 : i32
      %dma_wait3A_2087 = arith.constant 0 : i32
      %dma_wait3A_2088 = arith.constant 0 : i32
      %dma_wait3A_2089 = tpu.memref_slice %arg10[%dma_wait3A_2076, %dma_wait3A_2086, %dma_wait3A_2087, %dma_wait3A_2088] : memref<2x16x8x32xf32, #tpu.memory_space<vmem>> -> memref<1x16x8x32xf32, #tpu.memory_space<vmem>>
      %dma_wait3A_2090 = tpu.memref_squeeze %dma_wait3A_2089 : memref<1x16x8x32xf32, #tpu.memory_space<vmem>> -> memref<16x8x32xf32, #tpu.memory_space<vmem>>
      %dma_wait3A_2091 = arith.constant 0 : i32
      %dma_wait3A_2092 = arith.constant 0 : i32
      %dma_wait3A_2093 = arith.constant 0 : i32
      %dma_wait3A_2094 = tpu.memref_slice %arg5[%dma_wait3A_2091, %dma_wait3A_2092, %dma_wait3A_2093] : memref<125000x8x32xf32, #tpu.memory_space<hbm>> -> memref<16x8x32xf32, #tpu.memory_space<hbm>>
      tpu.wait_dma2 semaphore(%arg14 : memref<!tpu.dma_semaphore, #tpu.memory_space<semaphore_mem>>) src(%dma_wait3A_2094 : memref<16x8x32xf32, #tpu.memory_space<hbm>>) dst(%dma_wait3A_2090 : memref<16x8x32xf32, #tpu.memory_space<vmem>>)
      %add3A_2095 = arith.constant 1 : i32
      %add3A_2096 = arith.addi %mul3A_655, %add3A_2095 : i32
      %mul3A_2097 = arith.constant 16 : i32
      %mul3A_2098 = arith.muli %add3A_2096, %mul3A_2097 : i32
      %get3A_2099 = arith.index_cast %mul3A_2098 : i32 to index
      %get3A_2100 = tpu.vector_load %arg7[%get3A_2099] {strides = array<i32>} : memref<512xi32, #tpu.memory_space<vmem>>, vector<16xi32>,
      %and3A_2101 = arith.constant 7 : i32
      %and3A_2102 = vector.broadcast %and3A_2101 : i32 to vector<16xi32>
      %and3A_2103 = arith.andi %get3A_2100, %and3A_2102 : vector<16xi32>
      %mul3A_2104 = arith.constant 16 : i32
      %mul3A_2105 = arith.muli %add3A_2096, %mul3A_2104 : i32
      %get3A_2106 = arith.index_cast %mul3A_2105 : i32 to index
      %get3A_2107 = tpu.vector_load %arg8[%get3A_2106] {strides = array<i32>} : memref<512xi32, #tpu.memory_space<vmem>>, vector<16xi32>,
      %and3A_2108 = arith.constant 7 : i32
      %and3A_2109 = vector.broadcast %and3A_2108 : i32 to vector<16xi32>
      %and3A_2110 = arith.andi %get3A_2107, %and3A_2109 : vector<16xi32>
      %slice3A_2111 = vector.extract_strided_slice %and3A_2103 {offsets = [0], sizes = [1], strides = [1]} : vector<16xi32> to vector<1xi32>
      %squeeze3A_2112 = vector.extract %slice3A_2111[0] : i32 from vector<1xi32>
      %slice3A_2113 = vector.extract_strided_slice %and3A_2110 {offsets = [0], sizes = [1], strides = [1]} : vector<16xi32> to vector<1xi32>
      %squeeze3A_2114 = vector.extract %slice3A_2113[0] : i32 from vector<1xi32>
      %get3A_2115 = arith.constant 1 : i32
      %get3A_2116 = arith.constant 0 : i32
      %get3A_2117 = arith.index_cast %get3A_2115 : i32 to index
      %get3A_2118 = arith.index_cast %get3A_2116 : i32 to index
      %get3A_2119 = arith.index_cast %squeeze3A_2112 : i32 to index
      %get3A_2120 = arith.constant 0 : index
      %get3A_2121 = tpu.vector_load %arg9[%get3A_2117, %get3A_2118, %get3A_2119, %get3A_2120] {strides = array<i32>} : memref<2x16x8x32xf32, #tpu.memory_space<vmem>>, vector<16xf32>,
      %get3A_2122 = arith.constant 1 : i32
      %get3A_2123 = arith.constant 0 : i32
      %get3A_2124 = arith.index_cast %get3A_2122 : i32 to index
      %get3A_2125 = arith.index_cast %get3A_2123 : i32 to index
      %get3A_2126 = arith.index_cast %squeeze3A_2114 : i32 to index
      %get3A_2127 = arith.constant 0 : index
      %get3A_2128 = tpu.vector_load %arg10[%get3A_2124, %get3A_2125, %get3A_2126, %get3A_2127] {strides = array<i32>} : memref<2x16x8x32xf32, #tpu.memory_space<vmem>>, vector<16xf32>,
      %mul3A_2129 = arith.mulf %get3A_2121, %get3A_2128 : vector<16xf32>
      %get3A_2130 = arith.constant 1 : i32
      %get3A_2131 = arith.constant 0 : i32
      %get3A_2132 = arith.index_cast %get3A_2130 : i32 to index
      %get3A_2133 = arith.index_cast %get3A_2131 : i32 to index
      %get3A_2134 = arith.index_cast %squeeze3A_2112 : i32 to index
      %get3A_2135 = arith.constant 16 : index
      %get3A_2136 = tpu.vector_load %arg9[%get3A_2132, %get3A_2133, %get3A_2134, %get3A_2135] {strides = array<i32>} : memref<2x16x8x32xf32, #tpu.memory_space<vmem>>, vector<16xf32>,
      %get3A_2137 = arith.constant 1 : i32
      %get3A_2138 = arith.constant 0 : i32
      %get3A_2139 = arith.index_cast %get3A_2137 : i32 to index
      %get3A_2140 = arith.index_cast %get3A_2138 : i32 to index
      %get3A_2141 = arith.index_cast %squeeze3A_2114 : i32 to index
      %get3A_2142 = arith.constant 16 : index
      %get3A_2143 = tpu.vector_load %arg10[%get3A_2139, %get3A_2140, %get3A_2141, %get3A_2142] {strides = array<i32>} : memref<2x16x8x32xf32, #tpu.memory_space<vmem>>, vector<16xf32>,
      %mul3A_2144 = arith.mulf %get3A_2136, %get3A_2143 : vector<16xf32>
      %add3A_2145 = arith.addf %mul3A_2129, %mul3A_2144 : vector<16xf32>
      %swap3A_2146 = arith.constant 0 : i32
      %swap3A_2147 = arith.index_cast %swap3A_2146 : i32 to index
      %swap3A_2148 = arith.constant 0 : index
      %swap3A_2149 = tpu.vector_load %arg11[%swap3A_2147, %swap3A_2148] {strides = array<i32>} : memref<16x17xf32, #tpu.memory_space<vmem>>, vector<16xf32>,
      tpu.vector_store %arg11[%swap3A_2147, %swap3A_2148], %add3A_2145 {strides = array<i32>} : memref<16x17xf32, #tpu.memory_space<vmem>>, vector<16xf32>,
      %slice3A_2150 = vector.extract_strided_slice %and3A_2103 {offsets = [1], sizes = [1], strides = [1]} : vector<16xi32> to vector<1xi32>
      %squeeze3A_2151 = vector.extract %slice3A_2150[0] : i32 from vector<1xi32>
      %slice3A_2152 = vector.extract_strided_slice %and3A_2110 {offsets = [1], sizes = [1], strides = [1]} : vector<16xi32> to vector<1xi32>
      %squeeze3A_2153 = vector.extract %slice3A_2152[0] : i32 from vector<1xi32>
      %get3A_2154 = arith.constant 1 : i32
      %get3A_2155 = arith.constant 1 : i32
      %get3A_2156 = arith.index_cast %get3A_2154 : i32 to index
      %get3A_2157 = arith.index_cast %get3A_2155 : i32 to index
      %get3A_2158 = arith.index_cast %squeeze3A_2151 : i32 to index
      %get3A_2159 = arith.constant 0 : index
      %get3A_2160 = tpu.vector_load %arg9[%get3A_2156, %get3A_2157, %get3A_2158, %get3A_2159] {strides = array<i32>} : memref<2x16x8x32xf32, #tpu.memory_space<vmem>>, vector<16xf32>,
      %get3A_2161 = arith.constant 1 : i32
      %get3A_2162 = arith.constant 1 : i32
      %get3A_2163 = arith.index_cast %get3A_2161 : i32 to index
      %get3A_2164 = arith.index_cast %get3A_2162 : i32 to index
      %get3A_2165 = arith.index_cast %squeeze3A_2153 : i32 to index
      %get3A_2166 = arith.constant 0 : index
      %get3A_2167 = tpu.vector_load %arg10[%get3A_2163, %get3A_2164, %get3A_2165, %get3A_2166] {strides = array<i32>} : memref<2x16x8x32xf32, #tpu.memory_space<vmem>>, vector<16xf32>,
      %mul3A_2168 = arith.mulf %get3A_2160, %get3A_2167 : vector<16xf32>
      %get3A_2169 = arith.constant 1 : i32
      %get3A_2170 = arith.constant 1 : i32
      %get3A_2171 = arith.index_cast %get3A_2169 : i32 to index
      %get3A_2172 = arith.index_cast %get3A_2170 : i32 to index
      %get3A_2173 = arith.index_cast %squeeze3A_2151 : i32 to index
      %get3A_2174 = arith.constant 16 : index
      %get3A_2175 = tpu.vector_load %arg9[%get3A_2171, %get3A_2172, %get3A_2173, %get3A_2174] {strides = array<i32>} : memref<2x16x8x32xf32, #tpu.memory_space<vmem>>, vector<16xf32>,
      %get3A_2176 = arith.constant 1 : i32
      %get3A_2177 = arith.constant 1 : i32
      %get3A_2178 = arith.index_cast %get3A_2176 : i32 to index
      %get3A_2179 = arith.index_cast %get3A_2177 : i32 to index
      %get3A_2180 = arith.index_cast %squeeze3A_2153 : i32 to index
      %get3A_2181 = arith.constant 16 : index
      %get3A_2182 = tpu.vector_load %arg10[%get3A_2178, %get3A_2179, %get3A_2180, %get3A_2181] {strides = array<i32>} : memref<2x16x8x32xf32, #tpu.memory_space<vmem>>, vector<16xf32>,
      %mul3A_2183 = arith.mulf %get3A_2175, %get3A_2182 : vector<16xf32>
      %add3A_2184 = arith.addf %mul3A_2168, %mul3A_2183 : vector<16xf32>
      %swap3A_2185 = arith.constant 1 : i32
      %swap3A_2186 = arith.index_cast %swap3A_2185 : i32 to index
      %swap3A_2187 = arith.constant 0 : index
      %swap3A_2188 = tpu.vector_load %arg11[%swap3A_2186, %swap3A_2187] {strides = array<i32>} : memref<16x17xf32, #tpu.memory_space<vmem>>, vector<16xf32>,
      tpu.vector_store %arg11[%swap3A_2186, %swap3A_2187], %add3A_2184 {strides = array<i32>} : memref<16x17xf32, #tpu.memory_space<vmem>>, vector<16xf32>,
      %slice3A_2189 = vector.extract_strided_slice %and3A_2103 {offsets = [2], sizes = [1], strides = [1]} : vector<16xi32> to vector<1xi32>
      %squeeze3A_2190 = vector.extract %slice3A_2189[0] : i32 from vector<1xi32>
      %slice3A_2191 = vector.extract_strided_slice %and3A_2110 {offsets = [2], sizes = [1], strides = [1]} : vector<16xi32> to vector<1xi32>
      %squeeze3A_2192 = vector.extract %slice3A_2191[0] : i32 from vector<1xi32>
      %get3A_2193 = arith.constant 1 : i32
      %get3A_2194 = arith.constant 2 : i32
      %get3A_2195 = arith.index_cast %get3A_2193 : i32 to index
      %get3A_2196 = arith.index_cast %get3A_2194 : i32 to index
      %get3A_2197 = arith.index_cast %squeeze3A_2190 : i32 to index
      %get3A_2198 = arith.constant 0 : index
      %get3A_2199 = tpu.vector_load %arg9[%get3A_2195, %get3A_2196, %get3A_2197, %get3A_2198] {strides = array<i32>} : memref<2x16x8x32xf32, #tpu.memory_space<vmem>>, vector<16xf32>,
      %get3A_2200 = arith.constant 1 : i32
      %get3A_2201 = arith.constant 2 : i32
      %get3A_2202 = arith.index_cast %get3A_2200 : i32 to index
      %get3A_2203 = arith.index_cast %get3A_2201 : i32 to index
      %get3A_2204 = arith.index_cast %squeeze3A_2192 : i32 to index
      %get3A_2205 = arith.constant 0 : index
      %get3A_2206 = tpu.vector_load %arg10[%get3A_2202, %get3A_2203, %get3A_2204, %get3A_2205] {strides = array<i32>} : memref<2x16x8x32xf32, #tpu.memory_space<vmem>>, vector<16xf32>,
      %mul3A_2207 = arith.mulf %get3A_2199, %get3A_2206 : vector<16xf32>
      %get3A_2208 = arith.constant 1 : i32
      %get3A_2209 = arith.constant 2 : i32
      %get3A_2210 = arith.index_cast %get3A_2208 : i32 to index
      %get3A_2211 = arith.index_cast %get3A_2209 : i32 to index
      %get3A_2212 = arith.index_cast %squeeze3A_2190 : i32 to index
      %get3A_2213 = arith.constant 16 : index
      %get3A_2214 = tpu.vector_load %arg9[%get3A_2210, %get3A_2211, %get3A_2212, %get3A_2213] {strides = array<i32>} : memref<2x16x8x32xf32, #tpu.memory_space<vmem>>, vector<16xf32>,
      %get3A_2215 = arith.constant 1 : i32
      %get3A_2216 = arith.constant 2 : i32
      %get3A_2217 = arith.index_cast %get3A_2215 : i32 to index
      %get3A_2218 = arith.index_cast %get3A_2216 : i32 to index
      %get3A_2219 = arith.index_cast %squeeze3A_2192 : i32 to index
      %get3A_2220 = arith.constant 16 : index
      %get3A_2221 = tpu.vector_load %arg10[%get3A_2217, %get3A_2218, %get3A_2219, %get3A_2220] {strides = array<i32>} : memref<2x16x8x32xf32, #tpu.memory_space<vmem>>, vector<16xf32>,
      %mul3A_2222 = arith.mulf %get3A_2214, %get3A_2221 : vector<16xf32>
      %add3A_2223 = arith.addf %mul3A_2207, %mul3A_2222 : vector<16xf32>
      %swap3A_2224 = arith.constant 2 : i32
      %swap3A_2225 = arith.index_cast %swap3A_2224 : i32 to index
      %swap3A_2226 = arith.constant 0 : index
      %swap3A_2227 = tpu.vector_load %arg11[%swap3A_2225, %swap3A_2226] {strides = array<i32>} : memref<16x17xf32, #tpu.memory_space<vmem>>, vector<16xf32>,
      tpu.vector_store %arg11[%swap3A_2225, %swap3A_2226], %add3A_2223 {strides = array<i32>} : memref<16x17xf32, #tpu.memory_space<vmem>>, vector<16xf32>,
      %slice3A_2228 = vector.extract_strided_slice %and3A_2103 {offsets = [3], sizes = [1], strides = [1]} : vector<16xi32> to vector<1xi32>
      %squeeze3A_2229 = vector.extract %slice3A_2228[0] : i32 from vector<1xi32>
      %slice3A_2230 = vector.extract_strided_slice %and3A_2110 {offsets = [3], sizes = [1], strides = [1]} : vector<16xi32> to vector<1xi32>
      %squeeze3A_2231 = vector.extract %slice3A_2230[0] : i32 from vector<1xi32>
      %get3A_2232 = arith.constant 1 : i32
      %get3A_2233 = arith.constant 3 : i32
      %get3A_2234 = arith.index_cast %get3A_2232 : i32 to index
      %get3A_2235 = arith.index_cast %get3A_2233 : i32 to index
      %get3A_2236 = arith.index_cast %squeeze3A_2229 : i32 to index
      %get3A_2237 = arith.constant 0 : index
      %get3A_2238 = tpu.vector_load %arg9[%get3A_2234, %get3A_2235, %get3A_2236, %get3A_2237] {strides = array<i32>} : memref<2x16x8x32xf32, #tpu.memory_space<vmem>>, vector<16xf32>,
      %get3A_2239 = arith.constant 1 : i32
      %get3A_2240 = arith.constant 3 : i32
      %get3A_2241 = arith.index_cast %get3A_2239 : i32 to index
      %get3A_2242 = arith.index_cast %get3A_2240 : i32 to index
      %get3A_2243 = arith.index_cast %squeeze3A_2231 : i32 to index
      %get3A_2244 = arith.constant 0 : index
      %get3A_2245 = tpu.vector_load %arg10[%get3A_2241, %get3A_2242, %get3A_2243, %get3A_2244] {strides = array<i32>} : memref<2x16x8x32xf32, #tpu.memory_space<vmem>>, vector<16xf32>,
      %mul3A_2246 = arith.mulf %get3A_2238, %get3A_2245 : vector<16xf32>
      %get3A_2247 = arith.constant 1 : i32
      %get3A_2248 = arith.constant 3 : i32
      %get3A_2249 = arith.index_cast %get3A_2247 : i32 to index
      %get3A_2250 = arith.index_cast %get3A_2248 : i32 to index
      %get3A_2251 = arith.index_cast %squeeze3A_2229 : i32 to index
      %get3A_2252 = arith.constant 16 : index
      %get3A_2253 = tpu.vector_load %arg9[%get3A_2249, %get3A_2250, %get3A_2251, %get3A_2252] {strides = array<i32>} : memref<2x16x8x32xf32, #tpu.memory_space<vmem>>, vector<16xf32>,
      %get3A_2254 = arith.constant 1 : i32
      %get3A_2255 = arith.constant 3 : i32
      %get3A_2256 = arith.index_cast %get3A_2254 : i32 to index
      %get3A_2257 = arith.index_cast %get3A_2255 : i32 to index
      %get3A_2258 = arith.index_cast %squeeze3A_2231 : i32 to index
      %get3A_2259 = arith.constant 16 : index
      %get3A_2260 = tpu.vector_load %arg10[%get3A_2256, %get3A_2257, %get3A_2258, %get3A_2259] {strides = array<i32>} : memref<2x16x8x32xf32, #tpu.memory_space<vmem>>, vector<16xf32>,
      %mul3A_2261 = arith.mulf %get3A_2253, %get3A_2260 : vector<16xf32>
      %add3A_2262 = arith.addf %mul3A_2246, %mul3A_2261 : vector<16xf32>
      %swap3A_2263 = arith.constant 3 : i32
      %swap3A_2264 = arith.index_cast %swap3A_2263 : i32 to index
      %swap3A_2265 = arith.constant 0 : index
      %swap3A_2266 = tpu.vector_load %arg11[%swap3A_2264, %swap3A_2265] {strides = array<i32>} : memref<16x17xf32, #tpu.memory_space<vmem>>, vector<16xf32>,
      tpu.vector_store %arg11[%swap3A_2264, %swap3A_2265], %add3A_2262 {strides = array<i32>} : memref<16x17xf32, #tpu.memory_space<vmem>>, vector<16xf32>,
      %slice3A_2267 = vector.extract_strided_slice %and3A_2103 {offsets = [4], sizes = [1], strides = [1]} : vector<16xi32> to vector<1xi32>
      %squeeze3A_2268 = vector.extract %slice3A_2267[0] : i32 from vector<1xi32>
      %slice3A_2269 = vector.extract_strided_slice %and3A_2110 {offsets = [4], sizes = [1], strides = [1]} : vector<16xi32> to vector<1xi32>
      %squeeze3A_2270 = vector.extract %slice3A_2269[0] : i32 from vector<1xi32>
      %get3A_2271 = arith.constant 1 : i32
      %get3A_2272 = arith.constant 4 : i32
      %get3A_2273 = arith.index_cast %get3A_2271 : i32 to index
      %get3A_2274 = arith.index_cast %get3A_2272 : i32 to index
      %get3A_2275 = arith.index_cast %squeeze3A_2268 : i32 to index
      %get3A_2276 = arith.constant 0 : index
      %get3A_2277 = tpu.vector_load %arg9[%get3A_2273, %get3A_2274, %get3A_2275, %get3A_2276] {strides = array<i32>} : memref<2x16x8x32xf32, #tpu.memory_space<vmem>>, vector<16xf32>,
      %get3A_2278 = arith.constant 1 : i32
      %get3A_2279 = arith.constant 4 : i32
      %get3A_2280 = arith.index_cast %get3A_2278 : i32 to index
      %get3A_2281 = arith.index_cast %get3A_2279 : i32 to index
      %get3A_2282 = arith.index_cast %squeeze3A_2270 : i32 to index
      %get3A_2283 = arith.constant 0 : index
      %get3A_2284 = tpu.vector_load %arg10[%get3A_2280, %get3A_2281, %get3A_2282, %get3A_2283] {strides = array<i32>} : memref<2x16x8x32xf32, #tpu.memory_space<vmem>>, vector<16xf32>,
      %mul3A_2285 = arith.mulf %get3A_2277, %get3A_2284 : vector<16xf32>
      %get3A_2286 = arith.constant 1 : i32
      %get3A_2287 = arith.constant 4 : i32
      %get3A_2288 = arith.index_cast %get3A_2286 : i32 to index
      %get3A_2289 = arith.index_cast %get3A_2287 : i32 to index
      %get3A_2290 = arith.index_cast %squeeze3A_2268 : i32 to index
      %get3A_2291 = arith.constant 16 : index
      %get3A_2292 = tpu.vector_load %arg9[%get3A_2288, %get3A_2289, %get3A_2290, %get3A_2291] {strides = array<i32>} : memref<2x16x8x32xf32, #tpu.memory_space<vmem>>, vector<16xf32>,
      %get3A_2293 = arith.constant 1 : i32
      %get3A_2294 = arith.constant 4 : i32
      %get3A_2295 = arith.index_cast %get3A_2293 : i32 to index
      %get3A_2296 = arith.index_cast %get3A_2294 : i32 to index
      %get3A_2297 = arith.index_cast %squeeze3A_2270 : i32 to index
      %get3A_2298 = arith.constant 16 : index
      %get3A_2299 = tpu.vector_load %arg10[%get3A_2295, %get3A_2296, %get3A_2297, %get3A_2298] {strides = array<i32>} : memref<2x16x8x32xf32, #tpu.memory_space<vmem>>, vector<16xf32>,
      %mul3A_2300 = arith.mulf %get3A_2292, %get3A_2299 : vector<16xf32>
      %add3A_2301 = arith.addf %mul3A_2285, %mul3A_2300 : vector<16xf32>
      %swap3A_2302 = arith.constant 4 : i32
      %swap3A_2303 = arith.index_cast %swap3A_2302 : i32 to index
      %swap3A_2304 = arith.constant 0 : index
      %swap3A_2305 = tpu.vector_load %arg11[%swap3A_2303, %swap3A_2304] {strides = array<i32>} : memref<16x17xf32, #tpu.memory_space<vmem>>, vector<16xf32>,
      tpu.vector_store %arg11[%swap3A_2303, %swap3A_2304], %add3A_2301 {strides = array<i32>} : memref<16x17xf32, #tpu.memory_space<vmem>>, vector<16xf32>,
      %slice3A_2306 = vector.extract_strided_slice %and3A_2103 {offsets = [5], sizes = [1], strides = [1]} : vector<16xi32> to vector<1xi32>
      %squeeze3A_2307 = vector.extract %slice3A_2306[0] : i32 from vector<1xi32>
      %slice3A_2308 = vector.extract_strided_slice %and3A_2110 {offsets = [5], sizes = [1], strides = [1]} : vector<16xi32> to vector<1xi32>
      %squeeze3A_2309 = vector.extract %slice3A_2308[0] : i32 from vector<1xi32>
      %get3A_2310 = arith.constant 1 : i32
      %get3A_2311 = arith.constant 5 : i32
      %get3A_2312 = arith.index_cast %get3A_2310 : i32 to index
      %get3A_2313 = arith.index_cast %get3A_2311 : i32 to index
      %get3A_2314 = arith.index_cast %squeeze3A_2307 : i32 to index
      %get3A_2315 = arith.constant 0 : index
      %get3A_2316 = tpu.vector_load %arg9[%get3A_2312, %get3A_2313, %get3A_2314, %get3A_2315] {strides = array<i32>} : memref<2x16x8x32xf32, #tpu.memory_space<vmem>>, vector<16xf32>,
      %get3A_2317 = arith.constant 1 : i32
      %get3A_2318 = arith.constant 5 : i32
      %get3A_2319 = arith.index_cast %get3A_2317 : i32 to index
      %get3A_2320 = arith.index_cast %get3A_2318 : i32 to index
      %get3A_2321 = arith.index_cast %squeeze3A_2309 : i32 to index
      %get3A_2322 = arith.constant 0 : index
      %get3A_2323 = tpu.vector_load %arg10[%get3A_2319, %get3A_2320, %get3A_2321, %get3A_2322] {strides = array<i32>} : memref<2x16x8x32xf32, #tpu.memory_space<vmem>>, vector<16xf32>,
      %mul3A_2324 = arith.mulf %get3A_2316, %get3A_2323 : vector<16xf32>
      %get3A_2325 = arith.constant 1 : i32
      %get3A_2326 = arith.constant 5 : i32
      %get3A_2327 = arith.index_cast %get3A_2325 : i32 to index
      %get3A_2328 = arith.index_cast %get3A_2326 : i32 to index
      %get3A_2329 = arith.index_cast %squeeze3A_2307 : i32 to index
      %get3A_2330 = arith.constant 16 : index
      %get3A_2331 = tpu.vector_load %arg9[%get3A_2327, %get3A_2328, %get3A_2329, %get3A_2330] {strides = array<i32>} : memref<2x16x8x32xf32, #tpu.memory_space<vmem>>, vector<16xf32>,
      %get3A_2332 = arith.constant 1 : i32
      %get3A_2333 = arith.constant 5 : i32
      %get3A_2334 = arith.index_cast %get3A_2332 : i32 to index
      %get3A_2335 = arith.index_cast %get3A_2333 : i32 to index
      %get3A_2336 = arith.index_cast %squeeze3A_2309 : i32 to index
      %get3A_2337 = arith.constant 16 : index
      %get3A_2338 = tpu.vector_load %arg10[%get3A_2334, %get3A_2335, %get3A_2336, %get3A_2337] {strides = array<i32>} : memref<2x16x8x32xf32, #tpu.memory_space<vmem>>, vector<16xf32>,
      %mul3A_2339 = arith.mulf %get3A_2331, %get3A_2338 : vector<16xf32>
      %add3A_2340 = arith.addf %mul3A_2324, %mul3A_2339 : vector<16xf32>
      %swap3A_2341 = arith.constant 5 : i32
      %swap3A_2342 = arith.index_cast %swap3A_2341 : i32 to index
      %swap3A_2343 = arith.constant 0 : index
      %swap3A_2344 = tpu.vector_load %arg11[%swap3A_2342, %swap3A_2343] {strides = array<i32>} : memref<16x17xf32, #tpu.memory_space<vmem>>, vector<16xf32>,
      tpu.vector_store %arg11[%swap3A_2342, %swap3A_2343], %add3A_2340 {strides = array<i32>} : memref<16x17xf32, #tpu.memory_space<vmem>>, vector<16xf32>,
      %slice3A_2345 = vector.extract_strided_slice %and3A_2103 {offsets = [6], sizes = [1], strides = [1]} : vector<16xi32> to vector<1xi32>
      %squeeze3A_2346 = vector.extract %slice3A_2345[0] : i32 from vector<1xi32>
      %slice3A_2347 = vector.extract_strided_slice %and3A_2110 {offsets = [6], sizes = [1], strides = [1]} : vector<16xi32> to vector<1xi32>
      %squeeze3A_2348 = vector.extract %slice3A_2347[0] : i32 from vector<1xi32>
      %get3A_2349 = arith.constant 1 : i32
      %get3A_2350 = arith.constant 6 : i32
      %get3A_2351 = arith.index_cast %get3A_2349 : i32 to index
      %get3A_2352 = arith.index_cast %get3A_2350 : i32 to index
      %get3A_2353 = arith.index_cast %squeeze3A_2346 : i32 to index
      %get3A_2354 = arith.constant 0 : index
      %get3A_2355 = tpu.vector_load %arg9[%get3A_2351, %get3A_2352, %get3A_2353, %get3A_2354] {strides = array<i32>} : memref<2x16x8x32xf32, #tpu.memory_space<vmem>>, vector<16xf32>,
      %get3A_2356 = arith.constant 1 : i32
      %get3A_2357 = arith.constant 6 : i32
      %get3A_2358 = arith.index_cast %get3A_2356 : i32 to index
      %get3A_2359 = arith.index_cast %get3A_2357 : i32 to index
      %get3A_2360 = arith.index_cast %squeeze3A_2348 : i32 to index
      %get3A_2361 = arith.constant 0 : index
      %get3A_2362 = tpu.vector_load %arg10[%get3A_2358, %get3A_2359, %get3A_2360, %get3A_2361] {strides = array<i32>} : memref<2x16x8x32xf32, #tpu.memory_space<vmem>>, vector<16xf32>,
      %mul3A_2363 = arith.mulf %get3A_2355, %get3A_2362 : vector<16xf32>
      %get3A_2364 = arith.constant 1 : i32
      %get3A_2365 = arith.constant 6 : i32
      %get3A_2366 = arith.index_cast %get3A_2364 : i32 to index
      %get3A_2367 = arith.index_cast %get3A_2365 : i32 to index
      %get3A_2368 = arith.index_cast %squeeze3A_2346 : i32 to index
      %get3A_2369 = arith.constant 16 : index
      %get3A_2370 = tpu.vector_load %arg9[%get3A_2366, %get3A_2367, %get3A_2368, %get3A_2369] {strides = array<i32>} : memref<2x16x8x32xf32, #tpu.memory_space<vmem>>, vector<16xf32>,
      %get3A_2371 = arith.constant 1 : i32
      %get3A_2372 = arith.constant 6 : i32
      %get3A_2373 = arith.index_cast %get3A_2371 : i32 to index
      %get3A_2374 = arith.index_cast %get3A_2372 : i32 to index
      %get3A_2375 = arith.index_cast %squeeze3A_2348 : i32 to index
      %get3A_2376 = arith.constant 16 : index
      %get3A_2377 = tpu.vector_load %arg10[%get3A_2373, %get3A_2374, %get3A_2375, %get3A_2376] {strides = array<i32>} : memref<2x16x8x32xf32, #tpu.memory_space<vmem>>, vector<16xf32>,
      %mul3A_2378 = arith.mulf %get3A_2370, %get3A_2377 : vector<16xf32>
      %add3A_2379 = arith.addf %mul3A_2363, %mul3A_2378 : vector<16xf32>
      %swap3A_2380 = arith.constant 6 : i32
      %swap3A_2381 = arith.index_cast %swap3A_2380 : i32 to index
      %swap3A_2382 = arith.constant 0 : index
      %swap3A_2383 = tpu.vector_load %arg11[%swap3A_2381, %swap3A_2382] {strides = array<i32>} : memref<16x17xf32, #tpu.memory_space<vmem>>, vector<16xf32>,
      tpu.vector_store %arg11[%swap3A_2381, %swap3A_2382], %add3A_2379 {strides = array<i32>} : memref<16x17xf32, #tpu.memory_space<vmem>>, vector<16xf32>,
      %slice3A_2384 = vector.extract_strided_slice %and3A_2103 {offsets = [7], sizes = [1], strides = [1]} : vector<16xi32> to vector<1xi32>
      %squeeze3A_2385 = vector.extract %slice3A_2384[0] : i32 from vector<1xi32>
      %slice3A_2386 = vector.extract_strided_slice %and3A_2110 {offsets = [7], sizes = [1], strides = [1]} : vector<16xi32> to vector<1xi32>
      %squeeze3A_2387 = vector.extract %slice3A_2386[0] : i32 from vector<1xi32>
      %get3A_2388 = arith.constant 1 : i32
      %get3A_2389 = arith.constant 7 : i32
      %get3A_2390 = arith.index_cast %get3A_2388 : i32 to index
      %get3A_2391 = arith.index_cast %get3A_2389 : i32 to index
      %get3A_2392 = arith.index_cast %squeeze3A_2385 : i32 to index
      %get3A_2393 = arith.constant 0 : index
      %get3A_2394 = tpu.vector_load %arg9[%get3A_2390, %get3A_2391, %get3A_2392, %get3A_2393] {strides = array<i32>} : memref<2x16x8x32xf32, #tpu.memory_space<vmem>>, vector<16xf32>,
      %get3A_2395 = arith.constant 1 : i32
      %get3A_2396 = arith.constant 7 : i32
      %get3A_2397 = arith.index_cast %get3A_2395 : i32 to index
      %get3A_2398 = arith.index_cast %get3A_2396 : i32 to index
      %get3A_2399 = arith.index_cast %squeeze3A_2387 : i32 to index
      %get3A_2400 = arith.constant 0 : index
      %get3A_2401 = tpu.vector_load %arg10[%get3A_2397, %get3A_2398, %get3A_2399, %get3A_2400] {strides = array<i32>} : memref<2x16x8x32xf32, #tpu.memory_space<vmem>>, vector<16xf32>,
      %mul3A_2402 = arith.mulf %get3A_2394, %get3A_2401 : vector<16xf32>
      %get3A_2403 = arith.constant 1 : i32
      %get3A_2404 = arith.constant 7 : i32
      %get3A_2405 = arith.index_cast %get3A_2403 : i32 to index
      %get3A_2406 = arith.index_cast %get3A_2404 : i32 to index
      %get3A_2407 = arith.index_cast %squeeze3A_2385 : i32 to index
      %get3A_2408 = arith.constant 16 : index
      %get3A_2409 = tpu.vector_load %arg9[%get3A_2405, %get3A_2406, %get3A_2407, %get3A_2408] {strides = array<i32>} : memref<2x16x8x32xf32, #tpu.memory_space<vmem>>, vector<16xf32>,
      %get3A_2410 = arith.constant 1 : i32
      %get3A_2411 = arith.constant 7 : i32
      %get3A_2412 = arith.index_cast %get3A_2410 : i32 to index
      %get3A_2413 = arith.index_cast %get3A_2411 : i32 to index
      %get3A_2414 = arith.index_cast %squeeze3A_2387 : i32 to index
      %get3A_2415 = arith.constant 16 : index
      %get3A_2416 = tpu.vector_load %arg10[%get3A_2412, %get3A_2413, %get3A_2414, %get3A_2415] {strides = array<i32>} : memref<2x16x8x32xf32, #tpu.memory_space<vmem>>, vector<16xf32>,
      %mul3A_2417 = arith.mulf %get3A_2409, %get3A_2416 : vector<16xf32>
      %add3A_2418 = arith.addf %mul3A_2402, %mul3A_2417 : vector<16xf32>
      %swap3A_2419 = arith.constant 7 : i32
      %swap3A_2420 = arith.index_cast %swap3A_2419 : i32 to index
      %swap3A_2421 = arith.constant 0 : index
      %swap3A_2422 = tpu.vector_load %arg11[%swap3A_2420, %swap3A_2421] {strides = array<i32>} : memref<16x17xf32, #tpu.memory_space<vmem>>, vector<16xf32>,
      tpu.vector_store %arg11[%swap3A_2420, %swap3A_2421], %add3A_2418 {strides = array<i32>} : memref<16x17xf32, #tpu.memory_space<vmem>>, vector<16xf32>,
      %slice3A_2423 = vector.extract_strided_slice %and3A_2103 {offsets = [8], sizes = [1], strides = [1]} : vector<16xi32> to vector<1xi32>
      %squeeze3A_2424 = vector.extract %slice3A_2423[0] : i32 from vector<1xi32>
      %slice3A_2425 = vector.extract_strided_slice %and3A_2110 {offsets = [8], sizes = [1], strides = [1]} : vector<16xi32> to vector<1xi32>
      %squeeze3A_2426 = vector.extract %slice3A_2425[0] : i32 from vector<1xi32>
      %get3A_2427 = arith.constant 1 : i32
      %get3A_2428 = arith.constant 8 : i32
      %get3A_2429 = arith.index_cast %get3A_2427 : i32 to index
      %get3A_2430 = arith.index_cast %get3A_2428 : i32 to index
      %get3A_2431 = arith.index_cast %squeeze3A_2424 : i32 to index
      %get3A_2432 = arith.constant 0 : index
      %get3A_2433 = tpu.vector_load %arg9[%get3A_2429, %get3A_2430, %get3A_2431, %get3A_2432] {strides = array<i32>} : memref<2x16x8x32xf32, #tpu.memory_space<vmem>>, vector<16xf32>,
      %get3A_2434 = arith.constant 1 : i32
      %get3A_2435 = arith.constant 8 : i32
      %get3A_2436 = arith.index_cast %get3A_2434 : i32 to index
      %get3A_2437 = arith.index_cast %get3A_2435 : i32 to index
      %get3A_2438 = arith.index_cast %squeeze3A_2426 : i32 to index
      %get3A_2439 = arith.constant 0 : index
      %get3A_2440 = tpu.vector_load %arg10[%get3A_2436, %get3A_2437, %get3A_2438, %get3A_2439] {strides = array<i32>} : memref<2x16x8x32xf32, #tpu.memory_space<vmem>>, vector<16xf32>,
      %mul3A_2441 = arith.mulf %get3A_2433, %get3A_2440 : vector<16xf32>
      %get3A_2442 = arith.constant 1 : i32
      %get3A_2443 = arith.constant 8 : i32
      %get3A_2444 = arith.index_cast %get3A_2442 : i32 to index
      %get3A_2445 = arith.index_cast %get3A_2443 : i32 to index
      %get3A_2446 = arith.index_cast %squeeze3A_2424 : i32 to index
      %get3A_2447 = arith.constant 16 : index
      %get3A_2448 = tpu.vector_load %arg9[%get3A_2444, %get3A_2445, %get3A_2446, %get3A_2447] {strides = array<i32>} : memref<2x16x8x32xf32, #tpu.memory_space<vmem>>, vector<16xf32>,
      %get3A_2449 = arith.constant 1 : i32
      %get3A_2450 = arith.constant 8 : i32
      %get3A_2451 = arith.index_cast %get3A_2449 : i32 to index
      %get3A_2452 = arith.index_cast %get3A_2450 : i32 to index
      %get3A_2453 = arith.index_cast %squeeze3A_2426 : i32 to index
      %get3A_2454 = arith.constant 16 : index
      %get3A_2455 = tpu.vector_load %arg10[%get3A_2451, %get3A_2452, %get3A_2453, %get3A_2454] {strides = array<i32>} : memref<2x16x8x32xf32, #tpu.memory_space<vmem>>, vector<16xf32>,
      %mul3A_2456 = arith.mulf %get3A_2448, %get3A_2455 : vector<16xf32>
      %add3A_2457 = arith.addf %mul3A_2441, %mul3A_2456 : vector<16xf32>
      %swap3A_2458 = arith.constant 8 : i32
      %swap3A_2459 = arith.index_cast %swap3A_2458 : i32 to index
      %swap3A_2460 = arith.constant 0 : index
      %swap3A_2461 = tpu.vector_load %arg11[%swap3A_2459, %swap3A_2460] {strides = array<i32>} : memref<16x17xf32, #tpu.memory_space<vmem>>, vector<16xf32>,
      tpu.vector_store %arg11[%swap3A_2459, %swap3A_2460], %add3A_2457 {strides = array<i32>} : memref<16x17xf32, #tpu.memory_space<vmem>>, vector<16xf32>,
      %slice3A_2462 = vector.extract_strided_slice %and3A_2103 {offsets = [9], sizes = [1], strides = [1]} : vector<16xi32> to vector<1xi32>
      %squeeze3A_2463 = vector.extract %slice3A_2462[0] : i32 from vector<1xi32>
      %slice3A_2464 = vector.extract_strided_slice %and3A_2110 {offsets = [9], sizes = [1], strides = [1]} : vector<16xi32> to vector<1xi32>
      %squeeze3A_2465 = vector.extract %slice3A_2464[0] : i32 from vector<1xi32>
      %get3A_2466 = arith.constant 1 : i32
      %get3A_2467 = arith.constant 9 : i32
      %get3A_2468 = arith.index_cast %get3A_2466 : i32 to index
      %get3A_2469 = arith.index_cast %get3A_2467 : i32 to index
      %get3A_2470 = arith.index_cast %squeeze3A_2463 : i32 to index
      %get3A_2471 = arith.constant 0 : index
      %get3A_2472 = tpu.vector_load %arg9[%get3A_2468, %get3A_2469, %get3A_2470, %get3A_2471] {strides = array<i32>} : memref<2x16x8x32xf32, #tpu.memory_space<vmem>>, vector<16xf32>,
      %get3A_2473 = arith.constant 1 : i32
      %get3A_2474 = arith.constant 9 : i32
      %get3A_2475 = arith.index_cast %get3A_2473 : i32 to index
      %get3A_2476 = arith.index_cast %get3A_2474 : i32 to index
      %get3A_2477 = arith.index_cast %squeeze3A_2465 : i32 to index
      %get3A_2478 = arith.constant 0 : index
      %get3A_2479 = tpu.vector_load %arg10[%get3A_2475, %get3A_2476, %get3A_2477, %get3A_2478] {strides = array<i32>} : memref<2x16x8x32xf32, #tpu.memory_space<vmem>>, vector<16xf32>,
      %mul3A_2480 = arith.mulf %get3A_2472, %get3A_2479 : vector<16xf32>
      %get3A_2481 = arith.constant 1 : i32
      %get3A_2482 = arith.constant 9 : i32
      %get3A_2483 = arith.index_cast %get3A_2481 : i32 to index
      %get3A_2484 = arith.index_cast %get3A_2482 : i32 to index
      %get3A_2485 = arith.index_cast %squeeze3A_2463 : i32 to index
      %get3A_2486 = arith.constant 16 : index
      %get3A_2487 = tpu.vector_load %arg9[%get3A_2483, %get3A_2484, %get3A_2485, %get3A_2486] {strides = array<i32>} : memref<2x16x8x32xf32, #tpu.memory_space<vmem>>, vector<16xf32>,
      %get3A_2488 = arith.constant 1 : i32
      %get3A_2489 = arith.constant 9 : i32
      %get3A_2490 = arith.index_cast %get3A_2488 : i32 to index
      %get3A_2491 = arith.index_cast %get3A_2489 : i32 to index
      %get3A_2492 = arith.index_cast %squeeze3A_2465 : i32 to index
      %get3A_2493 = arith.constant 16 : index
      %get3A_2494 = tpu.vector_load %arg10[%get3A_2490, %get3A_2491, %get3A_2492, %get3A_2493] {strides = array<i32>} : memref<2x16x8x32xf32, #tpu.memory_space<vmem>>, vector<16xf32>,
      %mul3A_2495 = arith.mulf %get3A_2487, %get3A_2494 : vector<16xf32>
      %add3A_2496 = arith.addf %mul3A_2480, %mul3A_2495 : vector<16xf32>
      %swap3A_2497 = arith.constant 9 : i32
      %swap3A_2498 = arith.index_cast %swap3A_2497 : i32 to index
      %swap3A_2499 = arith.constant 0 : index
      %swap3A_2500 = tpu.vector_load %arg11[%swap3A_2498, %swap3A_2499] {strides = array<i32>} : memref<16x17xf32, #tpu.memory_space<vmem>>, vector<16xf32>,
      tpu.vector_store %arg11[%swap3A_2498, %swap3A_2499], %add3A_2496 {strides = array<i32>} : memref<16x17xf32, #tpu.memory_space<vmem>>, vector<16xf32>,
      %slice3A_2501 = vector.extract_strided_slice %and3A_2103 {offsets = [10], sizes = [1], strides = [1]} : vector<16xi32> to vector<1xi32>
      %squeeze3A_2502 = vector.extract %slice3A_2501[0] : i32 from vector<1xi32>
      %slice3A_2503 = vector.extract_strided_slice %and3A_2110 {offsets = [10], sizes = [1], strides = [1]} : vector<16xi32> to vector<1xi32>
      %squeeze3A_2504 = vector.extract %slice3A_2503[0] : i32 from vector<1xi32>
      %get3A_2505 = arith.constant 1 : i32
      %get3A_2506 = arith.constant 10 : i32
      %get3A_2507 = arith.index_cast %get3A_2505 : i32 to index
      %get3A_2508 = arith.index_cast %get3A_2506 : i32 to index
      %get3A_2509 = arith.index_cast %squeeze3A_2502 : i32 to index
      %get3A_2510 = arith.constant 0 : index
      %get3A_2511 = tpu.vector_load %arg9[%get3A_2507, %get3A_2508, %get3A_2509, %get3A_2510] {strides = array<i32>} : memref<2x16x8x32xf32, #tpu.memory_space<vmem>>, vector<16xf32>,
      %get3A_2512 = arith.constant 1 : i32
      %get3A_2513 = arith.constant 10 : i32
      %get3A_2514 = arith.index_cast %get3A_2512 : i32 to index
      %get3A_2515 = arith.index_cast %get3A_2513 : i32 to index
      %get3A_2516 = arith.index_cast %squeeze3A_2504 : i32 to index
      %get3A_2517 = arith.constant 0 : index
      %get3A_2518 = tpu.vector_load %arg10[%get3A_2514, %get3A_2515, %get3A_2516, %get3A_2517] {strides = array<i32>} : memref<2x16x8x32xf32, #tpu.memory_space<vmem>>, vector<16xf32>,
      %mul3A_2519 = arith.mulf %get3A_2511, %get3A_2518 : vector<16xf32>
      %get3A_2520 = arith.constant 1 : i32
      %get3A_2521 = arith.constant 10 : i32
      %get3A_2522 = arith.index_cast %get3A_2520 : i32 to index
      %get3A_2523 = arith.index_cast %get3A_2521 : i32 to index
      %get3A_2524 = arith.index_cast %squeeze3A_2502 : i32 to index
      %get3A_2525 = arith.constant 16 : index
      %get3A_2526 = tpu.vector_load %arg9[%get3A_2522, %get3A_2523, %get3A_2524, %get3A_2525] {strides = array<i32>} : memref<2x16x8x32xf32, #tpu.memory_space<vmem>>, vector<16xf32>,
      %get3A_2527 = arith.constant 1 : i32
      %get3A_2528 = arith.constant 10 : i32
      %get3A_2529 = arith.index_cast %get3A_2527 : i32 to index
      %get3A_2530 = arith.index_cast %get3A_2528 : i32 to index
      %get3A_2531 = arith.index_cast %squeeze3A_2504 : i32 to index
      %get3A_2532 = arith.constant 16 : index
      %get3A_2533 = tpu.vector_load %arg10[%get3A_2529, %get3A_2530, %get3A_2531, %get3A_2532] {strides = array<i32>} : memref<2x16x8x32xf32, #tpu.memory_space<vmem>>, vector<16xf32>,
      %mul3A_2534 = arith.mulf %get3A_2526, %get3A_2533 : vector<16xf32>
      %add3A_2535 = arith.addf %mul3A_2519, %mul3A_2534 : vector<16xf32>
      %swap3A_2536 = arith.constant 10 : i32
      %swap3A_2537 = arith.index_cast %swap3A_2536 : i32 to index
      %swap3A_2538 = arith.constant 0 : index
      %swap3A_2539 = tpu.vector_load %arg11[%swap3A_2537, %swap3A_2538] {strides = array<i32>} : memref<16x17xf32, #tpu.memory_space<vmem>>, vector<16xf32>,
      tpu.vector_store %arg11[%swap3A_2537, %swap3A_2538], %add3A_2535 {strides = array<i32>} : memref<16x17xf32, #tpu.memory_space<vmem>>, vector<16xf32>,
      %slice3A_2540 = vector.extract_strided_slice %and3A_2103 {offsets = [11], sizes = [1], strides = [1]} : vector<16xi32> to vector<1xi32>
      %squeeze3A_2541 = vector.extract %slice3A_2540[0] : i32 from vector<1xi32>
      %slice3A_2542 = vector.extract_strided_slice %and3A_2110 {offsets = [11], sizes = [1], strides = [1]} : vector<16xi32> to vector<1xi32>
      %squeeze3A_2543 = vector.extract %slice3A_2542[0] : i32 from vector<1xi32>
      %get3A_2544 = arith.constant 1 : i32
      %get3A_2545 = arith.constant 11 : i32
      %get3A_2546 = arith.index_cast %get3A_2544 : i32 to index
      %get3A_2547 = arith.index_cast %get3A_2545 : i32 to index
      %get3A_2548 = arith.index_cast %squeeze3A_2541 : i32 to index
      %get3A_2549 = arith.constant 0 : index
      %get3A_2550 = tpu.vector_load %arg9[%get3A_2546, %get3A_2547, %get3A_2548, %get3A_2549] {strides = array<i32>} : memref<2x16x8x32xf32, #tpu.memory_space<vmem>>, vector<16xf32>,
      %get3A_2551 = arith.constant 1 : i32
      %get3A_2552 = arith.constant 11 : i32
      %get3A_2553 = arith.index_cast %get3A_2551 : i32 to index
      %get3A_2554 = arith.index_cast %get3A_2552 : i32 to index
      %get3A_2555 = arith.index_cast %squeeze3A_2543 : i32 to index
      %get3A_2556 = arith.constant 0 : index
      %get3A_2557 = tpu.vector_load %arg10[%get3A_2553, %get3A_2554, %get3A_2555, %get3A_2556] {strides = array<i32>} : memref<2x16x8x32xf32, #tpu.memory_space<vmem>>, vector<16xf32>,
      %mul3A_2558 = arith.mulf %get3A_2550, %get3A_2557 : vector<16xf32>
      %get3A_2559 = arith.constant 1 : i32
      %get3A_2560 = arith.constant 11 : i32
      %get3A_2561 = arith.index_cast %get3A_2559 : i32 to index
      %get3A_2562 = arith.index_cast %get3A_2560 : i32 to index
      %get3A_2563 = arith.index_cast %squeeze3A_2541 : i32 to index
      %get3A_2564 = arith.constant 16 : index
      %get3A_2565 = tpu.vector_load %arg9[%get3A_2561, %get3A_2562, %get3A_2563, %get3A_2564] {strides = array<i32>} : memref<2x16x8x32xf32, #tpu.memory_space<vmem>>, vector<16xf32>,
      %get3A_2566 = arith.constant 1 : i32
      %get3A_2567 = arith.constant 11 : i32
      %get3A_2568 = arith.index_cast %get3A_2566 : i32 to index
      %get3A_2569 = arith.index_cast %get3A_2567 : i32 to index
      %get3A_2570 = arith.index_cast %squeeze3A_2543 : i32 to index
      %get3A_2571 = arith.constant 16 : index
      %get3A_2572 = tpu.vector_load %arg10[%get3A_2568, %get3A_2569, %get3A_2570, %get3A_2571] {strides = array<i32>} : memref<2x16x8x32xf32, #tpu.memory_space<vmem>>, vector<16xf32>,
      %mul3A_2573 = arith.mulf %get3A_2565, %get3A_2572 : vector<16xf32>
      %add3A_2574 = arith.addf %mul3A_2558, %mul3A_2573 : vector<16xf32>
      %swap3A_2575 = arith.constant 11 : i32
      %swap3A_2576 = arith.index_cast %swap3A_2575 : i32 to index
      %swap3A_2577 = arith.constant 0 : index
      %swap3A_2578 = tpu.vector_load %arg11[%swap3A_2576, %swap3A_2577] {strides = array<i32>} : memref<16x17xf32, #tpu.memory_space<vmem>>, vector<16xf32>,
      tpu.vector_store %arg11[%swap3A_2576, %swap3A_2577], %add3A_2574 {strides = array<i32>} : memref<16x17xf32, #tpu.memory_space<vmem>>, vector<16xf32>,
      %slice3A_2579 = vector.extract_strided_slice %and3A_2103 {offsets = [12], sizes = [1], strides = [1]} : vector<16xi32> to vector<1xi32>
      %squeeze3A_2580 = vector.extract %slice3A_2579[0] : i32 from vector<1xi32>
      %slice3A_2581 = vector.extract_strided_slice %and3A_2110 {offsets = [12], sizes = [1], strides = [1]} : vector<16xi32> to vector<1xi32>
      %squeeze3A_2582 = vector.extract %slice3A_2581[0] : i32 from vector<1xi32>
      %get3A_2583 = arith.constant 1 : i32
      %get3A_2584 = arith.constant 12 : i32
      %get3A_2585 = arith.index_cast %get3A_2583 : i32 to index
      %get3A_2586 = arith.index_cast %get3A_2584 : i32 to index
      %get3A_2587 = arith.index_cast %squeeze3A_2580 : i32 to index
      %get3A_2588 = arith.constant 0 : index
      %get3A_2589 = tpu.vector_load %arg9[%get3A_2585, %get3A_2586, %get3A_2587, %get3A_2588] {strides = array<i32>} : memref<2x16x8x32xf32, #tpu.memory_space<vmem>>, vector<16xf32>,
      %get3A_2590 = arith.constant 1 : i32
      %get3A_2591 = arith.constant 12 : i32
      %get3A_2592 = arith.index_cast %get3A_2590 : i32 to index
      %get3A_2593 = arith.index_cast %get3A_2591 : i32 to index
      %get3A_2594 = arith.index_cast %squeeze3A_2582 : i32 to index
      %get3A_2595 = arith.constant 0 : index
      %get3A_2596 = tpu.vector_load %arg10[%get3A_2592, %get3A_2593, %get3A_2594, %get3A_2595] {strides = array<i32>} : memref<2x16x8x32xf32, #tpu.memory_space<vmem>>, vector<16xf32>,
      %mul3A_2597 = arith.mulf %get3A_2589, %get3A_2596 : vector<16xf32>
      %get3A_2598 = arith.constant 1 : i32
      %get3A_2599 = arith.constant 12 : i32
      %get3A_2600 = arith.index_cast %get3A_2598 : i32 to index
      %get3A_2601 = arith.index_cast %get3A_2599 : i32 to index
      %get3A_2602 = arith.index_cast %squeeze3A_2580 : i32 to index
      %get3A_2603 = arith.constant 16 : index
      %get3A_2604 = tpu.vector_load %arg9[%get3A_2600, %get3A_2601, %get3A_2602, %get3A_2603] {strides = array<i32>} : memref<2x16x8x32xf32, #tpu.memory_space<vmem>>, vector<16xf32>,
      %get3A_2605 = arith.constant 1 : i32
      %get3A_2606 = arith.constant 12 : i32
      %get3A_2607 = arith.index_cast %get3A_2605 : i32 to index
      %get3A_2608 = arith.index_cast %get3A_2606 : i32 to index
      %get3A_2609 = arith.index_cast %squeeze3A_2582 : i32 to index
      %get3A_2610 = arith.constant 16 : index
      %get3A_2611 = tpu.vector_load %arg10[%get3A_2607, %get3A_2608, %get3A_2609, %get3A_2610] {strides = array<i32>} : memref<2x16x8x32xf32, #tpu.memory_space<vmem>>, vector<16xf32>,
      %mul3A_2612 = arith.mulf %get3A_2604, %get3A_2611 : vector<16xf32>
      %add3A_2613 = arith.addf %mul3A_2597, %mul3A_2612 : vector<16xf32>
      %swap3A_2614 = arith.constant 12 : i32
      %swap3A_2615 = arith.index_cast %swap3A_2614 : i32 to index
      %swap3A_2616 = arith.constant 0 : index
      %swap3A_2617 = tpu.vector_load %arg11[%swap3A_2615, %swap3A_2616] {strides = array<i32>} : memref<16x17xf32, #tpu.memory_space<vmem>>, vector<16xf32>,
      tpu.vector_store %arg11[%swap3A_2615, %swap3A_2616], %add3A_2613 {strides = array<i32>} : memref<16x17xf32, #tpu.memory_space<vmem>>, vector<16xf32>,
      %slice3A_2618 = vector.extract_strided_slice %and3A_2103 {offsets = [13], sizes = [1], strides = [1]} : vector<16xi32> to vector<1xi32>
      %squeeze3A_2619 = vector.extract %slice3A_2618[0] : i32 from vector<1xi32>
      %slice3A_2620 = vector.extract_strided_slice %and3A_2110 {offsets = [13], sizes = [1], strides = [1]} : vector<16xi32> to vector<1xi32>
      %squeeze3A_2621 = vector.extract %slice3A_2620[0] : i32 from vector<1xi32>
      %get3A_2622 = arith.constant 1 : i32
      %get3A_2623 = arith.constant 13 : i32
      %get3A_2624 = arith.index_cast %get3A_2622 : i32 to index
      %get3A_2625 = arith.index_cast %get3A_2623 : i32 to index
      %get3A_2626 = arith.index_cast %squeeze3A_2619 : i32 to index
      %get3A_2627 = arith.constant 0 : index
      %get3A_2628 = tpu.vector_load %arg9[%get3A_2624, %get3A_2625, %get3A_2626, %get3A_2627] {strides = array<i32>} : memref<2x16x8x32xf32, #tpu.memory_space<vmem>>, vector<16xf32>,
      %get3A_2629 = arith.constant 1 : i32
      %get3A_2630 = arith.constant 13 : i32
      %get3A_2631 = arith.index_cast %get3A_2629 : i32 to index
      %get3A_2632 = arith.index_cast %get3A_2630 : i32 to index
      %get3A_2633 = arith.index_cast %squeeze3A_2621 : i32 to index
      %get3A_2634 = arith.constant 0 : index
      %get3A_2635 = tpu.vector_load %arg10[%get3A_2631, %get3A_2632, %get3A_2633, %get3A_2634] {strides = array<i32>} : memref<2x16x8x32xf32, #tpu.memory_space<vmem>>, vector<16xf32>,
      %mul3A_2636 = arith.mulf %get3A_2628, %get3A_2635 : vector<16xf32>
      %get3A_2637 = arith.constant 1 : i32
      %get3A_2638 = arith.constant 13 : i32
      %get3A_2639 = arith.index_cast %get3A_2637 : i32 to index
      %get3A_2640 = arith.index_cast %get3A_2638 : i32 to index
      %get3A_2641 = arith.index_cast %squeeze3A_2619 : i32 to index
      %get3A_2642 = arith.constant 16 : index
      %get3A_2643 = tpu.vector_load %arg9[%get3A_2639, %get3A_2640, %get3A_2641, %get3A_2642] {strides = array<i32>} : memref<2x16x8x32xf32, #tpu.memory_space<vmem>>, vector<16xf32>,
      %get3A_2644 = arith.constant 1 : i32
      %get3A_2645 = arith.constant 13 : i32
      %get3A_2646 = arith.index_cast %get3A_2644 : i32 to index
      %get3A_2647 = arith.index_cast %get3A_2645 : i32 to index
      %get3A_2648 = arith.index_cast %squeeze3A_2621 : i32 to index
      %get3A_2649 = arith.constant 16 : index
      %get3A_2650 = tpu.vector_load %arg10[%get3A_2646, %get3A_2647, %get3A_2648, %get3A_2649] {strides = array<i32>} : memref<2x16x8x32xf32, #tpu.memory_space<vmem>>, vector<16xf32>,
      %mul3A_2651 = arith.mulf %get3A_2643, %get3A_2650 : vector<16xf32>
      %add3A_2652 = arith.addf %mul3A_2636, %mul3A_2651 : vector<16xf32>
      %swap3A_2653 = arith.constant 13 : i32
      %swap3A_2654 = arith.index_cast %swap3A_2653 : i32 to index
      %swap3A_2655 = arith.constant 0 : index
      %swap3A_2656 = tpu.vector_load %arg11[%swap3A_2654, %swap3A_2655] {strides = array<i32>} : memref<16x17xf32, #tpu.memory_space<vmem>>, vector<16xf32>,
      tpu.vector_store %arg11[%swap3A_2654, %swap3A_2655], %add3A_2652 {strides = array<i32>} : memref<16x17xf32, #tpu.memory_space<vmem>>, vector<16xf32>,
      %slice3A_2657 = vector.extract_strided_slice %and3A_2103 {offsets = [14], sizes = [1], strides = [1]} : vector<16xi32> to vector<1xi32>
      %squeeze3A_2658 = vector.extract %slice3A_2657[0] : i32 from vector<1xi32>
      %slice3A_2659 = vector.extract_strided_slice %and3A_2110 {offsets = [14], sizes = [1], strides = [1]} : vector<16xi32> to vector<1xi32>
      %squeeze3A_2660 = vector.extract %slice3A_2659[0] : i32 from vector<1xi32>
      %get3A_2661 = arith.constant 1 : i32
      %get3A_2662 = arith.constant 14 : i32
      %get3A_2663 = arith.index_cast %get3A_2661 : i32 to index
      %get3A_2664 = arith.index_cast %get3A_2662 : i32 to index
      %get3A_2665 = arith.index_cast %squeeze3A_2658 : i32 to index
      %get3A_2666 = arith.constant 0 : index
      %get3A_2667 = tpu.vector_load %arg9[%get3A_2663, %get3A_2664, %get3A_2665, %get3A_2666] {strides = array<i32>} : memref<2x16x8x32xf32, #tpu.memory_space<vmem>>, vector<16xf32>,
      %get3A_2668 = arith.constant 1 : i32
      %get3A_2669 = arith.constant 14 : i32
      %get3A_2670 = arith.index_cast %get3A_2668 : i32 to index
      %get3A_2671 = arith.index_cast %get3A_2669 : i32 to index
      %get3A_2672 = arith.index_cast %squeeze3A_2660 : i32 to index
      %get3A_2673 = arith.constant 0 : index
      %get3A_2674 = tpu.vector_load %arg10[%get3A_2670, %get3A_2671, %get3A_2672, %get3A_2673] {strides = array<i32>} : memref<2x16x8x32xf32, #tpu.memory_space<vmem>>, vector<16xf32>,
      %mul3A_2675 = arith.mulf %get3A_2667, %get3A_2674 : vector<16xf32>
      %get3A_2676 = arith.constant 1 : i32
      %get3A_2677 = arith.constant 14 : i32
      %get3A_2678 = arith.index_cast %get3A_2676 : i32 to index
      %get3A_2679 = arith.index_cast %get3A_2677 : i32 to index
      %get3A_2680 = arith.index_cast %squeeze3A_2658 : i32 to index
      %get3A_2681 = arith.constant 16 : index
      %get3A_2682 = tpu.vector_load %arg9[%get3A_2678, %get3A_2679, %get3A_2680, %get3A_2681] {strides = array<i32>} : memref<2x16x8x32xf32, #tpu.memory_space<vmem>>, vector<16xf32>,
      %get3A_2683 = arith.constant 1 : i32
      %get3A_2684 = arith.constant 14 : i32
      %get3A_2685 = arith.index_cast %get3A_2683 : i32 to index
      %get3A_2686 = arith.index_cast %get3A_2684 : i32 to index
      %get3A_2687 = arith.index_cast %squeeze3A_2660 : i32 to index
      %get3A_2688 = arith.constant 16 : index
      %get3A_2689 = tpu.vector_load %arg10[%get3A_2685, %get3A_2686, %get3A_2687, %get3A_2688] {strides = array<i32>} : memref<2x16x8x32xf32, #tpu.memory_space<vmem>>, vector<16xf32>,
      %mul3A_2690 = arith.mulf %get3A_2682, %get3A_2689 : vector<16xf32>
      %add3A_2691 = arith.addf %mul3A_2675, %mul3A_2690 : vector<16xf32>
      %swap3A_2692 = arith.constant 14 : i32
      %swap3A_2693 = arith.index_cast %swap3A_2692 : i32 to index
      %swap3A_2694 = arith.constant 0 : index
      %swap3A_2695 = tpu.vector_load %arg11[%swap3A_2693, %swap3A_2694] {strides = array<i32>} : memref<16x17xf32, #tpu.memory_space<vmem>>, vector<16xf32>,
      tpu.vector_store %arg11[%swap3A_2693, %swap3A_2694], %add3A_2691 {strides = array<i32>} : memref<16x17xf32, #tpu.memory_space<vmem>>, vector<16xf32>,
      %slice3A_2696 = vector.extract_strided_slice %and3A_2103 {offsets = [15], sizes = [1], strides = [1]} : vector<16xi32> to vector<1xi32>
      %squeeze3A_2697 = vector.extract %slice3A_2696[0] : i32 from vector<1xi32>
      %slice3A_2698 = vector.extract_strided_slice %and3A_2110 {offsets = [15], sizes = [1], strides = [1]} : vector<16xi32> to vector<1xi32>
      %squeeze3A_2699 = vector.extract %slice3A_2698[0] : i32 from vector<1xi32>
      %get3A_2700 = arith.constant 1 : i32
      %get3A_2701 = arith.constant 15 : i32
      %get3A_2702 = arith.index_cast %get3A_2700 : i32 to index
      %get3A_2703 = arith.index_cast %get3A_2701 : i32 to index
      %get3A_2704 = arith.index_cast %squeeze3A_2697 : i32 to index
      %get3A_2705 = arith.constant 0 : index
      %get3A_2706 = tpu.vector_load %arg9[%get3A_2702, %get3A_2703, %get3A_2704, %get3A_2705] {strides = array<i32>} : memref<2x16x8x32xf32, #tpu.memory_space<vmem>>, vector<16xf32>,
      %get3A_2707 = arith.constant 1 : i32
      %get3A_2708 = arith.constant 15 : i32
      %get3A_2709 = arith.index_cast %get3A_2707 : i32 to index
      %get3A_2710 = arith.index_cast %get3A_2708 : i32 to index
      %get3A_2711 = arith.index_cast %squeeze3A_2699 : i32 to index
      %get3A_2712 = arith.constant 0 : index
      %get3A_2713 = tpu.vector_load %arg10[%get3A_2709, %get3A_2710, %get3A_2711, %get3A_2712] {strides = array<i32>} : memref<2x16x8x32xf32, #tpu.memory_space<vmem>>, vector<16xf32>,
      %mul3A_2714 = arith.mulf %get3A_2706, %get3A_2713 : vector<16xf32>
      %get3A_2715 = arith.constant 1 : i32
      %get3A_2716 = arith.constant 15 : i32
      %get3A_2717 = arith.index_cast %get3A_2715 : i32 to index
      %get3A_2718 = arith.index_cast %get3A_2716 : i32 to index
      %get3A_2719 = arith.index_cast %squeeze3A_2697 : i32 to index
      %get3A_2720 = arith.constant 16 : index
      %get3A_2721 = tpu.vector_load %arg9[%get3A_2717, %get3A_2718, %get3A_2719, %get3A_2720] {strides = array<i32>} : memref<2x16x8x32xf32, #tpu.memory_space<vmem>>, vector<16xf32>,
      %get3A_2722 = arith.constant 1 : i32
      %get3A_2723 = arith.constant 15 : i32
      %get3A_2724 = arith.index_cast %get3A_2722 : i32 to index
      %get3A_2725 = arith.index_cast %get3A_2723 : i32 to index
      %get3A_2726 = arith.index_cast %squeeze3A_2699 : i32 to index
      %get3A_2727 = arith.constant 16 : index
      %get3A_2728 = tpu.vector_load %arg10[%get3A_2724, %get3A_2725, %get3A_2726, %get3A_2727] {strides = array<i32>} : memref<2x16x8x32xf32, #tpu.memory_space<vmem>>, vector<16xf32>,
      %mul3A_2729 = arith.mulf %get3A_2721, %get3A_2728 : vector<16xf32>
      %add3A_2730 = arith.addf %mul3A_2714, %mul3A_2729 : vector<16xf32>
      %swap3A_2731 = arith.constant 15 : i32
      %swap3A_2732 = arith.index_cast %swap3A_2731 : i32 to index
      %swap3A_2733 = arith.constant 0 : index
      %swap3A_2734 = tpu.vector_load %arg11[%swap3A_2732, %swap3A_2733] {strides = array<i32>} : memref<16x17xf32, #tpu.memory_space<vmem>>, vector<16xf32>,
      tpu.vector_store %arg11[%swap3A_2732, %swap3A_2733], %add3A_2730 {strides = array<i32>} : memref<16x17xf32, #tpu.memory_space<vmem>>, vector<16xf32>,
      %broadcast_in_dim3A_2735 = arith.constant 0.000000e+00 : f32
      %broadcast_in_dim3A_2736 = vector.broadcast %broadcast_in_dim3A_2735 : f32 to vector<16xf32>
      %broadcast_in_dim3A_2737 = arith.constant 0 : i32
      %broadcast_in_dim3A_2738 = vector.broadcast %broadcast_in_dim3A_2737 : i32 to vector<16xi32>
      %gather3A_2739 = tpu.vector_load_idx %arg11[%iota3A, %broadcast_in_dim3A_2738] : memref<16x17xf32, #tpu.memory_space<vmem>>[vector<16xi32>, vector<16xi32>], vector<16xf32>,
      %add3A_2740 = arith.addf %broadcast_in_dim3A_2736, %gather3A_2739 : vector<16xf32>
      %broadcast_in_dim3A_2741 = arith.constant 1 : i32
      %broadcast_in_dim3A_2742 = vector.broadcast %broadcast_in_dim3A_2741 : i32 to vector<16xi32>
      %gather3A_2743 = tpu.vector_load_idx %arg11[%iota3A, %broadcast_in_dim3A_2742] : memref<16x17xf32, #tpu.memory_space<vmem>>[vector<16xi32>, vector<16xi32>], vector<16xf32>,
      %add3A_2744 = arith.addf %add3A_2740, %gather3A_2743 : vector<16xf32>
      %broadcast_in_dim3A_2745 = arith.constant 2 : i32
      %broadcast_in_dim3A_2746 = vector.broadcast %broadcast_in_dim3A_2745 : i32 to vector<16xi32>
      %gather3A_2747 = tpu.vector_load_idx %arg11[%iota3A, %broadcast_in_dim3A_2746] : memref<16x17xf32, #tpu.memory_space<vmem>>[vector<16xi32>, vector<16xi32>], vector<16xf32>,
      %add3A_2748 = arith.addf %add3A_2744, %gather3A_2747 : vector<16xf32>
      %broadcast_in_dim3A_2749 = arith.constant 3 : i32
      %broadcast_in_dim3A_2750 = vector.broadcast %broadcast_in_dim3A_2749 : i32 to vector<16xi32>
      %gather3A_2751 = tpu.vector_load_idx %arg11[%iota3A, %broadcast_in_dim3A_2750] : memref<16x17xf32, #tpu.memory_space<vmem>>[vector<16xi32>, vector<16xi32>], vector<16xf32>,
      %add3A_2752 = arith.addf %add3A_2748, %gather3A_2751 : vector<16xf32>
      %broadcast_in_dim3A_2753 = arith.constant 4 : i32
      %broadcast_in_dim3A_2754 = vector.broadcast %broadcast_in_dim3A_2753 : i32 to vector<16xi32>
      %gather3A_2755 = tpu.vector_load_idx %arg11[%iota3A, %broadcast_in_dim3A_2754] : memref<16x17xf32, #tpu.memory_space<vmem>>[vector<16xi32>, vector<16xi32>], vector<16xf32>,
      %add3A_2756 = arith.addf %add3A_2752, %gather3A_2755 : vector<16xf32>
      %broadcast_in_dim3A_2757 = arith.constant 5 : i32
      %broadcast_in_dim3A_2758 = vector.broadcast %broadcast_in_dim3A_2757 : i32 to vector<16xi32>
      %gather3A_2759 = tpu.vector_load_idx %arg11[%iota3A, %broadcast_in_dim3A_2758] : memref<16x17xf32, #tpu.memory_space<vmem>>[vector<16xi32>, vector<16xi32>], vector<16xf32>,
      %add3A_2760 = arith.addf %add3A_2756, %gather3A_2759 : vector<16xf32>
      %broadcast_in_dim3A_2761 = arith.constant 6 : i32
      %broadcast_in_dim3A_2762 = vector.broadcast %broadcast_in_dim3A_2761 : i32 to vector<16xi32>
      %gather3A_2763 = tpu.vector_load_idx %arg11[%iota3A, %broadcast_in_dim3A_2762] : memref<16x17xf32, #tpu.memory_space<vmem>>[vector<16xi32>, vector<16xi32>], vector<16xf32>,
      %add3A_2764 = arith.addf %add3A_2760, %gather3A_2763 : vector<16xf32>
      %broadcast_in_dim3A_2765 = arith.constant 7 : i32
      %broadcast_in_dim3A_2766 = vector.broadcast %broadcast_in_dim3A_2765 : i32 to vector<16xi32>
      %gather3A_2767 = tpu.vector_load_idx %arg11[%iota3A, %broadcast_in_dim3A_2766] : memref<16x17xf32, #tpu.memory_space<vmem>>[vector<16xi32>, vector<16xi32>], vector<16xf32>,
      %add3A_2768 = arith.addf %add3A_2764, %gather3A_2767 : vector<16xf32>
      %broadcast_in_dim3A_2769 = arith.constant 8 : i32
      %broadcast_in_dim3A_2770 = vector.broadcast %broadcast_in_dim3A_2769 : i32 to vector<16xi32>
      %gather3A_2771 = tpu.vector_load_idx %arg11[%iota3A, %broadcast_in_dim3A_2770] : memref<16x17xf32, #tpu.memory_space<vmem>>[vector<16xi32>, vector<16xi32>], vector<16xf32>,
      %add3A_2772 = arith.addf %add3A_2768, %gather3A_2771 : vector<16xf32>
      %broadcast_in_dim3A_2773 = arith.constant 9 : i32
      %broadcast_in_dim3A_2774 = vector.broadcast %broadcast_in_dim3A_2773 : i32 to vector<16xi32>
      %gather3A_2775 = tpu.vector_load_idx %arg11[%iota3A, %broadcast_in_dim3A_2774] : memref<16x17xf32, #tpu.memory_space<vmem>>[vector<16xi32>, vector<16xi32>], vector<16xf32>,
      %add3A_2776 = arith.addf %add3A_2772, %gather3A_2775 : vector<16xf32>
      %broadcast_in_dim3A_2777 = arith.constant 10 : i32
      %broadcast_in_dim3A_2778 = vector.broadcast %broadcast_in_dim3A_2777 : i32 to vector<16xi32>
      %gather3A_2779 = tpu.vector_load_idx %arg11[%iota3A, %broadcast_in_dim3A_2778] : memref<16x17xf32, #tpu.memory_space<vmem>>[vector<16xi32>, vector<16xi32>], vector<16xf32>,
      %add3A_2780 = arith.addf %add3A_2776, %gather3A_2779 : vector<16xf32>
      %broadcast_in_dim3A_2781 = arith.constant 11 : i32
      %broadcast_in_dim3A_2782 = vector.broadcast %broadcast_in_dim3A_2781 : i32 to vector<16xi32>
      %gather3A_2783 = tpu.vector_load_idx %arg11[%iota3A, %broadcast_in_dim3A_2782] : memref<16x17xf32, #tpu.memory_space<vmem>>[vector<16xi32>, vector<16xi32>], vector<16xf32>,
      %add3A_2784 = arith.addf %add3A_2780, %gather3A_2783 : vector<16xf32>
      %broadcast_in_dim3A_2785 = arith.constant 12 : i32
      %broadcast_in_dim3A_2786 = vector.broadcast %broadcast_in_dim3A_2785 : i32 to vector<16xi32>
      %gather3A_2787 = tpu.vector_load_idx %arg11[%iota3A, %broadcast_in_dim3A_2786] : memref<16x17xf32, #tpu.memory_space<vmem>>[vector<16xi32>, vector<16xi32>], vector<16xf32>,
      %add3A_2788 = arith.addf %add3A_2784, %gather3A_2787 : vector<16xf32>
      %broadcast_in_dim3A_2789 = arith.constant 13 : i32
      %broadcast_in_dim3A_2790 = vector.broadcast %broadcast_in_dim3A_2789 : i32 to vector<16xi32>
      %gather3A_2791 = tpu.vector_load_idx %arg11[%iota3A, %broadcast_in_dim3A_2790] : memref<16x17xf32, #tpu.memory_space<vmem>>[vector<16xi32>, vector<16xi32>], vector<16xf32>,
      %add3A_2792 = arith.addf %add3A_2788, %gather3A_2791 : vector<16xf32>
      %broadcast_in_dim3A_2793 = arith.constant 14 : i32
      %broadcast_in_dim3A_2794 = vector.broadcast %broadcast_in_dim3A_2793 : i32 to vector<16xi32>
      %gather3A_2795 = tpu.vector_load_idx %arg11[%iota3A, %broadcast_in_dim3A_2794] : memref<16x17xf32, #tpu.memory_space<vmem>>[vector<16xi32>, vector<16xi32>], vector<16xf32>,
      %add3A_2796 = arith.addf %add3A_2792, %gather3A_2795 : vector<16xf32>
      %broadcast_in_dim3A_2797 = arith.constant 15 : i32
      %broadcast_in_dim3A_2798 = vector.broadcast %broadcast_in_dim3A_2797 : i32 to vector<16xi32>
      %gather3A_2799 = tpu.vector_load_idx %arg11[%iota3A, %broadcast_in_dim3A_2798] : memref<16x17xf32, #tpu.memory_space<vmem>>[vector<16xi32>, vector<16xi32>], vector<16xf32>,
      %add3A_2800 = arith.addf %add3A_2796, %gather3A_2799 : vector<16xf32>
      %mul3A_2801 = arith.constant 16 : i32
      %mul3A_2802 = arith.muli %add3A_2096, %mul3A_2801 : i32
      %swap3A_2803 = arith.index_cast %mul3A_2802 : i32 to index
      %swap3A_2804 = tpu.vector_load %arg12[%swap3A_2803] {strides = array<i32>} : memref<512xf32, #tpu.memory_space<vmem>>, vector<16xf32>,
      tpu.vector_store %arg12[%swap3A_2803], %add3A_2800 {strides = array<i32>} : memref<512xf32, #tpu.memory_space<vmem>>, vector<16xf32>,
    }
    %scan3A_652 = arith.constant 16 : i32
    "tpu.region"() ({
      %run_scoped3A = tpu.sem_alloc : memref<!tpu.dma_semaphore, #tpu.memory_space<semaphore_mem>>
      %dma_start3A_653 = tpu.memref_slice %arg6[%mul3A_2] : memref<16384xf32, #tpu.memory_space<hbm>> -> memref<512xf32, #tpu.memory_space<hbm>>
      %dma_start3A_654 = tpu.memref_slice %arg6[%mul3A_2] : memref<16384xf32, #tpu.memory_space<hbm>> -> memref<512xf32, #tpu.memory_space<hbm>>
      tpu.enqueue_dma source(%arg12 : memref<512xf32, #tpu.memory_space<vmem>>) target(%dma_start3A_654 : memref<512xf32, #tpu.memory_space<hbm>>) target_semaphore(%run_scoped3A : memref<!tpu.dma_semaphore, #tpu.memory_space<semaphore_mem>>)
      %dma_wait3A = tpu.memref_slice %arg6[%mul3A_2] : memref<16384xf32, #tpu.memory_space<hbm>> -> memref<512xf32, #tpu.memory_space<hbm>>
      %dma_wait3A_655 = tpu.memref_slice %arg6[%mul3A_2] : memref<16384xf32, #tpu.memory_space<hbm>> -> memref<512xf32, #tpu.memory_space<hbm>>
      tpu.wait_dma2 semaphore(%run_scoped3A : memref<!tpu.dma_semaphore, #tpu.memory_space<semaphore_mem>>) src(%arg12 : memref<512xf32, #tpu.memory_space<vmem>>) dst(%dma_wait3A_655 : memref<512xf32, #tpu.memory_space<hbm>>)
      tpu.yield
    }) : () -> ()
    return
  }
}

</mosaic_0001>

<sc_bundles>
// kernel: kernel.3.cloned.1.call-start
scs
__scs_entry_jumppad:
0x0: {  	(pc) =	sbr.rel $0x88, $3  }
0x1: {  	(tag) =	ssettag $0x0;
	lr =	simm.s32 $0x1  }
0x2: {  	[smem:$0x3F9D] =	sst lr;
	_ =	strace $0xD0000000  }
0x3: {  	_ = 	snop  }
0x4: {  	_ = 	snop  }
0x5: {  	_ = 	snop  }
0x6: {  	_ = 	snop  }
0x7: {  	_ = 	snop  }
__scs_overlays_trampoline_lowered:
0x8: {  	[smem:$0x3FAC] =	sst s0  }
0x9: {  	[smem:$0x3FAD] =	sst s1  }
0xa: {  	[smem:$0x3FAE] =	sst s2  }
0xb: {  	[smem:$0x3FAF] =	sst s3  }
0xc: {  	[smem:$0x3FB0] =	sst s4  }
0xd: {  	[smem:$0x3FB1] =	sst s5  }
0xe: {  	[smem:$0x3FB2] =	sst s6  }
0xf: {  	[smem:$0x3FB3] =	sst s7  }
0x10: {  	[smem:$0x3FB4] =	sst s8  }
0x11: {  	[smem:$0x3FB5] =	sst s9;
	s0 =	simm.s32 @!p0 $0x0  }
0x12: {  	s1 =	sld [smem:$0x3F9B];
	s0 =	simm.s32 @p0 $0x1  }
0x13: {  	[smem:$0x3FB6] =	sst s0;
	s0 =	simm.s32 @!p1 $0x0  }
0x14: {  	s2 =	sld [smem:$0x3F9A];
	s0 =	simm.s32 @p1 $0x1  }
0x15: {  	[smem:$0x3FB7] =	sst s0;
	s0 =	simm.s32 @!p2 $0x0  }
0x16: {  	s3 =	sld [smem:$0x3FDB];
	s0 =	simm.s32 @p2 $0x1  }
0x17: {  	s4 =	simm.s32 $0x1BF5;
	[smem:$0x3FB9] =	sst s0  }
0x18: {  	s0 =	sld [smem:$0x3F9C];
	_ =	swait.ge [sflag:s4], $0x0  }
0x19: {  	s7 =	sld [smem:$0x3F9D]  }
0x1a: {  	s8 =	sadd.s32 $0xFFFFE003, lr  }
0x1b: {  	s9 =	sadd.s32 $0xFFFFFEF7, lr;
	s5 =	simm.s32 $0xFFFFFFFF;
	p2 =	slt.u32 s8, $0xFFFFF086  }
0x1c: {  	p1 =	slt.u32 s9, $0xF7A;
	s5 =	simm.s32 @!p2 $0x0  }
0x1d: {  	s5 =	simm.s32 @p1 $0x1;
	p0 =	seq.s32 s7, s2  }
0x1e: {  	s7 =	smul.u32 @!p0 $0xF7A, s2;
	p2 =	seq.s32 @!p0 s5, $0x0  }
0x1f: {  	s9 =	smul.u32 $0xF7A, s1;
	s8 =	simm.s32 @!p0 $0x1BF5;
	p2 =	por !p2, p0  }
0x20: {  	[sflag:s8] =	ssyncset.s32 @!p0 $0xFFFFF086;
	s6 =	sadd.s32 @!p0 s3, s7;
	s7 =	simm.s32 @!p0 $0x108  }
0x21: {  	s3 =	sadd.s32 s3, s9;
	s6 =	sadd.s32 @!p0 $0x88, s6;
	s7 =	simm.s32 @p2 $0x1082  }
0x22: {  	[simem:s7], [sflag:s8] =	dma.local @!p0 [hbm:s6], $0xF7A  }
0x23: {  	s9 =	sor.u32 $0xD0000000, s2;
	s6 =	simm.s32 $0x108;
	_ =	swait.ge @!p0 [sflag:s8], $0x0  }
0x24: {  	s3 =	sadd.s32 $0x88, s3;
	s6 =	simm.s32 @!p1 $0x1082;
	[sflag:s4] =	ssyncset.s32 $0xFFFFF086  }
0x25: {  	[simem:s6], [sflag:s4] =	dma.local [hbm:s3], $0xF7A  }
0x26: {  	[smem:$0x3F9D] =	sst s1;
	(tag) =	ssettag s2;
	_ =	strace s9  }
0x27: {  	s1 =	sld [smem:$0x3FAD]  }
0x28: {  	s2 =	sld [smem:$0x3FAE]  }
0x29: {  	s4 =	sld [smem:$0x3FB0]  }
0x2a: {  	p0 =	seq.s32 s5, $0x0;
	s5 =	sld [smem:$0x3FB1]  }
0x2b: {  	s6 =	sld [smem:$0x3FB2]  }
0x2c: {  	s7 =	sld [smem:$0x3FB3]  }
0x2d: {  	s3 =	simm.s32 $0x108;
	s8 =	sld [smem:$0x3FB4]  }
0x2e: {  	s3 =	simm.s32 @!p0 $0x1082;
	s9 =	sld [smem:$0x3FB5]  }
0x2f: {  	lr =	sadd.s32 s0, s3;
	s0 =	sld [smem:$0x3FAC]  }
0x30: {  	s3 =	sld [smem:$0x3FAF]  }
0x31: {  	[smem:$0x3FB8] =	sst s10  }
0x32: {  	s10 =	sld [smem:$0x3FB6];
	_ =	sdelay $0x3  }
0x33: {  	p0 =	seq.s32 s10, $0x1;
	s10 =	sld [smem:$0x3FB8];
	_ =	sdelay $0x3  }
0x34: {  	[smem:$0x3FB8] =	sst s10  }
0x35: {  	s10 =	sld [smem:$0x3FB7];
	_ =	sdelay $0x3  }
0x36: {  	p1 =	seq.s32 s10, $0x1;
	s10 =	sld [smem:$0x3FB8];
	_ =	sdelay $0x3  }
0x37: {  	[smem:$0x3FB8] =	sst s10  }
0x38: {  	s10 =	sld [smem:$0x3FB9]  }
0x39: {  	_ = 	snop;
	(pc) =	sbr.ind lr, $3  }
0x3a: {  	_ = 	snop  }
0x3b: {  	_ = 	snop  }
0x3c: {  	p2 =	seq.s32 s10, $0x1;
	s10 =	sld [smem:$0x3FB8]  }
0x3d: {  	_ =	shalt  }
0x3e: {  	_ =	shalt  }
0x3f: {  	_ =	shalt  }
0x40: {  	_ =	shalt  }
0x41: {  	_ =	shalt  }
0x42: {  	_ =	shalt  }
0x43: {  	_ =	shalt  }
0x44: {  	_ =	shalt  }
0x45: {  	_ =	shalt  }
0x46: {  	_ =	shalt  }
0x47: {  	_ =	shalt  }
0x48: {  	_ =	shalt  }
0x49: {  	_ =	shalt  }
0x4a: {  	_ =	shalt  }
0x4b: {  	_ =	shalt  }
0x4c: {  	_ =	shalt  }
0x4d: {  	_ =	shalt  }
0x4e: {  	_ =	shalt  }
0x4f: {  	_ =	shalt  }
0x50: {  	_ =	shalt  }
0x51: {  	_ =	shalt  }
0x52: {  	_ =	shalt  }
0x53: {  	_ =	shalt  }
0x54: {  	_ =	shalt  }
0x55: {  	_ =	shalt  }
0x56: {  	_ =	shalt  }
0x57: {  	_ =	shalt  }
0x58: {  	_ =	shalt  }
0x59: {  	_ =	shalt  }
0x5a: {  	_ =	shalt  }
0x5b: {  	_ =	shalt  }
0x5c: {  	_ =	shalt  }
0x5d: {  	_ =	shalt  }
0x5e: {  	_ =	shalt  }
0x5f: {  	_ =	shalt  }
0x60: {  	_ =	shalt  }
0x61: {  	_ =	shalt  }
0x62: {  	_ =	shalt  }
0x63: {  	_ =	shalt  }
0x64: {  	_ =	shalt  }
0x65: {  	_ =	shalt  }
0x66: {  	_ =	shalt  }
0x67: {  	_ =	shalt  }
0x68: {  	_ =	shalt  }
0x69: {  	_ =	shalt  }
0x6a: {  	_ =	shalt  }
0x6b: {  	_ =	shalt  }
0x6c: {  	_ =	shalt  }
0x6d: {  	_ =	shalt  }
0x6e: {  	_ =	shalt  }
0x6f: {  	_ =	shalt  }
0x70: {  	_ =	shalt  }
0x71: {  	_ =	shalt  }
0x72: {  	_ =	shalt  }
0x73: {  	_ =	shalt  }
0x74: {  	_ =	shalt  }
0x75: {  	_ =	shalt  }
0x76: {  	_ =	shalt  }
0x77: {  	_ =	shalt  }
0x78: {  	_ =	shalt  }
0x79: {  	_ =	shalt  }
0x7a: {  	_ =	shalt  }
0x7b: {  	_ =	shalt  }
0x7c: {  	_ =	shalt  }
0x7d: {  	_ =	shalt  }
0x7e: {  	_ =	shalt  }
0x7f: {  	_ =	shalt  }
0x80: {  	_ =	shalt  }
0x81: {  	_ =	shalt  }
0x82: {  	_ =	shalt  }
0x83: {  	_ =	shalt  }
0x84: {  	_ =	shalt  }
0x85: {  	_ =	shalt  }
0x86: {  	_ =	shalt  }
0x87: {  	_ =	shalt  }
.Lfunc_end0:
.L_simem_size_0:
called_computation.1_lowered:
.L_overlay_start_0:
0x88: {  	s2 =	sld [smem:$0x3FD9]  }
0x89: {  	s3 =	sld [smem:$0x3FFE];
	_ =	sdelay $0x1  }
0x8a: {  	s1 =	srdreg.scid  }
0x8b: {  	s0 =	sand.u32 $0x1, s1  }
0x8c: {  	s17 =	sshll.u32 s0, $0xA;
	s2 =	sadd.s32 s3, s2  }
0x8d: {  	s2 =	sadd.s32 s2, s17  }
0x8e: {  	[smem:$0x3FC4] =	sst s2  }
0x8f: {  	_ = 	snop  }
0x90: {  	s2 =	sld [smem:$0x3FC9]  }
0x91: {  	s18 =	sld [smem:$0x3FC8]  }
0x92: {  	s4 =	sld [smem:$0x3FD0];
	(tm) =	ssettm $0x1  }
0x93: {  	s5 =	sld [smem:$0x3FFB];
	_ =	sdelay $0x3  }
0x94: {  	_ =	strace s5  }
0x95: {  	s5 =	sld [smem:$0x3FFC];
	_ =	sdelay $0x3  }
0x96: {  	_ =	strace s5  }
0x97: {  	s5 =	sld [smem:$0x3FFD];
	_ =	sdelay $0x3  }
0x98: {  	_ =	strace s5  }
0x99: {  	_ =	strace $0x8FFFFFFF  }
0x9a: {  	s19 =	sld [smem:$0x3FDB];
	_ =	sdelay $0x1  }
0x9b: {  	s6 =	simm.s32 $_scs_section_size  }
0x9c: {  	s7 =	simm.s32 $_size__tile_overlayer_lowered;
	s8 =	simm.s32 $_tile_overlayer_lowered  }
0x9d: {  	s22 =	simm.s32 $0x1BFF;
	s21 =	sshll.u32 s8, $0x1;
	s5 =	sadd.s32 s6, s19  }
0x9e: {  	s9 =	simm.s32 $0x0;
	s20 =	sshll.u32 s7, $0x1;
	s7 =	sadd.s32 s21, s5  }
0x9f: {  	[timem:s9], [sflag:s22] =	dma.local [hbm:s7], s20  }
0xa0: {  	_ =	swait.ge [sflag:s22], s20  }
0xa1: {  	s6 =	ssub.s32 $0x0, s20;
	[sflag:s22] =	ssyncset.done $0x0  }
0xa2: {  	[sflag:s22] =	ssyncadd.s32 s6;
	_ =	sdelay $0x1  }
0xa3: {  	s23 =	simm.s32 $0x1B8B  }
0xa4: {  	_ =	swait.ge [sflag:s23], $0x1  }
0xa5: {  	[sflag:s23] =	ssyncset.done $0x0  }
0xa6: {  	s25 =	simm.s32 $0x1B8E;
	s24 =	sld [smem:$0x3FFE];
	[sflag:s23] =	ssyncadd.s32 $0xFFFFFFFF  }
0xa7: {  	s26 =	simm.s32 $execute0_lowered;
	[smem:$0x3FD2] =	sst s25  }
0xa8: {  	s7 =	sshll.u32 s26, $0x1;
	_ =	strace $0x80000049;
	[dreg:$0x1] =	wrdreg $0xFFFFFFFF  }
0xa9: {  	s28 =	simm.s32 $_size_execute0_lowered;
	s5 =	sadd.s32 s5, s7;
	[dreg:$0x0] =	wrdreg $0x0  }
0xaa: {  	s7 =	sshll.u32 s28, $0x1;
	[dreg:$0x2] =	wrdreg s5  }
0xab: {  	[dreg:$0x3] =	wrdreg s7  }
0xac: {  	[dreg:$0x4] =	wrdreg $0xC0  }
0xad: {  	_ =	task [dreg:s9], $0x5FFFF  }
0xae: {  	[dreg:$0x1] =	wrdreg $0xFFFFFFFF  }
0xaf: {  	[dreg:$0x0] =	wrdreg $0x60  }
0xb0: {  	[dreg:$0x2] =	wrdreg s2  }
0xb1: {  	[dreg:$0x3] =	wrdreg s18  }
0xb2: {  	[dreg:$0x4] =	wrdreg s24  }
0xb3: {  	[dreg:$0x5] =	wrdreg s4  }
0xb4: {  	[dreg:$0x6] =	wrdreg $0x9  }
0xb5: {  	_ =	task.clear_ibuf [dreg:s9], $0x7FFFF;
	_ =	strace $0x90000049  }
0xb6: {  	s29 =	simm.s32 $0x9;
	_ =	strace $0x8000004B  }
0xb7: {  	_ =	swait.ge [sflag:s29], $0x1  }
0xb8: {  	[sflag:s29] =	ssyncadd.s32 $0xFFFFFFFF  }
0xb9: {  	_ =	strace $0x9000004B  }
0xba: {  	_ =	sfence  }
0xbb: {  	s30 =	sld [smem:$0x0];
	_ =	sdelay $0x2  }
0xbc: {  	s31 =	sshll.u32 s1, $0xD;
	s1 =	sshrl.u32 s1, $0x2  }
0xbd: {  	s3 =	sand.u32 $0x4000, s31;
	s1 =	sadd.s32 s1, s30  }
0xbe: {  	s0 =	sor.u32 s3, s0;
	s1 =	sshll.u32 s1, $0x11  }
0xbf: {  	s0 =	sor.u32 s1, s0  }
0xc0: {  	s0 =	sadd.s32 $0x8F2B, s0  }
0xc1: {  	[sflag:s0] =	ssyncadd.remote.s32 $0x1  }
0xc2: {  	_ =	sfence.sel $0xFFFF  }
0xc3: {  	[dreg:$0x0] =	wrdreg $0xFFFFFFFF;
	(pc) =	sbr.abs _section_cstart, $3  }
0xc4: {  	[dreg:$0x1] =	wrdreg $0xFFFFFFFF  }
0xc5: {  	_ =	task.clear_ibuf [dreg:s9], $0x2FFFF;
	_ =	strace $0x9FFFFFFF  }
0xc6: {  	(tm) =	ssettm $0x7FFFFFFF  }
0xc7: {  	_ =	shalt  }
tec
execute0_lowered:
.L_overlay_start_1:
0x0: {  	(tag) =	ssettag $0x1  }
0x1: {  	s0 =	rddreg [dreg:$0x0]  }
0x2: {  	s2 =	rddreg [dreg:$0x1]  }
0x3: {  	s4 =	rddreg [dreg:$0x2]  }
0x4: {  	s5 =	rddreg [dreg:$0x3];
	s1 =	simm.s32 $0x0;
	s3 =	srdreg.scid  }
0x5: {  	s9 =	stileid.u32;
	s23 =	simm.s32 $0x3;
	s29 =	simm.s32 $0xDC00  }
0x6: {  	s30 =	simm.s32 $0x6000;
	s31 =	simm.s32 $0xE000;
	s10 =	simm.s32 $0x6800  }
0x7: {  	s11 =	simm.s32 $0x7400;
	s12 =	simm.s32 $0xF400;
	s13 =	simm.s32 $0x7800  }
0x8: {  	s14 =	simm.s32 $0xF800;
	s15 =	simm.s32 $0x7C00;
	s16 =	simm.s32 $0xFC00  }
0x9: {  	s17 =	simm.s32 $0x8000;
	s18 =	simm.s32 $0x10000;
	s19 =	simm.s32 $0x1  }
0xa: {  	s20 =	simm.s32 $0x10400;
	s21 =	simm.s32 $0x2;
	s24 =	simm.s32 $0x0  }
0xb: {  	[smem:$0x7FF] =	sst s1;
	s6 =	sand.u32 $0x1, s3;
	s3 =	sadd.s32 $0xF42E00, s4  }
0xc: {  	v0 =	vlaneseq.u32;
	s9 =	sshll.u32 s9, $0x7;
	s4 =	sadd.s32 $0xA00, s4;
	s7 =	ssub.s32 $0x2, s6  }
0xd: {  	v0 =	vmul.u32 $0x80, v0;
	_ =	strace $0x8000004A;
	s6 =	sshll.u32 s6, $0x6;
	s8 =	sshrl.u32 s7, $0x1  }
0xe: {  	s6 =	sor.u32 s6, s9;
	s9 =	simm.s32 $0xF000;
	s7 =	ssub.s32 s7, s8  }
.Ltmp0:
0xf: {  	v1 =	vor.u32 $0x1, v0;
	v2 =	vor.u32 $0x2, v0;
	v3 =	vor.u32 $0x3, v0;
	s0 =	sadd.s32 s0, s6;
	s25 =	sadd.s32 s2, s6;
	(pc) =	sbr.rel .LBB2_1-.Ltmp0, $4  }
0x10: {  	v4 =	vor.u32 $0x4, v0;
	v5 =	vor.u32 $0x5, v0;
	v6 =	vor.u32 $0x6, v0;
	s26 =	sadd.s32 s5, s6;
	s2 =	simm.s32 $0xE400;
	[dreg:$0x5] =	wrdreg s0  }
0x11: {  	v7 =	vor.u32 $0x7, v0;
	v8 =	vor.u32 $0x8, v0;
	v9 =	vor.u32 $0x9, v0;
	s5 =	simm.s32 $0xE800;
	s6 =	simm.s32 $0x6C00;
	[dreg:$0x6] =	wrdreg s25  }
0x12: {  	v10 =	vor.u32 $0xA, v0;
	v11 =	vor.u32 $0xB, v0;
	v12 =	vor.u32 $0xC, v0;
	s8 =	simm.s32 $0x7000;
	[dreg:$0x7] =	wrdreg s26;
	s28 =	smax.u32 s7, $0x1  }
0x13: {  	v13 =	vor.u32 $0xD, v0;
	v14 =	vor.u32 $0xE, v0;
	v15 =	vor.u32 $0xF, v0;
	s0 =	simm.s32 $0x6400;
	s7 =	simm.s32 $0xEC00;
	[dreg:$0x8] =	wrdreg s28  }
.LBB2_5:
0x14: {  	s22 =	rddreg [dreg:$0x7];
	s23 =	simm.s32 $0x10C00  }
0x15: {  	[hbm4b:s22+s1] =	stream.linear.scatter [tilespmem:s23], [sflag:$0x3], $0x200, $0x38;
	[tilespmem:$0x10E00] =	vst v63  }
0x16: {  	s23 =	simm.s32 $0x3  }
0x17: {  	_ =	swait.ge [sflag:s23], $0x200  }
0x18: {  	s24 =	rddreg [dreg:$0x9]  }
0x19: {  	s28 =	rddreg [dreg:$0x8];
	s24 =	sadd.s32 $0x1, s24  }
0x1a: {  	p0 =	sne.s32 s24, s28  }
.Ltmp1:
0x1b: {  	_ = 	snop;
	(pc) =	sbr.rel @!p0 .LBB2_6-.Ltmp1, $3  }
0x1c: {  	_ =	sdelay $0x1  }
0x1d: {  	[sflag:s23] =	ssyncset.done $0x0  }
0x1e: {  	[sflag:s23] =	ssyncadd.s32 $0xFFFFFE00  }
.LBB2_1:
0x1f: {  	[dreg:$0x9] =	wrdreg s24  }
0x20: {  	s22 =	rddreg [dreg:$0x5]  }
0x21: {  	[tilespmem:s1], [sflag:$0x3] =	stream.linear.gather [hbm4b:s22+s1], $0x200, $0x38;
	[tilespmem:$0x10E00] =	vst v63  }
0x22: {  	_ =	swait.ge [sflag:s23], $0x200  }
0x23: {  	[sflag:s23] =	ssyncset.done $0x0  }
0x24: {  	s28 =	simm.s32 $0x200;
	s26 =	rddreg [dreg:$0x6];
	[sflag:s23] =	ssyncadd.s32 $0xFFFFFE00  }
0x25: {  	[tilespmem:s28], [sflag:$0x3] =	stream.linear.gather [hbm4b:s26+s1], $0x200, $0x38;
	[tilespmem:$0x10E00] =	vst v63  }
0x26: {  	_ =	swait.ge [sflag:s23], $0x200  }
0x27: {  	[sflag:s23] =	ssyncset.done $0x0  }
0x28: {  	[sflag:s23] =	ssyncadd.s32 $0xFFFFFE00  }
0x29: {  	v16 =	vld [tilespmem:$0x0];
	_ =	sdelay $0x1  }
0x2a: {  	v18 =	vld [tilespmem:$0x200];
	_ =	sdelay $0x2  }
0x2b: {  	v16 =	vshrl.u32 v16, $0x3  }
0x2c: {  	v17 =	vshll.u32 v16, $0x7  }
0x2d: {  	v16 =	vshrl.u32 v18, $0x3;
	(v2sf) =	vpush v17, $0x0  }
0x2e: {  	v16 =	vshll.u32 v16, $0x7  }
0x2f: {  	(v2sf) =	vpush v16, $0x0;
	_ =	sdelay $0x1  }
0x30: {  	(v2sf) =	vpush v17, $0x1;
	_ =	sdelay $0x4  }
0x31: {  	(v2sf) =	vpush v16, $0x1;
	_ =	sdelay $0x5  }
0x32: {  	s24 =	spop (v2sf);
	(v2sf) =	vpush v17, $0x2;
	_ =	sdelay $0x1  }
0x33: {  	s26 =	spop (v2sf);
	(v2sf) =	vpush v16, $0x2;
	_ =	sdelay $0x1  }
0x34: {  	s22 =	sand.u32 $0x1FFFFF80, s24;
	s24 =	spop (v2sf);
	(v2sf) =	vpush v17, $0x3;
	_ =	sdelay $0x2  }
0x35: {  	s25 =	simm.s32 $0x400;
	s22 =	sadd.s32 s3, s22  }
0x36: {  	[tilespmem:s25], [sflag:$0x1] =	stream.linear.gather [hbm4b:s22+s1], $0x400, $0x38;
	[tilespmem:$0x10E00] =	vst v63  }
0x37: {  	s22 =	sand.u32 $0x1FFFFF80, s26;
	s26 =	spop (v2sf);
	(v2sf) =	vpush v16, $0x3  }
0x38: {  	s28 =	simm.s32 $0x8400;
	s22 =	sadd.s32 s4, s22  }
0x39: {  	[tilespmem:s28], [sflag:$0x1] =	stream.linear.gather [hbm4b:s22+s1], $0x400, $0x38;
	[tilespmem:$0x10E00] =	vst v63  }
0x3a: {  	s22 =	sand.u32 $0x1FFFFF80, s24  }
0x3b: {  	s25 =	simm.s32 $0x800;
	s22 =	sadd.s32 s3, s22  }
0x3c: {  	[tilespmem:s25], [sflag:$0x1] =	stream.linear.gather [hbm4b:s22+s1], $0x400, $0x38;
	[tilespmem:$0x10E00] =	vst v63  }
0x3d: {  	s24 =	spop (v2sf);
	(v2sf) =	vpush v17, $0x4  }
0x3e: {  	s22 =	sand.u32 $0x1FFFFF80, s26  }
0x3f: {  	s28 =	simm.s32 $0x8800;
	s22 =	sadd.s32 s4, s22;
	s26 =	spop (v2sf);
	(v2sf) =	vpush v16, $0x4  }
0x40: {  	[tilespmem:s28], [sflag:$0x1] =	stream.linear.gather [hbm4b:s22+s1], $0x400, $0x38;
	[tilespmem:$0x10E00] =	vst v63  }
0x41: {  	s22 =	sand.u32 $0x1FFFFF80, s24;
	s24 =	spop (v2sf);
	(v2sf) =	vpush v17, $0x5;
	_ =	sdelay $0x2  }
0x42: {  	s25 =	simm.s32 $0xC00;
	s22 =	sadd.s32 s3, s22  }
0x43: {  	[tilespmem:s25], [sflag:$0x1] =	stream.linear.gather [hbm4b:s22+s1], $0x400, $0x38;
	[tilespmem:$0x10E00] =	vst v63  }
0x44: {  	s22 =	sand.u32 $0x1FFFFF80, s26;
	s26 =	spop (v2sf);
	(v2sf) =	vpush v16, $0x5  }
0x45: {  	s28 =	simm.s32 $0x8C00;
	s22 =	sadd.s32 s4, s22  }
0x46: {  	[tilespmem:s28], [sflag:$0x1] =	stream.linear.gather [hbm4b:s22+s1], $0x400, $0x38;
	[tilespmem:$0x10E00] =	vst v63  }
0x47: {  	s22 =	sand.u32 $0x1FFFFF80, s24  }
0x48: {  	s25 =	simm.s32 $0x1000;
	s22 =	sadd.s32 s3, s22  }
0x49: {  	[tilespmem:s25], [sflag:$0x1] =	stream.linear.gather [hbm4b:s22+s1], $0x400, $0x38;
	[tilespmem:$0x10E00] =	vst v63  }
0x4a: {  	s24 =	spop (v2sf);
	(v2sf) =	vpush v17, $0x6  }
0x4b: {  	s22 =	sand.u32 $0x1FFFFF80, s26  }
0x4c: {  	s28 =	simm.s32 $0x9000;
	s22 =	sadd.s32 s4, s22;
	s26 =	spop (v2sf);
	(v2sf) =	vpush v16, $0x6  }
0x4d: {  	[tilespmem:s28], [sflag:$0x1] =	stream.linear.gather [hbm4b:s22+s1], $0x400, $0x38;
	[tilespmem:$0x10E00] =	vst v63  }
0x4e: {  	s22 =	sand.u32 $0x1FFFFF80, s24;
	s24 =	spop (v2sf);
	(v2sf) =	vpush v17, $0x7;
	_ =	sdelay $0x2  }
0x4f: {  	s25 =	simm.s32 $0x1400;
	s22 =	sadd.s32 s3, s22  }
0x50: {  	[tilespmem:s25], [sflag:$0x1] =	stream.linear.gather [hbm4b:s22+s1], $0x400, $0x38;
	[tilespmem:$0x10E00] =	vst v63  }
0x51: {  	s22 =	sand.u32 $0x1FFFFF80, s26;
	s26 =	spop (v2sf);
	(v2sf) =	vpush v16, $0x7  }
0x52: {  	s28 =	simm.s32 $0x9400;
	s22 =	sadd.s32 s4, s22  }
0x53: {  	[tilespmem:s28], [sflag:$0x1] =	stream.linear.gather [hbm4b:s22+s1], $0x400, $0x38;
	[tilespmem:$0x10E00] =	vst v63  }
0x54: {  	s22 =	sand.u32 $0x1FFFFF80, s24  }
0x55: {  	s25 =	simm.s32 $0x1800;
	s22 =	sadd.s32 s3, s22  }
0x56: {  	[tilespmem:s25], [sflag:$0x1] =	stream.linear.gather [hbm4b:s22+s1], $0x400, $0x38;
	[tilespmem:$0x10E00] =	vst v63  }
0x57: {  	s24 =	spop (v2sf);
	(v2sf) =	vpush v17, $0x8  }
0x58: {  	s22 =	sand.u32 $0x1FFFFF80, s26  }
0x59: {  	s28 =	simm.s32 $0x9800;
	s22 =	sadd.s32 s4, s22;
	s26 =	spop (v2sf);
	(v2sf) =	vpush v16, $0x8  }
0x5a: {  	[tilespmem:s28], [sflag:$0x1] =	stream.linear.gather [hbm4b:s22+s1], $0x400, $0x38;
	[tilespmem:$0x10E00] =	vst v63  }
0x5b: {  	s22 =	sand.u32 $0x1FFFFF80, s24;
	s24 =	spop (v2sf);
	(v2sf) =	vpush v17, $0x9;
	_ =	sdelay $0x2  }
0x5c: {  	s25 =	simm.s32 $0x1C00;
	s22 =	sadd.s32 s3, s22  }
0x5d: {  	[tilespmem:s25], [sflag:$0x1] =	stream.linear.gather [hbm4b:s22+s1], $0x400, $0x38;
	[tilespmem:$0x10E00] =	vst v63  }
0x5e: {  	s22 =	sand.u32 $0x1FFFFF80, s26;
	s26 =	spop (v2sf);
	(v2sf) =	vpush v16, $0x9  }
0x5f: {  	s28 =	simm.s32 $0x9C00;
	s22 =	sadd.s32 s4, s22  }
0x60: {  	[tilespmem:s28], [sflag:$0x1] =	stream.linear.gather [hbm4b:s22+s1], $0x400, $0x38;
	[tilespmem:$0x10E00] =	vst v63  }
0x61: {  	s22 =	sand.u32 $0x1FFFFF80, s24  }
0x62: {  	s25 =	simm.s32 $0x2000;
	s22 =	sadd.s32 s3, s22  }
0x63: {  	[tilespmem:s25], [sflag:$0x1] =	stream.linear.gather [hbm4b:s22+s1], $0x400, $0x38;
	[tilespmem:$0x10E00] =	vst v63  }
0x64: {  	s24 =	spop (v2sf);
	(v2sf) =	vpush v17, $0xA  }
0x65: {  	s22 =	sand.u32 $0x1FFFFF80, s26  }
0x66: {  	s28 =	simm.s32 $0xA000;
	s22 =	sadd.s32 s4, s22;
	s26 =	spop (v2sf);
	(v2sf) =	vpush v16, $0xA  }
0x67: {  	[tilespmem:s28], [sflag:$0x1] =	stream.linear.gather [hbm4b:s22+s1], $0x400, $0x38;
	[tilespmem:$0x10E00] =	vst v63  }
0x68: {  	s22 =	sand.u32 $0x1FFFFF80, s24;
	s24 =	spop (v2sf);
	(v2sf) =	vpush v17, $0xB;
	_ =	sdelay $0x2  }
0x69: {  	s25 =	simm.s32 $0x2400;
	s22 =	sadd.s32 s3, s22  }
0x6a: {  	[tilespmem:s25], [sflag:$0x1] =	stream.linear.gather [hbm4b:s22+s1], $0x400, $0x38;
	[tilespmem:$0x10E00] =	vst v63  }
0x6b: {  	s22 =	sand.u32 $0x1FFFFF80, s26;
	s26 =	spop (v2sf);
	(v2sf) =	vpush v16, $0xB  }
0x6c: {  	s28 =	simm.s32 $0xA400;
	s22 =	sadd.s32 s4, s22  }
0x6d: {  	[tilespmem:s28], [sflag:$0x1] =	stream.linear.gather [hbm4b:s22+s1], $0x400, $0x38;
	[tilespmem:$0x10E00] =	vst v63  }
0x6e: {  	s22 =	sand.u32 $0x1FFFFF80, s24  }
0x6f: {  	s25 =	simm.s32 $0x2800;
	s22 =	sadd.s32 s3, s22  }
0x70: {  	[tilespmem:s25], [sflag:$0x1] =	stream.linear.gather [hbm4b:s22+s1], $0x400, $0x38;
	[tilespmem:$0x10E00] =	vst v63  }
0x71: {  	s24 =	spop (v2sf);
	(v2sf) =	vpush v17, $0xC  }
0x72: {  	s22 =	sand.u32 $0x1FFFFF80, s26  }
0x73: {  	s28 =	simm.s32 $0xA800;
	s22 =	sadd.s32 s4, s22;
	s26 =	spop (v2sf);
	(v2sf) =	vpush v16, $0xC  }
0x74: {  	[tilespmem:s28], [sflag:$0x1] =	stream.linear.gather [hbm4b:s22+s1], $0x400, $0x38;
	[tilespmem:$0x10E00] =	vst v63  }
0x75: {  	s22 =	sand.u32 $0x1FFFFF80, s24;
	s24 =	spop (v2sf);
	(v2sf) =	vpush v17, $0xD;
	_ =	sdelay $0x1  }
0x76: {  	s25 =	simm.s32 $0x2C00;
	s22 =	sadd.s32 s3, s22  }
0x77: {  	[tilespmem:s25], [sflag:$0x1] =	stream.linear.gather [hbm4b:s22+s1], $0x400, $0x38;
	[tilespmem:$0x10E00] =	vst v63  }
0x78: {  	s22 =	sand.u32 $0x1FFFFF80, s26  }
0x79: {  	s28 =	simm.s32 $0xAC00;
	s26 =	spop (v2sf);
	s22 =	sadd.s32 s4, s22  }
0x7a: {  	(v2sf) =	vpush v16, $0xD;
	[tilespmem:s28], [sflag:$0x1] =	stream.linear.gather [hbm4b:s22+s1], $0x400, $0x38;
	[tilespmem:$0x10E00] =	vst v63  }
0x7b: {  	s22 =	sand.u32 $0x1FFFFF80, s24  }
0x7c: {  	s25 =	simm.s32 $0x3000;
	s22 =	sadd.s32 s3, s22  }
0x7d: {  	[tilespmem:s25], [sflag:$0x1] =	stream.linear.gather [hbm4b:s22+s1], $0x400, $0x38;
	[tilespmem:$0x10E00] =	vst v63  }
0x7e: {  	s22 =	sand.u32 $0x1FFFFF80, s26  }
0x7f: {  	s28 =	simm.s32 $0xB000;
	s22 =	sadd.s32 s4, s22;
	s24 =	spop (v2sf);
	(v2sf) =	vpush v17, $0xE  }
0x80: {  	[tilespmem:s28], [sflag:$0x1] =	stream.linear.gather [hbm4b:s22+s1], $0x400, $0x38;
	[tilespmem:$0x10E00] =	vst v63  }
0x81: {  	s26 =	spop (v2sf);
	(v2sf) =	vpush v16, $0xE  }
0x82: {  	s22 =	sand.u32 $0x1FFFFF80, s24  }
0x83: {  	s25 =	simm.s32 $0x3400;
	s22 =	sadd.s32 s3, s22;
	s24 =	spop (v2sf)  }
0x84: {  	(v2sf) =	vpush v17, $0xF;
	[tilespmem:s25], [sflag:$0x1] =	stream.linear.gather [hbm4b:s22+s1], $0x400, $0x38;
	[tilespmem:$0x10E00] =	vst v63  }
0x85: {  	s22 =	sand.u32 $0x1FFFFF80, s26  }
0x86: {  	s28 =	simm.s32 $0xB400;
	s22 =	sadd.s32 s4, s22  }
0x87: {  	[tilespmem:s28], [sflag:$0x1] =	stream.linear.gather [hbm4b:s22+s1], $0x400, $0x38;
	[tilespmem:$0x10E00] =	vst v63  }
0x88: {  	s22 =	sand.u32 $0x1FFFFF80, s24  }
0x89: {  	s25 =	simm.s32 $0x3800;
	s26 =	spop (v2sf);
	(v2sf) =	vpush v16, $0xF;
	s22 =	sadd.s32 s3, s22  }
0x8a: {  	[tilespmem:s25], [sflag:$0x1] =	stream.linear.gather [hbm4b:s22+s1], $0x400, $0x38;
	[tilespmem:$0x10E00] =	vst v63  }
0x8b: {  	s22 =	sand.u32 $0x1FFFFF80, s26  }
0x8c: {  	s28 =	simm.s32 $0xB800;
	s22 =	sadd.s32 s4, s22  }
0x8d: {  	[tilespmem:s28], [sflag:$0x1] =	stream.linear.gather [hbm4b:s22+s1], $0x400, $0x38;
	[tilespmem:$0x10E00] =	vst v63  }
0x8e: {  	s24 =	spop (v2sf)  }
0x8f: {  	s22 =	sand.u32 $0x1FFFFF80, s24  }
0x90: {  	s25 =	simm.s32 $0x3C00;
	s26 =	spop (v2sf);
	s22 =	sadd.s32 s3, s22  }
0x91: {  	[tilespmem:s25], [sflag:$0x1] =	stream.linear.gather [hbm4b:s22+s1], $0x400, $0x38;
	[tilespmem:$0x10E00] =	vst v63  }
0x92: {  	s22 =	sand.u32 $0x1FFFFF80, s26  }
0x93: {  	s28 =	simm.s32 $0xBC00;
	s24 =	spop (v2sf);
	s22 =	sadd.s32 s4, s22  }
0x94: {  	[tilespmem:s28], [sflag:$0x1] =	stream.linear.gather [hbm4b:s22+s1], $0x400, $0x38;
	[tilespmem:$0x10E00] =	vst v63  }
0x95: {  	s22 =	sand.u32 $0x1FFFFF80, s24  }
0x96: {  	s25 =	simm.s32 $0x4000;
	s22 =	sadd.s32 s3, s22  }
0x97: {  	[tilespmem:s25], [sflag:$0x1] =	stream.linear.gather [hbm4b:s22+s1], $0x400, $0x38;
	[tilespmem:$0x10E00] =	vst v63  }
.Ltmp2:
0x98: {  	s26 =	spop (v2sf);
	(pc) =	sbr.rel .LBB2_2-.Ltmp2, $4  }
0x99: {  	s22 =	sand.u32 $0x1FFFFF80, s26  }
0x9a: {  	s28 =	simm.s32 $0xC000;
	s22 =	sadd.s32 s4, s22  }
0x9b: {  	[tilespmem:s28], [sflag:$0x1] =	stream.linear.gather [hbm4b:s22+s1], $0x400, $0x38;
	[tilespmem:$0x10E00] =	vst v63  }
0x9c: {  	s22 =	simm.s32 $0x0  }
.LBB2_4:
0x9d: {  	_ =	swait.ge [sflag:s21], $0x4000  }
0x9e: {  	[sflag:s21] =	ssyncset.done $0x0  }
0x9f: {  	[sflag:s21] =	ssyncadd.s32 $0xFFFFC000  }
0xa0: {  	_ =	swait.ge [sflag:s21], $0x4000  }
0xa1: {  	[sflag:s21] =	ssyncset.done $0x0  }
0xa2: {  	[sflag:s21] =	ssyncadd.s32 $0xFFFFC000  }
0xa3: {  	v16 =	vld [tilespmem:s23+$0x10];
	_ =	sdelay $0x1  }
0xa4: {  	v17 =	vld [tilespmem:s23+$0x210];
	_ =	sdelay $0x2  }
0xa5: {  	v16 =	vand.u32 $0x7, v16  }
0xa6: {  	v16 =	vshll.u32 v16, $0x7  }
0xa7: {  	v17 =	vand.u32 $0x7, v17;
	(v2sf) =	vpush v16, $0x1  }
0xa8: {  	v17 =	vshll.u32 v17, $0x7;
	(v2sf) =	vpush v16, $0x0  }
0xa9: {  	(v2sf) =	vpush v17, $0x1  }
0xaa: {  	(v2sf) =	vpush v17, $0x0;
	_ =	sdelay $0xb  }
0xab: {  	s24 =	spop (v2sf)  }
0xac: {  	s25 =	spop (v2sf)  }
0xad: {  	s26 =	spop (v2sf);
	v18 =	vld [tilespmem:s25+$0x4400]  }
0xae: {  	v20 =	vld [tilespmem:s25+$0x4410];
	s28 =	spop (v2sf)  }
0xaf: {  	v19 =	vld [tilespmem:s28+$0xC400]  }
0xb0: {  	v21 =	vld [tilespmem:s28+$0xC410];
	_ =	sdelay $0x4  }
0xb1: {  	(v2sf) =	vpush v16, $0x3;
	v18 =	vmul.f32 v19, v18;
	v40 =	vmul.f32 v21, v20  }
0xb2: {  	(v2sf) =	vpush v16, $0x2  }
0xb3: {  	(v2sf) =	vpush v17, $0x3;
	v18 =	vadd.f32 v40, v18  }
0xb4: {  	(v2sf) =	vpush v17, $0x2  }
0xb5: {  	[tilespmem:$0x10400] =	vst v18  }
0xb6: {  	v18 =	vld [tilespmem:s24+$0x4800]  }
0xb7: {  	v41 =	vld [tilespmem:s26+$0xC800]  }
0xb8: {  	v42 =	vld [tilespmem:s24+$0x4810]  }
0xb9: {  	v43 =	vld [tilespmem:s26+$0xC810];
	_ =	sdelay $0x4  }
0xba: {  	v18 =	vmul.f32 v41, v18;
	v44 =	vmul.f32 v43, v42;
	_ =	sdelay $0x1  }
0xbb: {  	s24 =	spop (v2sf);
	v18 =	vadd.f32 v44, v18  }
0xbc: {  	s25 =	spop (v2sf)  }
0xbd: {  	s26 =	spop (v2sf);
	[tilespmem:$0x10480] =	vst v18  }
0xbe: {  	s28 =	spop (v2sf);
	v18 =	vld [tilespmem:s25+$0x4C00]  }
0xbf: {  	v45 =	vld [tilespmem:s28+$0xCC00]  }
0xc0: {  	v46 =	vld [tilespmem:s25+$0x4C10]  }
0xc1: {  	v47 =	vld [tilespmem:s28+$0xCC10];
	_ =	sdelay $0x4  }
0xc2: {  	(v2sf) =	vpush v16, $0x5;
	v18 =	vmul.f32 v45, v18;
	v48 =	vmul.f32 v47, v46  }
0xc3: {  	(v2sf) =	vpush v16, $0x4  }
0xc4: {  	(v2sf) =	vpush v17, $0x5;
	v18 =	vadd.f32 v48, v18  }
0xc5: {  	(v2sf) =	vpush v17, $0x4  }
0xc6: {  	[tilespmem:$0x10500] =	vst v18  }
0xc7: {  	v18 =	vld [tilespmem:s24+$0x5000]  }
0xc8: {  	v49 =	vld [tilespmem:s26+$0xD000]  }
0xc9: {  	v50 =	vld [tilespmem:s24+$0x5010]  }
0xca: {  	v51 =	vld [tilespmem:s26+$0xD010];
	_ =	sdelay $0x4  }
0xcb: {  	v18 =	vmul.f32 v49, v18;
	v52 =	vmul.f32 v51, v50;
	_ =	sdelay $0x1  }
0xcc: {  	s24 =	spop (v2sf);
	v18 =	vadd.f32 v52, v18  }
0xcd: {  	s25 =	spop (v2sf)  }
0xce: {  	s26 =	spop (v2sf);
	[tilespmem:$0x10580] =	vst v18  }
0xcf: {  	s28 =	spop (v2sf);
	v18 =	vld [tilespmem:s25+$0x5400]  }
0xd0: {  	v53 =	vld [tilespmem:s28+$0xD400]  }
0xd1: {  	v54 =	vld [tilespmem:s25+$0x5410]  }
0xd2: {  	v55 =	vld [tilespmem:s28+$0xD410];
	_ =	sdelay $0x4  }
0xd3: {  	(v2sf) =	vpush v16, $0x7;
	v18 =	vmul.f32 v53, v18;
	v56 =	vmul.f32 v55, v54  }
0xd4: {  	(v2sf) =	vpush v16, $0x6  }
0xd5: {  	(v2sf) =	vpush v17, $0x7;
	v18 =	vadd.f32 v56, v18  }
0xd6: {  	(v2sf) =	vpush v17, $0x6  }
0xd7: {  	[tilespmem:$0x10600] =	vst v18  }
0xd8: {  	v18 =	vld [tilespmem:s24+$0x5800]  }
0xd9: {  	v57 =	vld [tilespmem:s26+$0xD800]  }
0xda: {  	v58 =	vld [tilespmem:s24+$0x5810]  }
0xdb: {  	v59 =	vld [tilespmem:s26+$0xD810];
	_ =	sdelay $0x4  }
0xdc: {  	v18 =	vmul.f32 v57, v18;
	v60 =	vmul.f32 v59, v58;
	_ =	sdelay $0x1  }
0xdd: {  	s24 =	spop (v2sf);
	v18 =	vadd.f32 v60, v18  }
0xde: {  	s25 =	spop (v2sf)  }
0xdf: {  	s26 =	spop (v2sf);
	[tilespmem:$0x10680] =	vst v18  }
0xe0: {  	s28 =	spop (v2sf);
	v18 =	vld [tilespmem:s25+$0x5C00]  }
0xe1: {  	v61 =	vld [tilespmem:s28+$0xDC00]  }
0xe2: {  	v62 =	vld [tilespmem:s25+$0x5C10]  }
0xe3: {  	v63 =	vld [tilespmem:s28+$0xDC10];
	_ =	sdelay $0x4  }
0xe4: {  	(v2sf) =	vpush v16, $0x9;
	v18 =	vmul.f32 v61, v18;
	v23 =	vmul.f32 v63, v62  }
0xe5: {  	(v2sf) =	vpush v16, $0x8  }
0xe6: {  	(v2sf) =	vpush v17, $0x9;
	v18 =	vadd.f32 v23, v18  }
0xe7: {  	(v2sf) =	vpush v17, $0x8  }
0xe8: {  	[tilespmem:$0x10700] =	vst v18  }
0xe9: {  	v18 =	vld [tilespmem:s24+$0x6000]  }
0xea: {  	v24 =	vld [tilespmem:s26+$0xE000]  }
0xeb: {  	v25 =	vld [tilespmem:s24+$0x6010]  }
0xec: {  	v26 =	vld [tilespmem:s26+$0xE010];
	_ =	sdelay $0x4  }
0xed: {  	v18 =	vmul.f32 v24, v18;
	v27 =	vmul.f32 v26, v25;
	_ =	sdelay $0x1  }
0xee: {  	s24 =	spop (v2sf);
	v18 =	vadd.f32 v27, v18  }
0xef: {  	s25 =	spop (v2sf)  }
0xf0: {  	s26 =	spop (v2sf);
	[tilespmem:$0x10780] =	vst v18  }
0xf1: {  	s28 =	spop (v2sf);
	v18 =	vld [tilespmem:s25+$0x6400]  }
0xf2: {  	v28 =	vld [tilespmem:s28+$0xE400]  }
0xf3: {  	v29 =	vld [tilespmem:s25+$0x6410]  }
0xf4: {  	v30 =	vld [tilespmem:s28+$0xE410];
	_ =	sdelay $0x4  }
0xf5: {  	(v2sf) =	vpush v16, $0xB;
	v18 =	vmul.f32 v28, v18;
	v31 =	vmul.f32 v30, v29  }
0xf6: {  	(v2sf) =	vpush v16, $0xA  }
0xf7: {  	(v2sf) =	vpush v17, $0xB;
	v18 =	vadd.f32 v31, v18  }
0xf8: {  	(v2sf) =	vpush v17, $0xA  }
0xf9: {  	[tilespmem:$0x10800] =	vst v18  }
0xfa: {  	v18 =	vld [tilespmem:s24+$0x6800]  }
0xfb: {  	v32 =	vld [tilespmem:s26+$0xE800]  }
0xfc: {  	v33 =	vld [tilespmem:s24+$0x6810]  }
0xfd: {  	v34 =	vld [tilespmem:s26+$0xE810];
	_ =	sdelay $0x4  }
0xfe: {  	v18 =	vmul.f32 v32, v18;
	v35 =	vmul.f32 v34, v33;
	_ =	sdelay $0x1  }
0xff: {  	s24 =	spop (v2sf);
	v18 =	vadd.f32 v35, v18  }
0x100: {  	s25 =	spop (v2sf)  }
0x101: {  	s26 =	spop (v2sf);
	[tilespmem:$0x10880] =	vst v18  }
0x102: {  	s28 =	spop (v2sf);
	v18 =	vld [tilespmem:s25+$0x6C00]  }
0x103: {  	v36 =	vld [tilespmem:s28+$0xEC00]  }
0x104: {  	v37 =	vld [tilespmem:s25+$0x6C10]  }
0x105: {  	v38 =	vld [tilespmem:s28+$0xEC10];
	_ =	sdelay $0x4  }
0x106: {  	(v2sf) =	vpush v16, $0xD;
	v18 =	vmul.f32 v36, v18;
	v39 =	vmul.f32 v38, v37  }
0x107: {  	(v2sf) =	vpush v16, $0xC  }
0x108: {  	(v2sf) =	vpush v17, $0xD;
	v18 =	vadd.f32 v39, v18  }
0x109: {  	(v2sf) =	vpush v17, $0xC  }
0x10a: {  	[tilespmem:$0x10900] =	vst v18  }
0x10b: {  	v18 =	vld [tilespmem:s24+$0x7000]  }
0x10c: {  	v40 =	vld [tilespmem:s26+$0xF000]  }
0x10d: {  	v41 =	vld [tilespmem:s24+$0x7010]  }
0x10e: {  	v42 =	vld [tilespmem:s26+$0xF010];
	_ =	sdelay $0x4  }
0x10f: {  	v18 =	vmul.f32 v40, v18;
	v43 =	vmul.f32 v42, v41;
	_ =	sdelay $0x1  }
0x110: {  	s24 =	spop (v2sf);
	v18 =	vadd.f32 v43, v18  }
0x111: {  	s25 =	spop (v2sf)  }
0x112: {  	s26 =	spop (v2sf);
	[tilespmem:$0x10980] =	vst v18  }
0x113: {  	s28 =	spop (v2sf);
	v18 =	vld [tilespmem:s25+$0x7400]  }
0x114: {  	v44 =	vld [tilespmem:s28+$0xF400]  }
0x115: {  	v45 =	vld [tilespmem:s25+$0x7410]  }
0x116: {  	v46 =	vld [tilespmem:s28+$0xF410];
	_ =	sdelay $0x4  }
0x117: {  	(v2sf) =	vpush v16, $0xF;
	v18 =	vmul.f32 v44, v18;
	v47 =	vmul.f32 v46, v45  }
0x118: {  	(v2sf) =	vpush v16, $0xE  }
0x119: {  	(v2sf) =	vpush v17, $0xF;
	v16 =	vadd.f32 v47, v18  }
0x11a: {  	(v2sf) =	vpush v17, $0xE  }
0x11b: {  	[tilespmem:$0x10A00] =	vst v16  }
0x11c: {  	v16 =	vld [tilespmem:s24+$0x7800]  }
0x11d: {  	v17 =	vld [tilespmem:s26+$0xF800]  }
0x11e: {  	v48 =	vld [tilespmem:s24+$0x7810]  }
0x11f: {  	v49 =	vld [tilespmem:s26+$0xF810];
	_ =	sdelay $0x4  }
0x120: {  	v16 =	vmul.f32 v17, v16;
	v17 =	vmul.f32 v49, v48;
	_ =	sdelay $0x1  }
0x121: {  	s24 =	spop (v2sf);
	v16 =	vadd.f32 v17, v16  }
0x122: {  	s25 =	spop (v2sf)  }
0x123: {  	s26 =	spop (v2sf);
	[tilespmem:$0x10A80] =	vst v16  }
0x124: {  	s28 =	spop (v2sf);
	v16 =	vld [tilespmem:s25+$0x7C00]  }
0x125: {  	v17 =	vld [tilespmem:s28+$0xFC00]  }
0x126: {  	v50 =	vld [tilespmem:s25+$0x7C10]  }
0x127: {  	v51 =	vld [tilespmem:s28+$0xFC10];
	_ =	sdelay $0x4  }
0x128: {  	v16 =	vmul.f32 v17, v16;
	v17 =	vmul.f32 v51, v50;
	_ =	sdelay $0x1  }
0x129: {  	v16 =	vadd.f32 v17, v16;
	_ =	sdelay $0x1  }
0x12a: {  	[tilespmem:$0x10B00] =	vst v16  }
0x12b: {  	v16 =	vld [tilespmem:s24+$0x8000]  }
0x12c: {  	v17 =	vld [tilespmem:s26+$0x10000]  }
0x12d: {  	v52 =	vld [tilespmem:s24+$0x8010]  }
0x12e: {  	v53 =	vld [tilespmem:s26+$0x10010];
	_ =	sdelay $0x4  }
0x12f: {  	v16 =	vmul.f32 v17, v16;
	v17 =	vmul.f32 v53, v52;
	_ =	sdelay $0x1  }
0x130: {  	v16 =	vadd.f32 v17, v16;
	_ =	sdelay $0x1  }
0x131: {  	[tilespmem:$0x10B80] =	vst v16  }
0x132: {  	v16 =	vld.idx.msk [tilespmem:v0+s20+$0x0], $0xffff;
	_ =	sdelay $0x1  }
0x133: {  	v17 =	vld.idx.msk [tilespmem:v1+s20+$0x0], $0xffff;
	_ =	sdelay $0x1  }
0x134: {  	v54 =	vld.idx.msk [tilespmem:v2+s20+$0x0], $0xffff  }
0x135: {  	v16 =	vadd.f32 $0.0e+00, v16  }
0x136: {  	v55 =	vld.idx.msk [tilespmem:v3+s20+$0x0], $0xffff  }
0x137: {  	v16 =	vadd.f32 v17, v16  }
0x138: {  	v17 =	vld.idx.msk [tilespmem:v4+s20+$0x0], $0xffff  }
0x139: {  	v16 =	vadd.f32 v54, v16  }
0x13a: {  	v56 =	vld.idx.msk [tilespmem:v5+s20+$0x0], $0xffff  }
0x13b: {  	v16 =	vadd.f32 v55, v16  }
0x13c: {  	v57 =	vld.idx.msk [tilespmem:v6+s20+$0x0], $0xffff  }
0x13d: {  	v16 =	vadd.f32 v17, v16  }
0x13e: {  	v17 =	vld.idx.msk [tilespmem:v7+s20+$0x0], $0xffff  }
0x13f: {  	v16 =	vadd.f32 v56, v16  }
0x140: {  	v58 =	vld.idx.msk [tilespmem:v8+s20+$0x0], $0xffff  }
0x141: {  	v16 =	vadd.f32 v57, v16  }
0x142: {  	v59 =	vld.idx.msk [tilespmem:v9+s20+$0x0], $0xffff  }
0x143: {  	v16 =	vadd.f32 v17, v16  }
0x144: {  	v17 =	vld.idx.msk [tilespmem:v10+s20+$0x0], $0xffff  }
0x145: {  	v16 =	vadd.f32 v58, v16  }
0x146: {  	v60 =	vld.idx.msk [tilespmem:v11+s20+$0x0], $0xffff  }
0x147: {  	v16 =	vadd.f32 v59, v16  }
0x148: {  	v61 =	vld.idx.msk [tilespmem:v12+s20+$0x0], $0xffff  }
0x149: {  	v16 =	vadd.f32 v17, v16  }
0x14a: {  	v17 =	vld.idx.msk [tilespmem:v13+s20+$0x0], $0xffff  }
0x14b: {  	v16 =	vadd.f32 v60, v16  }
0x14c: {  	v62 =	vld.idx.msk [tilespmem:v14+s20+$0x0], $0xffff  }
0x14d: {  	v16 =	vadd.f32 v61, v16  }
0x14e: {  	v63 =	vld.idx.msk [tilespmem:v15+s20+$0x0], $0xffff  }
0x14f: {  	s22 =	sadd.s32 $0x80, s22;
	v16 =	vadd.f32 v17, v16  }
0x150: {  	p0 =	sne.s32 s22, $0x800  }
.Ltmp3:
0x151: {  	v16 =	vadd.f32 v62, v16;
	(pc) =	sbr.rel @!p0 .LBB2_5-.Ltmp3, $3  }
0x152: {  	_ = 	snop  }
0x153: {  	v16 =	vadd.f32 v63, v16;
	_ =	sdelay $0x1  }
0x154: {  	[tilespmem:s23+$0x10C10] =	vst v16  }
.LBB2_2:
0x155: {  	s23 =	sshra.s32 s22, $0x2  }
0x156: {  	v16 =	vld [tilespmem:s23+$0x10];
	_ =	sdelay $0x1  }
0x157: {  	v18 =	vld [tilespmem:s23+$0x210];
	_ =	sdelay $0x2  }
0x158: {  	v16 =	vshrl.u32 v16, $0x3  }
0x159: {  	v17 =	vshll.u32 v16, $0x7  }
0x15a: {  	v16 =	vshrl.u32 v18, $0x3;
	(v2sf) =	vpush v17, $0x0  }
0x15b: {  	v16 =	vshll.u32 v16, $0x7  }
0x15c: {  	(v2sf) =	vpush v16, $0x0;
	_ =	sdelay $0x2  }
0x15d: {  	(v2sf) =	vpush v17, $0x1;
	_ =	sdelay $0x2  }
0x15e: {  	(v2sf) =	vpush v16, $0x1;
	_ =	sdelay $0x6  }
0x15f: {  	s24 =	spop (v2sf);
	(v2sf) =	vpush v17, $0x2;
	_ =	sdelay $0x1  }
0x160: {  	s24 =	sand.u32 $0x1FFFFF80, s24;
	s26 =	spop (v2sf);
	(v2sf) =	vpush v16, $0x2  }
0x161: {  	s25 =	simm.s32 $0x4400;
	s24 =	sadd.s32 s3, s24  }
0x162: {  	[tilespmem:s25], [sflag:$0x2] =	stream.linear.gather [hbm4b:s24+s1], $0x400, $0x38;
	[tilespmem:$0x10E00] =	vst v63  }
0x163: {  	s24 =	sand.u32 $0x1FFFFF80, s26;
	s26 =	spop (v2sf);
	(v2sf) =	vpush v17, $0x3  }
0x164: {  	s28 =	simm.s32 $0xC400;
	s24 =	sadd.s32 s4, s24  }
0x165: {  	[tilespmem:s28], [sflag:$0x2] =	stream.linear.gather [hbm4b:s24+s1], $0x400, $0x38;
	[tilespmem:$0x10E00] =	vst v63  }
0x166: {  	s24 =	sand.u32 $0x1FFFFF80, s26;
	s26 =	spop (v2sf);
	(v2sf) =	vpush v16, $0x3;
	_ =	sdelay $0x3  }
0x167: {  	s28 =	simm.s32 $0x4800;
	s24 =	sadd.s32 s3, s24  }
0x168: {  	[tilespmem:s28], [sflag:$0x2] =	stream.linear.gather [hbm4b:s24+s1], $0x400, $0x38;
	[tilespmem:$0x10E00] =	vst v63  }
0x169: {  	s24 =	sand.u32 $0x1FFFFF80, s26  }
0x16a: {  	s28 =	simm.s32 $0xC800;
	s24 =	sadd.s32 s4, s24;
	s26 =	spop (v2sf);
	(v2sf) =	vpush v17, $0x4  }
0x16b: {  	[tilespmem:s28], [sflag:$0x2] =	stream.linear.gather [hbm4b:s24+s1], $0x400, $0x38;
	[tilespmem:$0x10E00] =	vst v63  }
0x16c: {  	s24 =	sand.u32 $0x1FFFFF80, s26;
	s26 =	spop (v2sf);
	(v2sf) =	vpush v16, $0x4  }
0x16d: {  	s28 =	simm.s32 $0x4C00;
	s24 =	sadd.s32 s3, s24  }
0x16e: {  	[tilespmem:s28], [sflag:$0x2] =	stream.linear.gather [hbm4b:s24+s1], $0x400, $0x38;
	[tilespmem:$0x10E00] =	vst v63  }
0x16f: {  	s24 =	sand.u32 $0x1FFFFF80, s26;
	s26 =	spop (v2sf);
	(v2sf) =	vpush v17, $0x5  }
0x170: {  	s28 =	simm.s32 $0xCC00;
	s24 =	sadd.s32 s4, s24  }
0x171: {  	[tilespmem:s28], [sflag:$0x2] =	stream.linear.gather [hbm4b:s24+s1], $0x400, $0x38;
	[tilespmem:$0x10E00] =	vst v63  }
0x172: {  	s24 =	sand.u32 $0x1FFFFF80, s26;
	s26 =	spop (v2sf);
	(v2sf) =	vpush v16, $0x5;
	_ =	sdelay $0x3  }
0x173: {  	s28 =	simm.s32 $0x5000;
	s24 =	sadd.s32 s3, s24  }
0x174: {  	[tilespmem:s28], [sflag:$0x2] =	stream.linear.gather [hbm4b:s24+s1], $0x400, $0x38;
	[tilespmem:$0x10E00] =	vst v63  }
0x175: {  	s24 =	sand.u32 $0x1FFFFF80, s26  }
0x176: {  	s28 =	simm.s32 $0xD000;
	s24 =	sadd.s32 s4, s24;
	s26 =	spop (v2sf);
	(v2sf) =	vpush v17, $0x6  }
0x177: {  	[tilespmem:s28], [sflag:$0x2] =	stream.linear.gather [hbm4b:s24+s1], $0x400, $0x38;
	[tilespmem:$0x10E00] =	vst v63  }
0x178: {  	s24 =	sand.u32 $0x1FFFFF80, s26;
	s26 =	spop (v2sf);
	(v2sf) =	vpush v16, $0x6  }
0x179: {  	s28 =	simm.s32 $0x5400;
	s24 =	sadd.s32 s3, s24  }
0x17a: {  	[tilespmem:s28], [sflag:$0x2] =	stream.linear.gather [hbm4b:s24+s1], $0x400, $0x38;
	[tilespmem:$0x10E00] =	vst v63  }
0x17b: {  	s24 =	sand.u32 $0x1FFFFF80, s26;
	s26 =	spop (v2sf);
	(v2sf) =	vpush v17, $0x7  }
0x17c: {  	s28 =	simm.s32 $0xD400;
	s24 =	sadd.s32 s4, s24  }
0x17d: {  	[tilespmem:s28], [sflag:$0x2] =	stream.linear.gather [hbm4b:s24+s1], $0x400, $0x38;
	[tilespmem:$0x10E00] =	vst v63  }
0x17e: {  	s24 =	sand.u32 $0x1FFFFF80, s26;
	s26 =	spop (v2sf);
	(v2sf) =	vpush v16, $0x7;
	_ =	sdelay $0x3  }
0x17f: {  	s28 =	simm.s32 $0x5800;
	s24 =	sadd.s32 s3, s24  }
0x180: {  	[tilespmem:s28], [sflag:$0x2] =	stream.linear.gather [hbm4b:s24+s1], $0x400, $0x38;
	[tilespmem:$0x10E00] =	vst v63  }
0x181: {  	s24 =	sand.u32 $0x1FFFFF80, s26  }
0x182: {  	s28 =	simm.s32 $0xD800;
	s24 =	sadd.s32 s4, s24;
	s26 =	spop (v2sf);
	(v2sf) =	vpush v17, $0x8  }
0x183: {  	[tilespmem:s28], [sflag:$0x2] =	stream.linear.gather [hbm4b:s24+s1], $0x400, $0x38;
	[tilespmem:$0x10E00] =	vst v63  }
0x184: {  	s24 =	sand.u32 $0x1FFFFF80, s26;
	s26 =	spop (v2sf);
	(v2sf) =	vpush v16, $0x8  }
0x185: {  	s28 =	simm.s32 $0x5C00;
	s24 =	sadd.s32 s3, s24  }
0x186: {  	[tilespmem:s28], [sflag:$0x2] =	stream.linear.gather [hbm4b:s24+s1], $0x400, $0x38;
	[tilespmem:$0x10E00] =	vst v63  }
0x187: {  	s28 =	spop (v2sf);
	(v2sf) =	vpush v17, $0x9;
	_ =	sdelay $0x2  }
0x188: {  	s25 =	spop (v2sf);
	(v2sf) =	vpush v16, $0x9;
	_ =	sdelay $0x5  }
0x189: {  	s24 =	sand.u32 $0x1FFFFF80, s26  }
0x18a: {  	s24 =	sadd.s32 s4, s24;
	s26 =	spop (v2sf);
	(v2sf) =	vpush v17, $0xA  }
0x18b: {  	[tilespmem:s29], [sflag:$0x2] =	stream.linear.gather [hbm4b:s24+s1], $0x400, $0x38;
	[tilespmem:$0x10E00] =	vst v63  }
0x18c: {  	s24 =	sand.u32 $0x1FFFFF80, s28;
	s28 =	spop (v2sf);
	(v2sf) =	vpush v16, $0xA  }
0x18d: {  	s24 =	sadd.s32 s3, s24  }
0x18e: {  	[tilespmem:s30], [sflag:$0x2] =	stream.linear.gather [hbm4b:s24+s1], $0x400, $0x38;
	[tilespmem:$0x10E00] =	vst v63  }
0x18f: {  	s24 =	sand.u32 $0x1FFFFF80, s25;
	s25 =	spop (v2sf);
	(v2sf) =	vpush v17, $0xB  }
0x190: {  	s24 =	sadd.s32 s4, s24  }
0x191: {  	[tilespmem:s31], [sflag:$0x2] =	stream.linear.gather [hbm4b:s24+s1], $0x400, $0x38;
	[tilespmem:$0x10E00] =	vst v63  }
0x192: {  	s24 =	sand.u32 $0x1FFFFF80, s26;
	s26 =	spop (v2sf);
	(v2sf) =	vpush v16, $0xB  }
0x193: {  	s24 =	sadd.s32 s3, s24  }
0x194: {  	[tilespmem:s0], [sflag:$0x2] =	stream.linear.gather [hbm4b:s24+s1], $0x400, $0x38;
	[tilespmem:$0x10E00] =	vst v63  }
0x195: {  	s24 =	sand.u32 $0x1FFFFF80, s28  }
0x196: {  	s24 =	sadd.s32 s4, s24  }
0x197: {  	[tilespmem:s2], [sflag:$0x2] =	stream.linear.gather [hbm4b:s24+s1], $0x400, $0x38;
	[tilespmem:$0x10E00] =	vst v63  }
0x198: {  	s24 =	sand.u32 $0x1FFFFF80, s25  }
0x199: {  	s24 =	sadd.s32 s3, s24;
	s28 =	spop (v2sf);
	(v2sf) =	vpush v17, $0xC  }
0x19a: {  	[tilespmem:s10], [sflag:$0x2] =	stream.linear.gather [hbm4b:s24+s1], $0x400, $0x38;
	[tilespmem:$0x10E00] =	vst v63  }
0x19b: {  	s24 =	sand.u32 $0x1FFFFF80, s26;
	s25 =	spop (v2sf);
	(v2sf) =	vpush v16, $0xC  }
0x19c: {  	s24 =	sadd.s32 s4, s24  }
0x19d: {  	[tilespmem:s5], [sflag:$0x2] =	stream.linear.gather [hbm4b:s24+s1], $0x400, $0x38;
	[tilespmem:$0x10E00] =	vst v63  }
0x19e: {  	s24 =	sand.u32 $0x1FFFFF80, s28;
	s26 =	spop (v2sf);
	(v2sf) =	vpush v17, $0xD  }
0x19f: {  	s24 =	sadd.s32 s3, s24  }
0x1a0: {  	[tilespmem:s6], [sflag:$0x2] =	stream.linear.gather [hbm4b:s24+s1], $0x400, $0x38;
	[tilespmem:$0x10E00] =	vst v63  }
0x1a1: {  	s24 =	sand.u32 $0x1FFFFF80, s25;
	s28 =	spop (v2sf);
	(v2sf) =	vpush v16, $0xD  }
0x1a2: {  	s24 =	sadd.s32 s4, s24  }
0x1a3: {  	[tilespmem:s7], [sflag:$0x2] =	stream.linear.gather [hbm4b:s24+s1], $0x400, $0x38;
	[tilespmem:$0x10E00] =	vst v63  }
0x1a4: {  	s24 =	sand.u32 $0x1FFFFF80, s26  }
0x1a5: {  	s24 =	sadd.s32 s3, s24  }
0x1a6: {  	[tilespmem:s8], [sflag:$0x2] =	stream.linear.gather [hbm4b:s24+s1], $0x400, $0x38;
	[tilespmem:$0x10E00] =	vst v63  }
0x1a7: {  	s24 =	sand.u32 $0x1FFFFF80, s28  }
0x1a8: {  	s24 =	sadd.s32 s4, s24;
	s25 =	spop (v2sf);
	(v2sf) =	vpush v17, $0xE  }
0x1a9: {  	[tilespmem:s9], [sflag:$0x2] =	stream.linear.gather [hbm4b:s24+s1], $0x400, $0x38;
	[tilespmem:$0x10E00] =	vst v63  }
0x1aa: {  	s24 =	sand.u32 $0x1FFFFF80, s25;
	s26 =	spop (v2sf);
	(v2sf) =	vpush v16, $0xE  }
0x1ab: {  	s24 =	sadd.s32 s3, s24  }
0x1ac: {  	[tilespmem:s11], [sflag:$0x2] =	stream.linear.gather [hbm4b:s24+s1], $0x400, $0x38;
	[tilespmem:$0x10E00] =	vst v63  }
0x1ad: {  	s24 =	sand.u32 $0x1FFFFF80, s26;
	s28 =	spop (v2sf);
	(v2sf) =	vpush v17, $0xF  }
0x1ae: {  	s24 =	sadd.s32 s4, s24  }
0x1af: {  	[tilespmem:s12], [sflag:$0x2] =	stream.linear.gather [hbm4b:s24+s1], $0x400, $0x38;
	[tilespmem:$0x10E00] =	vst v63  }
0x1b0: {  	s25 =	spop (v2sf);
	(v2sf) =	vpush v16, $0xF  }
0x1b1: {  	s24 =	sand.u32 $0x1FFFFF80, s28  }
0x1b2: {  	s24 =	sadd.s32 s3, s24  }
0x1b3: {  	[tilespmem:s13], [sflag:$0x2] =	stream.linear.gather [hbm4b:s24+s1], $0x400, $0x38;
	[tilespmem:$0x10E00] =	vst v63  }
0x1b4: {  	s24 =	sand.u32 $0x1FFFFF80, s25  }
0x1b5: {  	s24 =	sadd.s32 s4, s24  }
0x1b6: {  	[tilespmem:s14], [sflag:$0x2] =	stream.linear.gather [hbm4b:s24+s1], $0x400, $0x38;
	[tilespmem:$0x10E00] =	vst v63  }
0x1b7: {  	s26 =	spop (v2sf)  }
0x1b8: {  	s24 =	sand.u32 $0x1FFFFF80, s26  }
0x1b9: {  	s28 =	spop (v2sf);
	s24 =	sadd.s32 s3, s24  }
0x1ba: {  	[tilespmem:s15], [sflag:$0x2] =	stream.linear.gather [hbm4b:s24+s1], $0x400, $0x38;
	[tilespmem:$0x10E00] =	vst v63  }
0x1bb: {  	s24 =	sand.u32 $0x1FFFFF80, s28  }
0x1bc: {  	s25 =	spop (v2sf);
	s24 =	sadd.s32 s4, s24  }
0x1bd: {  	[tilespmem:s16], [sflag:$0x2] =	stream.linear.gather [hbm4b:s24+s1], $0x400, $0x38;
	[tilespmem:$0x10E00] =	vst v63  }
0x1be: {  	s24 =	sand.u32 $0x1FFFFF80, s25  }
0x1bf: {  	s26 =	spop (v2sf);
	s24 =	sadd.s32 s3, s24  }
0x1c0: {  	[tilespmem:s17], [sflag:$0x2] =	stream.linear.gather [hbm4b:s24+s1], $0x400, $0x38;
	[tilespmem:$0x10E00] =	vst v63  }
0x1c1: {  	s24 =	sand.u32 $0x1FFFFF80, s26  }
0x1c2: {  	s24 =	sadd.s32 s4, s24  }
0x1c3: {  	[tilespmem:s18], [sflag:$0x2] =	stream.linear.gather [hbm4b:s24+s1], $0x400, $0x38;
	[tilespmem:$0x10E00] =	vst v63  }
0x1c4: {  	_ =	swait.ge [sflag:s19], $0x4000  }
0x1c5: {  	[sflag:s19] =	ssyncset.done $0x0  }
0x1c6: {  	[sflag:s19] =	ssyncadd.s32 $0xFFFFC000  }
0x1c7: {  	_ =	swait.ge [sflag:s19], $0x4000  }
0x1c8: {  	[sflag:s19] =	ssyncset.done $0x0  }
0x1c9: {  	[sflag:s19] =	ssyncadd.s32 $0xFFFFC000  }
0x1ca: {  	v16 =	vld [tilespmem:s23+$0x0];
	_ =	sdelay $0x1  }
0x1cb: {  	v17 =	vld [tilespmem:s23+$0x200];
	_ =	sdelay $0x2  }
0x1cc: {  	v16 =	vand.u32 $0x7, v16  }
0x1cd: {  	v16 =	vshll.u32 v16, $0x7  }
0x1ce: {  	v17 =	vand.u32 $0x7, v17;
	(v2sf) =	vpush v16, $0x1  }
0x1cf: {  	v17 =	vshll.u32 v17, $0x7;
	(v2sf) =	vpush v16, $0x0  }
0x1d0: {  	(v2sf) =	vpush v17, $0x1  }
0x1d1: {  	(v2sf) =	vpush v17, $0x0;
	_ =	sdelay $0xb  }
0x1d2: {  	s24 =	spop (v2sf)  }
0x1d3: {  	s28 =	spop (v2sf)  }
0x1d4: {  	v46 =	vld [tilespmem:s28+$0x400];
	s26 =	spop (v2sf)  }
0x1d5: {  	v19 =	vld [tilespmem:s28+$0x410];
	s28 =	spop (v2sf)  }
0x1d6: {  	v20 =	vld [tilespmem:s28+$0x8400]  }
0x1d7: {  	v21 =	vld [tilespmem:s28+$0x8410];
	_ =	sdelay $0x4  }
0x1d8: {  	v18 =	vmul.f32 v20, v46;
	v19 =	vmul.f32 v21, v19  }
0x1d9: {  	(v2sf) =	vpush v16, $0x3  }
0x1da: {  	(v2sf) =	vpush v16, $0x2;
	v18 =	vadd.f32 v19, v18  }
0x1db: {  	(v2sf) =	vpush v17, $0x3  }
0x1dc: {  	(v2sf) =	vpush v17, $0x2;
	[tilespmem:$0x10400] =	vst v18  }
0x1dd: {  	v18 =	vld [tilespmem:s24+$0x800]  }
0x1de: {  	v47 =	vld [tilespmem:s26+$0x8800]  }
0x1df: {  	v48 =	vld [tilespmem:s24+$0x810]  }
0x1e0: {  	v49 =	vld [tilespmem:s26+$0x8810];
	_ =	sdelay $0x4  }
0x1e1: {  	v18 =	vmul.f32 v47, v18;
	v50 =	vmul.f32 v49, v48;
	_ =	sdelay $0x1  }
0x1e2: {  	v18 =	vadd.f32 v50, v18  }
0x1e3: {  	s24 =	spop (v2sf)  }
0x1e4: {  	s28 =	spop (v2sf);
	[tilespmem:$0x10480] =	vst v18  }
0x1e5: {  	s26 =	spop (v2sf);
	v18 =	vld [tilespmem:s28+$0xC00]  }
0x1e6: {  	v51 =	vld [tilespmem:s28+$0xC10];
	s28 =	spop (v2sf)  }
0x1e7: {  	v52 =	vld [tilespmem:s28+$0x8C00]  }
0x1e8: {  	v53 =	vld [tilespmem:s28+$0x8C10];
	_ =	sdelay $0x4  }
0x1e9: {  	v18 =	vmul.f32 v52, v18;
	v19 =	vmul.f32 v53, v51  }
0x1ea: {  	(v2sf) =	vpush v16, $0x5  }
0x1eb: {  	(v2sf) =	vpush v16, $0x4;
	v18 =	vadd.f32 v19, v18  }
0x1ec: {  	(v2sf) =	vpush v17, $0x5  }
0x1ed: {  	(v2sf) =	vpush v17, $0x4;
	[tilespmem:$0x10500] =	vst v18  }
0x1ee: {  	v18 =	vld [tilespmem:s24+$0x1000]  }
0x1ef: {  	v54 =	vld [tilespmem:s26+$0x9000]  }
0x1f0: {  	v55 =	vld [tilespmem:s24+$0x1010]  }
0x1f1: {  	v56 =	vld [tilespmem:s26+$0x9010];
	_ =	sdelay $0x4  }
0x1f2: {  	v18 =	vmul.f32 v54, v18;
	v57 =	vmul.f32 v56, v55;
	_ =	sdelay $0x1  }
0x1f3: {  	v18 =	vadd.f32 v57, v18  }
0x1f4: {  	s24 =	spop (v2sf)  }
0x1f5: {  	s28 =	spop (v2sf);
	[tilespmem:$0x10580] =	vst v18  }
0x1f6: {  	s26 =	spop (v2sf);
	v18 =	vld [tilespmem:s28+$0x1400]  }
0x1f7: {  	v58 =	vld [tilespmem:s28+$0x1410];
	s28 =	spop (v2sf)  }
0x1f8: {  	v59 =	vld [tilespmem:s28+$0x9400]  }
0x1f9: {  	v60 =	vld [tilespmem:s28+$0x9410];
	_ =	sdelay $0x4  }
0x1fa: {  	v18 =	vmul.f32 v59, v18;
	v19 =	vmul.f32 v60, v58  }
0x1fb: {  	(v2sf) =	vpush v16, $0x7  }
0x1fc: {  	(v2sf) =	vpush v16, $0x6;
	v18 =	vadd.f32 v19, v18  }
0x1fd: {  	(v2sf) =	vpush v17, $0x7  }
0x1fe: {  	(v2sf) =	vpush v17, $0x6;
	[tilespmem:$0x10600] =	vst v18  }
0x1ff: {  	v18 =	vld [tilespmem:s24+$0x1800]  }
0x200: {  	v61 =	vld [tilespmem:s26+$0x9800]  }
0x201: {  	v62 =	vld [tilespmem:s24+$0x1810]  }
0x202: {  	v63 =	vld [tilespmem:s26+$0x9810];
	_ =	sdelay $0x4  }
0x203: {  	v18 =	vmul.f32 v61, v18;
	v24 =	vmul.f32 v63, v62;
	_ =	sdelay $0x1  }
0x204: {  	v18 =	vadd.f32 v24, v18  }
0x205: {  	s24 =	spop (v2sf)  }
0x206: {  	s28 =	spop (v2sf);
	[tilespmem:$0x10680] =	vst v18  }
0x207: {  	s26 =	spop (v2sf);
	v18 =	vld [tilespmem:s28+$0x1C00]  }
0x208: {  	v25 =	vld [tilespmem:s28+$0x1C10];
	s28 =	spop (v2sf)  }
0x209: {  	v26 =	vld [tilespmem:s28+$0x9C00]  }
0x20a: {  	v27 =	vld [tilespmem:s28+$0x9C10];
	_ =	sdelay $0x4  }
0x20b: {  	v18 =	vmul.f32 v26, v18;
	v19 =	vmul.f32 v27, v25  }
0x20c: {  	(v2sf) =	vpush v16, $0x9  }
0x20d: {  	(v2sf) =	vpush v16, $0x8;
	v18 =	vadd.f32 v19, v18  }
0x20e: {  	(v2sf) =	vpush v17, $0x9  }
0x20f: {  	(v2sf) =	vpush v17, $0x8;
	[tilespmem:$0x10700] =	vst v18  }
0x210: {  	v18 =	vld [tilespmem:s24+$0x2000]  }
0x211: {  	v28 =	vld [tilespmem:s26+$0xA000]  }
0x212: {  	v29 =	vld [tilespmem:s24+$0x2010]  }
0x213: {  	v30 =	vld [tilespmem:s26+$0xA010];
	_ =	sdelay $0x4  }
0x214: {  	v18 =	vmul.f32 v28, v18;
	v31 =	vmul.f32 v30, v29;
	_ =	sdelay $0x1  }
0x215: {  	v18 =	vadd.f32 v31, v18  }
0x216: {  	s24 =	spop (v2sf)  }
0x217: {  	s28 =	spop (v2sf);
	[tilespmem:$0x10780] =	vst v18  }
0x218: {  	s26 =	spop (v2sf);
	v18 =	vld [tilespmem:s28+$0x2400]  }
0x219: {  	v32 =	vld [tilespmem:s28+$0x2410];
	s28 =	spop (v2sf)  }
0x21a: {  	v33 =	vld [tilespmem:s28+$0xA400]  }
0x21b: {  	v34 =	vld [tilespmem:s28+$0xA410];
	_ =	sdelay $0x4  }
0x21c: {  	v18 =	vmul.f32 v33, v18;
	v19 =	vmul.f32 v34, v32  }
0x21d: {  	(v2sf) =	vpush v16, $0xB  }
0x21e: {  	(v2sf) =	vpush v16, $0xA;
	v18 =	vadd.f32 v19, v18  }
0x21f: {  	(v2sf) =	vpush v17, $0xB  }
0x220: {  	(v2sf) =	vpush v17, $0xA;
	[tilespmem:$0x10800] =	vst v18  }
0x221: {  	v18 =	vld [tilespmem:s24+$0x2800]  }
0x222: {  	v35 =	vld [tilespmem:s26+$0xA800]  }
0x223: {  	v36 =	vld [tilespmem:s24+$0x2810]  }
0x224: {  	v37 =	vld [tilespmem:s26+$0xA810];
	_ =	sdelay $0x4  }
0x225: {  	v18 =	vmul.f32 v35, v18;
	v38 =	vmul.f32 v37, v36;
	_ =	sdelay $0x1  }
0x226: {  	v18 =	vadd.f32 v38, v18  }
0x227: {  	s24 =	spop (v2sf)  }
0x228: {  	s28 =	spop (v2sf);
	[tilespmem:$0x10880] =	vst v18  }
0x229: {  	s26 =	spop (v2sf);
	v18 =	vld [tilespmem:s28+$0x2C00]  }
0x22a: {  	v39 =	vld [tilespmem:s28+$0x2C10];
	s28 =	spop (v2sf)  }
0x22b: {  	v40 =	vld [tilespmem:s28+$0xAC00]  }
0x22c: {  	v41 =	vld [tilespmem:s28+$0xAC10];
	_ =	sdelay $0x4  }
0x22d: {  	v18 =	vmul.f32 v40, v18;
	v19 =	vmul.f32 v41, v39  }
0x22e: {  	(v2sf) =	vpush v16, $0xD  }
0x22f: {  	(v2sf) =	vpush v16, $0xC;
	v18 =	vadd.f32 v19, v18  }
0x230: {  	(v2sf) =	vpush v17, $0xD  }
0x231: {  	(v2sf) =	vpush v17, $0xC;
	[tilespmem:$0x10900] =	vst v18  }
0x232: {  	v18 =	vld [tilespmem:s24+$0x3000]  }
0x233: {  	v42 =	vld [tilespmem:s26+$0xB000]  }
0x234: {  	v43 =	vld [tilespmem:s24+$0x3010]  }
0x235: {  	v44 =	vld [tilespmem:s26+$0xB010];
	_ =	sdelay $0x4  }
0x236: {  	v18 =	vmul.f32 v42, v18;
	v45 =	vmul.f32 v44, v43;
	_ =	sdelay $0x1  }
0x237: {  	v18 =	vadd.f32 v45, v18  }
0x238: {  	s24 =	spop (v2sf)  }
0x239: {  	s28 =	spop (v2sf);
	[tilespmem:$0x10980] =	vst v18  }
0x23a: {  	s26 =	spop (v2sf);
	v18 =	vld [tilespmem:s28+$0x3400]  }
0x23b: {  	v46 =	vld [tilespmem:s28+$0x3410];
	s28 =	spop (v2sf)  }
0x23c: {  	v47 =	vld [tilespmem:s28+$0xB400]  }
0x23d: {  	v48 =	vld [tilespmem:s28+$0xB410];
	_ =	sdelay $0x4  }
0x23e: {  	v18 =	vmul.f32 v47, v18;
	v19 =	vmul.f32 v48, v46  }
0x23f: {  	(v2sf) =	vpush v16, $0xF  }
0x240: {  	(v2sf) =	vpush v16, $0xE;
	v18 =	vadd.f32 v19, v18  }
0x241: {  	(v2sf) =	vpush v17, $0xF  }
0x242: {  	(v2sf) =	vpush v17, $0xE;
	[tilespmem:$0x10A00] =	vst v18  }
0x243: {  	v16 =	vld [tilespmem:s24+$0x3800]  }
0x244: {  	v17 =	vld [tilespmem:s26+$0xB800]  }
0x245: {  	v18 =	vld [tilespmem:s24+$0x3810]  }
0x246: {  	v49 =	vld [tilespmem:s26+$0xB810];
	_ =	sdelay $0x4  }
0x247: {  	v16 =	vmul.f32 v17, v16;
	v17 =	vmul.f32 v49, v18;
	_ =	sdelay $0x1  }
0x248: {  	v16 =	vadd.f32 v17, v16  }
0x249: {  	s24 =	spop (v2sf)  }
0x24a: {  	s28 =	spop (v2sf);
	[tilespmem:$0x10A80] =	vst v16  }
0x24b: {  	s26 =	spop (v2sf);
	v16 =	vld [tilespmem:s28+$0x3C00]  }
0x24c: {  	v17 =	vld [tilespmem:s28+$0x3C10];
	s28 =	spop (v2sf)  }
0x24d: {  	v50 =	vld [tilespmem:s28+$0xBC00]  }
0x24e: {  	v51 =	vld [tilespmem:s28+$0xBC10];
	_ =	sdelay $0x4  }
0x24f: {  	v16 =	vmul.f32 v50, v16;
	v17 =	vmul.f32 v51, v17;
	_ =	sdelay $0x1  }
0x250: {  	v16 =	vadd.f32 v17, v16;
	_ =	sdelay $0x1  }
0x251: {  	[tilespmem:$0x10B00] =	vst v16  }
0x252: {  	v16 =	vld [tilespmem:s24+$0x4000]  }
0x253: {  	v17 =	vld [tilespmem:s24+$0x4010]  }
0x254: {  	v52 =	vld [tilespmem:s26+$0xC000]  }
0x255: {  	v53 =	vld [tilespmem:s26+$0xC010];
	_ =	sdelay $0x4  }
0x256: {  	v16 =	vmul.f32 v52, v16;
	v17 =	vmul.f32 v53, v17;
	_ =	sdelay $0x1  }
0x257: {  	v16 =	vadd.f32 v17, v16;
	_ =	sdelay $0x1  }
0x258: {  	[tilespmem:$0x10B80] =	vst v16  }
0x259: {  	v16 =	vld.idx.msk [tilespmem:v0+s20+$0x0], $0xffff;
	_ =	sdelay $0x1  }
0x25a: {  	v17 =	vld.idx.msk [tilespmem:v1+s20+$0x0], $0xffff;
	_ =	sdelay $0x1  }
0x25b: {  	v54 =	vld.idx.msk [tilespmem:v2+s20+$0x0], $0xffff  }
0x25c: {  	v16 =	vadd.f32 $0.0e+00, v16  }
0x25d: {  	v55 =	vld.idx.msk [tilespmem:v3+s20+$0x0], $0xffff  }
0x25e: {  	v16 =	vadd.f32 v17, v16  }
0x25f: {  	v17 =	vld.idx.msk [tilespmem:v4+s20+$0x0], $0xffff  }
0x260: {  	v16 =	vadd.f32 v54, v16  }
0x261: {  	v56 =	vld.idx.msk [tilespmem:v5+s20+$0x0], $0xffff  }
0x262: {  	v16 =	vadd.f32 v55, v16  }
0x263: {  	v57 =	vld.idx.msk [tilespmem:v6+s20+$0x0], $0xffff  }
0x264: {  	v16 =	vadd.f32 v17, v16  }
0x265: {  	v17 =	vld.idx.msk [tilespmem:v7+s20+$0x0], $0xffff  }
0x266: {  	v16 =	vadd.f32 v56, v16  }
0x267: {  	v58 =	vld.idx.msk [tilespmem:v8+s20+$0x0], $0xffff  }
0x268: {  	v16 =	vadd.f32 v57, v16  }
0x269: {  	v59 =	vld.idx.msk [tilespmem:v9+s20+$0x0], $0xffff  }
0x26a: {  	v16 =	vadd.f32 v17, v16  }
0x26b: {  	v17 =	vld.idx.msk [tilespmem:v10+s20+$0x0], $0xffff  }
0x26c: {  	v16 =	vadd.f32 v58, v16  }
0x26d: {  	v60 =	vld.idx.msk [tilespmem:v11+s20+$0x0], $0xffff  }
0x26e: {  	v16 =	vadd.f32 v59, v16  }
0x26f: {  	v61 =	vld.idx.msk [tilespmem:v12+s20+$0x0], $0xffff  }
0x270: {  	v16 =	vadd.f32 v17, v16  }
0x271: {  	v17 =	vld.idx.msk [tilespmem:v13+s20+$0x0], $0xffff  }
0x272: {  	v16 =	vadd.f32 v60, v16  }
0x273: {  	v62 =	vld.idx.msk [tilespmem:v14+s20+$0x0], $0xffff  }
0x274: {  	v16 =	vadd.f32 v61, v16  }
0x275: {  	v63 =	vld.idx.msk [tilespmem:v15+s20+$0x0], $0xffff  }
0x276: {  	v16 =	vadd.f32 v17, v16  }
0x277: {  	p0 =	seq.s32 s22, $0x780  }
.Ltmp4:
0x278: {  	v16 =	vadd.f32 v62, v16;
	(pc) =	sbr.rel @p0 .LBB2_4-.Ltmp4, $3  }
0x279: {  	_ = 	snop  }
0x27a: {  	v16 =	vadd.f32 v63, v16;
	_ =	sdelay $0x1  }
0x27b: {  	[tilespmem:s23+$0x10C00] =	vst v16  }
0x27c: {  	v16 =	vld [tilespmem:s23+$0x20];
	_ =	sdelay $0x1  }
0x27d: {  	v18 =	vld [tilespmem:s23+$0x220];
	_ =	sdelay $0x2  }
0x27e: {  	v16 =	vshrl.u32 v16, $0x3  }
0x27f: {  	v17 =	vshll.u32 v16, $0x7  }
0x280: {  	v16 =	vshrl.u32 v18, $0x3;
	(v2sf) =	vpush v17, $0x0  }
0x281: {  	v16 =	vshll.u32 v16, $0x7  }
0x282: {  	(v2sf) =	vpush v16, $0x0;
	_ =	sdelay $0x2  }
0x283: {  	(v2sf) =	vpush v17, $0x1;
	_ =	sdelay $0x2  }
0x284: {  	(v2sf) =	vpush v16, $0x1;
	_ =	sdelay $0x6  }
0x285: {  	s24 =	spop (v2sf);
	(v2sf) =	vpush v17, $0x2;
	_ =	sdelay $0x1  }
0x286: {  	s24 =	sand.u32 $0x1FFFFF80, s24;
	s26 =	spop (v2sf);
	(v2sf) =	vpush v16, $0x2  }
0x287: {  	s25 =	simm.s32 $0x400;
	s24 =	sadd.s32 s3, s24  }
0x288: {  	[tilespmem:s25], [sflag:$0x1] =	stream.linear.gather [hbm4b:s24+s1], $0x400, $0x38;
	[tilespmem:$0x10E00] =	vst v63  }
0x289: {  	s24 =	sand.u32 $0x1FFFFF80, s26;
	s26 =	spop (v2sf);
	(v2sf) =	vpush v17, $0x3  }
0x28a: {  	s28 =	simm.s32 $0x8400;
	s24 =	sadd.s32 s4, s24  }
0x28b: {  	[tilespmem:s28], [sflag:$0x1] =	stream.linear.gather [hbm4b:s24+s1], $0x400, $0x38;
	[tilespmem:$0x10E00] =	vst v63  }
0x28c: {  	s24 =	sand.u32 $0x1FFFFF80, s26;
	s26 =	spop (v2sf);
	(v2sf) =	vpush v16, $0x3;
	_ =	sdelay $0x3  }
0x28d: {  	s28 =	simm.s32 $0x800;
	s24 =	sadd.s32 s3, s24  }
0x28e: {  	[tilespmem:s28], [sflag:$0x1] =	stream.linear.gather [hbm4b:s24+s1], $0x400, $0x38;
	[tilespmem:$0x10E00] =	vst v63  }
0x28f: {  	s24 =	sand.u32 $0x1FFFFF80, s26  }
0x290: {  	s28 =	simm.s32 $0x8800;
	s24 =	sadd.s32 s4, s24;
	s26 =	spop (v2sf);
	(v2sf) =	vpush v17, $0x4  }
0x291: {  	[tilespmem:s28], [sflag:$0x1] =	stream.linear.gather [hbm4b:s24+s1], $0x400, $0x38;
	[tilespmem:$0x10E00] =	vst v63  }
0x292: {  	s24 =	sand.u32 $0x1FFFFF80, s26;
	s26 =	spop (v2sf);
	(v2sf) =	vpush v16, $0x4  }
0x293: {  	s28 =	simm.s32 $0xC00;
	s24 =	sadd.s32 s3, s24  }
0x294: {  	[tilespmem:s28], [sflag:$0x1] =	stream.linear.gather [hbm4b:s24+s1], $0x400, $0x38;
	[tilespmem:$0x10E00] =	vst v63  }
0x295: {  	s24 =	sand.u32 $0x1FFFFF80, s26;
	s26 =	spop (v2sf);
	(v2sf) =	vpush v17, $0x5  }
0x296: {  	s28 =	simm.s32 $0x8C00;
	s24 =	sadd.s32 s4, s24  }
0x297: {  	[tilespmem:s28], [sflag:$0x1] =	stream.linear.gather [hbm4b:s24+s1], $0x400, $0x38;
	[tilespmem:$0x10E00] =	vst v63  }
0x298: {  	s24 =	sand.u32 $0x1FFFFF80, s26;
	s26 =	spop (v2sf);
	(v2sf) =	vpush v16, $0x5;
	_ =	sdelay $0x3  }
0x299: {  	s28 =	simm.s32 $0x1000;
	s24 =	sadd.s32 s3, s24  }
0x29a: {  	[tilespmem:s28], [sflag:$0x1] =	stream.linear.gather [hbm4b:s24+s1], $0x400, $0x38;
	[tilespmem:$0x10E00] =	vst v63  }
0x29b: {  	s24 =	sand.u32 $0x1FFFFF80, s26  }
0x29c: {  	s28 =	simm.s32 $0x9000;
	s24 =	sadd.s32 s4, s24;
	s26 =	spop (v2sf);
	(v2sf) =	vpush v17, $0x6  }
0x29d: {  	[tilespmem:s28], [sflag:$0x1] =	stream.linear.gather [hbm4b:s24+s1], $0x400, $0x38;
	[tilespmem:$0x10E00] =	vst v63  }
0x29e: {  	s24 =	sand.u32 $0x1FFFFF80, s26;
	s26 =	spop (v2sf);
	(v2sf) =	vpush v16, $0x6  }
0x29f: {  	s28 =	simm.s32 $0x1400;
	s24 =	sadd.s32 s3, s24  }
0x2a0: {  	[tilespmem:s28], [sflag:$0x1] =	stream.linear.gather [hbm4b:s24+s1], $0x400, $0x38;
	[tilespmem:$0x10E00] =	vst v63  }
0x2a1: {  	s24 =	sand.u32 $0x1FFFFF80, s26;
	s26 =	spop (v2sf);
	(v2sf) =	vpush v17, $0x7  }
0x2a2: {  	s28 =	simm.s32 $0x9400;
	s24 =	sadd.s32 s4, s24  }
0x2a3: {  	[tilespmem:s28], [sflag:$0x1] =	stream.linear.gather [hbm4b:s24+s1], $0x400, $0x38;
	[tilespmem:$0x10E00] =	vst v63  }
0x2a4: {  	s24 =	sand.u32 $0x1FFFFF80, s26;
	s26 =	spop (v2sf);
	(v2sf) =	vpush v16, $0x7;
	_ =	sdelay $0x3  }
0x2a5: {  	s28 =	simm.s32 $0x1800;
	s24 =	sadd.s32 s3, s24  }
0x2a6: {  	[tilespmem:s28], [sflag:$0x1] =	stream.linear.gather [hbm4b:s24+s1], $0x400, $0x38;
	[tilespmem:$0x10E00] =	vst v63  }
0x2a7: {  	s24 =	sand.u32 $0x1FFFFF80, s26  }
0x2a8: {  	s28 =	simm.s32 $0x9800;
	s24 =	sadd.s32 s4, s24;
	s26 =	spop (v2sf);
	(v2sf) =	vpush v17, $0x8  }
0x2a9: {  	[tilespmem:s28], [sflag:$0x1] =	stream.linear.gather [hbm4b:s24+s1], $0x400, $0x38;
	[tilespmem:$0x10E00] =	vst v63  }
0x2aa: {  	s24 =	sand.u32 $0x1FFFFF80, s26;
	s26 =	spop (v2sf);
	(v2sf) =	vpush v16, $0x8  }
0x2ab: {  	s28 =	simm.s32 $0x1C00;
	s24 =	sadd.s32 s3, s24  }
0x2ac: {  	[tilespmem:s28], [sflag:$0x1] =	stream.linear.gather [hbm4b:s24+s1], $0x400, $0x38;
	[tilespmem:$0x10E00] =	vst v63  }
0x2ad: {  	s24 =	sand.u32 $0x1FFFFF80, s26;
	s26 =	spop (v2sf);
	(v2sf) =	vpush v17, $0x9  }
0x2ae: {  	s28 =	simm.s32 $0x9C00;
	s24 =	sadd.s32 s4, s24  }
0x2af: {  	[tilespmem:s28], [sflag:$0x1] =	stream.linear.gather [hbm4b:s24+s1], $0x400, $0x38;
	[tilespmem:$0x10E00] =	vst v63  }
0x2b0: {  	s24 =	sand.u32 $0x1FFFFF80, s26;
	s26 =	spop (v2sf);
	(v2sf) =	vpush v16, $0x9;
	_ =	sdelay $0x3  }
0x2b1: {  	s28 =	simm.s32 $0x2000;
	s24 =	sadd.s32 s3, s24  }
0x2b2: {  	[tilespmem:s28], [sflag:$0x1] =	stream.linear.gather [hbm4b:s24+s1], $0x400, $0x38;
	[tilespmem:$0x10E00] =	vst v63  }
0x2b3: {  	s24 =	sand.u32 $0x1FFFFF80, s26  }
0x2b4: {  	s28 =	simm.s32 $0xA000;
	s24 =	sadd.s32 s4, s24;
	s26 =	spop (v2sf);
	(v2sf) =	vpush v17, $0xA  }
0x2b5: {  	[tilespmem:s28], [sflag:$0x1] =	stream.linear.gather [hbm4b:s24+s1], $0x400, $0x38;
	[tilespmem:$0x10E00] =	vst v63  }
0x2b6: {  	s24 =	sand.u32 $0x1FFFFF80, s26;
	s26 =	spop (v2sf);
	(v2sf) =	vpush v16, $0xA  }
0x2b7: {  	s28 =	simm.s32 $0x2400;
	s24 =	sadd.s32 s3, s24  }
0x2b8: {  	[tilespmem:s28], [sflag:$0x1] =	stream.linear.gather [hbm4b:s24+s1], $0x400, $0x38;
	[tilespmem:$0x10E00] =	vst v63  }
0x2b9: {  	s24 =	sand.u32 $0x1FFFFF80, s26;
	s26 =	spop (v2sf);
	(v2sf) =	vpush v17, $0xB  }
0x2ba: {  	s28 =	simm.s32 $0xA400;
	s24 =	sadd.s32 s4, s24  }
0x2bb: {  	[tilespmem:s28], [sflag:$0x1] =	stream.linear.gather [hbm4b:s24+s1], $0x400, $0x38;
	[tilespmem:$0x10E00] =	vst v63  }
0x2bc: {  	s24 =	sand.u32 $0x1FFFFF80, s26;
	s26 =	spop (v2sf);
	(v2sf) =	vpush v16, $0xB;
	_ =	sdelay $0x3  }
0x2bd: {  	s28 =	simm.s32 $0x2800;
	s24 =	sadd.s32 s3, s24  }
0x2be: {  	[tilespmem:s28], [sflag:$0x1] =	stream.linear.gather [hbm4b:s24+s1], $0x400, $0x38;
	[tilespmem:$0x10E00] =	vst v63  }
0x2bf: {  	s24 =	sand.u32 $0x1FFFFF80, s26  }
0x2c0: {  	s28 =	simm.s32 $0xA800;
	s24 =	sadd.s32 s4, s24;
	s26 =	spop (v2sf);
	(v2sf) =	vpush v17, $0xC  }
0x2c1: {  	[tilespmem:s28], [sflag:$0x1] =	stream.linear.gather [hbm4b:s24+s1], $0x400, $0x38;
	[tilespmem:$0x10E00] =	vst v63  }
0x2c2: {  	s24 =	sand.u32 $0x1FFFFF80, s26;
	s26 =	spop (v2sf);
	(v2sf) =	vpush v16, $0xC  }
0x2c3: {  	s28 =	simm.s32 $0x2C00;
	s24 =	sadd.s32 s3, s24  }
0x2c4: {  	[tilespmem:s28], [sflag:$0x1] =	stream.linear.gather [hbm4b:s24+s1], $0x400, $0x38;
	[tilespmem:$0x10E00] =	vst v63  }
0x2c5: {  	s24 =	sand.u32 $0x1FFFFF80, s26;
	s26 =	spop (v2sf);
	(v2sf) =	vpush v17, $0xD  }
0x2c6: {  	s28 =	simm.s32 $0xAC00;
	s24 =	sadd.s32 s4, s24  }
0x2c7: {  	[tilespmem:s28], [sflag:$0x1] =	stream.linear.gather [hbm4b:s24+s1], $0x400, $0x38;
	[tilespmem:$0x10E00] =	vst v63  }
0x2c8: {  	s24 =	sand.u32 $0x1FFFFF80, s26;
	s26 =	spop (v2sf);
	(v2sf) =	vpush v16, $0xD;
	_ =	sdelay $0x3  }
0x2c9: {  	s28 =	simm.s32 $0x3000;
	s24 =	sadd.s32 s3, s24  }
0x2ca: {  	[tilespmem:s28], [sflag:$0x1] =	stream.linear.gather [hbm4b:s24+s1], $0x400, $0x38;
	[tilespmem:$0x10E00] =	vst v63  }
0x2cb: {  	s24 =	sand.u32 $0x1FFFFF80, s26  }
0x2cc: {  	s28 =	simm.s32 $0xB000;
	s24 =	sadd.s32 s4, s24;
	s26 =	spop (v2sf);
	(v2sf) =	vpush v17, $0xE  }
0x2cd: {  	[tilespmem:s28], [sflag:$0x1] =	stream.linear.gather [hbm4b:s24+s1], $0x400, $0x38;
	[tilespmem:$0x10E00] =	vst v63  }
0x2ce: {  	s24 =	sand.u32 $0x1FFFFF80, s26;
	s26 =	spop (v2sf);
	(v2sf) =	vpush v16, $0xE  }
0x2cf: {  	s28 =	simm.s32 $0x3400;
	s24 =	sadd.s32 s3, s24  }
0x2d0: {  	[tilespmem:s28], [sflag:$0x1] =	stream.linear.gather [hbm4b:s24+s1], $0x400, $0x38;
	[tilespmem:$0x10E00] =	vst v63  }
0x2d1: {  	s24 =	sand.u32 $0x1FFFFF80, s26;
	s26 =	spop (v2sf);
	(v2sf) =	vpush v17, $0xF  }
0x2d2: {  	s28 =	simm.s32 $0xB400;
	s24 =	sadd.s32 s4, s24  }
0x2d3: {  	[tilespmem:s28], [sflag:$0x1] =	stream.linear.gather [hbm4b:s24+s1], $0x400, $0x38;
	[tilespmem:$0x10E00] =	vst v63  }
0x2d4: {  	s24 =	sand.u32 $0x1FFFFF80, s26;
	s26 =	spop (v2sf);
	(v2sf) =	vpush v16, $0xF;
	_ =	sdelay $0x1  }
0x2d5: {  	s28 =	simm.s32 $0x3800;
	s24 =	sadd.s32 s3, s24  }
0x2d6: {  	[tilespmem:s28], [sflag:$0x1] =	stream.linear.gather [hbm4b:s24+s1], $0x400, $0x38;
	[tilespmem:$0x10E00] =	vst v63  }
0x2d7: {  	s24 =	sand.u32 $0x1FFFFF80, s26  }
0x2d8: {  	s28 =	simm.s32 $0xB800;
	s24 =	sadd.s32 s4, s24  }
0x2d9: {  	[tilespmem:s28], [sflag:$0x1] =	stream.linear.gather [hbm4b:s24+s1], $0x400, $0x38;
	[tilespmem:$0x10E00] =	vst v63  }
0x2da: {  	s26 =	spop (v2sf)  }
0x2db: {  	s24 =	sand.u32 $0x1FFFFF80, s26  }
0x2dc: {  	s28 =	simm.s32 $0x3C00;
	s26 =	spop (v2sf);
	s24 =	sadd.s32 s3, s24  }
0x2dd: {  	[tilespmem:s28], [sflag:$0x1] =	stream.linear.gather [hbm4b:s24+s1], $0x400, $0x38;
	[tilespmem:$0x10E00] =	vst v63  }
0x2de: {  	s24 =	sand.u32 $0x1FFFFF80, s26  }
0x2df: {  	s28 =	simm.s32 $0xBC00;
	s26 =	spop (v2sf);
	s24 =	sadd.s32 s4, s24  }
0x2e0: {  	[tilespmem:s28], [sflag:$0x1] =	stream.linear.gather [hbm4b:s24+s1], $0x400, $0x38;
	[tilespmem:$0x10E00] =	vst v63  }
0x2e1: {  	s24 =	sand.u32 $0x1FFFFF80, s26;
	s28 =	simm.s32 $0x4000  }
.Ltmp5:
0x2e2: {  	s26 =	spop (v2sf);
	s24 =	sadd.s32 s3, s24;
	(pc) =	sbr.rel .LBB2_4-.Ltmp5, $4  }
0x2e3: {  	[tilespmem:s28], [sflag:$0x1] =	stream.linear.gather [hbm4b:s24+s1], $0x400, $0x38;
	[tilespmem:$0x10E00] =	vst v63  }
0x2e4: {  	s24 =	sand.u32 $0x1FFFFF80, s26  }
0x2e5: {  	s28 =	simm.s32 $0xC000;
	s24 =	sadd.s32 s4, s24  }
0x2e6: {  	[tilespmem:s28], [sflag:$0x1] =	stream.linear.gather [hbm4b:s24+s1], $0x400, $0x38;
	[tilespmem:$0x10E00] =	vst v63  }
.LBB2_6:
0x2e7: {  	_ =	sfence.sel $0x180000  }
0x2e8: {  	[bflag:$0x0] =	sbarrier.arrive $0xFFFF  }
0x2e9: {  	_ =	strace $0x9000004A  }
0x2ea: {  	s0 =	stileid.u32;
	[bflag:$0x2] =	sbarrier.arrive $0xFFFF  }
0x2eb: {  	p0 =	sne.s32 s0, $0x0;
	s0 =	rddreg [dreg:$0x4]  }
0x2ec: {  	s0 =	sadd.s32 @!p0 $0x100000, s0  }
0x2ed: {  	[sflag:s0] =	ssyncadd.tile.s32 @!p0 $0x1;
	_ =	shalt  }
.Lfunc_end2:
_tile_overlayer_lowered:
.L_overlay_start_2:
0x2ee: {  	(tag) =	ssettag $0x2  }
0x2ef: {  	s0 =	rddreg [dreg:$0x0];
	s2 =	stileid.u32  }
0x2f0: {  	s1 =	rddreg [dreg:$0x1];
	p0 =	sne.s32 s2, $0x0  }
0x2f1: {  	s3 =	rddreg [dreg:$0x2];
	[bflag:$0x3] =	sbarrier.arrive $0xFFFF;
	s2 =	simm.s32 @!p0 $0x1C03  }
0x2f2: {  	[timem:s3], [sflag:s2] =	dma.local @!p0 [hbm:s0], s1  }
0x2f3: {  	s0 =	simm.s32 @!p0 $0x3  }
0x2f4: {  	_ =	swait.ge @!p0 [sflag:s0], s1  }
0x2f5: {  	s1 =	ssub.s32 @!p0 $0x0, s1;
	[sflag:s0] =	ssyncset.done @!p0 $0x0  }
0x2f6: {  	[sflag:s0] =	ssyncadd.s32 @!p0 s1  }
0x2f7: {  	[bflag:$0x3] =	sbarrier.arrive $0xFFFF  }
0x2f8: {  	_ =	shalt  }

// kernel: sparse-core-data-format-call.cloned.1.call-start
scs
called_computation_lowered:
.L_overlay_start_0:
0x0: {  	s2 =	sld [smem:$0x3FD9]  }
0x1: {  	s3 =	sld [smem:$0x3FFE];
	_ =	sdelay $0x1  }
0x2: {  	s1 =	srdreg.scid  }
0x3: {  	s0 =	sand.u32 $0x1, s1  }
0x4: {  	s18 =	sshll.u32 s0, $0xA;
	s2 =	sadd.s32 s3, s2  }
0x5: {  	s2 =	sadd.s32 s2, s18  }
0x6: {  	[smem:$0x3FC4] =	sst s2  }
0x7: {  	_ = 	snop  }
0x8: {  	s2 =	sld [smem:$0x3FC6];
	(tm) =	ssettm $0x1  }
0x9: {  	s19 =	sld [smem:$0x3FFB];
	_ =	sdelay $0x3  }
0xa: {  	_ =	strace s19  }
0xb: {  	s3 =	sld [smem:$0x3FFC];
	_ =	sdelay $0x3  }
0xc: {  	_ =	strace s3  }
0xd: {  	s3 =	sld [smem:$0x3FFD];
	_ =	sdelay $0x3  }
0xe: {  	_ =	strace s3  }
0xf: {  	_ =	strace $0x8FFFFFFF  }
0x10: {  	s20 =	sld [smem:$0x3FDB];
	_ =	sdelay $0x1  }
0x11: {  	s4 =	simm.s32 $_scs_section_size  }
0x12: {  	s5 =	simm.s32 $_size__tile_overlayer_lowered;
	s6 =	simm.s32 $_tile_overlayer_lowered  }
0x13: {  	s23 =	simm.s32 $0x1BFF;
	s22 =	sshll.u32 s6, $0x1;
	s3 =	sadd.s32 s4, s20  }
0x14: {  	s7 =	simm.s32 $0x0;
	s21 =	sshll.u32 s5, $0x1;
	s5 =	sadd.s32 s22, s3  }
0x15: {  	[timem:s7], [sflag:s23] =	dma.local [hbm:s5], s21  }
0x16: {  	_ =	swait.ge [sflag:s23], s21  }
0x17: {  	s4 =	ssub.s32 $0x0, s21;
	[sflag:s23] =	ssyncset.done $0x0  }
0x18: {  	[sflag:s23] =	ssyncadd.s32 s4;
	_ =	sdelay $0x1  }
0x19: {  	s24 =	simm.s32 $0x1B8B  }
0x1a: {  	_ =	swait.ge [sflag:s24], $0x1  }
0x1b: {  	[sflag:s24] =	ssyncset.done $0x0  }
0x1c: {  	s26 =	simm.s32 $0x1B8E;
	s25 =	sld [smem:$0x3FFE];
	[sflag:s24] =	ssyncadd.s32 $0xFFFFFFFF  }
0x1d: {  	s27 =	simm.s32 $execute0_lowered;
	[smem:$0x3FD2] =	sst s26  }
0x1e: {  	s5 =	sshll.u32 s27, $0x1;
	_ =	strace $0x80000046;
	[dreg:$0x1] =	wrdreg $0xFFFFFFFF  }
0x1f: {  	s28 =	simm.s32 $_size_execute0_lowered;
	s3 =	sadd.s32 s3, s5;
	[dreg:$0x0] =	wrdreg $0x0  }
0x20: {  	s5 =	sshll.u32 s28, $0x1;
	[dreg:$0x2] =	wrdreg s3  }
0x21: {  	[dreg:$0x3] =	wrdreg s5  }
0x22: {  	[dreg:$0x4] =	wrdreg $0xC0  }
0x23: {  	_ =	task [dreg:s7], $0x5FFFF  }
0x24: {  	[dreg:$0x1] =	wrdreg $0xFFFFFFFF  }
0x25: {  	[dreg:$0x0] =	wrdreg $0x60  }
0x26: {  	[dreg:$0x2] =	wrdreg s2  }
0x27: {  	[dreg:$0x3] =	wrdreg s25  }
0x28: {  	[dreg:$0x4] =	wrdreg $0x9  }
0x29: {  	_ =	task.clear_ibuf [dreg:s7], $0x5FFFF;
	_ =	strace $0x90000046  }
0x2a: {  	s29 =	simm.s32 $0x9;
	_ =	strace $0x80000048  }
0x2b: {  	_ =	swait.ge [sflag:s29], $0x1  }
0x2c: {  	[sflag:s29] =	ssyncadd.s32 $0xFFFFFFFF  }
0x2d: {  	_ =	strace $0x90000048  }
0x2e: {  	_ =	sfence  }
0x2f: {  	s30 =	sld [smem:$0x0];
	_ =	sdelay $0x2  }
0x30: {  	s31 =	sshll.u32 s1, $0xD;
	s1 =	sshrl.u32 s1, $0x2  }
0x31: {  	s3 =	sand.u32 $0x4000, s31;
	s1 =	sadd.s32 s1, s30  }
0x32: {  	s0 =	sor.u32 s3, s0;
	s1 =	sshll.u32 s1, $0x11  }
0x33: {  	s0 =	sor.u32 s1, s0  }
0x34: {  	s0 =	sadd.s32 $0x8F2B, s0  }
0x35: {  	[sflag:s0] =	ssyncadd.remote.s32 $0x1  }
0x36: {  	_ =	sfence.sel $0xFFFF  }
0x37: {  	[dreg:$0x0] =	wrdreg $0xFFFFFFFF;
	(pc) =	sbr.abs _section_cstart, $3  }
0x38: {  	[dreg:$0x1] =	wrdreg $0xFFFFFFFF  }
0x39: {  	_ =	task.clear_ibuf [dreg:s7], $0x2FFFF;
	_ =	strace $0x9FFFFFFF  }
0x3a: {  	(tm) =	ssettm $0x7FFFFFFF  }
0x3b: {  	_ =	shalt  }
tec
execute0_lowered:
.L_overlay_start_1:
0x0: {  	(tag) =	ssettag $0x1  }
0x1: {  	s0 =	srdreg.scid;
	s2 =	rddreg [dreg:$0x0]  }
0x2: {  	s5 =	rddreg [dreg:$0x1];
	s1 =	stileid.u32  }
0x3: {  	s4 =	simm.s32 $0x1;
	s6 =	simm.s32 $0x2;
	s15 =	simm.s32 $0x0  }
0x4: {  	p0 =	por $0x0, $0x0;
	s8 =	simm.s32 $0x80;
	s0 =	sshll.u32 s0, $0x4  }
0x5: {  	s14 =	simm.s32 $0x0;
	s9 =	simm.s32 $0x0;
	s3 =	sand.u32 $0x10, s0  }
.Ltmp0:
0x6: {  	s10 =	simm.s32 $0x0;
	s3 =	sor.u32 s1, s3;
	(pc) =	sbr.rel .LBB1_1-.Ltmp0, $4  }
0x7: {  	s0 =	rddreg [dreg:$0x2];
	_ =	strace $0x80000047;
	s3 =	sshll.u32 s3, $0x7  }
0x8: {  	s12 =	simm.s32 $0x0;
	[sflag:s4] =	ssyncpa.u1 $0x0;
	s7 =	ssub.s32 $0xF4200, s3  }
0x9: {  	s13 =	simm.s32 $0x0;
	[sflag:s6] =	ssyncpa.u1 $0x0;
	s6 =	sshrl.u32 s7, $0xC  }
0xa: {  	s5 =	sadd.s32 $0xA00, s5;
	s11 =	smov.u32 s3;
	s7 =	sadd.s32 $0x2, s6  }
.LBB1_5:
0xb: {  	p1 =	slt.u32 s13, $0x2  }
0xc: {  	s17 =	smov.u32 s15;
	p2 =	sgt.s32 @!p1 s15, $0xF41C0;
	s16 =	sshra.s32 @!p1 s15, $0x1F  }
0xd: {  	p3 =	sgt.s32 @!p1 s14, $0x60;
	s18 =	sshra.s32 @!p1 s14, $0x1F;
	p2 =	por !p2, p1  }
0xe: {  	s15 =	sand.u32 @!p1 s16, s15;
	p3 =	por !p3, p1;
	s16 =	smov.u32 s14  }
0xf: {  	s14 =	sand.u32 @!p1 s18, s14;
	s17 =	simm.s32 @p2 $0xF41C0;
	s16 =	simm.s32 @p3 $0x60  }
0x10: {  	s15 =	ssub.s32 @!p1 s17, s15;
	s14 =	ssub.s32 @!p1 s16, s14  }
0x11: {  	s18 =	smov.u32 s12;
	s16 =	sadd.s32 @!p1 $0xFFF0BE40, s15;
	s17 =	sadd.s32 @!p1 $0xFFFFFFA0, s14  }
0x12: {  	s15 =	ssub.s32 @!p1 $0xF4240, s15;
	p2 =	sgt.s32 @!p1 s16, $0x7F;
	p3 =	sgt.s32 @!p1 s17, $0x1F  }
0x13: {  	s14 =	ssub.s32 @!p1 $0x80, s14;
	p2 =	por !p2, p1;
	p3 =	por !p3, p1  }
0x14: {  	s16 =	sadd.s32 $0x1000, s11;
	s15 =	simm.s32 @!p2 $0x0;
	s14 =	simm.s32 @!p3 $0x0  }
0x15: {  	p2 =	sgt.s32 s16, $0xF423F;
	s14 =	smul.u32 @!p1 s14, s15;
	s15 =	sadd.s32 $0x20, s12  }
0x16: {  	s18 =	smov.u32 @p2 s15  }
0x17: {  	s16 =	smov.u32 @p2 s3;
	p2 =	sgt.s32 s18, $0x1F  }
0x18: {  	s18 =	simm.s32 @p2 $0x0;
	p2 =	sne.s32 s13, s7  }
.Ltmp1:
0x19: {  	p0 =	por !p0, !p0;
	s17 =	simm.s32 @!p1 $0x2;
	(pc) =	sbr.rel @!p2 .LBB1_6-.Ltmp1, $4  }
0x1a: {  	s15 =	smov.u32 s9;
	s9 =	smov.u32 s11;
	s14 =	sand.u32 @!p1 $0x3FFFFFFF, s14  }
0x1b: {  	s11 =	smov.u32 s16;
	_ =	swait.ge @!p1 [sflag:s17], s14;
	s19 =	ssub.s32 @!p1 $0x0, s14  }
0x1c: {  	s14 =	smov.u32 s10;
	s13 =	sadd.s32 $0x1, s13;
	[sflag:s17] =	ssyncset.done @!p1 $0x0  }
0x1d: {  	s10 =	smov.u32 s12;
	s12 =	smov.u32 s18;
	[sflag:s17] =	ssyncadd.s32 @!p1 s19  }
.LBB1_1:
0x1e: {  	p1 =	sgt.u32 s13, s6  }
0x1f: {  	s16 =	sshrl.u32 @!p1 s12, $0x3  }
0x20: {  	s17 =	sshll.u32 @!p1 s11, $0x3;
	s16 =	smul.u32 @!p1 $0x7A1400, s16  }
0x21: {  	s18 =	sshll.u32 @!p1 s12, $0x7;
	s17 =	sand.u32 @!p1 $0xFFFFFC00, s17  }
0x22: {  	s16 =	sadd.s32 @!p1 s16, s17;
	s17 =	sand.u32 @!p1 $0x380, s18  }
0x23: {  	s18 =	sand.u32 @!p1 $0x7F, s11;
	s16 =	sor.u32 @!p1 s17, s16  }
0x24: {  	s17 =	sor.u32 @!p1 s18, s16  }
0x25: {  	s18 =	smulhi.u32 @!p1 $0x218D6287, s17;
	_ =	sdelay $0x1  }
0x26: {  	s16 =	smulhi.u32 @!p1 $0x218D6287, s16;
	s18 =	sshrl.u32 @!p1 s18, $0x11  }
0x27: {  	s18 =	smul.u32 @!p1 $0xF4280, s18  }
0x28: {  	s19 =	sxor.u32 @!p1 $0xFFFFFFFF, s13;
	s16 =	sshrl.u32 @!p1 s16, $0x11  }
0x29: {  	s19 =	sshll.u32 @!p1 s19, $0xC;
	s16 =	sand.u32 @!p1 $0x1F, s16;
	s17 =	ssub.s32 @!p1 s17, s18  }
0x2a: {  	s16 =	smul.u32 @!p1 $0x1E850, s16;
	s18 =	sshrl.u32 @!p1 s17, $0x3;
	s17 =	sand.u32 @!p1 $0x7, s17  }
0x2b: {  	s19 =	sand.u32 @!p1 $0x1000, s19;
	s18 =	sadd.s32 @!p1 s2, s18;
	s17 =	sshll.u32 @!p1 s17, $0x12  }
0x2c: {  	s16 =	sadd.s32 @!p1 s16, s18;
	s17 =	sor.u32 @!p1 $0x400, s17;
	s18 =	simm.s32 @!p1 $0x7A1400  }
0x2d: {  	[tilespmem:s19], [sflag:$0x1] =	stream.strided.gather @!p1 [hbm4b:s16+s17], $0x1000, s18, s17, $0x38;
	[tilespmem:$0x4100] =	vst v63  }
0x2e: {  	p1 =	seq.s32 s13, $0x0  }
0x2f: {  	p2 =	sge.u32 @!p1 s13, s7  }
0x30: {  	p1 =	por p1, p2  }
.Ltmp2:
0x31: {  	_ = 	snop;
	(pc) =	sbr.rel @p1 .LBB1_5-.Ltmp2, $1  }
0x32: {  	_ =	sdelay $0x3  }
0x33: {  	s16 =	simm.s32 $0x1  }
0x34: {  	_ =	swait.ge [sflag:s4], $0x1000;
	s16 =	simm.s32 @!p0 $0x0  }
0x35: {  	[sflag:s4] =	ssyncset.done $0x0;
	s17 =	sshll.u32 s16, $0xC  }
0x36: {  	[sflag:s4] =	ssyncadd.s32 $0xFFFFF000;
	s17 =	sor.u32 $0x40, s17  }
0x37: {  	s16 =	smul.u32 $0x4200, s16;
	v0 =	vld [tilespmem:s17+$0x30]  }
0x38: {  	v1 =	vld [tilespmem:s17+$0xFFFFFFD0]  }
0x39: {  	s16 =	sshrl.u32 s16, $0x2;
	v5 =	vld [tilespmem:s17+$0xFFFFFFE0]  }
0x3a: {  	v6 =	vld [tilespmem:s17+$0xFFFFFFF0];
	s19 =	sor.u32 $0x2000, s16  }
0x3b: {  	s31 =	sand.u32 $0x1, s13;
	v4 =	vld [tilespmem:s17+$0x0];
	s18 =	sadd.s32 $0x0, s19  }
0x3c: {  	v3 =	vld [tilespmem:s17+$0x10];
	s16 =	smul.u32 $0x4200, s31;
	[tilespmem:s18+$0xE70 ss:$0x21] =	vst.msk $0xffff, v0  }
0x3d: {  	v2 =	vld [tilespmem:s17+$0x20];
	[tilespmem:s18+$0x210 ss:$0x21] =	vst.msk $0xffff, v1  }
0x3e: {  	s16 =	sshrl.u32 s16, $0x2;
	v1 =	vld [tilespmem:s17+$0xFFFFFFC0];
	[tilespmem:s18+$0x420 ss:$0x21] =	vst.msk $0xffff, v5;
	s17 =	sadd.s32 $0x80, s17  }
0x3f: {  	s20 =	simm.s32 $0x4;
	s21 =	simm.s32 $0x8;
	s16 =	sor.u32 $0x2000, s16;
	[tilespmem:s18+$0x630 ss:$0x21] =	vst.msk $0xffff, v6;
	v0 =	vld [tilespmem:s17+$0x30]  }
.LBB1_3:
0x40: {  	p1 =	sne.s32 s21, $0x7C;
	v5 =	vld [tilespmem:s17+$0xFFFFFFD0];
	[tilespmem:s18+$0x840 ss:$0x21] =	vst.msk $0xffff, v4  }
0x41: {  	v6 =	vld [tilespmem:s17+$0xFFFFFFE0];
	[tilespmem:s18+$0xA50 ss:$0x21] =	vst.msk $0xffff, v3  }
0x42: {  	s22 =	sshra.s32 s20, $0x2;
	s20 =	smov.u32 s21;
	v7 =	vld [tilespmem:s17+$0xFFFFFFF0];
	[tilespmem:s18+$0xC60 ss:$0x21] =	vst.msk $0xffff, v2  }
.Ltmp3:
0x43: {  	v4 =	vld [tilespmem:s17+$0x0];
	[tilespmem:s18+$0x0 ss:$0x21] =	vst.msk $0xffff, v1;
	s18 =	sadd.s32 s22, s19;
	(pc) =	sbr.rel @p1 .LBB1_3-.Ltmp3, $4  }
0x44: {  	v3 =	vld [tilespmem:s17+$0x10];
	[tilespmem:s18+$0xE70 ss:$0x21] =	vst.msk $0xffff, v0  }
0x45: {  	[tilespmem:s18+$0x210 ss:$0x21] =	vst.msk $0xffff, v5;
	v2 =	vld [tilespmem:s17+$0x20]  }
0x46: {  	v1 =	vld [tilespmem:s17+$0xFFFFFFC0];
	[tilespmem:s18+$0x420 ss:$0x21] =	vst.msk $0xffff, v6;
	s17 =	sadd.s32 $0x80, s17  }
0x47: {  	s21 =	sadd.s32 $0x4, s21;
	v0 =	vld [tilespmem:s17+$0x30];
	[tilespmem:s18+$0x630 ss:$0x21] =	vst.msk $0xffff, v7  }
0x48: {  	s21 =	sshll.u32 s9, $0x7;
	s22 =	sshll.u32 s10, $0x3;
	s20 =	sshra.s32 s20, $0x2  }
0x49: {  	p1 =	sgt.s32 s9, $0xF41C0;
	s30 =	sshra.s32 s9, $0x1F;
	s25 =	sshra.s32 s10, $0x1F  }
0x4a: {  	v5 =	vld [tilespmem:s17+$0xFFFFFFD0];
	s28 =	sshrl.u32 s10, $0x3;
	s23 =	sand.u32 $0xFFFFFC00, s21;
	s22 =	sand.u32 $0xFFFFFC00, s22  }
0x4b: {  	[tilespmem:s18+$0x840 ss:$0x21] =	vst.msk $0xffff, v4;
	v58 =	vld [tilespmem:s17+$0xFFFFFFE0];
	s21 =	sand.u32 $0x380, s21;
	s19 =	sadd.s32 s20, s19;
	s22 =	sadd.s32 s22, s23  }
0x4c: {  	v59 =	vld [tilespmem:s17+$0xFFFFFFF0];
	[tilespmem:s18+$0xA50 ss:$0x21] =	vst.msk $0xffff, v3;
	s29 =	sor.u32 s21, s22;
	s21 =	smov.u32 s9;
	s22 =	sand.u32 s30, s9  }
0x4d: {  	v60 =	vld [tilespmem:s17+$0x0];
	[tilespmem:s18+$0xC60 ss:$0x21] =	vst.msk $0xffff, v2;
	s30 =	sand.u32 $0x7, s10;
	s20 =	sshrl.u32 s29, $0x7;
	s21 =	simm.s32 @!p1 $0xF41C0  }
0x4e: {  	v61 =	vld [tilespmem:s17+$0x10];
	[tilespmem:s18+$0x0 ss:$0x21] =	vst.msk $0xffff, v1;
	p1 =	sgt.s32 s10, $0x60;
	s24 =	ssub.s32 s21, s22;
	s21 =	smov.u32 s10  }
0x4f: {  	v62 =	vld [tilespmem:s17+$0x20];
	[tilespmem:s19+$0xE70 ss:$0x21] =	vst.msk $0xffff, v0;
	s31 =	smulhi.u32 $0x218DEF5, s20;
	s22 =	sand.u32 s25, s10;
	s21 =	simm.s32 @!p1 $0x60  }
0x50: {  	v63 =	vld [tilespmem:s17+$0xFFFFFFC0];
	[tilespmem:s19+$0x210 ss:$0x21] =	vst.msk $0xffff, v5;
	s26 =	sadd.s32 $0xFFF0BE40, s24;
	s17 =	ssub.s32 $0xF4240, s24;
	s21 =	ssub.s32 s21, s22  }
0x51: {  	[tilespmem:s19+$0x420 ss:$0x21] =	vst.msk $0xffff, v58;
	s23 =	sshrl.u32 s31, $0xD;
	p1 =	sgt.s32 s26, $0x7F;
	s27 =	sadd.s32 $0xFFFFFFA0, s21  }
0x52: {  	[tilespmem:s19+$0x630 ss:$0x21] =	vst.msk $0xffff, v59;
	s23 =	smul.u32 $0xF4240, s23;
	s18 =	ssub.s32 $0x80, s21;
	p2 =	sgt.s32 s27, $0x1F  }
.Ltmp4:
0x53: {  	[tilespmem:s19+$0x840 ss:$0x21] =	vst.msk $0xffff, v60;
	s17 =	simm.s32 @p1 $0x0;
	s18 =	simm.s32 @p2 $0x0;
	(pc) =	sbr.rel .LBB1_5-.Ltmp4, $4  }
0x54: {  	s29 =	sand.u32 $0xF, s28;
	[tilespmem:s19+$0xA50 ss:$0x21] =	vst.msk $0xffff, v61;
	s20 =	ssub.s32 s20, s23;
	s17 =	smul.u32 s18, s17  }
0x55: {  	[tilespmem:s19+$0xC60 ss:$0x21] =	vst.msk $0xffff, v62;
	s21 =	sshll.u32 s30, $0x12;
	s20 =	sshll.u32 s20, $0x4;
	s18 =	sadd.s32 s5, s29  }
0x56: {  	[tilespmem:s19+$0x0 ss:$0x21] =	vst.msk $0xffff, v63;
	s31 =	sor.u32 $0x20, s21;
	s18 =	sadd.s32 s20, s18;
	s17 =	sand.u32 $0x3FFFFFFF, s17  }
0x57: {  	[hbm4b:s18+s31] =	stream.strided.scatter [tilespmem:s16], [sflag:$0x2], s17, s8, s31, $0x10;
	[tilespmem:$0x4100] =	vst v63  }
.LBB1_6:
0x58: {  	_ =	sfence.sel $0x180000  }
0x59: {  	s2 =	simm.s32 $0x1;
	[bflag:$0x0] =	sbarrier.arrive $0xFFFF  }
0x5a: {  	s31 =	simm.s32 $0x2;
	[sflag:s2] =	ssyncpa.u1 $0x1  }
0x5b: {  	[sflag:s31] =	ssyncpa.u1 $0x1  }
0x5c: {  	p0 =	sne.s32 s1, $0x0;
	_ =	strace $0x90000047  }
0x5d: {  	s0 =	sadd.s32 @!p0 $0x100000, s0;
	[bflag:$0x2] =	sbarrier.arrive $0xFFFF  }
0x5e: {  	[sflag:s0] =	ssyncadd.tile.s32 @!p0 $0x1;
	_ =	shalt  }
.Lfunc_end1:
_tile_overlayer_lowered:
.L_overlay_start_2:
0x5f: {  	(tag) =	ssettag $0x2  }
0x60: {  	s0 =	rddreg [dreg:$0x0];
	s2 =	stileid.u32  }
0x61: {  	s1 =	rddreg [dreg:$0x1];
	p0 =	sne.s32 s2, $0x0  }
0x62: {  	s3 =	rddreg [dreg:$0x2];
	[bflag:$0x3] =	sbarrier.arrive $0xFFFF;
	s2 =	simm.s32 @!p0 $0x1C01  }
0x63: {  	[timem:s3], [sflag:s2] =	dma.local @!p0 [hbm:s0], s1  }
0x64: {  	s0 =	simm.s32 @!p0 $0x1  }
0x65: {  	_ =	swait.ge @!p0 [sflag:s0], s1  }
0x66: {  	s1 =	ssub.s32 @!p0 $0x0, s1;
	[sflag:s0] =	ssyncset.done @!p0 $0x0  }
0x67: {  	[sflag:s0] =	ssyncadd.s32 @!p0 s1  }
0x68: {  	[bflag:$0x3] =	sbarrier.arrive $0xFFFF  }
0x69: {  	_ =	shalt  }

</sc_bundles>
